<compile_context>
chip_gen: v7x
topology: tpu7x:2x2x1
jax: 0.10.2.dev20260603
libtpu: 0.0.44.dev20260713+nightly
codegen_flags: <defaults>
</compile_context>

<pallas_src>
import functools

import jax
import jax.numpy as jnp
from jax import lax
from jax.experimental import pallas as pl
from jax.experimental.pallas import tpu as pltpu
from jax.experimental.pallas import tpu_sc as plsc

_N = 10000
_NP = 10112
_E = 320000
_NW = 32
_B = 128
_NB = 80
_EPW = _B * _NB
_EP = _EPW * _NW
_RW = _NP // 16
_CW = 80
_H = 4
_C = 16
_D = 128
_G = 64
_OUT = 10


def _prep_body(fm_ref, w_ref, asrc_ref, adst_ref, xt_ref, aa_ref):
    x = jnp.dot(fm_ref[...], w_ref[...], preferred_element_type=jnp.float32)
    rows = lax.broadcasted_iota(jnp.int32, (_H * _C, _H), 0)
    cols = lax.broadcasted_iota(jnp.int32, (_H * _C, _H), 1)
    blk = (rows // _C) == cols
    a_s = jnp.dot(x, jnp.where(blk, asrc_ref[...], 0.0),
                  preferred_element_type=jnp.float32)
    a_d = jnp.dot(x, jnp.where(blk, adst_ref[...], 0.0),
                  preferred_element_type=jnp.float32)
    xt_ref[...] = jnp.concatenate(
        [x, jnp.zeros((_NP, _CW - _H * _C), jnp.float32)], axis=1)
    aa_ref[...] = jnp.concatenate(
        [a_s, a_d, jnp.zeros((_NP, 8), jnp.float32)], axis=1)


def _sc_edge(xt, aa_flat, src, dst, zer):
    mesh = plsc.VectorSubcoreMesh(core_axis_name="c", subcore_axis_name="s")

    @functools.partial(
        pl.kernel,
        out_type=jax.ShapeDtypeStruct((2, _NP, _CW), jnp.float32),
        mesh=mesh,
        compiler_params=pltpu.CompilerParams(
            needs_layout_passes=False, use_tc_tiling_on_sc=False),
        scratch_types=[
            pltpu.VMEM((2, _B, _CW), jnp.float32),
            pltpu.VMEM((2, _B, 16), jnp.float32),
            pltpu.VMEM((2, _B, 16), jnp.float32),
            pltpu.VMEM((2, _B), jnp.int32),
            pltpu.VMEM((2, _B), jnp.int32),
            pltpu.VMEM((_B, 16), jnp.float32),
            pltpu.VMEM_SHARED((_NP, 16), jnp.float32),
            pltpu.VMEM_SHARED((_NP, _CW), jnp.float32),
            pltpu.SemaphoreType.DMA,
            pltpu.SemaphoreType.DMA,
            pltpu.SemaphoreType.DMA,
            pltpu.SemaphoreType.DMA,
        ],
    )
    def k(xt_hbm, aa_hbm, src_hbm, dst_hbm, zer_hbm, out_hbm,
          gx2, gs2, gd2, sv2, dv2, wb, aa_s, acc_s, smg0, smg1, sma0, sma1):
        c = lax.axis_index("c")
        s = lax.axis_index("s")
        g = c * 16 + s
        rows = pl.ds(s * _RW, _RW)
        pltpu.sync_copy(aa_hbm.at[rows], aa_s.at[rows])
        pltpu.sync_copy(zer_hbm.at[rows], acc_s.at[rows])
        plsc.subcore_barrier()

        lane = lax.iota(jnp.int32, 16)
        bufs = [
            (gx2.at[0], gs2.at[0], gd2.at[0], sv2.at[0], dv2.at[0], smg0, sma0),
            (gx2.at[1], gs2.at[1], gd2.at[1], sv2.at[1], dv2.at[1], smg1, sma1),
        ]

        def issue(bq, buf):
            gx, gs, gd, sv, dv, smg, sma = buf
            base = g * _EPW + bq * _B
            pltpu.sync_copy(src_hbm.at[pl.ds(base, _B)], sv)
            pltpu.sync_copy(dst_hbm.at[pl.ds(base, _B)], dv)
            pltpu.async_copy(xt_hbm.at[sv], gx, smg)
            pltpu.async_copy(aa_s.at[sv], gs, sma)
            pltpu.async_copy(aa_s.at[dv], gd, sma)

        def consume(buf):
            gx, gs, gd, sv, dv, smg, sma = buf
            pltpu.make_async_copy(aa_s.at[sv], gs, sma).wait()
            pltpu.make_async_copy(aa_s.at[dv], gd, sma).wait()
            for j in range(_B // 16):
                erow = j * 16 + lane
                for h in range(_H):
                    va = plsc.load_gather(
                        gs, [erow, jnp.full((16,), h, jnp.int32)])
                    vb = plsc.load_gather(
                        gd, [erow, jnp.full((16,), 4 + h, jnp.int32)])
                    al = va + vb
                    al = jnp.where(al >= 0.0, al, 0.2 * al)
                    w = jnp.exp(al)
                    plsc.store_scatter(
                        wb, [erow, jnp.full((16,), h, jnp.int32)], w)
            pltpu.make_async_copy(xt_hbm.at[sv], gx, smg).wait()

            def edge_body(e, carry2):
                wrow = wb[e, :]
                gx[e, pl.ds(64, 16)] = wrow
                for h in range(_H):
                    colsl = pl.ds(h * 16, 16)
                    gx[e, colsl] = gx[e, colsl] * wrow[h]
                return carry2

            lax.fori_loop(0, _B, edge_body, 0, unroll=2)
            pltpu.sync_copy(gx, acc_s.at[dv], add=True)

        issue(0, bufs[0])

        def pair_body(i, carry):
            b0 = 2 * i
            issue(b0 + 1, bufs[1])
            consume(bufs[0])

            @pl.when(b0 + 2 < _NB)
            def _():
                issue(b0 + 2, bufs[0])

            consume(bufs[1])
            return carry

        lax.fori_loop(0, _NB // 2, pair_body, 0)
        plsc.subcore_barrier()
        pltpu.sync_copy(acc_s.at[rows], out_hbm.at[c, rows])

    return k(xt, aa_flat, src, dst, zer)


def _fin_body(acc_ref, xt_ref, aa_ref, batch_ref, bias_ref, clfw_ref,
              clfb_ref, out_ref, pooled_ref):
    a = aa_ref[...]
    al = a[:, :_H] + a[:, _H:2 * _H]
    wself = jnp.exp(jnp.where(al >= 0.0, al, 0.2 * al))
    rr = lax.broadcasted_iota(jnp.int32, (_H, _H * _C), 0)
    cc = lax.broadcasted_iota(jnp.int32, (_H, _H * _C), 1)
    erep = jnp.where(rr == (cc // _C), 1.0, 0.0)
    acc0 = acc_ref[0]
    acc1 = acc_ref[1]
    den = acc0[:, 64:64 + _H] + acc1[:, 64:64 + _H] + wself
    x = xt_ref[:, :_H * _C]
    msg = (acc0[:, :_H * _C] + acc1[:, :_H * _C]
           + jnp.dot(wself, erep, preferred_element_type=jnp.float32) * x)
    denb = jnp.dot(den, erep, preferred_element_type=jnp.float32)
    o = jnp.maximum(msg / denb + bias_ref[...], 0.0)
    ob = o[:_N]
    bvec = batch_ref[...]

    def pool_body(gi, carry):
        m = bvec == gi
        vals = jnp.max(jnp.where(m, ob, -jnp.inf), axis=0)
        pooled_ref[pl.ds(gi, 1), :] = vals[None, :]
        return carry

    lax.fori_loop(0, _G, pool_body, 0)
    out_ref[...] = (jnp.dot(pooled_ref[...], clfw_ref[...],
                            preferred_element_type=jnp.float32)
                    + clfb_ref[...])


def kernel(feature_matrix, edge_index, batch, W, att_src, att_dst, bias,
           clf_W, clf_b):
    fm = jnp.pad(feature_matrix, ((0, _NP - _N), (0, 0)))
    pad = jnp.full((_EP - _E,), _N, jnp.int32)
    src = jnp.concatenate([edge_index[0], pad])
    dst = jnp.concatenate([edge_index[1], pad])
    zer = jnp.zeros((_NP, _CW), jnp.float32)

    xt, aa = pl.pallas_call(
        _prep_body,
        out_shape=(
            jax.ShapeDtypeStruct((_NP, _CW), jnp.float32),
            jax.ShapeDtypeStruct((_NP, 16), jnp.float32),
        ),
    )(fm, W, att_src.reshape(_H * _C, 1), att_dst.reshape(_H * _C, 1))

    acc = _sc_edge(xt, aa, src, dst, zer)

    out = pl.pallas_call(
        _fin_body,
        out_shape=jax.ShapeDtypeStruct((_G, _OUT), jnp.float32),
        scratch_shapes=[pltpu.VMEM((_G, _H * _C), jnp.float32)],
    )(acc, xt, aa, batch.reshape(_N, 1), bias, clf_W, clf_b)
    return out

# --- scband reference (transcript-rebuilt; emitter-appended) ---
"""Pipeline reference for scband-gat-65231963291731 (READ-ONLY COPY).

The authoritative reference and input builder live on the scoring server;
editing this copy changes nothing except your own understanding.
"""

import jax, jax.numpy as jnp
import numpy as np

N = 10000
E = 320000
D = 128
H = 4
C = 16
G = 64
OUT = 10


def setup_inputs(seed: int = 0) -> dict:
    key = jax.random.key(seed)
    ks = jax.random.split(key, 9)
    feature_matrix = jax.random.normal(ks[0], (N, D), dtype=jnp.float32)
    edge_index = jax.random.randint(ks[1], (2, E), 0, N, dtype=jnp.int32)
    batch = jnp.sort(jax.random.randint(ks[2], (N,), 0, G, dtype=jnp.int32))
    W = jax.random.normal(ks[3], (D, H * C), dtype=jnp.float32) * 0.05
    att_src = jax.random.normal(ks[4], (H, C), dtype=jnp.float32) * 0.1
    att_dst = jax.random.normal(ks[5], (H, C), dtype=jnp.float32) * 0.1
    bias = jnp.zeros((H * C,), dtype=jnp.float32)
    clf_W = jax.random.normal(ks[6], (H * C, OUT), dtype=jnp.float32) * 0.05
    clf_b = jnp.zeros((OUT,), dtype=jnp.float32)
    return {
        "feature_matrix": feature_matrix,
        "edge_index": edge_index,
        "batch": batch,
        "W": W,
        "att_src": att_src,
        "att_dst": att_dst,
        "bias": bias,
        "clf_W": clf_W,
        "clf_b": clf_b,
    }


def reference(feature_matrix, edge_index, batch, W, att_src, att_dst, bias, clf_W, clf_b):
    # GATConv (PyG semantics, concat=True, add_self_loops=True, negative_slope=0.2)
    loop = jnp.arange(N, dtype=edge_index.dtype)
    ei = jnp.concatenate([edge_index, jnp.stack([loop, loop], axis=0)], axis=1)
    src, dst = ei[0], ei[1]
    x = (feature_matrix @ W).reshape(N, H, C)  # [N, H, C]
    a_src = (x * att_src[None, :, :]).sum(-1)  # [N, H]
    a_dst = (x * att_dst[None, :, :]).sum(-1)  # [N, H]
    alpha = a_src[src] + a_dst[dst]            # [E+N, H]  (gather)
    alpha = jax.nn.leaky_relu(alpha, negative_slope=0.2)
    # segment softmax over incoming edges of each dst node
    amax = jax.ops.segment_max(alpha, dst, num_segments=N)
    alpha = jnp.exp(alpha - amax[dst])
    denom = jax.ops.segment_sum(alpha, dst, num_segments=N)
    alpha = alpha / (denom[dst] + 1e-16)
    msg = x[src] * alpha[:, :, None]           # [E+N, H, C] (gather)
    out = jax.ops.segment_sum(msg, dst, num_segments=N)  # scatter-add
    out = out.reshape(N, H * C) + bias
    out = jax.nn.relu(out)
    # global_max_pool over graphs in batch (segment max)
    pooled = jax.ops.segment_max(out, batch, num_segments=G)  # [G, H*C]
    return pooled @ clf_W + clf_b

if __name__ == "__main__":
    import jax
    _d = setup_inputs()
    print(jax.jit(kernel)(*tuple(_d.values())))

</pallas_src>

<mosaic_0001>
#map = affine_map<(d0, d1) -> (0, 0)>
#map1 = affine_map<(d0, d1) -> (0)>
#map2 = affine_map<(d0, d1) -> (0, 0, 0)>
module attributes {stable_mosaic.version = 14 : i64} {
  func.func @k(%arg0: i32, %arg1: i32, %arg2: memref<10112x80xf32, #tpu.memory_space<hbm>>, %arg3: memref<10112x16xf32, #tpu.memory_space<hbm>>, %arg4: memref<327680xi32, #tpu.memory_space<hbm>>, %arg5: memref<327680xi32, #tpu.memory_space<hbm>>, %arg6: memref<10112x80xf32, #tpu.memory_space<hbm>>, %arg7: memref<2x10112x80xf32, #tpu.memory_space<hbm>>, %arg8: memref<2x128x80xf32, #tpu.memory_space<vmem>>, %arg9: memref<2x128x16xf32, #tpu.memory_space<vmem>>, %arg10: memref<2x128x16xf32, #tpu.memory_space<vmem>>, %arg11: memref<2x128xi32, #tpu.memory_space<vmem>>, %arg12: memref<2x128xi32, #tpu.memory_space<vmem>>, %arg13: memref<128x16xf32, #tpu.memory_space<vmem>>, %arg14: memref<10112x16xf32, #tpu.memory_space<vmem_shared>>, %arg15: memref<10112x80xf32, #tpu.memory_space<vmem_shared>>, %arg16: memref<!tpu.dma_semaphore, #tpu.memory_space<semaphore_mem>>, %arg17: memref<!tpu.dma_semaphore, #tpu.memory_space<semaphore_mem>>, %arg18: memref<!tpu.dma_semaphore, #tpu.memory_space<semaphore_mem>>, %arg19: memref<!tpu.dma_semaphore, #tpu.memory_space<semaphore_mem>>) attributes {dimension_semantics = [#tpu.dimension_semantics<core_parallel>, #tpu.dimension_semantics<subcore_parallel>], iteration_bounds = array<i64: 2, 16>, scalar_prefetch = 0 : i64, scratch_operands = 12 : i64, tpu.core_type = #tpu.core_type<sc_vector_subcore>, window_params = [{transform_indices = #map}, {transform_indices = #map}, {transform_indices = #map1}, {transform_indices = #map1}, {transform_indices = #map}, {transform_indices = #map2}]} {
    %mul3A = arith.constant 16 : i32
    %mul3A_0 = arith.muli %arg0, %mul3A : i32
    %add3A = arith.addi %mul3A_0, %arg1 : i32
    %mul3A_1 = arith.constant 632 : i32
    %mul3A_2 = arith.muli %arg1, %mul3A_1 : i32
    "tpu.region"() ({
      %run_scoped3A_59 = tpu.sem_alloc : memref<!tpu.dma_semaphore, #tpu.memory_space<semaphore_mem>>
      %dma_start3A_60 = arith.constant 0 : i32
      %dma_start3A_61 = tpu.memref_slice %arg14[%mul3A_2, %dma_start3A_60] : memref<10112x16xf32, #tpu.memory_space<vmem_shared>> -> memref<632x16xf32, #tpu.memory_space<vmem_shared>>
      %dma_start3A_62 = arith.constant 0 : i32
      %dma_start3A_63 = tpu.memref_slice %arg3[%mul3A_2, %dma_start3A_62] : memref<10112x16xf32, #tpu.memory_space<hbm>> -> memref<632x16xf32, #tpu.memory_space<hbm>>
      tpu.enqueue_dma source(%dma_start3A_63 : memref<632x16xf32, #tpu.memory_space<hbm>>) target(%dma_start3A_61 : memref<632x16xf32, #tpu.memory_space<vmem_shared>>) target_semaphore(%run_scoped3A_59 : memref<!tpu.dma_semaphore, #tpu.memory_space<semaphore_mem>>)
      %dma_wait3A = arith.constant 0 : i32
      %dma_wait3A_64 = tpu.memref_slice %arg14[%mul3A_2, %dma_wait3A] : memref<10112x16xf32, #tpu.memory_space<vmem_shared>> -> memref<632x16xf32, #tpu.memory_space<vmem_shared>>
      %dma_wait3A_65 = arith.constant 0 : i32
      %dma_wait3A_66 = tpu.memref_slice %arg3[%mul3A_2, %dma_wait3A_65] : memref<10112x16xf32, #tpu.memory_space<hbm>> -> memref<632x16xf32, #tpu.memory_space<hbm>>
      tpu.wait_dma2 semaphore(%run_scoped3A_59 : memref<!tpu.dma_semaphore, #tpu.memory_space<semaphore_mem>>) src(%dma_wait3A_66 : memref<632x16xf32, #tpu.memory_space<hbm>>) dst(%dma_wait3A_64 : memref<632x16xf32, #tpu.memory_space<vmem_shared>>)
      tpu.yield
    }) : () -> ()
    "tpu.region"() ({
      %run_scoped3A_59 = tpu.sem_alloc : memref<!tpu.dma_semaphore, #tpu.memory_space<semaphore_mem>>
      %dma_start3A_60 = arith.constant 0 : i32
      %dma_start3A_61 = tpu.memref_slice %arg15[%mul3A_2, %dma_start3A_60] : memref<10112x80xf32, #tpu.memory_space<vmem_shared>> -> memref<632x80xf32, #tpu.memory_space<vmem_shared>>
      %dma_start3A_62 = arith.constant 0 : i32
      %dma_start3A_63 = tpu.memref_slice %arg6[%mul3A_2, %dma_start3A_62] : memref<10112x80xf32, #tpu.memory_space<hbm>> -> memref<632x80xf32, #tpu.memory_space<hbm>>
      tpu.enqueue_dma source(%dma_start3A_63 : memref<632x80xf32, #tpu.memory_space<hbm>>) target(%dma_start3A_61 : memref<632x80xf32, #tpu.memory_space<vmem_shared>>) target_semaphore(%run_scoped3A_59 : memref<!tpu.dma_semaphore, #tpu.memory_space<semaphore_mem>>)
      %dma_wait3A = arith.constant 0 : i32
      %dma_wait3A_64 = tpu.memref_slice %arg15[%mul3A_2, %dma_wait3A] : memref<10112x80xf32, #tpu.memory_space<vmem_shared>> -> memref<632x80xf32, #tpu.memory_space<vmem_shared>>
      %dma_wait3A_65 = arith.constant 0 : i32
      %dma_wait3A_66 = tpu.memref_slice %arg6[%mul3A_2, %dma_wait3A_65] : memref<10112x80xf32, #tpu.memory_space<hbm>> -> memref<632x80xf32, #tpu.memory_space<hbm>>
      tpu.wait_dma2 semaphore(%run_scoped3A_59 : memref<!tpu.dma_semaphore, #tpu.memory_space<semaphore_mem>>) src(%dma_wait3A_66 : memref<632x80xf32, #tpu.memory_space<hbm>>) dst(%dma_wait3A_64 : memref<632x80xf32, #tpu.memory_space<vmem_shared>>)
      tpu.yield
    }) : () -> ()
    %barrier3A = arith.constant 0 : index
    tpu.barrier barrier_id(%barrier3A)
    %iota3A = tpu.iota {dimensions = array<i32: 0>} : vector<16xi32>
    %mul3A_3 = arith.constant 10240 : i32
    %mul3A_4 = arith.muli %add3A, %mul3A_3 : i32
    %add3A_5 = arith.constant 0 : i32
    %add3A_6 = arith.addi %mul3A_4, %add3A_5 : i32
    %run_scoped3A = arith.constant 0 : i32
    "tpu.region"() ({
      %run_scoped3A_59 = tpu.sem_alloc : memref<!tpu.dma_semaphore, #tpu.memory_space<semaphore_mem>>
      %dma_start3A_60 = arith.constant 0 : i32
      %dma_start3A_61 = tpu.memref_slice %arg11[%run_scoped3A, %dma_start3A_60] : memref<2x128xi32, #tpu.memory_space<vmem>> -> memref<1x128xi32, #tpu.memory_space<vmem>>
      %dma_start3A_62 = tpu.memref_squeeze %dma_start3A_61 : memref<1x128xi32, #tpu.memory_space<vmem>> -> memref<128xi32, #tpu.memory_space<vmem>>
      %dma_start3A_63 = tpu.memref_slice %arg4[%add3A_6] : memref<327680xi32, #tpu.memory_space<hbm>> -> memref<128xi32, #tpu.memory_space<hbm>>
      %dma_start3A_64 = arith.constant 0 : i32
      %dma_start3A_65 = tpu.memref_slice %arg11[%run_scoped3A, %dma_start3A_64] : memref<2x128xi32, #tpu.memory_space<vmem>> -> memref<1x128xi32, #tpu.memory_space<vmem>>
      %dma_start3A_66 = tpu.memref_squeeze %dma_start3A_65 : memref<1x128xi32, #tpu.memory_space<vmem>> -> memref<128xi32, #tpu.memory_space<vmem>>
      %dma_start3A_67 = tpu.memref_slice %arg4[%add3A_6] : memref<327680xi32, #tpu.memory_space<hbm>> -> memref<128xi32, #tpu.memory_space<hbm>>
      tpu.enqueue_dma source(%dma_start3A_67 : memref<128xi32, #tpu.memory_space<hbm>>) target(%dma_start3A_66 : memref<128xi32, #tpu.memory_space<vmem>>) target_semaphore(%run_scoped3A_59 : memref<!tpu.dma_semaphore, #tpu.memory_space<semaphore_mem>>)
      %dma_wait3A = arith.constant 0 : i32
      %dma_wait3A_68 = tpu.memref_slice %arg11[%run_scoped3A, %dma_wait3A] : memref<2x128xi32, #tpu.memory_space<vmem>> -> memref<1x128xi32, #tpu.memory_space<vmem>>
      %dma_wait3A_69 = tpu.memref_squeeze %dma_wait3A_68 : memref<1x128xi32, #tpu.memory_space<vmem>> -> memref<128xi32, #tpu.memory_space<vmem>>
      %dma_wait3A_70 = tpu.memref_slice %arg4[%add3A_6] : memref<327680xi32, #tpu.memory_space<hbm>> -> memref<128xi32, #tpu.memory_space<hbm>>
      %dma_wait3A_71 = arith.constant 0 : i32
      %dma_wait3A_72 = tpu.memref_slice %arg11[%run_scoped3A, %dma_wait3A_71] : memref<2x128xi32, #tpu.memory_space<vmem>> -> memref<1x128xi32, #tpu.memory_space<vmem>>
      %dma_wait3A_73 = tpu.memref_squeeze %dma_wait3A_72 : memref<1x128xi32, #tpu.memory_space<vmem>> -> memref<128xi32, #tpu.memory_space<vmem>>
      %dma_wait3A_74 = tpu.memref_slice %arg4[%add3A_6] : memref<327680xi32, #tpu.memory_space<hbm>> -> memref<128xi32, #tpu.memory_space<hbm>>
      tpu.wait_dma2 semaphore(%run_scoped3A_59 : memref<!tpu.dma_semaphore, #tpu.memory_space<semaphore_mem>>) src(%dma_wait3A_74 : memref<128xi32, #tpu.memory_space<hbm>>) dst(%dma_wait3A_73 : memref<128xi32, #tpu.memory_space<vmem>>)
      tpu.yield
    }) : () -> ()
    %run_scoped3A_7 = arith.constant 0 : i32
    "tpu.region"() ({
      %run_scoped3A_59 = tpu.sem_alloc : memref<!tpu.dma_semaphore, #tpu.memory_space<semaphore_mem>>
      %dma_start3A_60 = arith.constant 0 : i32
      %dma_start3A_61 = tpu.memref_slice %arg12[%run_scoped3A_7, %dma_start3A_60] : memref<2x128xi32, #tpu.memory_space<vmem>> -> memref<1x128xi32, #tpu.memory_space<vmem>>
      %dma_start3A_62 = tpu.memref_squeeze %dma_start3A_61 : memref<1x128xi32, #tpu.memory_space<vmem>> -> memref<128xi32, #tpu.memory_space<vmem>>
      %dma_start3A_63 = tpu.memref_slice %arg5[%add3A_6] : memref<327680xi32, #tpu.memory_space<hbm>> -> memref<128xi32, #tpu.memory_space<hbm>>
      %dma_start3A_64 = arith.constant 0 : i32
      %dma_start3A_65 = tpu.memref_slice %arg12[%run_scoped3A_7, %dma_start3A_64] : memref<2x128xi32, #tpu.memory_space<vmem>> -> memref<1x128xi32, #tpu.memory_space<vmem>>
      %dma_start3A_66 = tpu.memref_squeeze %dma_start3A_65 : memref<1x128xi32, #tpu.memory_space<vmem>> -> memref<128xi32, #tpu.memory_space<vmem>>
      %dma_start3A_67 = tpu.memref_slice %arg5[%add3A_6] : memref<327680xi32, #tpu.memory_space<hbm>> -> memref<128xi32, #tpu.memory_space<hbm>>
      tpu.enqueue_dma source(%dma_start3A_67 : memref<128xi32, #tpu.memory_space<hbm>>) target(%dma_start3A_66 : memref<128xi32, #tpu.memory_space<vmem>>) target_semaphore(%run_scoped3A_59 : memref<!tpu.dma_semaphore, #tpu.memory_space<semaphore_mem>>)
      %dma_wait3A = arith.constant 0 : i32
      %dma_wait3A_68 = tpu.memref_slice %arg12[%run_scoped3A_7, %dma_wait3A] : memref<2x128xi32, #tpu.memory_space<vmem>> -> memref<1x128xi32, #tpu.memory_space<vmem>>
      %dma_wait3A_69 = tpu.memref_squeeze %dma_wait3A_68 : memref<1x128xi32, #tpu.memory_space<vmem>> -> memref<128xi32, #tpu.memory_space<vmem>>
      %dma_wait3A_70 = tpu.memref_slice %arg5[%add3A_6] : memref<327680xi32, #tpu.memory_space<hbm>> -> memref<128xi32, #tpu.memory_space<hbm>>
      %dma_wait3A_71 = arith.constant 0 : i32
      %dma_wait3A_72 = tpu.memref_slice %arg12[%run_scoped3A_7, %dma_wait3A_71] : memref<2x128xi32, #tpu.memory_space<vmem>> -> memref<1x128xi32, #tpu.memory_space<vmem>>
      %dma_wait3A_73 = tpu.memref_squeeze %dma_wait3A_72 : memref<1x128xi32, #tpu.memory_space<vmem>> -> memref<128xi32, #tpu.memory_space<vmem>>
      %dma_wait3A_74 = tpu.memref_slice %arg5[%add3A_6] : memref<327680xi32, #tpu.memory_space<hbm>> -> memref<128xi32, #tpu.memory_space<hbm>>
      tpu.wait_dma2 semaphore(%run_scoped3A_59 : memref<!tpu.dma_semaphore, #tpu.memory_space<semaphore_mem>>) src(%dma_wait3A_74 : memref<128xi32, #tpu.memory_space<hbm>>) dst(%dma_wait3A_73 : memref<128xi32, #tpu.memory_space<vmem>>)
      tpu.yield
    }) : () -> ()
    %dma_start3A = arith.constant 0 : i32
    %dma_start3A_8 = arith.constant 0 : i32
    %dma_start3A_9 = arith.constant 0 : i32
    %dma_start3A_10 = arith.constant 0 : i32
    %dma_start3A_11 = tpu.memref_slice %arg8[%dma_start3A_8, %dma_start3A_9, %dma_start3A_10] : memref<2x128x80xf32, #tpu.memory_space<vmem>> -> memref<1x128x80xf32, #tpu.memory_space<vmem>>
    %dma_start3A_12 = tpu.memref_squeeze %dma_start3A_11 : memref<1x128x80xf32, #tpu.memory_space<vmem>> -> memref<128x80xf32, #tpu.memory_space<vmem>>
    %dma_start3A_13 = arith.constant 0 : i32
    %dma_start3A_14 = tpu.memref_slice %arg11[%dma_start3A, %dma_start3A_13] : memref<2x128xi32, #tpu.memory_space<vmem>> -> memref<1x128xi32, #tpu.memory_space<vmem>>
    %dma_start3A_15 = tpu.memref_squeeze %dma_start3A_14 : memref<1x128xi32, #tpu.memory_space<vmem>> -> memref<128xi32, #tpu.memory_space<vmem>>
    %dma_start3A_16 = arith.constant 0 : i32
    %dma_start3A_17 = arith.constant 0 : i32
    %dma_start3A_18 = tpu.memref_slice %arg2[%dma_start3A_16, %dma_start3A_17] : memref<10112x80xf32, #tpu.memory_space<hbm>> -> memref<10112x80xf32, #tpu.memory_space<hbm>>
    tpu.enqueue_indirect_dma source(%dma_start3A_18 : memref<10112x80xf32, #tpu.memory_space<hbm>>) target(%dma_start3A_12 : memref<128x80xf32, #tpu.memory_space<vmem>>) offsets(%dma_start3A_15 : memref<128xi32, #tpu.memory_space<vmem>>) semaphore(%arg16 : memref<!tpu.dma_semaphore, #tpu.memory_space<semaphore_mem>>)
    %dma_start3A_19 = arith.constant 0 : i32
    %dma_start3A_20 = arith.constant 0 : i32
    %dma_start3A_21 = arith.constant 0 : i32
    %dma_start3A_22 = arith.constant 0 : i32
    %dma_start3A_23 = tpu.memref_slice %arg9[%dma_start3A_20, %dma_start3A_21, %dma_start3A_22] : memref<2x128x16xf32, #tpu.memory_space<vmem>> -> memref<1x128x16xf32, #tpu.memory_space<vmem>>
    %dma_start3A_24 = tpu.memref_squeeze %dma_start3A_23 : memref<1x128x16xf32, #tpu.memory_space<vmem>> -> memref<128x16xf32, #tpu.memory_space<vmem>>
    %dma_start3A_25 = arith.constant 0 : i32
    %dma_start3A_26 = tpu.memref_slice %arg11[%dma_start3A_19, %dma_start3A_25] : memref<2x128xi32, #tpu.memory_space<vmem>> -> memref<1x128xi32, #tpu.memory_space<vmem>>
    %dma_start3A_27 = tpu.memref_squeeze %dma_start3A_26 : memref<1x128xi32, #tpu.memory_space<vmem>> -> memref<128xi32, #tpu.memory_space<vmem>>
    %dma_start3A_28 = arith.constant 0 : i32
    %dma_start3A_29 = arith.constant 0 : i32
    %dma_start3A_30 = tpu.memref_slice %arg14[%dma_start3A_28, %dma_start3A_29] : memref<10112x16xf32, #tpu.memory_space<vmem_shared>> -> memref<10112x16xf32, #tpu.memory_space<vmem_shared>>
    tpu.enqueue_indirect_dma source(%dma_start3A_30 : memref<10112x16xf32, #tpu.memory_space<vmem_shared>>) target(%dma_start3A_24 : memref<128x16xf32, #tpu.memory_space<vmem>>) offsets(%dma_start3A_27 : memref<128xi32, #tpu.memory_space<vmem>>) semaphore(%arg18 : memref<!tpu.dma_semaphore, #tpu.memory_space<semaphore_mem>>)
    %dma_start3A_31 = arith.constant 0 : i32
    %dma_start3A_32 = arith.constant 0 : i32
    %dma_start3A_33 = arith.constant 0 : i32
    %dma_start3A_34 = arith.constant 0 : i32
    %dma_start3A_35 = tpu.memref_slice %arg10[%dma_start3A_32, %dma_start3A_33, %dma_start3A_34] : memref<2x128x16xf32, #tpu.memory_space<vmem>> -> memref<1x128x16xf32, #tpu.memory_space<vmem>>
    %dma_start3A_36 = tpu.memref_squeeze %dma_start3A_35 : memref<1x128x16xf32, #tpu.memory_space<vmem>> -> memref<128x16xf32, #tpu.memory_space<vmem>>
    %dma_start3A_37 = arith.constant 0 : i32
    %dma_start3A_38 = tpu.memref_slice %arg12[%dma_start3A_31, %dma_start3A_37] : memref<2x128xi32, #tpu.memory_space<vmem>> -> memref<1x128xi32, #tpu.memory_space<vmem>>
    %dma_start3A_39 = tpu.memref_squeeze %dma_start3A_38 : memref<1x128xi32, #tpu.memory_space<vmem>> -> memref<128xi32, #tpu.memory_space<vmem>>
    %dma_start3A_40 = arith.constant 0 : i32
    %dma_start3A_41 = arith.constant 0 : i32
    %dma_start3A_42 = tpu.memref_slice %arg14[%dma_start3A_40, %dma_start3A_41] : memref<10112x16xf32, #tpu.memory_space<vmem_shared>> -> memref<10112x16xf32, #tpu.memory_space<vmem_shared>>
    tpu.enqueue_indirect_dma source(%dma_start3A_42 : memref<10112x16xf32, #tpu.memory_space<vmem_shared>>) target(%dma_start3A_36 : memref<128x16xf32, #tpu.memory_space<vmem>>) offsets(%dma_start3A_39 : memref<128xi32, #tpu.memory_space<vmem>>) semaphore(%arg18 : memref<!tpu.dma_semaphore, #tpu.memory_space<semaphore_mem>>)
    %scan3A = arith.constant 0 : i32
    %scan3A_43 = arith.constant 1 : i32
    %scan3A_44 = arith.constant 1 : i32
    %scan3A_45 = arith.constant 1 : i32
    %scan3A_46 = arith.constant 1 : i32
    %scan3A_47 = arith.constant 1 : i32
    %scan3A_48 = arith.constant 0 : i32
    %scan3A_49 = arith.constant 0 : i32
    %scan3A_50 = arith.constant 0 : i32
    %scan3A_51 = arith.constant 0 : i32
    %scan3A_52 = arith.constant 0 : i32
    %scan3A_53 = arith.constant 0 : i32
    %scan3A_54 = arith.constant 40 : i32
    %scan3A_55 = arith.addi %scan3A_53, %scan3A_54 : i32
    %scan3A_56 = arith.constant 1 : i32
    scf.for %scan3A_59 = %scan3A_53 to %scan3A_55 step %scan3A_56  : i32 {
      %mul3A_60 = arith.constant 2 : i32
      %mul3A_61 = arith.muli %mul3A_60, %scan3A_59 : i32
      %add3A_62 = arith.constant 1 : i32
      %add3A_63 = arith.addi %mul3A_61, %add3A_62 : i32
      %mul3A_64 = arith.constant 10240 : i32
      %mul3A_65 = arith.muli %add3A, %mul3A_64 : i32
      %mul3A_66 = arith.constant 128 : i32
      %mul3A_67 = arith.muli %add3A_63, %mul3A_66 : i32
      %add3A_68 = arith.addi %mul3A_65, %mul3A_67 : i32
      "tpu.region"() ({
        %run_scoped3A_1817 = tpu.sem_alloc : memref<!tpu.dma_semaphore, #tpu.memory_space<semaphore_mem>>
        %dma_start3A_1818 = arith.constant 0 : i32
        %dma_start3A_1819 = tpu.memref_slice %arg11[%scan3A_43, %dma_start3A_1818] : memref<2x128xi32, #tpu.memory_space<vmem>> -> memref<1x128xi32, #tpu.memory_space<vmem>>
        %dma_start3A_1820 = tpu.memref_squeeze %dma_start3A_1819 : memref<1x128xi32, #tpu.memory_space<vmem>> -> memref<128xi32, #tpu.memory_space<vmem>>
        %dma_start3A_1821 = tpu.memref_slice %arg4[%add3A_68] : memref<327680xi32, #tpu.memory_space<hbm>> -> memref<128xi32, #tpu.memory_space<hbm>>
        %dma_start3A_1822 = arith.constant 0 : i32
        %dma_start3A_1823 = tpu.memref_slice %arg11[%scan3A_43, %dma_start3A_1822] : memref<2x128xi32, #tpu.memory_space<vmem>> -> memref<1x128xi32, #tpu.memory_space<vmem>>
        %dma_start3A_1824 = tpu.memref_squeeze %dma_start3A_1823 : memref<1x128xi32, #tpu.memory_space<vmem>> -> memref<128xi32, #tpu.memory_space<vmem>>
        %dma_start3A_1825 = tpu.memref_slice %arg4[%add3A_68] : memref<327680xi32, #tpu.memory_space<hbm>> -> memref<128xi32, #tpu.memory_space<hbm>>
        tpu.enqueue_dma source(%dma_start3A_1825 : memref<128xi32, #tpu.memory_space<hbm>>) target(%dma_start3A_1824 : memref<128xi32, #tpu.memory_space<vmem>>) target_semaphore(%run_scoped3A_1817 : memref<!tpu.dma_semaphore, #tpu.memory_space<semaphore_mem>>)
        %dma_wait3A_1826 = arith.constant 0 : i32
        %dma_wait3A_1827 = tpu.memref_slice %arg11[%scan3A_43, %dma_wait3A_1826] : memref<2x128xi32, #tpu.memory_space<vmem>> -> memref<1x128xi32, #tpu.memory_space<vmem>>
        %dma_wait3A_1828 = tpu.memref_squeeze %dma_wait3A_1827 : memref<1x128xi32, #tpu.memory_space<vmem>> -> memref<128xi32, #tpu.memory_space<vmem>>
        %dma_wait3A_1829 = tpu.memref_slice %arg4[%add3A_68] : memref<327680xi32, #tpu.memory_space<hbm>> -> memref<128xi32, #tpu.memory_space<hbm>>
        %dma_wait3A_1830 = arith.constant 0 : i32
        %dma_wait3A_1831 = tpu.memref_slice %arg11[%scan3A_43, %dma_wait3A_1830] : memref<2x128xi32, #tpu.memory_space<vmem>> -> memref<1x128xi32, #tpu.memory_space<vmem>>
        %dma_wait3A_1832 = tpu.memref_squeeze %dma_wait3A_1831 : memref<1x128xi32, #tpu.memory_space<vmem>> -> memref<128xi32, #tpu.memory_space<vmem>>
        %dma_wait3A_1833 = tpu.memref_slice %arg4[%add3A_68] : memref<327680xi32, #tpu.memory_space<hbm>> -> memref<128xi32, #tpu.memory_space<hbm>>
        tpu.wait_dma2 semaphore(%run_scoped3A_1817 : memref<!tpu.dma_semaphore, #tpu.memory_space<semaphore_mem>>) src(%dma_wait3A_1833 : memref<128xi32, #tpu.memory_space<hbm>>) dst(%dma_wait3A_1832 : memref<128xi32, #tpu.memory_space<vmem>>)
        tpu.yield
      }) : () -> ()
      "tpu.region"() ({
        %run_scoped3A_1817 = tpu.sem_alloc : memref<!tpu.dma_semaphore, #tpu.memory_space<semaphore_mem>>
        %dma_start3A_1818 = arith.constant 0 : i32
        %dma_start3A_1819 = tpu.memref_slice %arg12[%scan3A_44, %dma_start3A_1818] : memref<2x128xi32, #tpu.memory_space<vmem>> -> memref<1x128xi32, #tpu.memory_space<vmem>>
        %dma_start3A_1820 = tpu.memref_squeeze %dma_start3A_1819 : memref<1x128xi32, #tpu.memory_space<vmem>> -> memref<128xi32, #tpu.memory_space<vmem>>
        %dma_start3A_1821 = tpu.memref_slice %arg5[%add3A_68] : memref<327680xi32, #tpu.memory_space<hbm>> -> memref<128xi32, #tpu.memory_space<hbm>>
        %dma_start3A_1822 = arith.constant 0 : i32
        %dma_start3A_1823 = tpu.memref_slice %arg12[%scan3A_44, %dma_start3A_1822] : memref<2x128xi32, #tpu.memory_space<vmem>> -> memref<1x128xi32, #tpu.memory_space<vmem>>
        %dma_start3A_1824 = tpu.memref_squeeze %dma_start3A_1823 : memref<1x128xi32, #tpu.memory_space<vmem>> -> memref<128xi32, #tpu.memory_space<vmem>>
        %dma_start3A_1825 = tpu.memref_slice %arg5[%add3A_68] : memref<327680xi32, #tpu.memory_space<hbm>> -> memref<128xi32, #tpu.memory_space<hbm>>
        tpu.enqueue_dma source(%dma_start3A_1825 : memref<128xi32, #tpu.memory_space<hbm>>) target(%dma_start3A_1824 : memref<128xi32, #tpu.memory_space<vmem>>) target_semaphore(%run_scoped3A_1817 : memref<!tpu.dma_semaphore, #tpu.memory_space<semaphore_mem>>)
        %dma_wait3A_1826 = arith.constant 0 : i32
        %dma_wait3A_1827 = tpu.memref_slice %arg12[%scan3A_44, %dma_wait3A_1826] : memref<2x128xi32, #tpu.memory_space<vmem>> -> memref<1x128xi32, #tpu.memory_space<vmem>>
        %dma_wait3A_1828 = tpu.memref_squeeze %dma_wait3A_1827 : memref<1x128xi32, #tpu.memory_space<vmem>> -> memref<128xi32, #tpu.memory_space<vmem>>
        %dma_wait3A_1829 = tpu.memref_slice %arg5[%add3A_68] : memref<327680xi32, #tpu.memory_space<hbm>> -> memref<128xi32, #tpu.memory_space<hbm>>
        %dma_wait3A_1830 = arith.constant 0 : i32
        %dma_wait3A_1831 = tpu.memref_slice %arg12[%scan3A_44, %dma_wait3A_1830] : memref<2x128xi32, #tpu.memory_space<vmem>> -> memref<1x128xi32, #tpu.memory_space<vmem>>
        %dma_wait3A_1832 = tpu.memref_squeeze %dma_wait3A_1831 : memref<1x128xi32, #tpu.memory_space<vmem>> -> memref<128xi32, #tpu.memory_space<vmem>>
        %dma_wait3A_1833 = tpu.memref_slice %arg5[%add3A_68] : memref<327680xi32, #tpu.memory_space<hbm>> -> memref<128xi32, #tpu.memory_space<hbm>>
        tpu.wait_dma2 semaphore(%run_scoped3A_1817 : memref<!tpu.dma_semaphore, #tpu.memory_space<semaphore_mem>>) src(%dma_wait3A_1833 : memref<128xi32, #tpu.memory_space<hbm>>) dst(%dma_wait3A_1832 : memref<128xi32, #tpu.memory_space<vmem>>)
        tpu.yield
      }) : () -> ()
      %dma_start3A_69 = arith.constant 0 : i32
      %dma_start3A_70 = arith.constant 0 : i32
      %dma_start3A_71 = tpu.memref_slice %arg8[%scan3A_45, %dma_start3A_69, %dma_start3A_70] : memref<2x128x80xf32, #tpu.memory_space<vmem>> -> memref<1x128x80xf32, #tpu.memory_space<vmem>>
      %dma_start3A_72 = tpu.memref_squeeze %dma_start3A_71 : memref<1x128x80xf32, #tpu.memory_space<vmem>> -> memref<128x80xf32, #tpu.memory_space<vmem>>
      %dma_start3A_73 = arith.constant 0 : i32
      %dma_start3A_74 = tpu.memref_slice %arg11[%scan3A_43, %dma_start3A_73] : memref<2x128xi32, #tpu.memory_space<vmem>> -> memref<1x128xi32, #tpu.memory_space<vmem>>
      %dma_start3A_75 = tpu.memref_squeeze %dma_start3A_74 : memref<1x128xi32, #tpu.memory_space<vmem>> -> memref<128xi32, #tpu.memory_space<vmem>>
      %dma_start3A_76 = arith.constant 0 : i32
      %dma_start3A_77 = arith.constant 0 : i32
      %dma_start3A_78 = tpu.memref_slice %arg2[%dma_start3A_76, %dma_start3A_77] : memref<10112x80xf32, #tpu.memory_space<hbm>> -> memref<10112x80xf32, #tpu.memory_space<hbm>>
      tpu.enqueue_indirect_dma source(%dma_start3A_78 : memref<10112x80xf32, #tpu.memory_space<hbm>>) target(%dma_start3A_72 : memref<128x80xf32, #tpu.memory_space<vmem>>) offsets(%dma_start3A_75 : memref<128xi32, #tpu.memory_space<vmem>>) semaphore(%arg17 : memref<!tpu.dma_semaphore, #tpu.memory_space<semaphore_mem>>)
      %dma_start3A_79 = arith.constant 0 : i32
      %dma_start3A_80 = arith.constant 0 : i32
      %dma_start3A_81 = tpu.memref_slice %arg9[%scan3A_46, %dma_start3A_79, %dma_start3A_80] : memref<2x128x16xf32, #tpu.memory_space<vmem>> -> memref<1x128x16xf32, #tpu.memory_space<vmem>>
      %dma_start3A_82 = tpu.memref_squeeze %dma_start3A_81 : memref<1x128x16xf32, #tpu.memory_space<vmem>> -> memref<128x16xf32, #tpu.memory_space<vmem>>
      %dma_start3A_83 = arith.constant 0 : i32
      %dma_start3A_84 = tpu.memref_slice %arg11[%scan3A_43, %dma_start3A_83] : memref<2x128xi32, #tpu.memory_space<vmem>> -> memref<1x128xi32, #tpu.memory_space<vmem>>
      %dma_start3A_85 = tpu.memref_squeeze %dma_start3A_84 : memref<1x128xi32, #tpu.memory_space<vmem>> -> memref<128xi32, #tpu.memory_space<vmem>>
      %dma_start3A_86 = arith.constant 0 : i32
      %dma_start3A_87 = arith.constant 0 : i32
      %dma_start3A_88 = tpu.memref_slice %arg14[%dma_start3A_86, %dma_start3A_87] : memref<10112x16xf32, #tpu.memory_space<vmem_shared>> -> memref<10112x16xf32, #tpu.memory_space<vmem_shared>>
      tpu.enqueue_indirect_dma source(%dma_start3A_88 : memref<10112x16xf32, #tpu.memory_space<vmem_shared>>) target(%dma_start3A_82 : memref<128x16xf32, #tpu.memory_space<vmem>>) offsets(%dma_start3A_85 : memref<128xi32, #tpu.memory_space<vmem>>) semaphore(%arg19 : memref<!tpu.dma_semaphore, #tpu.memory_space<semaphore_mem>>)
      %dma_start3A_89 = arith.constant 0 : i32
      %dma_start3A_90 = arith.constant 0 : i32
      %dma_start3A_91 = tpu.memref_slice %arg10[%scan3A_47, %dma_start3A_89, %dma_start3A_90] : memref<2x128x16xf32, #tpu.memory_space<vmem>> -> memref<1x128x16xf32, #tpu.memory_space<vmem>>
      %dma_start3A_92 = tpu.memref_squeeze %dma_start3A_91 : memref<1x128x16xf32, #tpu.memory_space<vmem>> -> memref<128x16xf32, #tpu.memory_space<vmem>>
      %dma_start3A_93 = arith.constant 0 : i32
      %dma_start3A_94 = tpu.memref_slice %arg12[%scan3A_44, %dma_start3A_93] : memref<2x128xi32, #tpu.memory_space<vmem>> -> memref<1x128xi32, #tpu.memory_space<vmem>>
      %dma_start3A_95 = tpu.memref_squeeze %dma_start3A_94 : memref<1x128xi32, #tpu.memory_space<vmem>> -> memref<128xi32, #tpu.memory_space<vmem>>
      %dma_start3A_96 = arith.constant 0 : i32
      %dma_start3A_97 = arith.constant 0 : i32
      %dma_start3A_98 = tpu.memref_slice %arg14[%dma_start3A_96, %dma_start3A_97] : memref<10112x16xf32, #tpu.memory_space<vmem_shared>> -> memref<10112x16xf32, #tpu.memory_space<vmem_shared>>
      tpu.enqueue_indirect_dma source(%dma_start3A_98 : memref<10112x16xf32, #tpu.memory_space<vmem_shared>>) target(%dma_start3A_92 : memref<128x16xf32, #tpu.memory_space<vmem>>) offsets(%dma_start3A_95 : memref<128xi32, #tpu.memory_space<vmem>>) semaphore(%arg19 : memref<!tpu.dma_semaphore, #tpu.memory_space<semaphore_mem>>)
      %dma_wait3A = arith.constant 0 : i32
      %dma_wait3A_99 = arith.constant 0 : i32
      %dma_wait3A_100 = tpu.memref_slice %arg9[%scan3A_49, %dma_wait3A, %dma_wait3A_99] : memref<2x128x16xf32, #tpu.memory_space<vmem>> -> memref<1x128x16xf32, #tpu.memory_space<vmem>>
      %dma_wait3A_101 = tpu.memref_squeeze %dma_wait3A_100 : memref<1x128x16xf32, #tpu.memory_space<vmem>> -> memref<128x16xf32, #tpu.memory_space<vmem>>
      %dma_wait3A_102 = arith.constant 0 : i32
      %dma_wait3A_103 = tpu.memref_slice %arg11[%scan3A_48, %dma_wait3A_102] : memref<2x128xi32, #tpu.memory_space<vmem>> -> memref<1x128xi32, #tpu.memory_space<vmem>>
      %dma_wait3A_104 = tpu.memref_squeeze %dma_wait3A_103 : memref<1x128xi32, #tpu.memory_space<vmem>> -> memref<128xi32, #tpu.memory_space<vmem>>
      %dma_wait3A_105 = arith.constant 0 : i32
      %dma_wait3A_106 = arith.constant 0 : i32
      %dma_wait3A_107 = tpu.memref_slice %arg14[%dma_wait3A_105, %dma_wait3A_106] : memref<10112x16xf32, #tpu.memory_space<vmem_shared>> -> memref<10112x16xf32, #tpu.memory_space<vmem_shared>>
      tpu.wait_indirect_dma semaphore(%arg18 : memref<!tpu.dma_semaphore, #tpu.memory_space<semaphore_mem>>) src(%dma_wait3A_107 : memref<10112x16xf32, #tpu.memory_space<vmem_shared>>) dst(%dma_wait3A_101 : memref<128x16xf32, #tpu.memory_space<vmem>>)
      %dma_wait3A_108 = arith.constant 0 : i32
      %dma_wait3A_109 = arith.constant 0 : i32
      %dma_wait3A_110 = tpu.memref_slice %arg10[%scan3A_51, %dma_wait3A_108, %dma_wait3A_109] : memref<2x128x16xf32, #tpu.memory_space<vmem>> -> memref<1x128x16xf32, #tpu.memory_space<vmem>>
      %dma_wait3A_111 = tpu.memref_squeeze %dma_wait3A_110 : memref<1x128x16xf32, #tpu.memory_space<vmem>> -> memref<128x16xf32, #tpu.memory_space<vmem>>
      %dma_wait3A_112 = arith.constant 0 : i32
      %dma_wait3A_113 = tpu.memref_slice %arg12[%scan3A_50, %dma_wait3A_112] : memref<2x128xi32, #tpu.memory_space<vmem>> -> memref<1x128xi32, #tpu.memory_space<vmem>>
      %dma_wait3A_114 = tpu.memref_squeeze %dma_wait3A_113 : memref<1x128xi32, #tpu.memory_space<vmem>> -> memref<128xi32, #tpu.memory_space<vmem>>
      %dma_wait3A_115 = arith.constant 0 : i32
      %dma_wait3A_116 = arith.constant 0 : i32
      %dma_wait3A_117 = tpu.memref_slice %arg14[%dma_wait3A_115, %dma_wait3A_116] : memref<10112x16xf32, #tpu.memory_space<vmem_shared>> -> memref<10112x16xf32, #tpu.memory_space<vmem_shared>>
      tpu.wait_indirect_dma semaphore(%arg18 : memref<!tpu.dma_semaphore, #tpu.memory_space<semaphore_mem>>) src(%dma_wait3A_117 : memref<10112x16xf32, #tpu.memory_space<vmem_shared>>) dst(%dma_wait3A_111 : memref<128x16xf32, #tpu.memory_space<vmem>>)
      %add3A_118 = arith.constant 0 : i32
      %add3A_119 = vector.broadcast %add3A_118 : i32 to vector<16xi32>
      %add3A_120 = arith.addi %add3A_119, %iota3A : vector<16xi32>
      %broadcast_in_dim3A = arith.constant 0 : i32
      %broadcast_in_dim3A_121 = vector.broadcast %broadcast_in_dim3A : i32 to vector<16xi32>
      %gather3A = arith.constant 0 : i32
      %gather3A_122 = arith.constant 0 : i32
      %gather3A_123 = tpu.memref_slice %arg9[%scan3A_49, %gather3A, %gather3A_122] : memref<2x128x16xf32, #tpu.memory_space<vmem>> -> memref<1x128x16xf32, #tpu.memory_space<vmem>>
      %gather3A_124 = tpu.memref_squeeze %gather3A_123 : memref<1x128x16xf32, #tpu.memory_space<vmem>> -> memref<128x16xf32, #tpu.memory_space<vmem>>
      %gather3A_125 = tpu.vector_load_idx %gather3A_124[%add3A_120, %broadcast_in_dim3A_121] : memref<128x16xf32, #tpu.memory_space<vmem>>[vector<16xi32>, vector<16xi32>], vector<16xf32>,
      %broadcast_in_dim3A_126 = arith.constant 4 : i32
      %broadcast_in_dim3A_127 = vector.broadcast %broadcast_in_dim3A_126 : i32 to vector<16xi32>
      %gather3A_128 = arith.constant 0 : i32
      %gather3A_129 = arith.constant 0 : i32
      %gather3A_130 = tpu.memref_slice %arg10[%scan3A_51, %gather3A_128, %gather3A_129] : memref<2x128x16xf32, #tpu.memory_space<vmem>> -> memref<1x128x16xf32, #tpu.memory_space<vmem>>
      %gather3A_131 = tpu.memref_squeeze %gather3A_130 : memref<1x128x16xf32, #tpu.memory_space<vmem>> -> memref<128x16xf32, #tpu.memory_space<vmem>>
      %gather3A_132 = tpu.vector_load_idx %gather3A_131[%add3A_120, %broadcast_in_dim3A_127] : memref<128x16xf32, #tpu.memory_space<vmem>>[vector<16xi32>, vector<16xi32>], vector<16xf32>,
      %add3A_133 = arith.addf %gather3A_125, %gather3A_132 : vector<16xf32>
      %ge3A = arith.constant 0.000000e+00 : f32
      %ge3A_134 = vector.broadcast %ge3A : f32 to vector<16xf32>
      %ge3A_135 = arith.cmpf oge, %add3A_133, %ge3A_134 : vector<16xf32>
      %mul3A_136 = arith.constant 2.000000e-01 : f32
      %mul3A_137 = vector.broadcast %mul3A_136 : f32 to vector<16xf32>
      %mul3A_138 = arith.mulf %mul3A_137, %add3A_133 : vector<16xf32>
      %select_n3A = arith.select %ge3A_135, %add3A_133, %mul3A_138 : vector<16xi1>, vector<16xf32>
      %exp3A = math.exp %select_n3A : vector<16xf32>
      %broadcast_in_dim3A_139 = arith.constant 0 : i32
      %broadcast_in_dim3A_140 = vector.broadcast %broadcast_in_dim3A_139 : i32 to vector<16xi32>
      tpu.vector_store_idx %arg13[%add3A_120, %broadcast_in_dim3A_140], %exp3A : memref<128x16xf32, #tpu.memory_space<vmem>>[vector<16xi32>, vector<16xi32>], vector<16xf32>,
      %broadcast_in_dim3A_141 = arith.constant 1 : i32
      %broadcast_in_dim3A_142 = vector.broadcast %broadcast_in_dim3A_141 : i32 to vector<16xi32>
      %gather3A_143 = arith.constant 0 : i32
      %gather3A_144 = arith.constant 0 : i32
      %gather3A_145 = tpu.memref_slice %arg9[%scan3A_49, %gather3A_143, %gather3A_144] : memref<2x128x16xf32, #tpu.memory_space<vmem>> -> memref<1x128x16xf32, #tpu.memory_space<vmem>>
      %gather3A_146 = tpu.memref_squeeze %gather3A_145 : memref<1x128x16xf32, #tpu.memory_space<vmem>> -> memref<128x16xf32, #tpu.memory_space<vmem>>
      %gather3A_147 = tpu.vector_load_idx %gather3A_146[%add3A_120, %broadcast_in_dim3A_142] : memref<128x16xf32, #tpu.memory_space<vmem>>[vector<16xi32>, vector<16xi32>], vector<16xf32>,
      %broadcast_in_dim3A_148 = arith.constant 5 : i32
      %broadcast_in_dim3A_149 = vector.broadcast %broadcast_in_dim3A_148 : i32 to vector<16xi32>
      %gather3A_150 = arith.constant 0 : i32
      %gather3A_151 = arith.constant 0 : i32
      %gather3A_152 = tpu.memref_slice %arg10[%scan3A_51, %gather3A_150, %gather3A_151] : memref<2x128x16xf32, #tpu.memory_space<vmem>> -> memref<1x128x16xf32, #tpu.memory_space<vmem>>
      %gather3A_153 = tpu.memref_squeeze %gather3A_152 : memref<1x128x16xf32, #tpu.memory_space<vmem>> -> memref<128x16xf32, #tpu.memory_space<vmem>>
      %gather3A_154 = tpu.vector_load_idx %gather3A_153[%add3A_120, %broadcast_in_dim3A_149] : memref<128x16xf32, #tpu.memory_space<vmem>>[vector<16xi32>, vector<16xi32>], vector<16xf32>,
      %add3A_155 = arith.addf %gather3A_147, %gather3A_154 : vector<16xf32>
      %ge3A_156 = arith.constant 0.000000e+00 : f32
      %ge3A_157 = vector.broadcast %ge3A_156 : f32 to vector<16xf32>
      %ge3A_158 = arith.cmpf oge, %add3A_155, %ge3A_157 : vector<16xf32>
      %mul3A_159 = arith.constant 2.000000e-01 : f32
      %mul3A_160 = vector.broadcast %mul3A_159 : f32 to vector<16xf32>
      %mul3A_161 = arith.mulf %mul3A_160, %add3A_155 : vector<16xf32>
      %select_n3A_162 = arith.select %ge3A_158, %add3A_155, %mul3A_161 : vector<16xi1>, vector<16xf32>
      %exp3A_163 = math.exp %select_n3A_162 : vector<16xf32>
      %broadcast_in_dim3A_164 = arith.constant 1 : i32
      %broadcast_in_dim3A_165 = vector.broadcast %broadcast_in_dim3A_164 : i32 to vector<16xi32>
      tpu.vector_store_idx %arg13[%add3A_120, %broadcast_in_dim3A_165], %exp3A_163 : memref<128x16xf32, #tpu.memory_space<vmem>>[vector<16xi32>, vector<16xi32>], vector<16xf32>,
      %broadcast_in_dim3A_166 = arith.constant 2 : i32
      %broadcast_in_dim3A_167 = vector.broadcast %broadcast_in_dim3A_166 : i32 to vector<16xi32>
      %gather3A_168 = arith.constant 0 : i32
      %gather3A_169 = arith.constant 0 : i32
      %gather3A_170 = tpu.memref_slice %arg9[%scan3A_49, %gather3A_168, %gather3A_169] : memref<2x128x16xf32, #tpu.memory_space<vmem>> -> memref<1x128x16xf32, #tpu.memory_space<vmem>>
      %gather3A_171 = tpu.memref_squeeze %gather3A_170 : memref<1x128x16xf32, #tpu.memory_space<vmem>> -> memref<128x16xf32, #tpu.memory_space<vmem>>
      %gather3A_172 = tpu.vector_load_idx %gather3A_171[%add3A_120, %broadcast_in_dim3A_167] : memref<128x16xf32, #tpu.memory_space<vmem>>[vector<16xi32>, vector<16xi32>], vector<16xf32>,
      %broadcast_in_dim3A_173 = arith.constant 6 : i32
      %broadcast_in_dim3A_174 = vector.broadcast %broadcast_in_dim3A_173 : i32 to vector<16xi32>
      %gather3A_175 = arith.constant 0 : i32
      %gather3A_176 = arith.constant 0 : i32
      %gather3A_177 = tpu.memref_slice %arg10[%scan3A_51, %gather3A_175, %gather3A_176] : memref<2x128x16xf32, #tpu.memory_space<vmem>> -> memref<1x128x16xf32, #tpu.memory_space<vmem>>
      %gather3A_178 = tpu.memref_squeeze %gather3A_177 : memref<1x128x16xf32, #tpu.memory_space<vmem>> -> memref<128x16xf32, #tpu.memory_space<vmem>>
      %gather3A_179 = tpu.vector_load_idx %gather3A_178[%add3A_120, %broadcast_in_dim3A_174] : memref<128x16xf32, #tpu.memory_space<vmem>>[vector<16xi32>, vector<16xi32>], vector<16xf32>,
      %add3A_180 = arith.addf %gather3A_172, %gather3A_179 : vector<16xf32>
      %ge3A_181 = arith.constant 0.000000e+00 : f32
      %ge3A_182 = vector.broadcast %ge3A_181 : f32 to vector<16xf32>
      %ge3A_183 = arith.cmpf oge, %add3A_180, %ge3A_182 : vector<16xf32>
      %mul3A_184 = arith.constant 2.000000e-01 : f32
      %mul3A_185 = vector.broadcast %mul3A_184 : f32 to vector<16xf32>
      %mul3A_186 = arith.mulf %mul3A_185, %add3A_180 : vector<16xf32>
      %select_n3A_187 = arith.select %ge3A_183, %add3A_180, %mul3A_186 : vector<16xi1>, vector<16xf32>
      %exp3A_188 = math.exp %select_n3A_187 : vector<16xf32>
      %broadcast_in_dim3A_189 = arith.constant 2 : i32
      %broadcast_in_dim3A_190 = vector.broadcast %broadcast_in_dim3A_189 : i32 to vector<16xi32>
      tpu.vector_store_idx %arg13[%add3A_120, %broadcast_in_dim3A_190], %exp3A_188 : memref<128x16xf32, #tpu.memory_space<vmem>>[vector<16xi32>, vector<16xi32>], vector<16xf32>,
      %broadcast_in_dim3A_191 = arith.constant 3 : i32
      %broadcast_in_dim3A_192 = vector.broadcast %broadcast_in_dim3A_191 : i32 to vector<16xi32>
      %gather3A_193 = arith.constant 0 : i32
      %gather3A_194 = arith.constant 0 : i32
      %gather3A_195 = tpu.memref_slice %arg9[%scan3A_49, %gather3A_193, %gather3A_194] : memref<2x128x16xf32, #tpu.memory_space<vmem>> -> memref<1x128x16xf32, #tpu.memory_space<vmem>>
      %gather3A_196 = tpu.memref_squeeze %gather3A_195 : memref<1x128x16xf32, #tpu.memory_space<vmem>> -> memref<128x16xf32, #tpu.memory_space<vmem>>
      %gather3A_197 = tpu.vector_load_idx %gather3A_196[%add3A_120, %broadcast_in_dim3A_192] : memref<128x16xf32, #tpu.memory_space<vmem>>[vector<16xi32>, vector<16xi32>], vector<16xf32>,
      %broadcast_in_dim3A_198 = arith.constant 7 : i32
      %broadcast_in_dim3A_199 = vector.broadcast %broadcast_in_dim3A_198 : i32 to vector<16xi32>
      %gather3A_200 = arith.constant 0 : i32
      %gather3A_201 = arith.constant 0 : i32
      %gather3A_202 = tpu.memref_slice %arg10[%scan3A_51, %gather3A_200, %gather3A_201] : memref<2x128x16xf32, #tpu.memory_space<vmem>> -> memref<1x128x16xf32, #tpu.memory_space<vmem>>
      %gather3A_203 = tpu.memref_squeeze %gather3A_202 : memref<1x128x16xf32, #tpu.memory_space<vmem>> -> memref<128x16xf32, #tpu.memory_space<vmem>>
      %gather3A_204 = tpu.vector_load_idx %gather3A_203[%add3A_120, %broadcast_in_dim3A_199] : memref<128x16xf32, #tpu.memory_space<vmem>>[vector<16xi32>, vector<16xi32>], vector<16xf32>,
      %add3A_205 = arith.addf %gather3A_197, %gather3A_204 : vector<16xf32>
      %ge3A_206 = arith.constant 0.000000e+00 : f32
      %ge3A_207 = vector.broadcast %ge3A_206 : f32 to vector<16xf32>
      %ge3A_208 = arith.cmpf oge, %add3A_205, %ge3A_207 : vector<16xf32>
      %mul3A_209 = arith.constant 2.000000e-01 : f32
      %mul3A_210 = vector.broadcast %mul3A_209 : f32 to vector<16xf32>
      %mul3A_211 = arith.mulf %mul3A_210, %add3A_205 : vector<16xf32>
      %select_n3A_212 = arith.select %ge3A_208, %add3A_205, %mul3A_211 : vector<16xi1>, vector<16xf32>
      %exp3A_213 = math.exp %select_n3A_212 : vector<16xf32>
      %broadcast_in_dim3A_214 = arith.constant 3 : i32
      %broadcast_in_dim3A_215 = vector.broadcast %broadcast_in_dim3A_214 : i32 to vector<16xi32>
      tpu.vector_store_idx %arg13[%add3A_120, %broadcast_in_dim3A_215], %exp3A_213 : memref<128x16xf32, #tpu.memory_space<vmem>>[vector<16xi32>, vector<16xi32>], vector<16xf32>,
      %add3A_216 = arith.constant 16 : i32
      %add3A_217 = vector.broadcast %add3A_216 : i32 to vector<16xi32>
      %add3A_218 = arith.addi %add3A_217, %iota3A : vector<16xi32>
      %broadcast_in_dim3A_219 = arith.constant 0 : i32
      %broadcast_in_dim3A_220 = vector.broadcast %broadcast_in_dim3A_219 : i32 to vector<16xi32>
      %gather3A_221 = arith.constant 0 : i32
      %gather3A_222 = arith.constant 0 : i32
      %gather3A_223 = tpu.memref_slice %arg9[%scan3A_49, %gather3A_221, %gather3A_222] : memref<2x128x16xf32, #tpu.memory_space<vmem>> -> memref<1x128x16xf32, #tpu.memory_space<vmem>>
      %gather3A_224 = tpu.memref_squeeze %gather3A_223 : memref<1x128x16xf32, #tpu.memory_space<vmem>> -> memref<128x16xf32, #tpu.memory_space<vmem>>
      %gather3A_225 = tpu.vector_load_idx %gather3A_224[%add3A_218, %broadcast_in_dim3A_220] : memref<128x16xf32, #tpu.memory_space<vmem>>[vector<16xi32>, vector<16xi32>], vector<16xf32>,
      %broadcast_in_dim3A_226 = arith.constant 4 : i32
      %broadcast_in_dim3A_227 = vector.broadcast %broadcast_in_dim3A_226 : i32 to vector<16xi32>
      %gather3A_228 = arith.constant 0 : i32
      %gather3A_229 = arith.constant 0 : i32
      %gather3A_230 = tpu.memref_slice %arg10[%scan3A_51, %gather3A_228, %gather3A_229] : memref<2x128x16xf32, #tpu.memory_space<vmem>> -> memref<1x128x16xf32, #tpu.memory_space<vmem>>
      %gather3A_231 = tpu.memref_squeeze %gather3A_230 : memref<1x128x16xf32, #tpu.memory_space<vmem>> -> memref<128x16xf32, #tpu.memory_space<vmem>>
      %gather3A_232 = tpu.vector_load_idx %gather3A_231[%add3A_218, %broadcast_in_dim3A_227] : memref<128x16xf32, #tpu.memory_space<vmem>>[vector<16xi32>, vector<16xi32>], vector<16xf32>,
      %add3A_233 = arith.addf %gather3A_225, %gather3A_232 : vector<16xf32>
      %ge3A_234 = arith.constant 0.000000e+00 : f32
      %ge3A_235 = vector.broadcast %ge3A_234 : f32 to vector<16xf32>
      %ge3A_236 = arith.cmpf oge, %add3A_233, %ge3A_235 : vector<16xf32>
      %mul3A_237 = arith.constant 2.000000e-01 : f32
      %mul3A_238 = vector.broadcast %mul3A_237 : f32 to vector<16xf32>
      %mul3A_239 = arith.mulf %mul3A_238, %add3A_233 : vector<16xf32>
      %select_n3A_240 = arith.select %ge3A_236, %add3A_233, %mul3A_239 : vector<16xi1>, vector<16xf32>
      %exp3A_241 = math.exp %select_n3A_240 : vector<16xf32>
      %broadcast_in_dim3A_242 = arith.constant 0 : i32
      %broadcast_in_dim3A_243 = vector.broadcast %broadcast_in_dim3A_242 : i32 to vector<16xi32>
      tpu.vector_store_idx %arg13[%add3A_218, %broadcast_in_dim3A_243], %exp3A_241 : memref<128x16xf32, #tpu.memory_space<vmem>>[vector<16xi32>, vector<16xi32>], vector<16xf32>,
      %broadcast_in_dim3A_244 = arith.constant 1 : i32
      %broadcast_in_dim3A_245 = vector.broadcast %broadcast_in_dim3A_244 : i32 to vector<16xi32>
      %gather3A_246 = arith.constant 0 : i32
      %gather3A_247 = arith.constant 0 : i32
      %gather3A_248 = tpu.memref_slice %arg9[%scan3A_49, %gather3A_246, %gather3A_247] : memref<2x128x16xf32, #tpu.memory_space<vmem>> -> memref<1x128x16xf32, #tpu.memory_space<vmem>>
      %gather3A_249 = tpu.memref_squeeze %gather3A_248 : memref<1x128x16xf32, #tpu.memory_space<vmem>> -> memref<128x16xf32, #tpu.memory_space<vmem>>
      %gather3A_250 = tpu.vector_load_idx %gather3A_249[%add3A_218, %broadcast_in_dim3A_245] : memref<128x16xf32, #tpu.memory_space<vmem>>[vector<16xi32>, vector<16xi32>], vector<16xf32>,
      %broadcast_in_dim3A_251 = arith.constant 5 : i32
      %broadcast_in_dim3A_252 = vector.broadcast %broadcast_in_dim3A_251 : i32 to vector<16xi32>
      %gather3A_253 = arith.constant 0 : i32
      %gather3A_254 = arith.constant 0 : i32
      %gather3A_255 = tpu.memref_slice %arg10[%scan3A_51, %gather3A_253, %gather3A_254] : memref<2x128x16xf32, #tpu.memory_space<vmem>> -> memref<1x128x16xf32, #tpu.memory_space<vmem>>
      %gather3A_256 = tpu.memref_squeeze %gather3A_255 : memref<1x128x16xf32, #tpu.memory_space<vmem>> -> memref<128x16xf32, #tpu.memory_space<vmem>>
      %gather3A_257 = tpu.vector_load_idx %gather3A_256[%add3A_218, %broadcast_in_dim3A_252] : memref<128x16xf32, #tpu.memory_space<vmem>>[vector<16xi32>, vector<16xi32>], vector<16xf32>,
      %add3A_258 = arith.addf %gather3A_250, %gather3A_257 : vector<16xf32>
      %ge3A_259 = arith.constant 0.000000e+00 : f32
      %ge3A_260 = vector.broadcast %ge3A_259 : f32 to vector<16xf32>
      %ge3A_261 = arith.cmpf oge, %add3A_258, %ge3A_260 : vector<16xf32>
      %mul3A_262 = arith.constant 2.000000e-01 : f32
      %mul3A_263 = vector.broadcast %mul3A_262 : f32 to vector<16xf32>
      %mul3A_264 = arith.mulf %mul3A_263, %add3A_258 : vector<16xf32>
      %select_n3A_265 = arith.select %ge3A_261, %add3A_258, %mul3A_264 : vector<16xi1>, vector<16xf32>
      %exp3A_266 = math.exp %select_n3A_265 : vector<16xf32>
      %broadcast_in_dim3A_267 = arith.constant 1 : i32
      %broadcast_in_dim3A_268 = vector.broadcast %broadcast_in_dim3A_267 : i32 to vector<16xi32>
      tpu.vector_store_idx %arg13[%add3A_218, %broadcast_in_dim3A_268], %exp3A_266 : memref<128x16xf32, #tpu.memory_space<vmem>>[vector<16xi32>, vector<16xi32>], vector<16xf32>,
      %broadcast_in_dim3A_269 = arith.constant 2 : i32
      %broadcast_in_dim3A_270 = vector.broadcast %broadcast_in_dim3A_269 : i32 to vector<16xi32>
      %gather3A_271 = arith.constant 0 : i32
      %gather3A_272 = arith.constant 0 : i32
      %gather3A_273 = tpu.memref_slice %arg9[%scan3A_49, %gather3A_271, %gather3A_272] : memref<2x128x16xf32, #tpu.memory_space<vmem>> -> memref<1x128x16xf32, #tpu.memory_space<vmem>>
      %gather3A_274 = tpu.memref_squeeze %gather3A_273 : memref<1x128x16xf32, #tpu.memory_space<vmem>> -> memref<128x16xf32, #tpu.memory_space<vmem>>
      %gather3A_275 = tpu.vector_load_idx %gather3A_274[%add3A_218, %broadcast_in_dim3A_270] : memref<128x16xf32, #tpu.memory_space<vmem>>[vector<16xi32>, vector<16xi32>], vector<16xf32>,
      %broadcast_in_dim3A_276 = arith.constant 6 : i32
      %broadcast_in_dim3A_277 = vector.broadcast %broadcast_in_dim3A_276 : i32 to vector<16xi32>
      %gather3A_278 = arith.constant 0 : i32
      %gather3A_279 = arith.constant 0 : i32
      %gather3A_280 = tpu.memref_slice %arg10[%scan3A_51, %gather3A_278, %gather3A_279] : memref<2x128x16xf32, #tpu.memory_space<vmem>> -> memref<1x128x16xf32, #tpu.memory_space<vmem>>
      %gather3A_281 = tpu.memref_squeeze %gather3A_280 : memref<1x128x16xf32, #tpu.memory_space<vmem>> -> memref<128x16xf32, #tpu.memory_space<vmem>>
      %gather3A_282 = tpu.vector_load_idx %gather3A_281[%add3A_218, %broadcast_in_dim3A_277] : memref<128x16xf32, #tpu.memory_space<vmem>>[vector<16xi32>, vector<16xi32>], vector<16xf32>,
      %add3A_283 = arith.addf %gather3A_275, %gather3A_282 : vector<16xf32>
      %ge3A_284 = arith.constant 0.000000e+00 : f32
      %ge3A_285 = vector.broadcast %ge3A_284 : f32 to vector<16xf32>
      %ge3A_286 = arith.cmpf oge, %add3A_283, %ge3A_285 : vector<16xf32>
      %mul3A_287 = arith.constant 2.000000e-01 : f32
      %mul3A_288 = vector.broadcast %mul3A_287 : f32 to vector<16xf32>
      %mul3A_289 = arith.mulf %mul3A_288, %add3A_283 : vector<16xf32>
      %select_n3A_290 = arith.select %ge3A_286, %add3A_283, %mul3A_289 : vector<16xi1>, vector<16xf32>
      %exp3A_291 = math.exp %select_n3A_290 : vector<16xf32>
      %broadcast_in_dim3A_292 = arith.constant 2 : i32
      %broadcast_in_dim3A_293 = vector.broadcast %broadcast_in_dim3A_292 : i32 to vector<16xi32>
      tpu.vector_store_idx %arg13[%add3A_218, %broadcast_in_dim3A_293], %exp3A_291 : memref<128x16xf32, #tpu.memory_space<vmem>>[vector<16xi32>, vector<16xi32>], vector<16xf32>,
      %broadcast_in_dim3A_294 = arith.constant 3 : i32
      %broadcast_in_dim3A_295 = vector.broadcast %broadcast_in_dim3A_294 : i32 to vector<16xi32>
      %gather3A_296 = arith.constant 0 : i32
      %gather3A_297 = arith.constant 0 : i32
      %gather3A_298 = tpu.memref_slice %arg9[%scan3A_49, %gather3A_296, %gather3A_297] : memref<2x128x16xf32, #tpu.memory_space<vmem>> -> memref<1x128x16xf32, #tpu.memory_space<vmem>>
      %gather3A_299 = tpu.memref_squeeze %gather3A_298 : memref<1x128x16xf32, #tpu.memory_space<vmem>> -> memref<128x16xf32, #tpu.memory_space<vmem>>
      %gather3A_300 = tpu.vector_load_idx %gather3A_299[%add3A_218, %broadcast_in_dim3A_295] : memref<128x16xf32, #tpu.memory_space<vmem>>[vector<16xi32>, vector<16xi32>], vector<16xf32>,
      %broadcast_in_dim3A_301 = arith.constant 7 : i32
      %broadcast_in_dim3A_302 = vector.broadcast %broadcast_in_dim3A_301 : i32 to vector<16xi32>
      %gather3A_303 = arith.constant 0 : i32
      %gather3A_304 = arith.constant 0 : i32
      %gather3A_305 = tpu.memref_slice %arg10[%scan3A_51, %gather3A_303, %gather3A_304] : memref<2x128x16xf32, #tpu.memory_space<vmem>> -> memref<1x128x16xf32, #tpu.memory_space<vmem>>
      %gather3A_306 = tpu.memref_squeeze %gather3A_305 : memref<1x128x16xf32, #tpu.memory_space<vmem>> -> memref<128x16xf32, #tpu.memory_space<vmem>>
      %gather3A_307 = tpu.vector_load_idx %gather3A_306[%add3A_218, %broadcast_in_dim3A_302] : memref<128x16xf32, #tpu.memory_space<vmem>>[vector<16xi32>, vector<16xi32>], vector<16xf32>,
      %add3A_308 = arith.addf %gather3A_300, %gather3A_307 : vector<16xf32>
      %ge3A_309 = arith.constant 0.000000e+00 : f32
      %ge3A_310 = vector.broadcast %ge3A_309 : f32 to vector<16xf32>
      %ge3A_311 = arith.cmpf oge, %add3A_308, %ge3A_310 : vector<16xf32>
      %mul3A_312 = arith.constant 2.000000e-01 : f32
      %mul3A_313 = vector.broadcast %mul3A_312 : f32 to vector<16xf32>
      %mul3A_314 = arith.mulf %mul3A_313, %add3A_308 : vector<16xf32>
      %select_n3A_315 = arith.select %ge3A_311, %add3A_308, %mul3A_314 : vector<16xi1>, vector<16xf32>
      %exp3A_316 = math.exp %select_n3A_315 : vector<16xf32>
      %broadcast_in_dim3A_317 = arith.constant 3 : i32
      %broadcast_in_dim3A_318 = vector.broadcast %broadcast_in_dim3A_317 : i32 to vector<16xi32>
      tpu.vector_store_idx %arg13[%add3A_218, %broadcast_in_dim3A_318], %exp3A_316 : memref<128x16xf32, #tpu.memory_space<vmem>>[vector<16xi32>, vector<16xi32>], vector<16xf32>,
      %add3A_319 = arith.constant 32 : i32
      %add3A_320 = vector.broadcast %add3A_319 : i32 to vector<16xi32>
      %add3A_321 = arith.addi %add3A_320, %iota3A : vector<16xi32>
      %broadcast_in_dim3A_322 = arith.constant 0 : i32
      %broadcast_in_dim3A_323 = vector.broadcast %broadcast_in_dim3A_322 : i32 to vector<16xi32>
      %gather3A_324 = arith.constant 0 : i32
      %gather3A_325 = arith.constant 0 : i32
      %gather3A_326 = tpu.memref_slice %arg9[%scan3A_49, %gather3A_324, %gather3A_325] : memref<2x128x16xf32, #tpu.memory_space<vmem>> -> memref<1x128x16xf32, #tpu.memory_space<vmem>>
      %gather3A_327 = tpu.memref_squeeze %gather3A_326 : memref<1x128x16xf32, #tpu.memory_space<vmem>> -> memref<128x16xf32, #tpu.memory_space<vmem>>
      %gather3A_328 = tpu.vector_load_idx %gather3A_327[%add3A_321, %broadcast_in_dim3A_323] : memref<128x16xf32, #tpu.memory_space<vmem>>[vector<16xi32>, vector<16xi32>], vector<16xf32>,
      %broadcast_in_dim3A_329 = arith.constant 4 : i32
      %broadcast_in_dim3A_330 = vector.broadcast %broadcast_in_dim3A_329 : i32 to vector<16xi32>
      %gather3A_331 = arith.constant 0 : i32
      %gather3A_332 = arith.constant 0 : i32
      %gather3A_333 = tpu.memref_slice %arg10[%scan3A_51, %gather3A_331, %gather3A_332] : memref<2x128x16xf32, #tpu.memory_space<vmem>> -> memref<1x128x16xf32, #tpu.memory_space<vmem>>
      %gather3A_334 = tpu.memref_squeeze %gather3A_333 : memref<1x128x16xf32, #tpu.memory_space<vmem>> -> memref<128x16xf32, #tpu.memory_space<vmem>>
      %gather3A_335 = tpu.vector_load_idx %gather3A_334[%add3A_321, %broadcast_in_dim3A_330] : memref<128x16xf32, #tpu.memory_space<vmem>>[vector<16xi32>, vector<16xi32>], vector<16xf32>,
      %add3A_336 = arith.addf %gather3A_328, %gather3A_335 : vector<16xf32>
      %ge3A_337 = arith.constant 0.000000e+00 : f32
      %ge3A_338 = vector.broadcast %ge3A_337 : f32 to vector<16xf32>
      %ge3A_339 = arith.cmpf oge, %add3A_336, %ge3A_338 : vector<16xf32>
      %mul3A_340 = arith.constant 2.000000e-01 : f32
      %mul3A_341 = vector.broadcast %mul3A_340 : f32 to vector<16xf32>
      %mul3A_342 = arith.mulf %mul3A_341, %add3A_336 : vector<16xf32>
      %select_n3A_343 = arith.select %ge3A_339, %add3A_336, %mul3A_342 : vector<16xi1>, vector<16xf32>
      %exp3A_344 = math.exp %select_n3A_343 : vector<16xf32>
      %broadcast_in_dim3A_345 = arith.constant 0 : i32
      %broadcast_in_dim3A_346 = vector.broadcast %broadcast_in_dim3A_345 : i32 to vector<16xi32>
      tpu.vector_store_idx %arg13[%add3A_321, %broadcast_in_dim3A_346], %exp3A_344 : memref<128x16xf32, #tpu.memory_space<vmem>>[vector<16xi32>, vector<16xi32>], vector<16xf32>,
      %broadcast_in_dim3A_347 = arith.constant 1 : i32
      %broadcast_in_dim3A_348 = vector.broadcast %broadcast_in_dim3A_347 : i32 to vector<16xi32>
      %gather3A_349 = arith.constant 0 : i32
      %gather3A_350 = arith.constant 0 : i32
      %gather3A_351 = tpu.memref_slice %arg9[%scan3A_49, %gather3A_349, %gather3A_350] : memref<2x128x16xf32, #tpu.memory_space<vmem>> -> memref<1x128x16xf32, #tpu.memory_space<vmem>>
      %gather3A_352 = tpu.memref_squeeze %gather3A_351 : memref<1x128x16xf32, #tpu.memory_space<vmem>> -> memref<128x16xf32, #tpu.memory_space<vmem>>
      %gather3A_353 = tpu.vector_load_idx %gather3A_352[%add3A_321, %broadcast_in_dim3A_348] : memref<128x16xf32, #tpu.memory_space<vmem>>[vector<16xi32>, vector<16xi32>], vector<16xf32>,
      %broadcast_in_dim3A_354 = arith.constant 5 : i32
      %broadcast_in_dim3A_355 = vector.broadcast %broadcast_in_dim3A_354 : i32 to vector<16xi32>
      %gather3A_356 = arith.constant 0 : i32
      %gather3A_357 = arith.constant 0 : i32
      %gather3A_358 = tpu.memref_slice %arg10[%scan3A_51, %gather3A_356, %gather3A_357] : memref<2x128x16xf32, #tpu.memory_space<vmem>> -> memref<1x128x16xf32, #tpu.memory_space<vmem>>
      %gather3A_359 = tpu.memref_squeeze %gather3A_358 : memref<1x128x16xf32, #tpu.memory_space<vmem>> -> memref<128x16xf32, #tpu.memory_space<vmem>>
      %gather3A_360 = tpu.vector_load_idx %gather3A_359[%add3A_321, %broadcast_in_dim3A_355] : memref<128x16xf32, #tpu.memory_space<vmem>>[vector<16xi32>, vector<16xi32>], vector<16xf32>,
      %add3A_361 = arith.addf %gather3A_353, %gather3A_360 : vector<16xf32>
      %ge3A_362 = arith.constant 0.000000e+00 : f32
      %ge3A_363 = vector.broadcast %ge3A_362 : f32 to vector<16xf32>
      %ge3A_364 = arith.cmpf oge, %add3A_361, %ge3A_363 : vector<16xf32>
      %mul3A_365 = arith.constant 2.000000e-01 : f32
      %mul3A_366 = vector.broadcast %mul3A_365 : f32 to vector<16xf32>
      %mul3A_367 = arith.mulf %mul3A_366, %add3A_361 : vector<16xf32>
      %select_n3A_368 = arith.select %ge3A_364, %add3A_361, %mul3A_367 : vector<16xi1>, vector<16xf32>
      %exp3A_369 = math.exp %select_n3A_368 : vector<16xf32>
      %broadcast_in_dim3A_370 = arith.constant 1 : i32
      %broadcast_in_dim3A_371 = vector.broadcast %broadcast_in_dim3A_370 : i32 to vector<16xi32>
      tpu.vector_store_idx %arg13[%add3A_321, %broadcast_in_dim3A_371], %exp3A_369 : memref<128x16xf32, #tpu.memory_space<vmem>>[vector<16xi32>, vector<16xi32>], vector<16xf32>,
      %broadcast_in_dim3A_372 = arith.constant 2 : i32
      %broadcast_in_dim3A_373 = vector.broadcast %broadcast_in_dim3A_372 : i32 to vector<16xi32>
      %gather3A_374 = arith.constant 0 : i32
      %gather3A_375 = arith.constant 0 : i32
      %gather3A_376 = tpu.memref_slice %arg9[%scan3A_49, %gather3A_374, %gather3A_375] : memref<2x128x16xf32, #tpu.memory_space<vmem>> -> memref<1x128x16xf32, #tpu.memory_space<vmem>>
      %gather3A_377 = tpu.memref_squeeze %gather3A_376 : memref<1x128x16xf32, #tpu.memory_space<vmem>> -> memref<128x16xf32, #tpu.memory_space<vmem>>
      %gather3A_378 = tpu.vector_load_idx %gather3A_377[%add3A_321, %broadcast_in_dim3A_373] : memref<128x16xf32, #tpu.memory_space<vmem>>[vector<16xi32>, vector<16xi32>], vector<16xf32>,
      %broadcast_in_dim3A_379 = arith.constant 6 : i32
      %broadcast_in_dim3A_380 = vector.broadcast %broadcast_in_dim3A_379 : i32 to vector<16xi32>
      %gather3A_381 = arith.constant 0 : i32
      %gather3A_382 = arith.constant 0 : i32
      %gather3A_383 = tpu.memref_slice %arg10[%scan3A_51, %gather3A_381, %gather3A_382] : memref<2x128x16xf32, #tpu.memory_space<vmem>> -> memref<1x128x16xf32, #tpu.memory_space<vmem>>
      %gather3A_384 = tpu.memref_squeeze %gather3A_383 : memref<1x128x16xf32, #tpu.memory_space<vmem>> -> memref<128x16xf32, #tpu.memory_space<vmem>>
      %gather3A_385 = tpu.vector_load_idx %gather3A_384[%add3A_321, %broadcast_in_dim3A_380] : memref<128x16xf32, #tpu.memory_space<vmem>>[vector<16xi32>, vector<16xi32>], vector<16xf32>,
      %add3A_386 = arith.addf %gather3A_378, %gather3A_385 : vector<16xf32>
      %ge3A_387 = arith.constant 0.000000e+00 : f32
      %ge3A_388 = vector.broadcast %ge3A_387 : f32 to vector<16xf32>
      %ge3A_389 = arith.cmpf oge, %add3A_386, %ge3A_388 : vector<16xf32>
      %mul3A_390 = arith.constant 2.000000e-01 : f32
      %mul3A_391 = vector.broadcast %mul3A_390 : f32 to vector<16xf32>
      %mul3A_392 = arith.mulf %mul3A_391, %add3A_386 : vector<16xf32>
      %select_n3A_393 = arith.select %ge3A_389, %add3A_386, %mul3A_392 : vector<16xi1>, vector<16xf32>
      %exp3A_394 = math.exp %select_n3A_393 : vector<16xf32>
      %broadcast_in_dim3A_395 = arith.constant 2 : i32
      %broadcast_in_dim3A_396 = vector.broadcast %broadcast_in_dim3A_395 : i32 to vector<16xi32>
      tpu.vector_store_idx %arg13[%add3A_321, %broadcast_in_dim3A_396], %exp3A_394 : memref<128x16xf32, #tpu.memory_space<vmem>>[vector<16xi32>, vector<16xi32>], vector<16xf32>,
      %broadcast_in_dim3A_397 = arith.constant 3 : i32
      %broadcast_in_dim3A_398 = vector.broadcast %broadcast_in_dim3A_397 : i32 to vector<16xi32>
      %gather3A_399 = arith.constant 0 : i32
      %gather3A_400 = arith.constant 0 : i32
      %gather3A_401 = tpu.memref_slice %arg9[%scan3A_49, %gather3A_399, %gather3A_400] : memref<2x128x16xf32, #tpu.memory_space<vmem>> -> memref<1x128x16xf32, #tpu.memory_space<vmem>>
      %gather3A_402 = tpu.memref_squeeze %gather3A_401 : memref<1x128x16xf32, #tpu.memory_space<vmem>> -> memref<128x16xf32, #tpu.memory_space<vmem>>
      %gather3A_403 = tpu.vector_load_idx %gather3A_402[%add3A_321, %broadcast_in_dim3A_398] : memref<128x16xf32, #tpu.memory_space<vmem>>[vector<16xi32>, vector<16xi32>], vector<16xf32>,
      %broadcast_in_dim3A_404 = arith.constant 7 : i32
      %broadcast_in_dim3A_405 = vector.broadcast %broadcast_in_dim3A_404 : i32 to vector<16xi32>
      %gather3A_406 = arith.constant 0 : i32
      %gather3A_407 = arith.constant 0 : i32
      %gather3A_408 = tpu.memref_slice %arg10[%scan3A_51, %gather3A_406, %gather3A_407] : memref<2x128x16xf32, #tpu.memory_space<vmem>> -> memref<1x128x16xf32, #tpu.memory_space<vmem>>
      %gather3A_409 = tpu.memref_squeeze %gather3A_408 : memref<1x128x16xf32, #tpu.memory_space<vmem>> -> memref<128x16xf32, #tpu.memory_space<vmem>>
      %gather3A_410 = tpu.vector_load_idx %gather3A_409[%add3A_321, %broadcast_in_dim3A_405] : memref<128x16xf32, #tpu.memory_space<vmem>>[vector<16xi32>, vector<16xi32>], vector<16xf32>,
      %add3A_411 = arith.addf %gather3A_403, %gather3A_410 : vector<16xf32>
      %ge3A_412 = arith.constant 0.000000e+00 : f32
      %ge3A_413 = vector.broadcast %ge3A_412 : f32 to vector<16xf32>
      %ge3A_414 = arith.cmpf oge, %add3A_411, %ge3A_413 : vector<16xf32>
      %mul3A_415 = arith.constant 2.000000e-01 : f32
      %mul3A_416 = vector.broadcast %mul3A_415 : f32 to vector<16xf32>
      %mul3A_417 = arith.mulf %mul3A_416, %add3A_411 : vector<16xf32>
      %select_n3A_418 = arith.select %ge3A_414, %add3A_411, %mul3A_417 : vector<16xi1>, vector<16xf32>
      %exp3A_419 = math.exp %select_n3A_418 : vector<16xf32>
      %broadcast_in_dim3A_420 = arith.constant 3 : i32
      %broadcast_in_dim3A_421 = vector.broadcast %broadcast_in_dim3A_420 : i32 to vector<16xi32>
      tpu.vector_store_idx %arg13[%add3A_321, %broadcast_in_dim3A_421], %exp3A_419 : memref<128x16xf32, #tpu.memory_space<vmem>>[vector<16xi32>, vector<16xi32>], vector<16xf32>,
      %add3A_422 = arith.constant 48 : i32
      %add3A_423 = vector.broadcast %add3A_422 : i32 to vector<16xi32>
      %add3A_424 = arith.addi %add3A_423, %iota3A : vector<16xi32>
      %broadcast_in_dim3A_425 = arith.constant 0 : i32
      %broadcast_in_dim3A_426 = vector.broadcast %broadcast_in_dim3A_425 : i32 to vector<16xi32>
      %gather3A_427 = arith.constant 0 : i32
      %gather3A_428 = arith.constant 0 : i32
      %gather3A_429 = tpu.memref_slice %arg9[%scan3A_49, %gather3A_427, %gather3A_428] : memref<2x128x16xf32, #tpu.memory_space<vmem>> -> memref<1x128x16xf32, #tpu.memory_space<vmem>>
      %gather3A_430 = tpu.memref_squeeze %gather3A_429 : memref<1x128x16xf32, #tpu.memory_space<vmem>> -> memref<128x16xf32, #tpu.memory_space<vmem>>
      %gather3A_431 = tpu.vector_load_idx %gather3A_430[%add3A_424, %broadcast_in_dim3A_426] : memref<128x16xf32, #tpu.memory_space<vmem>>[vector<16xi32>, vector<16xi32>], vector<16xf32>,
      %broadcast_in_dim3A_432 = arith.constant 4 : i32
      %broadcast_in_dim3A_433 = vector.broadcast %broadcast_in_dim3A_432 : i32 to vector<16xi32>
      %gather3A_434 = arith.constant 0 : i32
      %gather3A_435 = arith.constant 0 : i32
      %gather3A_436 = tpu.memref_slice %arg10[%scan3A_51, %gather3A_434, %gather3A_435] : memref<2x128x16xf32, #tpu.memory_space<vmem>> -> memref<1x128x16xf32, #tpu.memory_space<vmem>>
      %gather3A_437 = tpu.memref_squeeze %gather3A_436 : memref<1x128x16xf32, #tpu.memory_space<vmem>> -> memref<128x16xf32, #tpu.memory_space<vmem>>
      %gather3A_438 = tpu.vector_load_idx %gather3A_437[%add3A_424, %broadcast_in_dim3A_433] : memref<128x16xf32, #tpu.memory_space<vmem>>[vector<16xi32>, vector<16xi32>], vector<16xf32>,
      %add3A_439 = arith.addf %gather3A_431, %gather3A_438 : vector<16xf32>
      %ge3A_440 = arith.constant 0.000000e+00 : f32
      %ge3A_441 = vector.broadcast %ge3A_440 : f32 to vector<16xf32>
      %ge3A_442 = arith.cmpf oge, %add3A_439, %ge3A_441 : vector<16xf32>
      %mul3A_443 = arith.constant 2.000000e-01 : f32
      %mul3A_444 = vector.broadcast %mul3A_443 : f32 to vector<16xf32>
      %mul3A_445 = arith.mulf %mul3A_444, %add3A_439 : vector<16xf32>
      %select_n3A_446 = arith.select %ge3A_442, %add3A_439, %mul3A_445 : vector<16xi1>, vector<16xf32>
      %exp3A_447 = math.exp %select_n3A_446 : vector<16xf32>
      %broadcast_in_dim3A_448 = arith.constant 0 : i32
      %broadcast_in_dim3A_449 = vector.broadcast %broadcast_in_dim3A_448 : i32 to vector<16xi32>
      tpu.vector_store_idx %arg13[%add3A_424, %broadcast_in_dim3A_449], %exp3A_447 : memref<128x16xf32, #tpu.memory_space<vmem>>[vector<16xi32>, vector<16xi32>], vector<16xf32>,
      %broadcast_in_dim3A_450 = arith.constant 1 : i32
      %broadcast_in_dim3A_451 = vector.broadcast %broadcast_in_dim3A_450 : i32 to vector<16xi32>
      %gather3A_452 = arith.constant 0 : i32
      %gather3A_453 = arith.constant 0 : i32
      %gather3A_454 = tpu.memref_slice %arg9[%scan3A_49, %gather3A_452, %gather3A_453] : memref<2x128x16xf32, #tpu.memory_space<vmem>> -> memref<1x128x16xf32, #tpu.memory_space<vmem>>
      %gather3A_455 = tpu.memref_squeeze %gather3A_454 : memref<1x128x16xf32, #tpu.memory_space<vmem>> -> memref<128x16xf32, #tpu.memory_space<vmem>>
      %gather3A_456 = tpu.vector_load_idx %gather3A_455[%add3A_424, %broadcast_in_dim3A_451] : memref<128x16xf32, #tpu.memory_space<vmem>>[vector<16xi32>, vector<16xi32>], vector<16xf32>,
      %broadcast_in_dim3A_457 = arith.constant 5 : i32
      %broadcast_in_dim3A_458 = vector.broadcast %broadcast_in_dim3A_457 : i32 to vector<16xi32>
      %gather3A_459 = arith.constant 0 : i32
      %gather3A_460 = arith.constant 0 : i32
      %gather3A_461 = tpu.memref_slice %arg10[%scan3A_51, %gather3A_459, %gather3A_460] : memref<2x128x16xf32, #tpu.memory_space<vmem>> -> memref<1x128x16xf32, #tpu.memory_space<vmem>>
      %gather3A_462 = tpu.memref_squeeze %gather3A_461 : memref<1x128x16xf32, #tpu.memory_space<vmem>> -> memref<128x16xf32, #tpu.memory_space<vmem>>
      %gather3A_463 = tpu.vector_load_idx %gather3A_462[%add3A_424, %broadcast_in_dim3A_458] : memref<128x16xf32, #tpu.memory_space<vmem>>[vector<16xi32>, vector<16xi32>], vector<16xf32>,
      %add3A_464 = arith.addf %gather3A_456, %gather3A_463 : vector<16xf32>
      %ge3A_465 = arith.constant 0.000000e+00 : f32
      %ge3A_466 = vector.broadcast %ge3A_465 : f32 to vector<16xf32>
      %ge3A_467 = arith.cmpf oge, %add3A_464, %ge3A_466 : vector<16xf32>
      %mul3A_468 = arith.constant 2.000000e-01 : f32
      %mul3A_469 = vector.broadcast %mul3A_468 : f32 to vector<16xf32>
      %mul3A_470 = arith.mulf %mul3A_469, %add3A_464 : vector<16xf32>
      %select_n3A_471 = arith.select %ge3A_467, %add3A_464, %mul3A_470 : vector<16xi1>, vector<16xf32>
      %exp3A_472 = math.exp %select_n3A_471 : vector<16xf32>
      %broadcast_in_dim3A_473 = arith.constant 1 : i32
      %broadcast_in_dim3A_474 = vector.broadcast %broadcast_in_dim3A_473 : i32 to vector<16xi32>
      tpu.vector_store_idx %arg13[%add3A_424, %broadcast_in_dim3A_474], %exp3A_472 : memref<128x16xf32, #tpu.memory_space<vmem>>[vector<16xi32>, vector<16xi32>], vector<16xf32>,
      %broadcast_in_dim3A_475 = arith.constant 2 : i32
      %broadcast_in_dim3A_476 = vector.broadcast %broadcast_in_dim3A_475 : i32 to vector<16xi32>
      %gather3A_477 = arith.constant 0 : i32
      %gather3A_478 = arith.constant 0 : i32
      %gather3A_479 = tpu.memref_slice %arg9[%scan3A_49, %gather3A_477, %gather3A_478] : memref<2x128x16xf32, #tpu.memory_space<vmem>> -> memref<1x128x16xf32, #tpu.memory_space<vmem>>
      %gather3A_480 = tpu.memref_squeeze %gather3A_479 : memref<1x128x16xf32, #tpu.memory_space<vmem>> -> memref<128x16xf32, #tpu.memory_space<vmem>>
      %gather3A_481 = tpu.vector_load_idx %gather3A_480[%add3A_424, %broadcast_in_dim3A_476] : memref<128x16xf32, #tpu.memory_space<vmem>>[vector<16xi32>, vector<16xi32>], vector<16xf32>,
      %broadcast_in_dim3A_482 = arith.constant 6 : i32
      %broadcast_in_dim3A_483 = vector.broadcast %broadcast_in_dim3A_482 : i32 to vector<16xi32>
      %gather3A_484 = arith.constant 0 : i32
      %gather3A_485 = arith.constant 0 : i32
      %gather3A_486 = tpu.memref_slice %arg10[%scan3A_51, %gather3A_484, %gather3A_485] : memref<2x128x16xf32, #tpu.memory_space<vmem>> -> memref<1x128x16xf32, #tpu.memory_space<vmem>>
      %gather3A_487 = tpu.memref_squeeze %gather3A_486 : memref<1x128x16xf32, #tpu.memory_space<vmem>> -> memref<128x16xf32, #tpu.memory_space<vmem>>
      %gather3A_488 = tpu.vector_load_idx %gather3A_487[%add3A_424, %broadcast_in_dim3A_483] : memref<128x16xf32, #tpu.memory_space<vmem>>[vector<16xi32>, vector<16xi32>], vector<16xf32>,
      %add3A_489 = arith.addf %gather3A_481, %gather3A_488 : vector<16xf32>
      %ge3A_490 = arith.constant 0.000000e+00 : f32
      %ge3A_491 = vector.broadcast %ge3A_490 : f32 to vector<16xf32>
      %ge3A_492 = arith.cmpf oge, %add3A_489, %ge3A_491 : vector<16xf32>
      %mul3A_493 = arith.constant 2.000000e-01 : f32
      %mul3A_494 = vector.broadcast %mul3A_493 : f32 to vector<16xf32>
      %mul3A_495 = arith.mulf %mul3A_494, %add3A_489 : vector<16xf32>
      %select_n3A_496 = arith.select %ge3A_492, %add3A_489, %mul3A_495 : vector<16xi1>, vector<16xf32>
      %exp3A_497 = math.exp %select_n3A_496 : vector<16xf32>
      %broadcast_in_dim3A_498 = arith.constant 2 : i32
      %broadcast_in_dim3A_499 = vector.broadcast %broadcast_in_dim3A_498 : i32 to vector<16xi32>
      tpu.vector_store_idx %arg13[%add3A_424, %broadcast_in_dim3A_499], %exp3A_497 : memref<128x16xf32, #tpu.memory_space<vmem>>[vector<16xi32>, vector<16xi32>], vector<16xf32>,
      %broadcast_in_dim3A_500 = arith.constant 3 : i32
      %broadcast_in_dim3A_501 = vector.broadcast %broadcast_in_dim3A_500 : i32 to vector<16xi32>
      %gather3A_502 = arith.constant 0 : i32
      %gather3A_503 = arith.constant 0 : i32
      %gather3A_504 = tpu.memref_slice %arg9[%scan3A_49, %gather3A_502, %gather3A_503] : memref<2x128x16xf32, #tpu.memory_space<vmem>> -> memref<1x128x16xf32, #tpu.memory_space<vmem>>
      %gather3A_505 = tpu.memref_squeeze %gather3A_504 : memref<1x128x16xf32, #tpu.memory_space<vmem>> -> memref<128x16xf32, #tpu.memory_space<vmem>>
      %gather3A_506 = tpu.vector_load_idx %gather3A_505[%add3A_424, %broadcast_in_dim3A_501] : memref<128x16xf32, #tpu.memory_space<vmem>>[vector<16xi32>, vector<16xi32>], vector<16xf32>,
      %broadcast_in_dim3A_507 = arith.constant 7 : i32
      %broadcast_in_dim3A_508 = vector.broadcast %broadcast_in_dim3A_507 : i32 to vector<16xi32>
      %gather3A_509 = arith.constant 0 : i32
      %gather3A_510 = arith.constant 0 : i32
      %gather3A_511 = tpu.memref_slice %arg10[%scan3A_51, %gather3A_509, %gather3A_510] : memref<2x128x16xf32, #tpu.memory_space<vmem>> -> memref<1x128x16xf32, #tpu.memory_space<vmem>>
      %gather3A_512 = tpu.memref_squeeze %gather3A_511 : memref<1x128x16xf32, #tpu.memory_space<vmem>> -> memref<128x16xf32, #tpu.memory_space<vmem>>
      %gather3A_513 = tpu.vector_load_idx %gather3A_512[%add3A_424, %broadcast_in_dim3A_508] : memref<128x16xf32, #tpu.memory_space<vmem>>[vector<16xi32>, vector<16xi32>], vector<16xf32>,
      %add3A_514 = arith.addf %gather3A_506, %gather3A_513 : vector<16xf32>
      %ge3A_515 = arith.constant 0.000000e+00 : f32
      %ge3A_516 = vector.broadcast %ge3A_515 : f32 to vector<16xf32>
      %ge3A_517 = arith.cmpf oge, %add3A_514, %ge3A_516 : vector<16xf32>
      %mul3A_518 = arith.constant 2.000000e-01 : f32
      %mul3A_519 = vector.broadcast %mul3A_518 : f32 to vector<16xf32>
      %mul3A_520 = arith.mulf %mul3A_519, %add3A_514 : vector<16xf32>
      %select_n3A_521 = arith.select %ge3A_517, %add3A_514, %mul3A_520 : vector<16xi1>, vector<16xf32>
      %exp3A_522 = math.exp %select_n3A_521 : vector<16xf32>
      %broadcast_in_dim3A_523 = arith.constant 3 : i32
      %broadcast_in_dim3A_524 = vector.broadcast %broadcast_in_dim3A_523 : i32 to vector<16xi32>
      tpu.vector_store_idx %arg13[%add3A_424, %broadcast_in_dim3A_524], %exp3A_522 : memref<128x16xf32, #tpu.memory_space<vmem>>[vector<16xi32>, vector<16xi32>], vector<16xf32>,
      %add3A_525 = arith.constant 64 : i32
      %add3A_526 = vector.broadcast %add3A_525 : i32 to vector<16xi32>
      %add3A_527 = arith.addi %add3A_526, %iota3A : vector<16xi32>
      %broadcast_in_dim3A_528 = arith.constant 0 : i32
      %broadcast_in_dim3A_529 = vector.broadcast %broadcast_in_dim3A_528 : i32 to vector<16xi32>
      %gather3A_530 = arith.constant 0 : i32
      %gather3A_531 = arith.constant 0 : i32
      %gather3A_532 = tpu.memref_slice %arg9[%scan3A_49, %gather3A_530, %gather3A_531] : memref<2x128x16xf32, #tpu.memory_space<vmem>> -> memref<1x128x16xf32, #tpu.memory_space<vmem>>
      %gather3A_533 = tpu.memref_squeeze %gather3A_532 : memref<1x128x16xf32, #tpu.memory_space<vmem>> -> memref<128x16xf32, #tpu.memory_space<vmem>>
      %gather3A_534 = tpu.vector_load_idx %gather3A_533[%add3A_527, %broadcast_in_dim3A_529] : memref<128x16xf32, #tpu.memory_space<vmem>>[vector<16xi32>, vector<16xi32>], vector<16xf32>,
      %broadcast_in_dim3A_535 = arith.constant 4 : i32
      %broadcast_in_dim3A_536 = vector.broadcast %broadcast_in_dim3A_535 : i32 to vector<16xi32>
      %gather3A_537 = arith.constant 0 : i32
      %gather3A_538 = arith.constant 0 : i32
      %gather3A_539 = tpu.memref_slice %arg10[%scan3A_51, %gather3A_537, %gather3A_538] : memref<2x128x16xf32, #tpu.memory_space<vmem>> -> memref<1x128x16xf32, #tpu.memory_space<vmem>>
      %gather3A_540 = tpu.memref_squeeze %gather3A_539 : memref<1x128x16xf32, #tpu.memory_space<vmem>> -> memref<128x16xf32, #tpu.memory_space<vmem>>
      %gather3A_541 = tpu.vector_load_idx %gather3A_540[%add3A_527, %broadcast_in_dim3A_536] : memref<128x16xf32, #tpu.memory_space<vmem>>[vector<16xi32>, vector<16xi32>], vector<16xf32>,
      %add3A_542 = arith.addf %gather3A_534, %gather3A_541 : vector<16xf32>
      %ge3A_543 = arith.constant 0.000000e+00 : f32
      %ge3A_544 = vector.broadcast %ge3A_543 : f32 to vector<16xf32>
      %ge3A_545 = arith.cmpf oge, %add3A_542, %ge3A_544 : vector<16xf32>
      %mul3A_546 = arith.constant 2.000000e-01 : f32
      %mul3A_547 = vector.broadcast %mul3A_546 : f32 to vector<16xf32>
      %mul3A_548 = arith.mulf %mul3A_547, %add3A_542 : vector<16xf32>
      %select_n3A_549 = arith.select %ge3A_545, %add3A_542, %mul3A_548 : vector<16xi1>, vector<16xf32>
      %exp3A_550 = math.exp %select_n3A_549 : vector<16xf32>
      %broadcast_in_dim3A_551 = arith.constant 0 : i32
      %broadcast_in_dim3A_552 = vector.broadcast %broadcast_in_dim3A_551 : i32 to vector<16xi32>
      tpu.vector_store_idx %arg13[%add3A_527, %broadcast_in_dim3A_552], %exp3A_550 : memref<128x16xf32, #tpu.memory_space<vmem>>[vector<16xi32>, vector<16xi32>], vector<16xf32>,
      %broadcast_in_dim3A_553 = arith.constant 1 : i32
      %broadcast_in_dim3A_554 = vector.broadcast %broadcast_in_dim3A_553 : i32 to vector<16xi32>
      %gather3A_555 = arith.constant 0 : i32
      %gather3A_556 = arith.constant 0 : i32
      %gather3A_557 = tpu.memref_slice %arg9[%scan3A_49, %gather3A_555, %gather3A_556] : memref<2x128x16xf32, #tpu.memory_space<vmem>> -> memref<1x128x16xf32, #tpu.memory_space<vmem>>
      %gather3A_558 = tpu.memref_squeeze %gather3A_557 : memref<1x128x16xf32, #tpu.memory_space<vmem>> -> memref<128x16xf32, #tpu.memory_space<vmem>>
      %gather3A_559 = tpu.vector_load_idx %gather3A_558[%add3A_527, %broadcast_in_dim3A_554] : memref<128x16xf32, #tpu.memory_space<vmem>>[vector<16xi32>, vector<16xi32>], vector<16xf32>,
      %broadcast_in_dim3A_560 = arith.constant 5 : i32
      %broadcast_in_dim3A_561 = vector.broadcast %broadcast_in_dim3A_560 : i32 to vector<16xi32>
      %gather3A_562 = arith.constant 0 : i32
      %gather3A_563 = arith.constant 0 : i32
      %gather3A_564 = tpu.memref_slice %arg10[%scan3A_51, %gather3A_562, %gather3A_563] : memref<2x128x16xf32, #tpu.memory_space<vmem>> -> memref<1x128x16xf32, #tpu.memory_space<vmem>>
      %gather3A_565 = tpu.memref_squeeze %gather3A_564 : memref<1x128x16xf32, #tpu.memory_space<vmem>> -> memref<128x16xf32, #tpu.memory_space<vmem>>
      %gather3A_566 = tpu.vector_load_idx %gather3A_565[%add3A_527, %broadcast_in_dim3A_561] : memref<128x16xf32, #tpu.memory_space<vmem>>[vector<16xi32>, vector<16xi32>], vector<16xf32>,
      %add3A_567 = arith.addf %gather3A_559, %gather3A_566 : vector<16xf32>
      %ge3A_568 = arith.constant 0.000000e+00 : f32
      %ge3A_569 = vector.broadcast %ge3A_568 : f32 to vector<16xf32>
      %ge3A_570 = arith.cmpf oge, %add3A_567, %ge3A_569 : vector<16xf32>
      %mul3A_571 = arith.constant 2.000000e-01 : f32
      %mul3A_572 = vector.broadcast %mul3A_571 : f32 to vector<16xf32>
      %mul3A_573 = arith.mulf %mul3A_572, %add3A_567 : vector<16xf32>
      %select_n3A_574 = arith.select %ge3A_570, %add3A_567, %mul3A_573 : vector<16xi1>, vector<16xf32>
      %exp3A_575 = math.exp %select_n3A_574 : vector<16xf32>
      %broadcast_in_dim3A_576 = arith.constant 1 : i32
      %broadcast_in_dim3A_577 = vector.broadcast %broadcast_in_dim3A_576 : i32 to vector<16xi32>
      tpu.vector_store_idx %arg13[%add3A_527, %broadcast_in_dim3A_577], %exp3A_575 : memref<128x16xf32, #tpu.memory_space<vmem>>[vector<16xi32>, vector<16xi32>], vector<16xf32>,
      %broadcast_in_dim3A_578 = arith.constant 2 : i32
      %broadcast_in_dim3A_579 = vector.broadcast %broadcast_in_dim3A_578 : i32 to vector<16xi32>
      %gather3A_580 = arith.constant 0 : i32
      %gather3A_581 = arith.constant 0 : i32
      %gather3A_582 = tpu.memref_slice %arg9[%scan3A_49, %gather3A_580, %gather3A_581] : memref<2x128x16xf32, #tpu.memory_space<vmem>> -> memref<1x128x16xf32, #tpu.memory_space<vmem>>
      %gather3A_583 = tpu.memref_squeeze %gather3A_582 : memref<1x128x16xf32, #tpu.memory_space<vmem>> -> memref<128x16xf32, #tpu.memory_space<vmem>>
      %gather3A_584 = tpu.vector_load_idx %gather3A_583[%add3A_527, %broadcast_in_dim3A_579] : memref<128x16xf32, #tpu.memory_space<vmem>>[vector<16xi32>, vector<16xi32>], vector<16xf32>,
      %broadcast_in_dim3A_585 = arith.constant 6 : i32
      %broadcast_in_dim3A_586 = vector.broadcast %broadcast_in_dim3A_585 : i32 to vector<16xi32>
      %gather3A_587 = arith.constant 0 : i32
      %gather3A_588 = arith.constant 0 : i32
      %gather3A_589 = tpu.memref_slice %arg10[%scan3A_51, %gather3A_587, %gather3A_588] : memref<2x128x16xf32, #tpu.memory_space<vmem>> -> memref<1x128x16xf32, #tpu.memory_space<vmem>>
      %gather3A_590 = tpu.memref_squeeze %gather3A_589 : memref<1x128x16xf32, #tpu.memory_space<vmem>> -> memref<128x16xf32, #tpu.memory_space<vmem>>
      %gather3A_591 = tpu.vector_load_idx %gather3A_590[%add3A_527, %broadcast_in_dim3A_586] : memref<128x16xf32, #tpu.memory_space<vmem>>[vector<16xi32>, vector<16xi32>], vector<16xf32>,
      %add3A_592 = arith.addf %gather3A_584, %gather3A_591 : vector<16xf32>
      %ge3A_593 = arith.constant 0.000000e+00 : f32
      %ge3A_594 = vector.broadcast %ge3A_593 : f32 to vector<16xf32>
      %ge3A_595 = arith.cmpf oge, %add3A_592, %ge3A_594 : vector<16xf32>
      %mul3A_596 = arith.constant 2.000000e-01 : f32
      %mul3A_597 = vector.broadcast %mul3A_596 : f32 to vector<16xf32>
      %mul3A_598 = arith.mulf %mul3A_597, %add3A_592 : vector<16xf32>
      %select_n3A_599 = arith.select %ge3A_595, %add3A_592, %mul3A_598 : vector<16xi1>, vector<16xf32>
      %exp3A_600 = math.exp %select_n3A_599 : vector<16xf32>
      %broadcast_in_dim3A_601 = arith.constant 2 : i32
      %broadcast_in_dim3A_602 = vector.broadcast %broadcast_in_dim3A_601 : i32 to vector<16xi32>
      tpu.vector_store_idx %arg13[%add3A_527, %broadcast_in_dim3A_602], %exp3A_600 : memref<128x16xf32, #tpu.memory_space<vmem>>[vector<16xi32>, vector<16xi32>], vector<16xf32>,
      %broadcast_in_dim3A_603 = arith.constant 3 : i32
      %broadcast_in_dim3A_604 = vector.broadcast %broadcast_in_dim3A_603 : i32 to vector<16xi32>
      %gather3A_605 = arith.constant 0 : i32
      %gather3A_606 = arith.constant 0 : i32
      %gather3A_607 = tpu.memref_slice %arg9[%scan3A_49, %gather3A_605, %gather3A_606] : memref<2x128x16xf32, #tpu.memory_space<vmem>> -> memref<1x128x16xf32, #tpu.memory_space<vmem>>
      %gather3A_608 = tpu.memref_squeeze %gather3A_607 : memref<1x128x16xf32, #tpu.memory_space<vmem>> -> memref<128x16xf32, #tpu.memory_space<vmem>>
      %gather3A_609 = tpu.vector_load_idx %gather3A_608[%add3A_527, %broadcast_in_dim3A_604] : memref<128x16xf32, #tpu.memory_space<vmem>>[vector<16xi32>, vector<16xi32>], vector<16xf32>,
      %broadcast_in_dim3A_610 = arith.constant 7 : i32
      %broadcast_in_dim3A_611 = vector.broadcast %broadcast_in_dim3A_610 : i32 to vector<16xi32>
      %gather3A_612 = arith.constant 0 : i32
      %gather3A_613 = arith.constant 0 : i32
      %gather3A_614 = tpu.memref_slice %arg10[%scan3A_51, %gather3A_612, %gather3A_613] : memref<2x128x16xf32, #tpu.memory_space<vmem>> -> memref<1x128x16xf32, #tpu.memory_space<vmem>>
      %gather3A_615 = tpu.memref_squeeze %gather3A_614 : memref<1x128x16xf32, #tpu.memory_space<vmem>> -> memref<128x16xf32, #tpu.memory_space<vmem>>
      %gather3A_616 = tpu.vector_load_idx %gather3A_615[%add3A_527, %broadcast_in_dim3A_611] : memref<128x16xf32, #tpu.memory_space<vmem>>[vector<16xi32>, vector<16xi32>], vector<16xf32>,
      %add3A_617 = arith.addf %gather3A_609, %gather3A_616 : vector<16xf32>
      %ge3A_618 = arith.constant 0.000000e+00 : f32
      %ge3A_619 = vector.broadcast %ge3A_618 : f32 to vector<16xf32>
      %ge3A_620 = arith.cmpf oge, %add3A_617, %ge3A_619 : vector<16xf32>
      %mul3A_621 = arith.constant 2.000000e-01 : f32
      %mul3A_622 = vector.broadcast %mul3A_621 : f32 to vector<16xf32>
      %mul3A_623 = arith.mulf %mul3A_622, %add3A_617 : vector<16xf32>
      %select_n3A_624 = arith.select %ge3A_620, %add3A_617, %mul3A_623 : vector<16xi1>, vector<16xf32>
      %exp3A_625 = math.exp %select_n3A_624 : vector<16xf32>
      %broadcast_in_dim3A_626 = arith.constant 3 : i32
      %broadcast_in_dim3A_627 = vector.broadcast %broadcast_in_dim3A_626 : i32 to vector<16xi32>
      tpu.vector_store_idx %arg13[%add3A_527, %broadcast_in_dim3A_627], %exp3A_625 : memref<128x16xf32, #tpu.memory_space<vmem>>[vector<16xi32>, vector<16xi32>], vector<16xf32>,
      %add3A_628 = arith.constant 80 : i32
      %add3A_629 = vector.broadcast %add3A_628 : i32 to vector<16xi32>
      %add3A_630 = arith.addi %add3A_629, %iota3A : vector<16xi32>
      %broadcast_in_dim3A_631 = arith.constant 0 : i32
      %broadcast_in_dim3A_632 = vector.broadcast %broadcast_in_dim3A_631 : i32 to vector<16xi32>
      %gather3A_633 = arith.constant 0 : i32
      %gather3A_634 = arith.constant 0 : i32
      %gather3A_635 = tpu.memref_slice %arg9[%scan3A_49, %gather3A_633, %gather3A_634] : memref<2x128x16xf32, #tpu.memory_space<vmem>> -> memref<1x128x16xf32, #tpu.memory_space<vmem>>
      %gather3A_636 = tpu.memref_squeeze %gather3A_635 : memref<1x128x16xf32, #tpu.memory_space<vmem>> -> memref<128x16xf32, #tpu.memory_space<vmem>>
      %gather3A_637 = tpu.vector_load_idx %gather3A_636[%add3A_630, %broadcast_in_dim3A_632] : memref<128x16xf32, #tpu.memory_space<vmem>>[vector<16xi32>, vector<16xi32>], vector<16xf32>,
      %broadcast_in_dim3A_638 = arith.constant 4 : i32
      %broadcast_in_dim3A_639 = vector.broadcast %broadcast_in_dim3A_638 : i32 to vector<16xi32>
      %gather3A_640 = arith.constant 0 : i32
      %gather3A_641 = arith.constant 0 : i32
      %gather3A_642 = tpu.memref_slice %arg10[%scan3A_51, %gather3A_640, %gather3A_641] : memref<2x128x16xf32, #tpu.memory_space<vmem>> -> memref<1x128x16xf32, #tpu.memory_space<vmem>>
      %gather3A_643 = tpu.memref_squeeze %gather3A_642 : memref<1x128x16xf32, #tpu.memory_space<vmem>> -> memref<128x16xf32, #tpu.memory_space<vmem>>
      %gather3A_644 = tpu.vector_load_idx %gather3A_643[%add3A_630, %broadcast_in_dim3A_639] : memref<128x16xf32, #tpu.memory_space<vmem>>[vector<16xi32>, vector<16xi32>], vector<16xf32>,
      %add3A_645 = arith.addf %gather3A_637, %gather3A_644 : vector<16xf32>
      %ge3A_646 = arith.constant 0.000000e+00 : f32
      %ge3A_647 = vector.broadcast %ge3A_646 : f32 to vector<16xf32>
      %ge3A_648 = arith.cmpf oge, %add3A_645, %ge3A_647 : vector<16xf32>
      %mul3A_649 = arith.constant 2.000000e-01 : f32
      %mul3A_650 = vector.broadcast %mul3A_649 : f32 to vector<16xf32>
      %mul3A_651 = arith.mulf %mul3A_650, %add3A_645 : vector<16xf32>
      %select_n3A_652 = arith.select %ge3A_648, %add3A_645, %mul3A_651 : vector<16xi1>, vector<16xf32>
      %exp3A_653 = math.exp %select_n3A_652 : vector<16xf32>
      %broadcast_in_dim3A_654 = arith.constant 0 : i32
      %broadcast_in_dim3A_655 = vector.broadcast %broadcast_in_dim3A_654 : i32 to vector<16xi32>
      tpu.vector_store_idx %arg13[%add3A_630, %broadcast_in_dim3A_655], %exp3A_653 : memref<128x16xf32, #tpu.memory_space<vmem>>[vector<16xi32>, vector<16xi32>], vector<16xf32>,
      %broadcast_in_dim3A_656 = arith.constant 1 : i32
      %broadcast_in_dim3A_657 = vector.broadcast %broadcast_in_dim3A_656 : i32 to vector<16xi32>
      %gather3A_658 = arith.constant 0 : i32
      %gather3A_659 = arith.constant 0 : i32
      %gather3A_660 = tpu.memref_slice %arg9[%scan3A_49, %gather3A_658, %gather3A_659] : memref<2x128x16xf32, #tpu.memory_space<vmem>> -> memref<1x128x16xf32, #tpu.memory_space<vmem>>
      %gather3A_661 = tpu.memref_squeeze %gather3A_660 : memref<1x128x16xf32, #tpu.memory_space<vmem>> -> memref<128x16xf32, #tpu.memory_space<vmem>>
      %gather3A_662 = tpu.vector_load_idx %gather3A_661[%add3A_630, %broadcast_in_dim3A_657] : memref<128x16xf32, #tpu.memory_space<vmem>>[vector<16xi32>, vector<16xi32>], vector<16xf32>,
      %broadcast_in_dim3A_663 = arith.constant 5 : i32
      %broadcast_in_dim3A_664 = vector.broadcast %broadcast_in_dim3A_663 : i32 to vector<16xi32>
      %gather3A_665 = arith.constant 0 : i32
      %gather3A_666 = arith.constant 0 : i32
      %gather3A_667 = tpu.memref_slice %arg10[%scan3A_51, %gather3A_665, %gather3A_666] : memref<2x128x16xf32, #tpu.memory_space<vmem>> -> memref<1x128x16xf32, #tpu.memory_space<vmem>>
      %gather3A_668 = tpu.memref_squeeze %gather3A_667 : memref<1x128x16xf32, #tpu.memory_space<vmem>> -> memref<128x16xf32, #tpu.memory_space<vmem>>
      %gather3A_669 = tpu.vector_load_idx %gather3A_668[%add3A_630, %broadcast_in_dim3A_664] : memref<128x16xf32, #tpu.memory_space<vmem>>[vector<16xi32>, vector<16xi32>], vector<16xf32>,
      %add3A_670 = arith.addf %gather3A_662, %gather3A_669 : vector<16xf32>
      %ge3A_671 = arith.constant 0.000000e+00 : f32
      %ge3A_672 = vector.broadcast %ge3A_671 : f32 to vector<16xf32>
      %ge3A_673 = arith.cmpf oge, %add3A_670, %ge3A_672 : vector<16xf32>
      %mul3A_674 = arith.constant 2.000000e-01 : f32
      %mul3A_675 = vector.broadcast %mul3A_674 : f32 to vector<16xf32>
      %mul3A_676 = arith.mulf %mul3A_675, %add3A_670 : vector<16xf32>
      %select_n3A_677 = arith.select %ge3A_673, %add3A_670, %mul3A_676 : vector<16xi1>, vector<16xf32>
      %exp3A_678 = math.exp %select_n3A_677 : vector<16xf32>
      %broadcast_in_dim3A_679 = arith.constant 1 : i32
      %broadcast_in_dim3A_680 = vector.broadcast %broadcast_in_dim3A_679 : i32 to vector<16xi32>
      tpu.vector_store_idx %arg13[%add3A_630, %broadcast_in_dim3A_680], %exp3A_678 : memref<128x16xf32, #tpu.memory_space<vmem>>[vector<16xi32>, vector<16xi32>], vector<16xf32>,
      %broadcast_in_dim3A_681 = arith.constant 2 : i32
      %broadcast_in_dim3A_682 = vector.broadcast %broadcast_in_dim3A_681 : i32 to vector<16xi32>
      %gather3A_683 = arith.constant 0 : i32
      %gather3A_684 = arith.constant 0 : i32
      %gather3A_685 = tpu.memref_slice %arg9[%scan3A_49, %gather3A_683, %gather3A_684] : memref<2x128x16xf32, #tpu.memory_space<vmem>> -> memref<1x128x16xf32, #tpu.memory_space<vmem>>
      %gather3A_686 = tpu.memref_squeeze %gather3A_685 : memref<1x128x16xf32, #tpu.memory_space<vmem>> -> memref<128x16xf32, #tpu.memory_space<vmem>>
      %gather3A_687 = tpu.vector_load_idx %gather3A_686[%add3A_630, %broadcast_in_dim3A_682] : memref<128x16xf32, #tpu.memory_space<vmem>>[vector<16xi32>, vector<16xi32>], vector<16xf32>,
      %broadcast_in_dim3A_688 = arith.constant 6 : i32
      %broadcast_in_dim3A_689 = vector.broadcast %broadcast_in_dim3A_688 : i32 to vector<16xi32>
      %gather3A_690 = arith.constant 0 : i32
      %gather3A_691 = arith.constant 0 : i32
      %gather3A_692 = tpu.memref_slice %arg10[%scan3A_51, %gather3A_690, %gather3A_691] : memref<2x128x16xf32, #tpu.memory_space<vmem>> -> memref<1x128x16xf32, #tpu.memory_space<vmem>>
      %gather3A_693 = tpu.memref_squeeze %gather3A_692 : memref<1x128x16xf32, #tpu.memory_space<vmem>> -> memref<128x16xf32, #tpu.memory_space<vmem>>
      %gather3A_694 = tpu.vector_load_idx %gather3A_693[%add3A_630, %broadcast_in_dim3A_689] : memref<128x16xf32, #tpu.memory_space<vmem>>[vector<16xi32>, vector<16xi32>], vector<16xf32>,
      %add3A_695 = arith.addf %gather3A_687, %gather3A_694 : vector<16xf32>
      %ge3A_696 = arith.constant 0.000000e+00 : f32
      %ge3A_697 = vector.broadcast %ge3A_696 : f32 to vector<16xf32>
      %ge3A_698 = arith.cmpf oge, %add3A_695, %ge3A_697 : vector<16xf32>
      %mul3A_699 = arith.constant 2.000000e-01 : f32
      %mul3A_700 = vector.broadcast %mul3A_699 : f32 to vector<16xf32>
      %mul3A_701 = arith.mulf %mul3A_700, %add3A_695 : vector<16xf32>
      %select_n3A_702 = arith.select %ge3A_698, %add3A_695, %mul3A_701 : vector<16xi1>, vector<16xf32>
      %exp3A_703 = math.exp %select_n3A_702 : vector<16xf32>
      %broadcast_in_dim3A_704 = arith.constant 2 : i32
      %broadcast_in_dim3A_705 = vector.broadcast %broadcast_in_dim3A_704 : i32 to vector<16xi32>
      tpu.vector_store_idx %arg13[%add3A_630, %broadcast_in_dim3A_705], %exp3A_703 : memref<128x16xf32, #tpu.memory_space<vmem>>[vector<16xi32>, vector<16xi32>], vector<16xf32>,
      %broadcast_in_dim3A_706 = arith.constant 3 : i32
      %broadcast_in_dim3A_707 = vector.broadcast %broadcast_in_dim3A_706 : i32 to vector<16xi32>
      %gather3A_708 = arith.constant 0 : i32
      %gather3A_709 = arith.constant 0 : i32
      %gather3A_710 = tpu.memref_slice %arg9[%scan3A_49, %gather3A_708, %gather3A_709] : memref<2x128x16xf32, #tpu.memory_space<vmem>> -> memref<1x128x16xf32, #tpu.memory_space<vmem>>
      %gather3A_711 = tpu.memref_squeeze %gather3A_710 : memref<1x128x16xf32, #tpu.memory_space<vmem>> -> memref<128x16xf32, #tpu.memory_space<vmem>>
      %gather3A_712 = tpu.vector_load_idx %gather3A_711[%add3A_630, %broadcast_in_dim3A_707] : memref<128x16xf32, #tpu.memory_space<vmem>>[vector<16xi32>, vector<16xi32>], vector<16xf32>,
      %broadcast_in_dim3A_713 = arith.constant 7 : i32
      %broadcast_in_dim3A_714 = vector.broadcast %broadcast_in_dim3A_713 : i32 to vector<16xi32>
      %gather3A_715 = arith.constant 0 : i32
      %gather3A_716 = arith.constant 0 : i32
      %gather3A_717 = tpu.memref_slice %arg10[%scan3A_51, %gather3A_715, %gather3A_716] : memref<2x128x16xf32, #tpu.memory_space<vmem>> -> memref<1x128x16xf32, #tpu.memory_space<vmem>>
      %gather3A_718 = tpu.memref_squeeze %gather3A_717 : memref<1x128x16xf32, #tpu.memory_space<vmem>> -> memref<128x16xf32, #tpu.memory_space<vmem>>
      %gather3A_719 = tpu.vector_load_idx %gather3A_718[%add3A_630, %broadcast_in_dim3A_714] : memref<128x16xf32, #tpu.memory_space<vmem>>[vector<16xi32>, vector<16xi32>], vector<16xf32>,
      %add3A_720 = arith.addf %gather3A_712, %gather3A_719 : vector<16xf32>
      %ge3A_721 = arith.constant 0.000000e+00 : f32
      %ge3A_722 = vector.broadcast %ge3A_721 : f32 to vector<16xf32>
      %ge3A_723 = arith.cmpf oge, %add3A_720, %ge3A_722 : vector<16xf32>
      %mul3A_724 = arith.constant 2.000000e-01 : f32
      %mul3A_725 = vector.broadcast %mul3A_724 : f32 to vector<16xf32>
      %mul3A_726 = arith.mulf %mul3A_725, %add3A_720 : vector<16xf32>
      %select_n3A_727 = arith.select %ge3A_723, %add3A_720, %mul3A_726 : vector<16xi1>, vector<16xf32>
      %exp3A_728 = math.exp %select_n3A_727 : vector<16xf32>
      %broadcast_in_dim3A_729 = arith.constant 3 : i32
      %broadcast_in_dim3A_730 = vector.broadcast %broadcast_in_dim3A_729 : i32 to vector<16xi32>
      tpu.vector_store_idx %arg13[%add3A_630, %broadcast_in_dim3A_730], %exp3A_728 : memref<128x16xf32, #tpu.memory_space<vmem>>[vector<16xi32>, vector<16xi32>], vector<16xf32>,
      %add3A_731 = arith.constant 96 : i32
      %add3A_732 = vector.broadcast %add3A_731 : i32 to vector<16xi32>
      %add3A_733 = arith.addi %add3A_732, %iota3A : vector<16xi32>
      %broadcast_in_dim3A_734 = arith.constant 0 : i32
      %broadcast_in_dim3A_735 = vector.broadcast %broadcast_in_dim3A_734 : i32 to vector<16xi32>
      %gather3A_736 = arith.constant 0 : i32
      %gather3A_737 = arith.constant 0 : i32
      %gather3A_738 = tpu.memref_slice %arg9[%scan3A_49, %gather3A_736, %gather3A_737] : memref<2x128x16xf32, #tpu.memory_space<vmem>> -> memref<1x128x16xf32, #tpu.memory_space<vmem>>
      %gather3A_739 = tpu.memref_squeeze %gather3A_738 : memref<1x128x16xf32, #tpu.memory_space<vmem>> -> memref<128x16xf32, #tpu.memory_space<vmem>>
      %gather3A_740 = tpu.vector_load_idx %gather3A_739[%add3A_733, %broadcast_in_dim3A_735] : memref<128x16xf32, #tpu.memory_space<vmem>>[vector<16xi32>, vector<16xi32>], vector<16xf32>,
      %broadcast_in_dim3A_741 = arith.constant 4 : i32
      %broadcast_in_dim3A_742 = vector.broadcast %broadcast_in_dim3A_741 : i32 to vector<16xi32>
      %gather3A_743 = arith.constant 0 : i32
      %gather3A_744 = arith.constant 0 : i32
      %gather3A_745 = tpu.memref_slice %arg10[%scan3A_51, %gather3A_743, %gather3A_744] : memref<2x128x16xf32, #tpu.memory_space<vmem>> -> memref<1x128x16xf32, #tpu.memory_space<vmem>>
      %gather3A_746 = tpu.memref_squeeze %gather3A_745 : memref<1x128x16xf32, #tpu.memory_space<vmem>> -> memref<128x16xf32, #tpu.memory_space<vmem>>
      %gather3A_747 = tpu.vector_load_idx %gather3A_746[%add3A_733, %broadcast_in_dim3A_742] : memref<128x16xf32, #tpu.memory_space<vmem>>[vector<16xi32>, vector<16xi32>], vector<16xf32>,
      %add3A_748 = arith.addf %gather3A_740, %gather3A_747 : vector<16xf32>
      %ge3A_749 = arith.constant 0.000000e+00 : f32
      %ge3A_750 = vector.broadcast %ge3A_749 : f32 to vector<16xf32>
      %ge3A_751 = arith.cmpf oge, %add3A_748, %ge3A_750 : vector<16xf32>
      %mul3A_752 = arith.constant 2.000000e-01 : f32
      %mul3A_753 = vector.broadcast %mul3A_752 : f32 to vector<16xf32>
      %mul3A_754 = arith.mulf %mul3A_753, %add3A_748 : vector<16xf32>
      %select_n3A_755 = arith.select %ge3A_751, %add3A_748, %mul3A_754 : vector<16xi1>, vector<16xf32>
      %exp3A_756 = math.exp %select_n3A_755 : vector<16xf32>
      %broadcast_in_dim3A_757 = arith.constant 0 : i32
      %broadcast_in_dim3A_758 = vector.broadcast %broadcast_in_dim3A_757 : i32 to vector<16xi32>
      tpu.vector_store_idx %arg13[%add3A_733, %broadcast_in_dim3A_758], %exp3A_756 : memref<128x16xf32, #tpu.memory_space<vmem>>[vector<16xi32>, vector<16xi32>], vector<16xf32>,
      %broadcast_in_dim3A_759 = arith.constant 1 : i32
      %broadcast_in_dim3A_760 = vector.broadcast %broadcast_in_dim3A_759 : i32 to vector<16xi32>
      %gather3A_761 = arith.constant 0 : i32
      %gather3A_762 = arith.constant 0 : i32
      %gather3A_763 = tpu.memref_slice %arg9[%scan3A_49, %gather3A_761, %gather3A_762] : memref<2x128x16xf32, #tpu.memory_space<vmem>> -> memref<1x128x16xf32, #tpu.memory_space<vmem>>
      %gather3A_764 = tpu.memref_squeeze %gather3A_763 : memref<1x128x16xf32, #tpu.memory_space<vmem>> -> memref<128x16xf32, #tpu.memory_space<vmem>>
      %gather3A_765 = tpu.vector_load_idx %gather3A_764[%add3A_733, %broadcast_in_dim3A_760] : memref<128x16xf32, #tpu.memory_space<vmem>>[vector<16xi32>, vector<16xi32>], vector<16xf32>,
      %broadcast_in_dim3A_766 = arith.constant 5 : i32
      %broadcast_in_dim3A_767 = vector.broadcast %broadcast_in_dim3A_766 : i32 to vector<16xi32>
      %gather3A_768 = arith.constant 0 : i32
      %gather3A_769 = arith.constant 0 : i32
      %gather3A_770 = tpu.memref_slice %arg10[%scan3A_51, %gather3A_768, %gather3A_769] : memref<2x128x16xf32, #tpu.memory_space<vmem>> -> memref<1x128x16xf32, #tpu.memory_space<vmem>>
      %gather3A_771 = tpu.memref_squeeze %gather3A_770 : memref<1x128x16xf32, #tpu.memory_space<vmem>> -> memref<128x16xf32, #tpu.memory_space<vmem>>
      %gather3A_772 = tpu.vector_load_idx %gather3A_771[%add3A_733, %broadcast_in_dim3A_767] : memref<128x16xf32, #tpu.memory_space<vmem>>[vector<16xi32>, vector<16xi32>], vector<16xf32>,
      %add3A_773 = arith.addf %gather3A_765, %gather3A_772 : vector<16xf32>
      %ge3A_774 = arith.constant 0.000000e+00 : f32
      %ge3A_775 = vector.broadcast %ge3A_774 : f32 to vector<16xf32>
      %ge3A_776 = arith.cmpf oge, %add3A_773, %ge3A_775 : vector<16xf32>
      %mul3A_777 = arith.constant 2.000000e-01 : f32
      %mul3A_778 = vector.broadcast %mul3A_777 : f32 to vector<16xf32>
      %mul3A_779 = arith.mulf %mul3A_778, %add3A_773 : vector<16xf32>
      %select_n3A_780 = arith.select %ge3A_776, %add3A_773, %mul3A_779 : vector<16xi1>, vector<16xf32>
      %exp3A_781 = math.exp %select_n3A_780 : vector<16xf32>
      %broadcast_in_dim3A_782 = arith.constant 1 : i32
      %broadcast_in_dim3A_783 = vector.broadcast %broadcast_in_dim3A_782 : i32 to vector<16xi32>
      tpu.vector_store_idx %arg13[%add3A_733, %broadcast_in_dim3A_783], %exp3A_781 : memref<128x16xf32, #tpu.memory_space<vmem>>[vector<16xi32>, vector<16xi32>], vector<16xf32>,
      %broadcast_in_dim3A_784 = arith.constant 2 : i32
      %broadcast_in_dim3A_785 = vector.broadcast %broadcast_in_dim3A_784 : i32 to vector<16xi32>
      %gather3A_786 = arith.constant 0 : i32
      %gather3A_787 = arith.constant 0 : i32
      %gather3A_788 = tpu.memref_slice %arg9[%scan3A_49, %gather3A_786, %gather3A_787] : memref<2x128x16xf32, #tpu.memory_space<vmem>> -> memref<1x128x16xf32, #tpu.memory_space<vmem>>
      %gather3A_789 = tpu.memref_squeeze %gather3A_788 : memref<1x128x16xf32, #tpu.memory_space<vmem>> -> memref<128x16xf32, #tpu.memory_space<vmem>>
      %gather3A_790 = tpu.vector_load_idx %gather3A_789[%add3A_733, %broadcast_in_dim3A_785] : memref<128x16xf32, #tpu.memory_space<vmem>>[vector<16xi32>, vector<16xi32>], vector<16xf32>,
      %broadcast_in_dim3A_791 = arith.constant 6 : i32
      %broadcast_in_dim3A_792 = vector.broadcast %broadcast_in_dim3A_791 : i32 to vector<16xi32>
      %gather3A_793 = arith.constant 0 : i32
      %gather3A_794 = arith.constant 0 : i32
      %gather3A_795 = tpu.memref_slice %arg10[%scan3A_51, %gather3A_793, %gather3A_794] : memref<2x128x16xf32, #tpu.memory_space<vmem>> -> memref<1x128x16xf32, #tpu.memory_space<vmem>>
      %gather3A_796 = tpu.memref_squeeze %gather3A_795 : memref<1x128x16xf32, #tpu.memory_space<vmem>> -> memref<128x16xf32, #tpu.memory_space<vmem>>
      %gather3A_797 = tpu.vector_load_idx %gather3A_796[%add3A_733, %broadcast_in_dim3A_792] : memref<128x16xf32, #tpu.memory_space<vmem>>[vector<16xi32>, vector<16xi32>], vector<16xf32>,
      %add3A_798 = arith.addf %gather3A_790, %gather3A_797 : vector<16xf32>
      %ge3A_799 = arith.constant 0.000000e+00 : f32
      %ge3A_800 = vector.broadcast %ge3A_799 : f32 to vector<16xf32>
      %ge3A_801 = arith.cmpf oge, %add3A_798, %ge3A_800 : vector<16xf32>
      %mul3A_802 = arith.constant 2.000000e-01 : f32
      %mul3A_803 = vector.broadcast %mul3A_802 : f32 to vector<16xf32>
      %mul3A_804 = arith.mulf %mul3A_803, %add3A_798 : vector<16xf32>
      %select_n3A_805 = arith.select %ge3A_801, %add3A_798, %mul3A_804 : vector<16xi1>, vector<16xf32>
      %exp3A_806 = math.exp %select_n3A_805 : vector<16xf32>
      %broadcast_in_dim3A_807 = arith.constant 2 : i32
      %broadcast_in_dim3A_808 = vector.broadcast %broadcast_in_dim3A_807 : i32 to vector<16xi32>
      tpu.vector_store_idx %arg13[%add3A_733, %broadcast_in_dim3A_808], %exp3A_806 : memref<128x16xf32, #tpu.memory_space<vmem>>[vector<16xi32>, vector<16xi32>], vector<16xf32>,
      %broadcast_in_dim3A_809 = arith.constant 3 : i32
      %broadcast_in_dim3A_810 = vector.broadcast %broadcast_in_dim3A_809 : i32 to vector<16xi32>
      %gather3A_811 = arith.constant 0 : i32
      %gather3A_812 = arith.constant 0 : i32
      %gather3A_813 = tpu.memref_slice %arg9[%scan3A_49, %gather3A_811, %gather3A_812] : memref<2x128x16xf32, #tpu.memory_space<vmem>> -> memref<1x128x16xf32, #tpu.memory_space<vmem>>
      %gather3A_814 = tpu.memref_squeeze %gather3A_813 : memref<1x128x16xf32, #tpu.memory_space<vmem>> -> memref<128x16xf32, #tpu.memory_space<vmem>>
      %gather3A_815 = tpu.vector_load_idx %gather3A_814[%add3A_733, %broadcast_in_dim3A_810] : memref<128x16xf32, #tpu.memory_space<vmem>>[vector<16xi32>, vector<16xi32>], vector<16xf32>,
      %broadcast_in_dim3A_816 = arith.constant 7 : i32
      %broadcast_in_dim3A_817 = vector.broadcast %broadcast_in_dim3A_816 : i32 to vector<16xi32>
      %gather3A_818 = arith.constant 0 : i32
      %gather3A_819 = arith.constant 0 : i32
      %gather3A_820 = tpu.memref_slice %arg10[%scan3A_51, %gather3A_818, %gather3A_819] : memref<2x128x16xf32, #tpu.memory_space<vmem>> -> memref<1x128x16xf32, #tpu.memory_space<vmem>>
      %gather3A_821 = tpu.memref_squeeze %gather3A_820 : memref<1x128x16xf32, #tpu.memory_space<vmem>> -> memref<128x16xf32, #tpu.memory_space<vmem>>
      %gather3A_822 = tpu.vector_load_idx %gather3A_821[%add3A_733, %broadcast_in_dim3A_817] : memref<128x16xf32, #tpu.memory_space<vmem>>[vector<16xi32>, vector<16xi32>], vector<16xf32>,
      %add3A_823 = arith.addf %gather3A_815, %gather3A_822 : vector<16xf32>
      %ge3A_824 = arith.constant 0.000000e+00 : f32
      %ge3A_825 = vector.broadcast %ge3A_824 : f32 to vector<16xf32>
      %ge3A_826 = arith.cmpf oge, %add3A_823, %ge3A_825 : vector<16xf32>
      %mul3A_827 = arith.constant 2.000000e-01 : f32
      %mul3A_828 = vector.broadcast %mul3A_827 : f32 to vector<16xf32>
      %mul3A_829 = arith.mulf %mul3A_828, %add3A_823 : vector<16xf32>
      %select_n3A_830 = arith.select %ge3A_826, %add3A_823, %mul3A_829 : vector<16xi1>, vector<16xf32>
      %exp3A_831 = math.exp %select_n3A_830 : vector<16xf32>
      %broadcast_in_dim3A_832 = arith.constant 3 : i32
      %broadcast_in_dim3A_833 = vector.broadcast %broadcast_in_dim3A_832 : i32 to vector<16xi32>
      tpu.vector_store_idx %arg13[%add3A_733, %broadcast_in_dim3A_833], %exp3A_831 : memref<128x16xf32, #tpu.memory_space<vmem>>[vector<16xi32>, vector<16xi32>], vector<16xf32>,
      %add3A_834 = arith.constant 112 : i32
      %add3A_835 = vector.broadcast %add3A_834 : i32 to vector<16xi32>
      %add3A_836 = arith.addi %add3A_835, %iota3A : vector<16xi32>
      %broadcast_in_dim3A_837 = arith.constant 0 : i32
      %broadcast_in_dim3A_838 = vector.broadcast %broadcast_in_dim3A_837 : i32 to vector<16xi32>
      %gather3A_839 = arith.constant 0 : i32
      %gather3A_840 = arith.constant 0 : i32
      %gather3A_841 = tpu.memref_slice %arg9[%scan3A_49, %gather3A_839, %gather3A_840] : memref<2x128x16xf32, #tpu.memory_space<vmem>> -> memref<1x128x16xf32, #tpu.memory_space<vmem>>
      %gather3A_842 = tpu.memref_squeeze %gather3A_841 : memref<1x128x16xf32, #tpu.memory_space<vmem>> -> memref<128x16xf32, #tpu.memory_space<vmem>>
      %gather3A_843 = tpu.vector_load_idx %gather3A_842[%add3A_836, %broadcast_in_dim3A_838] : memref<128x16xf32, #tpu.memory_space<vmem>>[vector<16xi32>, vector<16xi32>], vector<16xf32>,
      %broadcast_in_dim3A_844 = arith.constant 4 : i32
      %broadcast_in_dim3A_845 = vector.broadcast %broadcast_in_dim3A_844 : i32 to vector<16xi32>
      %gather3A_846 = arith.constant 0 : i32
      %gather3A_847 = arith.constant 0 : i32
      %gather3A_848 = tpu.memref_slice %arg10[%scan3A_51, %gather3A_846, %gather3A_847] : memref<2x128x16xf32, #tpu.memory_space<vmem>> -> memref<1x128x16xf32, #tpu.memory_space<vmem>>
      %gather3A_849 = tpu.memref_squeeze %gather3A_848 : memref<1x128x16xf32, #tpu.memory_space<vmem>> -> memref<128x16xf32, #tpu.memory_space<vmem>>
      %gather3A_850 = tpu.vector_load_idx %gather3A_849[%add3A_836, %broadcast_in_dim3A_845] : memref<128x16xf32, #tpu.memory_space<vmem>>[vector<16xi32>, vector<16xi32>], vector<16xf32>,
      %add3A_851 = arith.addf %gather3A_843, %gather3A_850 : vector<16xf32>
      %ge3A_852 = arith.constant 0.000000e+00 : f32
      %ge3A_853 = vector.broadcast %ge3A_852 : f32 to vector<16xf32>
      %ge3A_854 = arith.cmpf oge, %add3A_851, %ge3A_853 : vector<16xf32>
      %mul3A_855 = arith.constant 2.000000e-01 : f32
      %mul3A_856 = vector.broadcast %mul3A_855 : f32 to vector<16xf32>
      %mul3A_857 = arith.mulf %mul3A_856, %add3A_851 : vector<16xf32>
      %select_n3A_858 = arith.select %ge3A_854, %add3A_851, %mul3A_857 : vector<16xi1>, vector<16xf32>
      %exp3A_859 = math.exp %select_n3A_858 : vector<16xf32>
      %broadcast_in_dim3A_860 = arith.constant 0 : i32
      %broadcast_in_dim3A_861 = vector.broadcast %broadcast_in_dim3A_860 : i32 to vector<16xi32>
      tpu.vector_store_idx %arg13[%add3A_836, %broadcast_in_dim3A_861], %exp3A_859 : memref<128x16xf32, #tpu.memory_space<vmem>>[vector<16xi32>, vector<16xi32>], vector<16xf32>,
      %broadcast_in_dim3A_862 = arith.constant 1 : i32
      %broadcast_in_dim3A_863 = vector.broadcast %broadcast_in_dim3A_862 : i32 to vector<16xi32>
      %gather3A_864 = arith.constant 0 : i32
      %gather3A_865 = arith.constant 0 : i32
      %gather3A_866 = tpu.memref_slice %arg9[%scan3A_49, %gather3A_864, %gather3A_865] : memref<2x128x16xf32, #tpu.memory_space<vmem>> -> memref<1x128x16xf32, #tpu.memory_space<vmem>>
      %gather3A_867 = tpu.memref_squeeze %gather3A_866 : memref<1x128x16xf32, #tpu.memory_space<vmem>> -> memref<128x16xf32, #tpu.memory_space<vmem>>
      %gather3A_868 = tpu.vector_load_idx %gather3A_867[%add3A_836, %broadcast_in_dim3A_863] : memref<128x16xf32, #tpu.memory_space<vmem>>[vector<16xi32>, vector<16xi32>], vector<16xf32>,
      %broadcast_in_dim3A_869 = arith.constant 5 : i32
      %broadcast_in_dim3A_870 = vector.broadcast %broadcast_in_dim3A_869 : i32 to vector<16xi32>
      %gather3A_871 = arith.constant 0 : i32
      %gather3A_872 = arith.constant 0 : i32
      %gather3A_873 = tpu.memref_slice %arg10[%scan3A_51, %gather3A_871, %gather3A_872] : memref<2x128x16xf32, #tpu.memory_space<vmem>> -> memref<1x128x16xf32, #tpu.memory_space<vmem>>
      %gather3A_874 = tpu.memref_squeeze %gather3A_873 : memref<1x128x16xf32, #tpu.memory_space<vmem>> -> memref<128x16xf32, #tpu.memory_space<vmem>>
      %gather3A_875 = tpu.vector_load_idx %gather3A_874[%add3A_836, %broadcast_in_dim3A_870] : memref<128x16xf32, #tpu.memory_space<vmem>>[vector<16xi32>, vector<16xi32>], vector<16xf32>,
      %add3A_876 = arith.addf %gather3A_868, %gather3A_875 : vector<16xf32>
      %ge3A_877 = arith.constant 0.000000e+00 : f32
      %ge3A_878 = vector.broadcast %ge3A_877 : f32 to vector<16xf32>
      %ge3A_879 = arith.cmpf oge, %add3A_876, %ge3A_878 : vector<16xf32>
      %mul3A_880 = arith.constant 2.000000e-01 : f32
      %mul3A_881 = vector.broadcast %mul3A_880 : f32 to vector<16xf32>
      %mul3A_882 = arith.mulf %mul3A_881, %add3A_876 : vector<16xf32>
      %select_n3A_883 = arith.select %ge3A_879, %add3A_876, %mul3A_882 : vector<16xi1>, vector<16xf32>
      %exp3A_884 = math.exp %select_n3A_883 : vector<16xf32>
      %broadcast_in_dim3A_885 = arith.constant 1 : i32
      %broadcast_in_dim3A_886 = vector.broadcast %broadcast_in_dim3A_885 : i32 to vector<16xi32>
      tpu.vector_store_idx %arg13[%add3A_836, %broadcast_in_dim3A_886], %exp3A_884 : memref<128x16xf32, #tpu.memory_space<vmem>>[vector<16xi32>, vector<16xi32>], vector<16xf32>,
      %broadcast_in_dim3A_887 = arith.constant 2 : i32
      %broadcast_in_dim3A_888 = vector.broadcast %broadcast_in_dim3A_887 : i32 to vector<16xi32>
      %gather3A_889 = arith.constant 0 : i32
      %gather3A_890 = arith.constant 0 : i32
      %gather3A_891 = tpu.memref_slice %arg9[%scan3A_49, %gather3A_889, %gather3A_890] : memref<2x128x16xf32, #tpu.memory_space<vmem>> -> memref<1x128x16xf32, #tpu.memory_space<vmem>>
      %gather3A_892 = tpu.memref_squeeze %gather3A_891 : memref<1x128x16xf32, #tpu.memory_space<vmem>> -> memref<128x16xf32, #tpu.memory_space<vmem>>
      %gather3A_893 = tpu.vector_load_idx %gather3A_892[%add3A_836, %broadcast_in_dim3A_888] : memref<128x16xf32, #tpu.memory_space<vmem>>[vector<16xi32>, vector<16xi32>], vector<16xf32>,
      %broadcast_in_dim3A_894 = arith.constant 6 : i32
      %broadcast_in_dim3A_895 = vector.broadcast %broadcast_in_dim3A_894 : i32 to vector<16xi32>
      %gather3A_896 = arith.constant 0 : i32
      %gather3A_897 = arith.constant 0 : i32
      %gather3A_898 = tpu.memref_slice %arg10[%scan3A_51, %gather3A_896, %gather3A_897] : memref<2x128x16xf32, #tpu.memory_space<vmem>> -> memref<1x128x16xf32, #tpu.memory_space<vmem>>
      %gather3A_899 = tpu.memref_squeeze %gather3A_898 : memref<1x128x16xf32, #tpu.memory_space<vmem>> -> memref<128x16xf32, #tpu.memory_space<vmem>>
      %gather3A_900 = tpu.vector_load_idx %gather3A_899[%add3A_836, %broadcast_in_dim3A_895] : memref<128x16xf32, #tpu.memory_space<vmem>>[vector<16xi32>, vector<16xi32>], vector<16xf32>,
      %add3A_901 = arith.addf %gather3A_893, %gather3A_900 : vector<16xf32>
      %ge3A_902 = arith.constant 0.000000e+00 : f32
      %ge3A_903 = vector.broadcast %ge3A_902 : f32 to vector<16xf32>
      %ge3A_904 = arith.cmpf oge, %add3A_901, %ge3A_903 : vector<16xf32>
      %mul3A_905 = arith.constant 2.000000e-01 : f32
      %mul3A_906 = vector.broadcast %mul3A_905 : f32 to vector<16xf32>
      %mul3A_907 = arith.mulf %mul3A_906, %add3A_901 : vector<16xf32>
      %select_n3A_908 = arith.select %ge3A_904, %add3A_901, %mul3A_907 : vector<16xi1>, vector<16xf32>
      %exp3A_909 = math.exp %select_n3A_908 : vector<16xf32>
      %broadcast_in_dim3A_910 = arith.constant 2 : i32
      %broadcast_in_dim3A_911 = vector.broadcast %broadcast_in_dim3A_910 : i32 to vector<16xi32>
      tpu.vector_store_idx %arg13[%add3A_836, %broadcast_in_dim3A_911], %exp3A_909 : memref<128x16xf32, #tpu.memory_space<vmem>>[vector<16xi32>, vector<16xi32>], vector<16xf32>,
      %broadcast_in_dim3A_912 = arith.constant 3 : i32
      %broadcast_in_dim3A_913 = vector.broadcast %broadcast_in_dim3A_912 : i32 to vector<16xi32>
      %gather3A_914 = arith.constant 0 : i32
      %gather3A_915 = arith.constant 0 : i32
      %gather3A_916 = tpu.memref_slice %arg9[%scan3A_49, %gather3A_914, %gather3A_915] : memref<2x128x16xf32, #tpu.memory_space<vmem>> -> memref<1x128x16xf32, #tpu.memory_space<vmem>>
      %gather3A_917 = tpu.memref_squeeze %gather3A_916 : memref<1x128x16xf32, #tpu.memory_space<vmem>> -> memref<128x16xf32, #tpu.memory_space<vmem>>
      %gather3A_918 = tpu.vector_load_idx %gather3A_917[%add3A_836, %broadcast_in_dim3A_913] : memref<128x16xf32, #tpu.memory_space<vmem>>[vector<16xi32>, vector<16xi32>], vector<16xf32>,
      %broadcast_in_dim3A_919 = arith.constant 7 : i32
      %broadcast_in_dim3A_920 = vector.broadcast %broadcast_in_dim3A_919 : i32 to vector<16xi32>
      %gather3A_921 = arith.constant 0 : i32
      %gather3A_922 = arith.constant 0 : i32
      %gather3A_923 = tpu.memref_slice %arg10[%scan3A_51, %gather3A_921, %gather3A_922] : memref<2x128x16xf32, #tpu.memory_space<vmem>> -> memref<1x128x16xf32, #tpu.memory_space<vmem>>
      %gather3A_924 = tpu.memref_squeeze %gather3A_923 : memref<1x128x16xf32, #tpu.memory_space<vmem>> -> memref<128x16xf32, #tpu.memory_space<vmem>>
      %gather3A_925 = tpu.vector_load_idx %gather3A_924[%add3A_836, %broadcast_in_dim3A_920] : memref<128x16xf32, #tpu.memory_space<vmem>>[vector<16xi32>, vector<16xi32>], vector<16xf32>,
      %add3A_926 = arith.addf %gather3A_918, %gather3A_925 : vector<16xf32>
      %ge3A_927 = arith.constant 0.000000e+00 : f32
      %ge3A_928 = vector.broadcast %ge3A_927 : f32 to vector<16xf32>
      %ge3A_929 = arith.cmpf oge, %add3A_926, %ge3A_928 : vector<16xf32>
      %mul3A_930 = arith.constant 2.000000e-01 : f32
      %mul3A_931 = vector.broadcast %mul3A_930 : f32 to vector<16xf32>
      %mul3A_932 = arith.mulf %mul3A_931, %add3A_926 : vector<16xf32>
      %select_n3A_933 = arith.select %ge3A_929, %add3A_926, %mul3A_932 : vector<16xi1>, vector<16xf32>
      %exp3A_934 = math.exp %select_n3A_933 : vector<16xf32>
      %broadcast_in_dim3A_935 = arith.constant 3 : i32
      %broadcast_in_dim3A_936 = vector.broadcast %broadcast_in_dim3A_935 : i32 to vector<16xi32>
      tpu.vector_store_idx %arg13[%add3A_836, %broadcast_in_dim3A_936], %exp3A_934 : memref<128x16xf32, #tpu.memory_space<vmem>>[vector<16xi32>, vector<16xi32>], vector<16xf32>,
      %dma_wait3A_937 = arith.constant 0 : i32
      %dma_wait3A_938 = arith.constant 0 : i32
      %dma_wait3A_939 = tpu.memref_slice %arg8[%scan3A_52, %dma_wait3A_937, %dma_wait3A_938] : memref<2x128x80xf32, #tpu.memory_space<vmem>> -> memref<1x128x80xf32, #tpu.memory_space<vmem>>
      %dma_wait3A_940 = tpu.memref_squeeze %dma_wait3A_939 : memref<1x128x80xf32, #tpu.memory_space<vmem>> -> memref<128x80xf32, #tpu.memory_space<vmem>>
      %dma_wait3A_941 = arith.constant 0 : i32
      %dma_wait3A_942 = tpu.memref_slice %arg11[%scan3A_48, %dma_wait3A_941] : memref<2x128xi32, #tpu.memory_space<vmem>> -> memref<1x128xi32, #tpu.memory_space<vmem>>
      %dma_wait3A_943 = tpu.memref_squeeze %dma_wait3A_942 : memref<1x128xi32, #tpu.memory_space<vmem>> -> memref<128xi32, #tpu.memory_space<vmem>>
      %dma_wait3A_944 = arith.constant 0 : i32
      %dma_wait3A_945 = arith.constant 0 : i32
      %dma_wait3A_946 = tpu.memref_slice %arg2[%dma_wait3A_944, %dma_wait3A_945] : memref<10112x80xf32, #tpu.memory_space<hbm>> -> memref<10112x80xf32, #tpu.memory_space<hbm>>
      tpu.wait_indirect_dma semaphore(%arg16 : memref<!tpu.dma_semaphore, #tpu.memory_space<semaphore_mem>>) src(%dma_wait3A_946 : memref<10112x80xf32, #tpu.memory_space<hbm>>) dst(%dma_wait3A_940 : memref<128x80xf32, #tpu.memory_space<vmem>>)
      %scan3A_947 = arith.constant 0 : i32
      %scan3A_948 = arith.constant 0 : i32
      %scan3A_949 = arith.constant 128 : i32
      %scan3A_950 = arith.addi %scan3A_948, %scan3A_949 : i32
      %scan3A_951 = arith.constant 2 : i32
      scf.for %scan3A_1817 = %scan3A_948 to %scan3A_950 step %scan3A_951  : i32 {
        %get3A = arith.index_cast %scan3A_1817 : i32 to index
        %get3A_1818 = arith.constant 0 : index
        %get3A_1819 = tpu.vector_load %arg13[%get3A, %get3A_1818] {strides = array<i32>} : memref<128x16xf32, #tpu.memory_space<vmem>>, vector<16xf32>,
        %swap3A = arith.constant 0 : i32
        %swap3A_1820 = arith.constant 0 : i32
        %swap3A_1821 = tpu.memref_slice %arg8[%scan3A_52, %swap3A, %swap3A_1820] : memref<2x128x80xf32, #tpu.memory_space<vmem>> -> memref<1x128x80xf32, #tpu.memory_space<vmem>>
        %swap3A_1822 = tpu.memref_squeeze %swap3A_1821 : memref<1x128x80xf32, #tpu.memory_space<vmem>> -> memref<128x80xf32, #tpu.memory_space<vmem>>
        %swap3A_1823 = arith.index_cast %scan3A_1817 : i32 to index
        %swap3A_1824 = arith.constant 64 : index
        %swap3A_1825 = tpu.vector_load %swap3A_1822[%swap3A_1823, %swap3A_1824] {strides = array<i32>} : memref<128x80xf32, #tpu.memory_space<vmem>>, vector<16xf32>,
        tpu.vector_store %swap3A_1822[%swap3A_1823, %swap3A_1824], %get3A_1819 {strides = array<i32>} : memref<128x80xf32, #tpu.memory_space<vmem>>, vector<16xf32>,
        %get3A_1826 = arith.constant 0 : i32
        %get3A_1827 = arith.constant 0 : i32
        %get3A_1828 = tpu.memref_slice %arg8[%scan3A_52, %get3A_1826, %get3A_1827] : memref<2x128x80xf32, #tpu.memory_space<vmem>> -> memref<1x128x80xf32, #tpu.memory_space<vmem>>
        %get3A_1829 = tpu.memref_squeeze %get3A_1828 : memref<1x128x80xf32, #tpu.memory_space<vmem>> -> memref<128x80xf32, #tpu.memory_space<vmem>>
        %get3A_1830 = arith.index_cast %scan3A_1817 : i32 to index
        %get3A_1831 = arith.constant 0 : index
        %get3A_1832 = tpu.vector_load %get3A_1829[%get3A_1830, %get3A_1831] {strides = array<i32>} : memref<128x80xf32, #tpu.memory_space<vmem>>, vector<16xf32>,
        %slice3A = vector.extract_strided_slice %get3A_1819 {offsets = [0], sizes = [1], strides = [1]} : vector<16xf32> to vector<1xf32>
        %squeeze3A = vector.extract %slice3A[0] : f32 from vector<1xf32>
        %mul3A_1833 = vector.broadcast %squeeze3A : f32 to vector<16xf32>
        %mul3A_1834 = arith.mulf %get3A_1832, %mul3A_1833 : vector<16xf32>
        %swap3A_1835 = arith.constant 0 : i32
        %swap3A_1836 = arith.constant 0 : i32
        %swap3A_1837 = tpu.memref_slice %arg8[%scan3A_52, %swap3A_1835, %swap3A_1836] : memref<2x128x80xf32, #tpu.memory_space<vmem>> -> memref<1x128x80xf32, #tpu.memory_space<vmem>>
        %swap3A_1838 = tpu.memref_squeeze %swap3A_1837 : memref<1x128x80xf32, #tpu.memory_space<vmem>> -> memref<128x80xf32, #tpu.memory_space<vmem>>
        %swap3A_1839 = arith.index_cast %scan3A_1817 : i32 to index
        %swap3A_1840 = arith.constant 0 : index
        %swap3A_1841 = tpu.vector_load %swap3A_1838[%swap3A_1839, %swap3A_1840] {strides = array<i32>} : memref<128x80xf32, #tpu.memory_space<vmem>>, vector<16xf32>,
        tpu.vector_store %swap3A_1838[%swap3A_1839, %swap3A_1840], %mul3A_1834 {strides = array<i32>} : memref<128x80xf32, #tpu.memory_space<vmem>>, vector<16xf32>,
        %get3A_1842 = arith.constant 0 : i32
        %get3A_1843 = arith.constant 0 : i32
        %get3A_1844 = tpu.memref_slice %arg8[%scan3A_52, %get3A_1842, %get3A_1843] : memref<2x128x80xf32, #tpu.memory_space<vmem>> -> memref<1x128x80xf32, #tpu.memory_space<vmem>>
        %get3A_1845 = tpu.memref_squeeze %get3A_1844 : memref<1x128x80xf32, #tpu.memory_space<vmem>> -> memref<128x80xf32, #tpu.memory_space<vmem>>
        %get3A_1846 = arith.index_cast %scan3A_1817 : i32 to index
        %get3A_1847 = arith.constant 16 : index
        %get3A_1848 = tpu.vector_load %get3A_1845[%get3A_1846, %get3A_1847] {strides = array<i32>} : memref<128x80xf32, #tpu.memory_space<vmem>>, vector<16xf32>,
        %slice3A_1849 = vector.extract_strided_slice %get3A_1819 {offsets = [1], sizes = [1], strides = [1]} : vector<16xf32> to vector<1xf32>
        %squeeze3A_1850 = vector.extract %slice3A_1849[0] : f32 from vector<1xf32>
        %mul3A_1851 = vector.broadcast %squeeze3A_1850 : f32 to vector<16xf32>
        %mul3A_1852 = arith.mulf %get3A_1848, %mul3A_1851 : vector<16xf32>
        %swap3A_1853 = arith.constant 0 : i32
        %swap3A_1854 = arith.constant 0 : i32
        %swap3A_1855 = tpu.memref_slice %arg8[%scan3A_52, %swap3A_1853, %swap3A_1854] : memref<2x128x80xf32, #tpu.memory_space<vmem>> -> memref<1x128x80xf32, #tpu.memory_space<vmem>>
        %swap3A_1856 = tpu.memref_squeeze %swap3A_1855 : memref<1x128x80xf32, #tpu.memory_space<vmem>> -> memref<128x80xf32, #tpu.memory_space<vmem>>
        %swap3A_1857 = arith.index_cast %scan3A_1817 : i32 to index
        %swap3A_1858 = arith.constant 16 : index
        %swap3A_1859 = tpu.vector_load %swap3A_1856[%swap3A_1857, %swap3A_1858] {strides = array<i32>} : memref<128x80xf32, #tpu.memory_space<vmem>>, vector<16xf32>,
        tpu.vector_store %swap3A_1856[%swap3A_1857, %swap3A_1858], %mul3A_1852 {strides = array<i32>} : memref<128x80xf32, #tpu.memory_space<vmem>>, vector<16xf32>,
        %get3A_1860 = arith.constant 0 : i32
        %get3A_1861 = arith.constant 0 : i32
        %get3A_1862 = tpu.memref_slice %arg8[%scan3A_52, %get3A_1860, %get3A_1861] : memref<2x128x80xf32, #tpu.memory_space<vmem>> -> memref<1x128x80xf32, #tpu.memory_space<vmem>>
        %get3A_1863 = tpu.memref_squeeze %get3A_1862 : memref<1x128x80xf32, #tpu.memory_space<vmem>> -> memref<128x80xf32, #tpu.memory_space<vmem>>
        %get3A_1864 = arith.index_cast %scan3A_1817 : i32 to index
        %get3A_1865 = arith.constant 32 : index
        %get3A_1866 = tpu.vector_load %get3A_1863[%get3A_1864, %get3A_1865] {strides = array<i32>} : memref<128x80xf32, #tpu.memory_space<vmem>>, vector<16xf32>,
        %slice3A_1867 = vector.extract_strided_slice %get3A_1819 {offsets = [2], sizes = [1], strides = [1]} : vector<16xf32> to vector<1xf32>
        %squeeze3A_1868 = vector.extract %slice3A_1867[0] : f32 from vector<1xf32>
        %mul3A_1869 = vector.broadcast %squeeze3A_1868 : f32 to vector<16xf32>
        %mul3A_1870 = arith.mulf %get3A_1866, %mul3A_1869 : vector<16xf32>
        %swap3A_1871 = arith.constant 0 : i32
        %swap3A_1872 = arith.constant 0 : i32
        %swap3A_1873 = tpu.memref_slice %arg8[%scan3A_52, %swap3A_1871, %swap3A_1872] : memref<2x128x80xf32, #tpu.memory_space<vmem>> -> memref<1x128x80xf32, #tpu.memory_space<vmem>>
        %swap3A_1874 = tpu.memref_squeeze %swap3A_1873 : memref<1x128x80xf32, #tpu.memory_space<vmem>> -> memref<128x80xf32, #tpu.memory_space<vmem>>
        %swap3A_1875 = arith.index_cast %scan3A_1817 : i32 to index
        %swap3A_1876 = arith.constant 32 : index
        %swap3A_1877 = tpu.vector_load %swap3A_1874[%swap3A_1875, %swap3A_1876] {strides = array<i32>} : memref<128x80xf32, #tpu.memory_space<vmem>>, vector<16xf32>,
        tpu.vector_store %swap3A_1874[%swap3A_1875, %swap3A_1876], %mul3A_1870 {strides = array<i32>} : memref<128x80xf32, #tpu.memory_space<vmem>>, vector<16xf32>,
        %get3A_1878 = arith.constant 0 : i32
        %get3A_1879 = arith.constant 0 : i32
        %get3A_1880 = tpu.memref_slice %arg8[%scan3A_52, %get3A_1878, %get3A_1879] : memref<2x128x80xf32, #tpu.memory_space<vmem>> -> memref<1x128x80xf32, #tpu.memory_space<vmem>>
        %get3A_1881 = tpu.memref_squeeze %get3A_1880 : memref<1x128x80xf32, #tpu.memory_space<vmem>> -> memref<128x80xf32, #tpu.memory_space<vmem>>
        %get3A_1882 = arith.index_cast %scan3A_1817 : i32 to index
        %get3A_1883 = arith.constant 48 : index
        %get3A_1884 = tpu.vector_load %get3A_1881[%get3A_1882, %get3A_1883] {strides = array<i32>} : memref<128x80xf32, #tpu.memory_space<vmem>>, vector<16xf32>,
        %slice3A_1885 = vector.extract_strided_slice %get3A_1819 {offsets = [3], sizes = [1], strides = [1]} : vector<16xf32> to vector<1xf32>
        %squeeze3A_1886 = vector.extract %slice3A_1885[0] : f32 from vector<1xf32>
        %mul3A_1887 = vector.broadcast %squeeze3A_1886 : f32 to vector<16xf32>
        %mul3A_1888 = arith.mulf %get3A_1884, %mul3A_1887 : vector<16xf32>
        %swap3A_1889 = arith.constant 0 : i32
        %swap3A_1890 = arith.constant 0 : i32
        %swap3A_1891 = tpu.memref_slice %arg8[%scan3A_52, %swap3A_1889, %swap3A_1890] : memref<2x128x80xf32, #tpu.memory_space<vmem>> -> memref<1x128x80xf32, #tpu.memory_space<vmem>>
        %swap3A_1892 = tpu.memref_squeeze %swap3A_1891 : memref<1x128x80xf32, #tpu.memory_space<vmem>> -> memref<128x80xf32, #tpu.memory_space<vmem>>
        %swap3A_1893 = arith.index_cast %scan3A_1817 : i32 to index
        %swap3A_1894 = arith.constant 48 : index
        %swap3A_1895 = tpu.vector_load %swap3A_1892[%swap3A_1893, %swap3A_1894] {strides = array<i32>} : memref<128x80xf32, #tpu.memory_space<vmem>>, vector<16xf32>,
        tpu.vector_store %swap3A_1892[%swap3A_1893, %swap3A_1894], %mul3A_1888 {strides = array<i32>} : memref<128x80xf32, #tpu.memory_space<vmem>>, vector<16xf32>,
        %scan3A_1896 = arith.constant 1 : i32
        %scan3A_1897 = arith.addi %scan3A_1817, %scan3A_1896 : i32
        %get3A_1898 = arith.index_cast %scan3A_1897 : i32 to index
        %get3A_1899 = arith.constant 0 : index
        %get3A_1900 = tpu.vector_load %arg13[%get3A_1898, %get3A_1899] {strides = array<i32>} : memref<128x16xf32, #tpu.memory_space<vmem>>, vector<16xf32>,
        %swap3A_1901 = arith.constant 0 : i32
        %swap3A_1902 = arith.constant 0 : i32
        %swap3A_1903 = tpu.memref_slice %arg8[%scan3A_52, %swap3A_1901, %swap3A_1902] : memref<2x128x80xf32, #tpu.memory_space<vmem>> -> memref<1x128x80xf32, #tpu.memory_space<vmem>>
        %swap3A_1904 = tpu.memref_squeeze %swap3A_1903 : memref<1x128x80xf32, #tpu.memory_space<vmem>> -> memref<128x80xf32, #tpu.memory_space<vmem>>
        %swap3A_1905 = arith.index_cast %scan3A_1897 : i32 to index
        %swap3A_1906 = arith.constant 64 : index
        %swap3A_1907 = tpu.vector_load %swap3A_1904[%swap3A_1905, %swap3A_1906] {strides = array<i32>} : memref<128x80xf32, #tpu.memory_space<vmem>>, vector<16xf32>,
        tpu.vector_store %swap3A_1904[%swap3A_1905, %swap3A_1906], %get3A_1900 {strides = array<i32>} : memref<128x80xf32, #tpu.memory_space<vmem>>, vector<16xf32>,
        %get3A_1908 = arith.constant 0 : i32
        %get3A_1909 = arith.constant 0 : i32
        %get3A_1910 = tpu.memref_slice %arg8[%scan3A_52, %get3A_1908, %get3A_1909] : memref<2x128x80xf32, #tpu.memory_space<vmem>> -> memref<1x128x80xf32, #tpu.memory_space<vmem>>
        %get3A_1911 = tpu.memref_squeeze %get3A_1910 : memref<1x128x80xf32, #tpu.memory_space<vmem>> -> memref<128x80xf32, #tpu.memory_space<vmem>>
        %get3A_1912 = arith.index_cast %scan3A_1897 : i32 to index
        %get3A_1913 = arith.constant 0 : index
        %get3A_1914 = tpu.vector_load %get3A_1911[%get3A_1912, %get3A_1913] {strides = array<i32>} : memref<128x80xf32, #tpu.memory_space<vmem>>, vector<16xf32>,
        %slice3A_1915 = vector.extract_strided_slice %get3A_1900 {offsets = [0], sizes = [1], strides = [1]} : vector<16xf32> to vector<1xf32>
        %squeeze3A_1916 = vector.extract %slice3A_1915[0] : f32 from vector<1xf32>
        %mul3A_1917 = vector.broadcast %squeeze3A_1916 : f32 to vector<16xf32>
        %mul3A_1918 = arith.mulf %get3A_1914, %mul3A_1917 : vector<16xf32>
        %swap3A_1919 = arith.constant 0 : i32
        %swap3A_1920 = arith.constant 0 : i32
        %swap3A_1921 = tpu.memref_slice %arg8[%scan3A_52, %swap3A_1919, %swap3A_1920] : memref<2x128x80xf32, #tpu.memory_space<vmem>> -> memref<1x128x80xf32, #tpu.memory_space<vmem>>
        %swap3A_1922 = tpu.memref_squeeze %swap3A_1921 : memref<1x128x80xf32, #tpu.memory_space<vmem>> -> memref<128x80xf32, #tpu.memory_space<vmem>>
        %swap3A_1923 = arith.index_cast %scan3A_1897 : i32 to index
        %swap3A_1924 = arith.constant 0 : index
        %swap3A_1925 = tpu.vector_load %swap3A_1922[%swap3A_1923, %swap3A_1924] {strides = array<i32>} : memref<128x80xf32, #tpu.memory_space<vmem>>, vector<16xf32>,
        tpu.vector_store %swap3A_1922[%swap3A_1923, %swap3A_1924], %mul3A_1918 {strides = array<i32>} : memref<128x80xf32, #tpu.memory_space<vmem>>, vector<16xf32>,
        %get3A_1926 = arith.constant 0 : i32
        %get3A_1927 = arith.constant 0 : i32
        %get3A_1928 = tpu.memref_slice %arg8[%scan3A_52, %get3A_1926, %get3A_1927] : memref<2x128x80xf32, #tpu.memory_space<vmem>> -> memref<1x128x80xf32, #tpu.memory_space<vmem>>
        %get3A_1929 = tpu.memref_squeeze %get3A_1928 : memref<1x128x80xf32, #tpu.memory_space<vmem>> -> memref<128x80xf32, #tpu.memory_space<vmem>>
        %get3A_1930 = arith.index_cast %scan3A_1897 : i32 to index
        %get3A_1931 = arith.constant 16 : index
        %get3A_1932 = tpu.vector_load %get3A_1929[%get3A_1930, %get3A_1931] {strides = array<i32>} : memref<128x80xf32, #tpu.memory_space<vmem>>, vector<16xf32>,
        %slice3A_1933 = vector.extract_strided_slice %get3A_1900 {offsets = [1], sizes = [1], strides = [1]} : vector<16xf32> to vector<1xf32>
        %squeeze3A_1934 = vector.extract %slice3A_1933[0] : f32 from vector<1xf32>
        %mul3A_1935 = vector.broadcast %squeeze3A_1934 : f32 to vector<16xf32>
        %mul3A_1936 = arith.mulf %get3A_1932, %mul3A_1935 : vector<16xf32>
        %swap3A_1937 = arith.constant 0 : i32
        %swap3A_1938 = arith.constant 0 : i32
        %swap3A_1939 = tpu.memref_slice %arg8[%scan3A_52, %swap3A_1937, %swap3A_1938] : memref<2x128x80xf32, #tpu.memory_space<vmem>> -> memref<1x128x80xf32, #tpu.memory_space<vmem>>
        %swap3A_1940 = tpu.memref_squeeze %swap3A_1939 : memref<1x128x80xf32, #tpu.memory_space<vmem>> -> memref<128x80xf32, #tpu.memory_space<vmem>>
        %swap3A_1941 = arith.index_cast %scan3A_1897 : i32 to index
        %swap3A_1942 = arith.constant 16 : index
        %swap3A_1943 = tpu.vector_load %swap3A_1940[%swap3A_1941, %swap3A_1942] {strides = array<i32>} : memref<128x80xf32, #tpu.memory_space<vmem>>, vector<16xf32>,
        tpu.vector_store %swap3A_1940[%swap3A_1941, %swap3A_1942], %mul3A_1936 {strides = array<i32>} : memref<128x80xf32, #tpu.memory_space<vmem>>, vector<16xf32>,
        %get3A_1944 = arith.constant 0 : i32
        %get3A_1945 = arith.constant 0 : i32
        %get3A_1946 = tpu.memref_slice %arg8[%scan3A_52, %get3A_1944, %get3A_1945] : memref<2x128x80xf32, #tpu.memory_space<vmem>> -> memref<1x128x80xf32, #tpu.memory_space<vmem>>
        %get3A_1947 = tpu.memref_squeeze %get3A_1946 : memref<1x128x80xf32, #tpu.memory_space<vmem>> -> memref<128x80xf32, #tpu.memory_space<vmem>>
        %get3A_1948 = arith.index_cast %scan3A_1897 : i32 to index
        %get3A_1949 = arith.constant 32 : index
        %get3A_1950 = tpu.vector_load %get3A_1947[%get3A_1948, %get3A_1949] {strides = array<i32>} : memref<128x80xf32, #tpu.memory_space<vmem>>, vector<16xf32>,
        %slice3A_1951 = vector.extract_strided_slice %get3A_1900 {offsets = [2], sizes = [1], strides = [1]} : vector<16xf32> to vector<1xf32>
        %squeeze3A_1952 = vector.extract %slice3A_1951[0] : f32 from vector<1xf32>
        %mul3A_1953 = vector.broadcast %squeeze3A_1952 : f32 to vector<16xf32>
        %mul3A_1954 = arith.mulf %get3A_1950, %mul3A_1953 : vector<16xf32>
        %swap3A_1955 = arith.constant 0 : i32
        %swap3A_1956 = arith.constant 0 : i32
        %swap3A_1957 = tpu.memref_slice %arg8[%scan3A_52, %swap3A_1955, %swap3A_1956] : memref<2x128x80xf32, #tpu.memory_space<vmem>> -> memref<1x128x80xf32, #tpu.memory_space<vmem>>
        %swap3A_1958 = tpu.memref_squeeze %swap3A_1957 : memref<1x128x80xf32, #tpu.memory_space<vmem>> -> memref<128x80xf32, #tpu.memory_space<vmem>>
        %swap3A_1959 = arith.index_cast %scan3A_1897 : i32 to index
        %swap3A_1960 = arith.constant 32 : index
        %swap3A_1961 = tpu.vector_load %swap3A_1958[%swap3A_1959, %swap3A_1960] {strides = array<i32>} : memref<128x80xf32, #tpu.memory_space<vmem>>, vector<16xf32>,
        tpu.vector_store %swap3A_1958[%swap3A_1959, %swap3A_1960], %mul3A_1954 {strides = array<i32>} : memref<128x80xf32, #tpu.memory_space<vmem>>, vector<16xf32>,
        %get3A_1962 = arith.constant 0 : i32
        %get3A_1963 = arith.constant 0 : i32
        %get3A_1964 = tpu.memref_slice %arg8[%scan3A_52, %get3A_1962, %get3A_1963] : memref<2x128x80xf32, #tpu.memory_space<vmem>> -> memref<1x128x80xf32, #tpu.memory_space<vmem>>
        %get3A_1965 = tpu.memref_squeeze %get3A_1964 : memref<1x128x80xf32, #tpu.memory_space<vmem>> -> memref<128x80xf32, #tpu.memory_space<vmem>>
        %get3A_1966 = arith.index_cast %scan3A_1897 : i32 to index
        %get3A_1967 = arith.constant 48 : index
        %get3A_1968 = tpu.vector_load %get3A_1965[%get3A_1966, %get3A_1967] {strides = array<i32>} : memref<128x80xf32, #tpu.memory_space<vmem>>, vector<16xf32>,
        %slice3A_1969 = vector.extract_strided_slice %get3A_1900 {offsets = [3], sizes = [1], strides = [1]} : vector<16xf32> to vector<1xf32>
        %squeeze3A_1970 = vector.extract %slice3A_1969[0] : f32 from vector<1xf32>
        %mul3A_1971 = vector.broadcast %squeeze3A_1970 : f32 to vector<16xf32>
        %mul3A_1972 = arith.mulf %get3A_1968, %mul3A_1971 : vector<16xf32>
        %swap3A_1973 = arith.constant 0 : i32
        %swap3A_1974 = arith.constant 0 : i32
        %swap3A_1975 = tpu.memref_slice %arg8[%scan3A_52, %swap3A_1973, %swap3A_1974] : memref<2x128x80xf32, #tpu.memory_space<vmem>> -> memref<1x128x80xf32, #tpu.memory_space<vmem>>
        %swap3A_1976 = tpu.memref_squeeze %swap3A_1975 : memref<1x128x80xf32, #tpu.memory_space<vmem>> -> memref<128x80xf32, #tpu.memory_space<vmem>>
        %swap3A_1977 = arith.index_cast %scan3A_1897 : i32 to index
        %swap3A_1978 = arith.constant 48 : index
        %swap3A_1979 = tpu.vector_load %swap3A_1976[%swap3A_1977, %swap3A_1978] {strides = array<i32>} : memref<128x80xf32, #tpu.memory_space<vmem>>, vector<16xf32>,
        tpu.vector_store %swap3A_1976[%swap3A_1977, %swap3A_1978], %mul3A_1972 {strides = array<i32>} : memref<128x80xf32, #tpu.memory_space<vmem>>, vector<16xf32>,
      }
      %scan3A_952 = arith.constant 128 : i32
      "tpu.region"() ({
        %run_scoped3A_1817 = tpu.sem_alloc : memref<!tpu.dma_semaphore, #tpu.memory_space<semaphore_mem>>
        %dma_start3A_1818 = arith.constant 0 : i32
        %dma_start3A_1819 = arith.constant 0 : i32
        %dma_start3A_1820 = tpu.memref_slice %arg8[%scan3A_52, %dma_start3A_1818, %dma_start3A_1819] : memref<2x128x80xf32, #tpu.memory_space<vmem>> -> memref<1x128x80xf32, #tpu.memory_space<vmem>>
        %dma_start3A_1821 = tpu.memref_squeeze %dma_start3A_1820 : memref<1x128x80xf32, #tpu.memory_space<vmem>> -> memref<128x80xf32, #tpu.memory_space<vmem>>
        %dma_start3A_1822 = arith.constant 0 : i32
        %dma_start3A_1823 = tpu.memref_slice %arg12[%scan3A_50, %dma_start3A_1822] : memref<2x128xi32, #tpu.memory_space<vmem>> -> memref<1x128xi32, #tpu.memory_space<vmem>>
        %dma_start3A_1824 = tpu.memref_squeeze %dma_start3A_1823 : memref<1x128xi32, #tpu.memory_space<vmem>> -> memref<128xi32, #tpu.memory_space<vmem>>
        %dma_start3A_1825 = arith.constant 0 : i32
        %dma_start3A_1826 = arith.constant 0 : i32
        %dma_start3A_1827 = tpu.memref_slice %arg15[%dma_start3A_1825, %dma_start3A_1826] : memref<10112x80xf32, #tpu.memory_space<vmem_shared>> -> memref<10112x80xf32, #tpu.memory_space<vmem_shared>>
        tpu.enqueue_indirect_dma source(%dma_start3A_1821 : memref<128x80xf32, #tpu.memory_space<vmem>>) target(%dma_start3A_1827 : memref<10112x80xf32, #tpu.memory_space<vmem_shared>>) offsets(%dma_start3A_1824 : memref<128xi32, #tpu.memory_space<vmem>>) semaphore(%run_scoped3A_1817 : memref<!tpu.dma_semaphore, #tpu.memory_space<semaphore_mem>>) {add = true}
        %dma_wait3A_1828 = arith.constant 0 : i32
        %dma_wait3A_1829 = arith.constant 0 : i32
        %dma_wait3A_1830 = tpu.memref_slice %arg8[%scan3A_52, %dma_wait3A_1828, %dma_wait3A_1829] : memref<2x128x80xf32, #tpu.memory_space<vmem>> -> memref<1x128x80xf32, #tpu.memory_space<vmem>>
        %dma_wait3A_1831 = tpu.memref_squeeze %dma_wait3A_1830 : memref<1x128x80xf32, #tpu.memory_space<vmem>> -> memref<128x80xf32, #tpu.memory_space<vmem>>
        %dma_wait3A_1832 = arith.constant 0 : i32
        %dma_wait3A_1833 = tpu.memref_slice %arg12[%scan3A_50, %dma_wait3A_1832] : memref<2x128xi32, #tpu.memory_space<vmem>> -> memref<1x128xi32, #tpu.memory_space<vmem>>
        %dma_wait3A_1834 = tpu.memref_squeeze %dma_wait3A_1833 : memref<1x128xi32, #tpu.memory_space<vmem>> -> memref<128xi32, #tpu.memory_space<vmem>>
        %dma_wait3A_1835 = arith.constant 0 : i32
        %dma_wait3A_1836 = arith.constant 0 : i32
        %dma_wait3A_1837 = tpu.memref_slice %arg15[%dma_wait3A_1835, %dma_wait3A_1836] : memref<10112x80xf32, #tpu.memory_space<vmem_shared>> -> memref<10112x80xf32, #tpu.memory_space<vmem_shared>>
        tpu.wait_indirect_dma semaphore(%run_scoped3A_1817 : memref<!tpu.dma_semaphore, #tpu.memory_space<semaphore_mem>>) src(%dma_wait3A_1831 : memref<128x80xf32, #tpu.memory_space<vmem>>) dst(%dma_wait3A_1837 : memref<10112x80xf32, #tpu.memory_space<vmem_shared>>)
        tpu.yield
      }) : () -> ()
      %add3A_953 = arith.constant 2 : i32
      %add3A_954 = arith.addi %mul3A_61, %add3A_953 : i32
      %lt3A = arith.constant 80 : i32
      %lt3A_955 = arith.cmpi slt, %add3A_954, %lt3A : i32
      %convert_element_type3A = arith.extui %lt3A_955 : i1 to i32
      %cond3A = arith.constant 0 : i32
      %cond3A_956 = arith.cmpi ne, %convert_element_type3A, %cond3A : i32
      scf.if %cond3A_956 {
        %add3A_1817 = arith.constant 2 : i32
        %add3A_1818 = arith.addi %mul3A_61, %add3A_1817 : i32
        %mul3A_1819 = arith.constant 10240 : i32
        %mul3A_1820 = arith.muli %add3A, %mul3A_1819 : i32
        %mul3A_1821 = arith.constant 128 : i32
        %mul3A_1822 = arith.muli %add3A_1818, %mul3A_1821 : i32
        %add3A_1823 = arith.addi %mul3A_1820, %mul3A_1822 : i32
        "tpu.region"() ({
          %run_scoped3A_1854 = tpu.sem_alloc : memref<!tpu.dma_semaphore, #tpu.memory_space<semaphore_mem>>
          %dma_start3A_1855 = arith.constant 0 : i32
          %dma_start3A_1856 = tpu.memref_slice %arg11[%scan3A_48, %dma_start3A_1855] : memref<2x128xi32, #tpu.memory_space<vmem>> -> memref<1x128xi32, #tpu.memory_space<vmem>>
          %dma_start3A_1857 = tpu.memref_squeeze %dma_start3A_1856 : memref<1x128xi32, #tpu.memory_space<vmem>> -> memref<128xi32, #tpu.memory_space<vmem>>
          %dma_start3A_1858 = tpu.memref_slice %arg4[%add3A_1823] : memref<327680xi32, #tpu.memory_space<hbm>> -> memref<128xi32, #tpu.memory_space<hbm>>
          %dma_start3A_1859 = arith.constant 0 : i32
          %dma_start3A_1860 = tpu.memref_slice %arg11[%scan3A_48, %dma_start3A_1859] : memref<2x128xi32, #tpu.memory_space<vmem>> -> memref<1x128xi32, #tpu.memory_space<vmem>>
          %dma_start3A_1861 = tpu.memref_squeeze %dma_start3A_1860 : memref<1x128xi32, #tpu.memory_space<vmem>> -> memref<128xi32, #tpu.memory_space<vmem>>
          %dma_start3A_1862 = tpu.memref_slice %arg4[%add3A_1823] : memref<327680xi32, #tpu.memory_space<hbm>> -> memref<128xi32, #tpu.memory_space<hbm>>
          tpu.enqueue_dma source(%dma_start3A_1862 : memref<128xi32, #tpu.memory_space<hbm>>) target(%dma_start3A_1861 : memref<128xi32, #tpu.memory_space<vmem>>) target_semaphore(%run_scoped3A_1854 : memref<!tpu.dma_semaphore, #tpu.memory_space<semaphore_mem>>)
          %dma_wait3A_1863 = arith.constant 0 : i32
          %dma_wait3A_1864 = tpu.memref_slice %arg11[%scan3A_48, %dma_wait3A_1863] : memref<2x128xi32, #tpu.memory_space<vmem>> -> memref<1x128xi32, #tpu.memory_space<vmem>>
          %dma_wait3A_1865 = tpu.memref_squeeze %dma_wait3A_1864 : memref<1x128xi32, #tpu.memory_space<vmem>> -> memref<128xi32, #tpu.memory_space<vmem>>
          %dma_wait3A_1866 = tpu.memref_slice %arg4[%add3A_1823] : memref<327680xi32, #tpu.memory_space<hbm>> -> memref<128xi32, #tpu.memory_space<hbm>>
          %dma_wait3A_1867 = arith.constant 0 : i32
          %dma_wait3A_1868 = tpu.memref_slice %arg11[%scan3A_48, %dma_wait3A_1867] : memref<2x128xi32, #tpu.memory_space<vmem>> -> memref<1x128xi32, #tpu.memory_space<vmem>>
          %dma_wait3A_1869 = tpu.memref_squeeze %dma_wait3A_1868 : memref<1x128xi32, #tpu.memory_space<vmem>> -> memref<128xi32, #tpu.memory_space<vmem>>
          %dma_wait3A_1870 = tpu.memref_slice %arg4[%add3A_1823] : memref<327680xi32, #tpu.memory_space<hbm>> -> memref<128xi32, #tpu.memory_space<hbm>>
          tpu.wait_dma2 semaphore(%run_scoped3A_1854 : memref<!tpu.dma_semaphore, #tpu.memory_space<semaphore_mem>>) src(%dma_wait3A_1870 : memref<128xi32, #tpu.memory_space<hbm>>) dst(%dma_wait3A_1869 : memref<128xi32, #tpu.memory_space<vmem>>)
          tpu.yield
        }) : () -> ()
        "tpu.region"() ({
          %run_scoped3A_1854 = tpu.sem_alloc : memref<!tpu.dma_semaphore, #tpu.memory_space<semaphore_mem>>
          %dma_start3A_1855 = arith.constant 0 : i32
          %dma_start3A_1856 = tpu.memref_slice %arg12[%scan3A_50, %dma_start3A_1855] : memref<2x128xi32, #tpu.memory_space<vmem>> -> memref<1x128xi32, #tpu.memory_space<vmem>>
          %dma_start3A_1857 = tpu.memref_squeeze %dma_start3A_1856 : memref<1x128xi32, #tpu.memory_space<vmem>> -> memref<128xi32, #tpu.memory_space<vmem>>
          %dma_start3A_1858 = tpu.memref_slice %arg5[%add3A_1823] : memref<327680xi32, #tpu.memory_space<hbm>> -> memref<128xi32, #tpu.memory_space<hbm>>
          %dma_start3A_1859 = arith.constant 0 : i32
          %dma_start3A_1860 = tpu.memref_slice %arg12[%scan3A_50, %dma_start3A_1859] : memref<2x128xi32, #tpu.memory_space<vmem>> -> memref<1x128xi32, #tpu.memory_space<vmem>>
          %dma_start3A_1861 = tpu.memref_squeeze %dma_start3A_1860 : memref<1x128xi32, #tpu.memory_space<vmem>> -> memref<128xi32, #tpu.memory_space<vmem>>
          %dma_start3A_1862 = tpu.memref_slice %arg5[%add3A_1823] : memref<327680xi32, #tpu.memory_space<hbm>> -> memref<128xi32, #tpu.memory_space<hbm>>
          tpu.enqueue_dma source(%dma_start3A_1862 : memref<128xi32, #tpu.memory_space<hbm>>) target(%dma_start3A_1861 : memref<128xi32, #tpu.memory_space<vmem>>) target_semaphore(%run_scoped3A_1854 : memref<!tpu.dma_semaphore, #tpu.memory_space<semaphore_mem>>)
          %dma_wait3A_1863 = arith.constant 0 : i32
          %dma_wait3A_1864 = tpu.memref_slice %arg12[%scan3A_50, %dma_wait3A_1863] : memref<2x128xi32, #tpu.memory_space<vmem>> -> memref<1x128xi32, #tpu.memory_space<vmem>>
          %dma_wait3A_1865 = tpu.memref_squeeze %dma_wait3A_1864 : memref<1x128xi32, #tpu.memory_space<vmem>> -> memref<128xi32, #tpu.memory_space<vmem>>
          %dma_wait3A_1866 = tpu.memref_slice %arg5[%add3A_1823] : memref<327680xi32, #tpu.memory_space<hbm>> -> memref<128xi32, #tpu.memory_space<hbm>>
          %dma_wait3A_1867 = arith.constant 0 : i32
          %dma_wait3A_1868 = tpu.memref_slice %arg12[%scan3A_50, %dma_wait3A_1867] : memref<2x128xi32, #tpu.memory_space<vmem>> -> memref<1x128xi32, #tpu.memory_space<vmem>>
          %dma_wait3A_1869 = tpu.memref_squeeze %dma_wait3A_1868 : memref<1x128xi32, #tpu.memory_space<vmem>> -> memref<128xi32, #tpu.memory_space<vmem>>
          %dma_wait3A_1870 = tpu.memref_slice %arg5[%add3A_1823] : memref<327680xi32, #tpu.memory_space<hbm>> -> memref<128xi32, #tpu.memory_space<hbm>>
          tpu.wait_dma2 semaphore(%run_scoped3A_1854 : memref<!tpu.dma_semaphore, #tpu.memory_space<semaphore_mem>>) src(%dma_wait3A_1870 : memref<128xi32, #tpu.memory_space<hbm>>) dst(%dma_wait3A_1869 : memref<128xi32, #tpu.memory_space<vmem>>)
          tpu.yield
        }) : () -> ()
        %dma_start3A_1824 = arith.constant 0 : i32
        %dma_start3A_1825 = arith.constant 0 : i32
        %dma_start3A_1826 = tpu.memref_slice %arg8[%scan3A_52, %dma_start3A_1824, %dma_start3A_1825] : memref<2x128x80xf32, #tpu.memory_space<vmem>> -> memref<1x128x80xf32, #tpu.memory_space<vmem>>
        %dma_start3A_1827 = tpu.memref_squeeze %dma_start3A_1826 : memref<1x128x80xf32, #tpu.memory_space<vmem>> -> memref<128x80xf32, #tpu.memory_space<vmem>>
        %dma_start3A_1828 = arith.constant 0 : i32
        %dma_start3A_1829 = tpu.memref_slice %arg11[%scan3A_48, %dma_start3A_1828] : memref<2x128xi32, #tpu.memory_space<vmem>> -> memref<1x128xi32, #tpu.memory_space<vmem>>
        %dma_start3A_1830 = tpu.memref_squeeze %dma_start3A_1829 : memref<1x128xi32, #tpu.memory_space<vmem>> -> memref<128xi32, #tpu.memory_space<vmem>>
        %dma_start3A_1831 = arith.constant 0 : i32
        %dma_start3A_1832 = arith.constant 0 : i32
        %dma_start3A_1833 = tpu.memref_slice %arg2[%dma_start3A_1831, %dma_start3A_1832] : memref<10112x80xf32, #tpu.memory_space<hbm>> -> memref<10112x80xf32, #tpu.memory_space<hbm>>
        tpu.enqueue_indirect_dma source(%dma_start3A_1833 : memref<10112x80xf32, #tpu.memory_space<hbm>>) target(%dma_start3A_1827 : memref<128x80xf32, #tpu.memory_space<vmem>>) offsets(%dma_start3A_1830 : memref<128xi32, #tpu.memory_space<vmem>>) semaphore(%arg16 : memref<!tpu.dma_semaphore, #tpu.memory_space<semaphore_mem>>)
        %dma_start3A_1834 = arith.constant 0 : i32
        %dma_start3A_1835 = arith.constant 0 : i32
        %dma_start3A_1836 = tpu.memref_slice %arg9[%scan3A_49, %dma_start3A_1834, %dma_start3A_1835] : memref<2x128x16xf32, #tpu.memory_space<vmem>> -> memref<1x128x16xf32, #tpu.memory_space<vmem>>
        %dma_start3A_1837 = tpu.memref_squeeze %dma_start3A_1836 : memref<1x128x16xf32, #tpu.memory_space<vmem>> -> memref<128x16xf32, #tpu.memory_space<vmem>>
        %dma_start3A_1838 = arith.constant 0 : i32
        %dma_start3A_1839 = tpu.memref_slice %arg11[%scan3A_48, %dma_start3A_1838] : memref<2x128xi32, #tpu.memory_space<vmem>> -> memref<1x128xi32, #tpu.memory_space<vmem>>
        %dma_start3A_1840 = tpu.memref_squeeze %dma_start3A_1839 : memref<1x128xi32, #tpu.memory_space<vmem>> -> memref<128xi32, #tpu.memory_space<vmem>>
        %dma_start3A_1841 = arith.constant 0 : i32
        %dma_start3A_1842 = arith.constant 0 : i32
        %dma_start3A_1843 = tpu.memref_slice %arg14[%dma_start3A_1841, %dma_start3A_1842] : memref<10112x16xf32, #tpu.memory_space<vmem_shared>> -> memref<10112x16xf32, #tpu.memory_space<vmem_shared>>
        tpu.enqueue_indirect_dma source(%dma_start3A_1843 : memref<10112x16xf32, #tpu.memory_space<vmem_shared>>) target(%dma_start3A_1837 : memref<128x16xf32, #tpu.memory_space<vmem>>) offsets(%dma_start3A_1840 : memref<128xi32, #tpu.memory_space<vmem>>) semaphore(%arg18 : memref<!tpu.dma_semaphore, #tpu.memory_space<semaphore_mem>>)
        %dma_start3A_1844 = arith.constant 0 : i32
        %dma_start3A_1845 = arith.constant 0 : i32
        %dma_start3A_1846 = tpu.memref_slice %arg10[%scan3A_51, %dma_start3A_1844, %dma_start3A_1845] : memref<2x128x16xf32, #tpu.memory_space<vmem>> -> memref<1x128x16xf32, #tpu.memory_space<vmem>>
        %dma_start3A_1847 = tpu.memref_squeeze %dma_start3A_1846 : memref<1x128x16xf32, #tpu.memory_space<vmem>> -> memref<128x16xf32, #tpu.memory_space<vmem>>
        %dma_start3A_1848 = arith.constant 0 : i32
        %dma_start3A_1849 = tpu.memref_slice %arg12[%scan3A_50, %dma_start3A_1848] : memref<2x128xi32, #tpu.memory_space<vmem>> -> memref<1x128xi32, #tpu.memory_space<vmem>>
        %dma_start3A_1850 = tpu.memref_squeeze %dma_start3A_1849 : memref<1x128xi32, #tpu.memory_space<vmem>> -> memref<128xi32, #tpu.memory_space<vmem>>
        %dma_start3A_1851 = arith.constant 0 : i32
        %dma_start3A_1852 = arith.constant 0 : i32
        %dma_start3A_1853 = tpu.memref_slice %arg14[%dma_start3A_1851, %dma_start3A_1852] : memref<10112x16xf32, #tpu.memory_space<vmem_shared>> -> memref<10112x16xf32, #tpu.memory_space<vmem_shared>>
        tpu.enqueue_indirect_dma source(%dma_start3A_1853 : memref<10112x16xf32, #tpu.memory_space<vmem_shared>>) target(%dma_start3A_1847 : memref<128x16xf32, #tpu.memory_space<vmem>>) offsets(%dma_start3A_1850 : memref<128xi32, #tpu.memory_space<vmem>>) semaphore(%arg18 : memref<!tpu.dma_semaphore, #tpu.memory_space<semaphore_mem>>)
      } else {
      }
      %dma_wait3A_957 = arith.constant 0 : i32
      %dma_wait3A_958 = arith.constant 0 : i32
      %dma_wait3A_959 = tpu.memref_slice %arg9[%scan3A_46, %dma_wait3A_957, %dma_wait3A_958] : memref<2x128x16xf32, #tpu.memory_space<vmem>> -> memref<1x128x16xf32, #tpu.memory_space<vmem>>
      %dma_wait3A_960 = tpu.memref_squeeze %dma_wait3A_959 : memref<1x128x16xf32, #tpu.memory_space<vmem>> -> memref<128x16xf32, #tpu.memory_space<vmem>>
      %dma_wait3A_961 = arith.constant 0 : i32
      %dma_wait3A_962 = tpu.memref_slice %arg11[%scan3A_43, %dma_wait3A_961] : memref<2x128xi32, #tpu.memory_space<vmem>> -> memref<1x128xi32, #tpu.memory_space<vmem>>
      %dma_wait3A_963 = tpu.memref_squeeze %dma_wait3A_962 : memref<1x128xi32, #tpu.memory_space<vmem>> -> memref<128xi32, #tpu.memory_space<vmem>>
      %dma_wait3A_964 = arith.constant 0 : i32
      %dma_wait3A_965 = arith.constant 0 : i32
      %dma_wait3A_966 = tpu.memref_slice %arg14[%dma_wait3A_964, %dma_wait3A_965] : memref<10112x16xf32, #tpu.memory_space<vmem_shared>> -> memref<10112x16xf32, #tpu.memory_space<vmem_shared>>
      tpu.wait_indirect_dma semaphore(%arg19 : memref<!tpu.dma_semaphore, #tpu.memory_space<semaphore_mem>>) src(%dma_wait3A_966 : memref<10112x16xf32, #tpu.memory_space<vmem_shared>>) dst(%dma_wait3A_960 : memref<128x16xf32, #tpu.memory_space<vmem>>)
      %dma_wait3A_967 = arith.constant 0 : i32
      %dma_wait3A_968 = arith.constant 0 : i32
      %dma_wait3A_969 = tpu.memref_slice %arg10[%scan3A_47, %dma_wait3A_967, %dma_wait3A_968] : memref<2x128x16xf32, #tpu.memory_space<vmem>> -> memref<1x128x16xf32, #tpu.memory_space<vmem>>
      %dma_wait3A_970 = tpu.memref_squeeze %dma_wait3A_969 : memref<1x128x16xf32, #tpu.memory_space<vmem>> -> memref<128x16xf32, #tpu.memory_space<vmem>>
      %dma_wait3A_971 = arith.constant 0 : i32
      %dma_wait3A_972 = tpu.memref_slice %arg12[%scan3A_44, %dma_wait3A_971] : memref<2x128xi32, #tpu.memory_space<vmem>> -> memref<1x128xi32, #tpu.memory_space<vmem>>
      %dma_wait3A_973 = tpu.memref_squeeze %dma_wait3A_972 : memref<1x128xi32, #tpu.memory_space<vmem>> -> memref<128xi32, #tpu.memory_space<vmem>>
      %dma_wait3A_974 = arith.constant 0 : i32
      %dma_wait3A_975 = arith.constant 0 : i32
      %dma_wait3A_976 = tpu.memref_slice %arg14[%dma_wait3A_974, %dma_wait3A_975] : memref<10112x16xf32, #tpu.memory_space<vmem_shared>> -> memref<10112x16xf32, #tpu.memory_space<vmem_shared>>
      tpu.wait_indirect_dma semaphore(%arg19 : memref<!tpu.dma_semaphore, #tpu.memory_space<semaphore_mem>>) src(%dma_wait3A_976 : memref<10112x16xf32, #tpu.memory_space<vmem_shared>>) dst(%dma_wait3A_970 : memref<128x16xf32, #tpu.memory_space<vmem>>)
      %add3A_977 = arith.constant 0 : i32
      %add3A_978 = vector.broadcast %add3A_977 : i32 to vector<16xi32>
      %add3A_979 = arith.addi %add3A_978, %iota3A : vector<16xi32>
      %broadcast_in_dim3A_980 = arith.constant 0 : i32
      %broadcast_in_dim3A_981 = vector.broadcast %broadcast_in_dim3A_980 : i32 to vector<16xi32>
      %gather3A_982 = arith.constant 0 : i32
      %gather3A_983 = arith.constant 0 : i32
      %gather3A_984 = tpu.memref_slice %arg9[%scan3A_46, %gather3A_982, %gather3A_983] : memref<2x128x16xf32, #tpu.memory_space<vmem>> -> memref<1x128x16xf32, #tpu.memory_space<vmem>>
      %gather3A_985 = tpu.memref_squeeze %gather3A_984 : memref<1x128x16xf32, #tpu.memory_space<vmem>> -> memref<128x16xf32, #tpu.memory_space<vmem>>
      %gather3A_986 = tpu.vector_load_idx %gather3A_985[%add3A_979, %broadcast_in_dim3A_981] : memref<128x16xf32, #tpu.memory_space<vmem>>[vector<16xi32>, vector<16xi32>], vector<16xf32>,
      %broadcast_in_dim3A_987 = arith.constant 4 : i32
      %broadcast_in_dim3A_988 = vector.broadcast %broadcast_in_dim3A_987 : i32 to vector<16xi32>
      %gather3A_989 = arith.constant 0 : i32
      %gather3A_990 = arith.constant 0 : i32
      %gather3A_991 = tpu.memref_slice %arg10[%scan3A_47, %gather3A_989, %gather3A_990] : memref<2x128x16xf32, #tpu.memory_space<vmem>> -> memref<1x128x16xf32, #tpu.memory_space<vmem>>
      %gather3A_992 = tpu.memref_squeeze %gather3A_991 : memref<1x128x16xf32, #tpu.memory_space<vmem>> -> memref<128x16xf32, #tpu.memory_space<vmem>>
      %gather3A_993 = tpu.vector_load_idx %gather3A_992[%add3A_979, %broadcast_in_dim3A_988] : memref<128x16xf32, #tpu.memory_space<vmem>>[vector<16xi32>, vector<16xi32>], vector<16xf32>,
      %add3A_994 = arith.addf %gather3A_986, %gather3A_993 : vector<16xf32>
      %ge3A_995 = arith.constant 0.000000e+00 : f32
      %ge3A_996 = vector.broadcast %ge3A_995 : f32 to vector<16xf32>
      %ge3A_997 = arith.cmpf oge, %add3A_994, %ge3A_996 : vector<16xf32>
      %mul3A_998 = arith.constant 2.000000e-01 : f32
      %mul3A_999 = vector.broadcast %mul3A_998 : f32 to vector<16xf32>
      %mul3A_1000 = arith.mulf %mul3A_999, %add3A_994 : vector<16xf32>
      %select_n3A_1001 = arith.select %ge3A_997, %add3A_994, %mul3A_1000 : vector<16xi1>, vector<16xf32>
      %exp3A_1002 = math.exp %select_n3A_1001 : vector<16xf32>
      %broadcast_in_dim3A_1003 = arith.constant 0 : i32
      %broadcast_in_dim3A_1004 = vector.broadcast %broadcast_in_dim3A_1003 : i32 to vector<16xi32>
      tpu.vector_store_idx %arg13[%add3A_979, %broadcast_in_dim3A_1004], %exp3A_1002 : memref<128x16xf32, #tpu.memory_space<vmem>>[vector<16xi32>, vector<16xi32>], vector<16xf32>,
      %broadcast_in_dim3A_1005 = arith.constant 1 : i32
      %broadcast_in_dim3A_1006 = vector.broadcast %broadcast_in_dim3A_1005 : i32 to vector<16xi32>
      %gather3A_1007 = arith.constant 0 : i32
      %gather3A_1008 = arith.constant 0 : i32
      %gather3A_1009 = tpu.memref_slice %arg9[%scan3A_46, %gather3A_1007, %gather3A_1008] : memref<2x128x16xf32, #tpu.memory_space<vmem>> -> memref<1x128x16xf32, #tpu.memory_space<vmem>>
      %gather3A_1010 = tpu.memref_squeeze %gather3A_1009 : memref<1x128x16xf32, #tpu.memory_space<vmem>> -> memref<128x16xf32, #tpu.memory_space<vmem>>
      %gather3A_1011 = tpu.vector_load_idx %gather3A_1010[%add3A_979, %broadcast_in_dim3A_1006] : memref<128x16xf32, #tpu.memory_space<vmem>>[vector<16xi32>, vector<16xi32>], vector<16xf32>,
      %broadcast_in_dim3A_1012 = arith.constant 5 : i32
      %broadcast_in_dim3A_1013 = vector.broadcast %broadcast_in_dim3A_1012 : i32 to vector<16xi32>
      %gather3A_1014 = arith.constant 0 : i32
      %gather3A_1015 = arith.constant 0 : i32
      %gather3A_1016 = tpu.memref_slice %arg10[%scan3A_47, %gather3A_1014, %gather3A_1015] : memref<2x128x16xf32, #tpu.memory_space<vmem>> -> memref<1x128x16xf32, #tpu.memory_space<vmem>>
      %gather3A_1017 = tpu.memref_squeeze %gather3A_1016 : memref<1x128x16xf32, #tpu.memory_space<vmem>> -> memref<128x16xf32, #tpu.memory_space<vmem>>
      %gather3A_1018 = tpu.vector_load_idx %gather3A_1017[%add3A_979, %broadcast_in_dim3A_1013] : memref<128x16xf32, #tpu.memory_space<vmem>>[vector<16xi32>, vector<16xi32>], vector<16xf32>,
      %add3A_1019 = arith.addf %gather3A_1011, %gather3A_1018 : vector<16xf32>
      %ge3A_1020 = arith.constant 0.000000e+00 : f32
      %ge3A_1021 = vector.broadcast %ge3A_1020 : f32 to vector<16xf32>
      %ge3A_1022 = arith.cmpf oge, %add3A_1019, %ge3A_1021 : vector<16xf32>
      %mul3A_1023 = arith.constant 2.000000e-01 : f32
      %mul3A_1024 = vector.broadcast %mul3A_1023 : f32 to vector<16xf32>
      %mul3A_1025 = arith.mulf %mul3A_1024, %add3A_1019 : vector<16xf32>
      %select_n3A_1026 = arith.select %ge3A_1022, %add3A_1019, %mul3A_1025 : vector<16xi1>, vector<16xf32>
      %exp3A_1027 = math.exp %select_n3A_1026 : vector<16xf32>
      %broadcast_in_dim3A_1028 = arith.constant 1 : i32
      %broadcast_in_dim3A_1029 = vector.broadcast %broadcast_in_dim3A_1028 : i32 to vector<16xi32>
      tpu.vector_store_idx %arg13[%add3A_979, %broadcast_in_dim3A_1029], %exp3A_1027 : memref<128x16xf32, #tpu.memory_space<vmem>>[vector<16xi32>, vector<16xi32>], vector<16xf32>,
      %broadcast_in_dim3A_1030 = arith.constant 2 : i32
      %broadcast_in_dim3A_1031 = vector.broadcast %broadcast_in_dim3A_1030 : i32 to vector<16xi32>
      %gather3A_1032 = arith.constant 0 : i32
      %gather3A_1033 = arith.constant 0 : i32
      %gather3A_1034 = tpu.memref_slice %arg9[%scan3A_46, %gather3A_1032, %gather3A_1033] : memref<2x128x16xf32, #tpu.memory_space<vmem>> -> memref<1x128x16xf32, #tpu.memory_space<vmem>>
      %gather3A_1035 = tpu.memref_squeeze %gather3A_1034 : memref<1x128x16xf32, #tpu.memory_space<vmem>> -> memref<128x16xf32, #tpu.memory_space<vmem>>
      %gather3A_1036 = tpu.vector_load_idx %gather3A_1035[%add3A_979, %broadcast_in_dim3A_1031] : memref<128x16xf32, #tpu.memory_space<vmem>>[vector<16xi32>, vector<16xi32>], vector<16xf32>,
      %broadcast_in_dim3A_1037 = arith.constant 6 : i32
      %broadcast_in_dim3A_1038 = vector.broadcast %broadcast_in_dim3A_1037 : i32 to vector<16xi32>
      %gather3A_1039 = arith.constant 0 : i32
      %gather3A_1040 = arith.constant 0 : i32
      %gather3A_1041 = tpu.memref_slice %arg10[%scan3A_47, %gather3A_1039, %gather3A_1040] : memref<2x128x16xf32, #tpu.memory_space<vmem>> -> memref<1x128x16xf32, #tpu.memory_space<vmem>>
      %gather3A_1042 = tpu.memref_squeeze %gather3A_1041 : memref<1x128x16xf32, #tpu.memory_space<vmem>> -> memref<128x16xf32, #tpu.memory_space<vmem>>
      %gather3A_1043 = tpu.vector_load_idx %gather3A_1042[%add3A_979, %broadcast_in_dim3A_1038] : memref<128x16xf32, #tpu.memory_space<vmem>>[vector<16xi32>, vector<16xi32>], vector<16xf32>,
      %add3A_1044 = arith.addf %gather3A_1036, %gather3A_1043 : vector<16xf32>
      %ge3A_1045 = arith.constant 0.000000e+00 : f32
      %ge3A_1046 = vector.broadcast %ge3A_1045 : f32 to vector<16xf32>
      %ge3A_1047 = arith.cmpf oge, %add3A_1044, %ge3A_1046 : vector<16xf32>
      %mul3A_1048 = arith.constant 2.000000e-01 : f32
      %mul3A_1049 = vector.broadcast %mul3A_1048 : f32 to vector<16xf32>
      %mul3A_1050 = arith.mulf %mul3A_1049, %add3A_1044 : vector<16xf32>
      %select_n3A_1051 = arith.select %ge3A_1047, %add3A_1044, %mul3A_1050 : vector<16xi1>, vector<16xf32>
      %exp3A_1052 = math.exp %select_n3A_1051 : vector<16xf32>
      %broadcast_in_dim3A_1053 = arith.constant 2 : i32
      %broadcast_in_dim3A_1054 = vector.broadcast %broadcast_in_dim3A_1053 : i32 to vector<16xi32>
      tpu.vector_store_idx %arg13[%add3A_979, %broadcast_in_dim3A_1054], %exp3A_1052 : memref<128x16xf32, #tpu.memory_space<vmem>>[vector<16xi32>, vector<16xi32>], vector<16xf32>,
      %broadcast_in_dim3A_1055 = arith.constant 3 : i32
      %broadcast_in_dim3A_1056 = vector.broadcast %broadcast_in_dim3A_1055 : i32 to vector<16xi32>
      %gather3A_1057 = arith.constant 0 : i32
      %gather3A_1058 = arith.constant 0 : i32
      %gather3A_1059 = tpu.memref_slice %arg9[%scan3A_46, %gather3A_1057, %gather3A_1058] : memref<2x128x16xf32, #tpu.memory_space<vmem>> -> memref<1x128x16xf32, #tpu.memory_space<vmem>>
      %gather3A_1060 = tpu.memref_squeeze %gather3A_1059 : memref<1x128x16xf32, #tpu.memory_space<vmem>> -> memref<128x16xf32, #tpu.memory_space<vmem>>
      %gather3A_1061 = tpu.vector_load_idx %gather3A_1060[%add3A_979, %broadcast_in_dim3A_1056] : memref<128x16xf32, #tpu.memory_space<vmem>>[vector<16xi32>, vector<16xi32>], vector<16xf32>,
      %broadcast_in_dim3A_1062 = arith.constant 7 : i32
      %broadcast_in_dim3A_1063 = vector.broadcast %broadcast_in_dim3A_1062 : i32 to vector<16xi32>
      %gather3A_1064 = arith.constant 0 : i32
      %gather3A_1065 = arith.constant 0 : i32
      %gather3A_1066 = tpu.memref_slice %arg10[%scan3A_47, %gather3A_1064, %gather3A_1065] : memref<2x128x16xf32, #tpu.memory_space<vmem>> -> memref<1x128x16xf32, #tpu.memory_space<vmem>>
      %gather3A_1067 = tpu.memref_squeeze %gather3A_1066 : memref<1x128x16xf32, #tpu.memory_space<vmem>> -> memref<128x16xf32, #tpu.memory_space<vmem>>
      %gather3A_1068 = tpu.vector_load_idx %gather3A_1067[%add3A_979, %broadcast_in_dim3A_1063] : memref<128x16xf32, #tpu.memory_space<vmem>>[vector<16xi32>, vector<16xi32>], vector<16xf32>,
      %add3A_1069 = arith.addf %gather3A_1061, %gather3A_1068 : vector<16xf32>
      %ge3A_1070 = arith.constant 0.000000e+00 : f32
      %ge3A_1071 = vector.broadcast %ge3A_1070 : f32 to vector<16xf32>
      %ge3A_1072 = arith.cmpf oge, %add3A_1069, %ge3A_1071 : vector<16xf32>
      %mul3A_1073 = arith.constant 2.000000e-01 : f32
      %mul3A_1074 = vector.broadcast %mul3A_1073 : f32 to vector<16xf32>
      %mul3A_1075 = arith.mulf %mul3A_1074, %add3A_1069 : vector<16xf32>
      %select_n3A_1076 = arith.select %ge3A_1072, %add3A_1069, %mul3A_1075 : vector<16xi1>, vector<16xf32>
      %exp3A_1077 = math.exp %select_n3A_1076 : vector<16xf32>
      %broadcast_in_dim3A_1078 = arith.constant 3 : i32
      %broadcast_in_dim3A_1079 = vector.broadcast %broadcast_in_dim3A_1078 : i32 to vector<16xi32>
      tpu.vector_store_idx %arg13[%add3A_979, %broadcast_in_dim3A_1079], %exp3A_1077 : memref<128x16xf32, #tpu.memory_space<vmem>>[vector<16xi32>, vector<16xi32>], vector<16xf32>,
      %add3A_1080 = arith.constant 16 : i32
      %add3A_1081 = vector.broadcast %add3A_1080 : i32 to vector<16xi32>
      %add3A_1082 = arith.addi %add3A_1081, %iota3A : vector<16xi32>
      %broadcast_in_dim3A_1083 = arith.constant 0 : i32
      %broadcast_in_dim3A_1084 = vector.broadcast %broadcast_in_dim3A_1083 : i32 to vector<16xi32>
      %gather3A_1085 = arith.constant 0 : i32
      %gather3A_1086 = arith.constant 0 : i32
      %gather3A_1087 = tpu.memref_slice %arg9[%scan3A_46, %gather3A_1085, %gather3A_1086] : memref<2x128x16xf32, #tpu.memory_space<vmem>> -> memref<1x128x16xf32, #tpu.memory_space<vmem>>
      %gather3A_1088 = tpu.memref_squeeze %gather3A_1087 : memref<1x128x16xf32, #tpu.memory_space<vmem>> -> memref<128x16xf32, #tpu.memory_space<vmem>>
      %gather3A_1089 = tpu.vector_load_idx %gather3A_1088[%add3A_1082, %broadcast_in_dim3A_1084] : memref<128x16xf32, #tpu.memory_space<vmem>>[vector<16xi32>, vector<16xi32>], vector<16xf32>,
      %broadcast_in_dim3A_1090 = arith.constant 4 : i32
      %broadcast_in_dim3A_1091 = vector.broadcast %broadcast_in_dim3A_1090 : i32 to vector<16xi32>
      %gather3A_1092 = arith.constant 0 : i32
      %gather3A_1093 = arith.constant 0 : i32
      %gather3A_1094 = tpu.memref_slice %arg10[%scan3A_47, %gather3A_1092, %gather3A_1093] : memref<2x128x16xf32, #tpu.memory_space<vmem>> -> memref<1x128x16xf32, #tpu.memory_space<vmem>>
      %gather3A_1095 = tpu.memref_squeeze %gather3A_1094 : memref<1x128x16xf32, #tpu.memory_space<vmem>> -> memref<128x16xf32, #tpu.memory_space<vmem>>
      %gather3A_1096 = tpu.vector_load_idx %gather3A_1095[%add3A_1082, %broadcast_in_dim3A_1091] : memref<128x16xf32, #tpu.memory_space<vmem>>[vector<16xi32>, vector<16xi32>], vector<16xf32>,
      %add3A_1097 = arith.addf %gather3A_1089, %gather3A_1096 : vector<16xf32>
      %ge3A_1098 = arith.constant 0.000000e+00 : f32
      %ge3A_1099 = vector.broadcast %ge3A_1098 : f32 to vector<16xf32>
      %ge3A_1100 = arith.cmpf oge, %add3A_1097, %ge3A_1099 : vector<16xf32>
      %mul3A_1101 = arith.constant 2.000000e-01 : f32
      %mul3A_1102 = vector.broadcast %mul3A_1101 : f32 to vector<16xf32>
      %mul3A_1103 = arith.mulf %mul3A_1102, %add3A_1097 : vector<16xf32>
      %select_n3A_1104 = arith.select %ge3A_1100, %add3A_1097, %mul3A_1103 : vector<16xi1>, vector<16xf32>
      %exp3A_1105 = math.exp %select_n3A_1104 : vector<16xf32>
      %broadcast_in_dim3A_1106 = arith.constant 0 : i32
      %broadcast_in_dim3A_1107 = vector.broadcast %broadcast_in_dim3A_1106 : i32 to vector<16xi32>
      tpu.vector_store_idx %arg13[%add3A_1082, %broadcast_in_dim3A_1107], %exp3A_1105 : memref<128x16xf32, #tpu.memory_space<vmem>>[vector<16xi32>, vector<16xi32>], vector<16xf32>,
      %broadcast_in_dim3A_1108 = arith.constant 1 : i32
      %broadcast_in_dim3A_1109 = vector.broadcast %broadcast_in_dim3A_1108 : i32 to vector<16xi32>
      %gather3A_1110 = arith.constant 0 : i32
      %gather3A_1111 = arith.constant 0 : i32
      %gather3A_1112 = tpu.memref_slice %arg9[%scan3A_46, %gather3A_1110, %gather3A_1111] : memref<2x128x16xf32, #tpu.memory_space<vmem>> -> memref<1x128x16xf32, #tpu.memory_space<vmem>>
      %gather3A_1113 = tpu.memref_squeeze %gather3A_1112 : memref<1x128x16xf32, #tpu.memory_space<vmem>> -> memref<128x16xf32, #tpu.memory_space<vmem>>
      %gather3A_1114 = tpu.vector_load_idx %gather3A_1113[%add3A_1082, %broadcast_in_dim3A_1109] : memref<128x16xf32, #tpu.memory_space<vmem>>[vector<16xi32>, vector<16xi32>], vector<16xf32>,
      %broadcast_in_dim3A_1115 = arith.constant 5 : i32
      %broadcast_in_dim3A_1116 = vector.broadcast %broadcast_in_dim3A_1115 : i32 to vector<16xi32>
      %gather3A_1117 = arith.constant 0 : i32
      %gather3A_1118 = arith.constant 0 : i32
      %gather3A_1119 = tpu.memref_slice %arg10[%scan3A_47, %gather3A_1117, %gather3A_1118] : memref<2x128x16xf32, #tpu.memory_space<vmem>> -> memref<1x128x16xf32, #tpu.memory_space<vmem>>
      %gather3A_1120 = tpu.memref_squeeze %gather3A_1119 : memref<1x128x16xf32, #tpu.memory_space<vmem>> -> memref<128x16xf32, #tpu.memory_space<vmem>>
      %gather3A_1121 = tpu.vector_load_idx %gather3A_1120[%add3A_1082, %broadcast_in_dim3A_1116] : memref<128x16xf32, #tpu.memory_space<vmem>>[vector<16xi32>, vector<16xi32>], vector<16xf32>,
      %add3A_1122 = arith.addf %gather3A_1114, %gather3A_1121 : vector<16xf32>
      %ge3A_1123 = arith.constant 0.000000e+00 : f32
      %ge3A_1124 = vector.broadcast %ge3A_1123 : f32 to vector<16xf32>
      %ge3A_1125 = arith.cmpf oge, %add3A_1122, %ge3A_1124 : vector<16xf32>
      %mul3A_1126 = arith.constant 2.000000e-01 : f32
      %mul3A_1127 = vector.broadcast %mul3A_1126 : f32 to vector<16xf32>
      %mul3A_1128 = arith.mulf %mul3A_1127, %add3A_1122 : vector<16xf32>
      %select_n3A_1129 = arith.select %ge3A_1125, %add3A_1122, %mul3A_1128 : vector<16xi1>, vector<16xf32>
      %exp3A_1130 = math.exp %select_n3A_1129 : vector<16xf32>
      %broadcast_in_dim3A_1131 = arith.constant 1 : i32
      %broadcast_in_dim3A_1132 = vector.broadcast %broadcast_in_dim3A_1131 : i32 to vector<16xi32>
      tpu.vector_store_idx %arg13[%add3A_1082, %broadcast_in_dim3A_1132], %exp3A_1130 : memref<128x16xf32, #tpu.memory_space<vmem>>[vector<16xi32>, vector<16xi32>], vector<16xf32>,
      %broadcast_in_dim3A_1133 = arith.constant 2 : i32
      %broadcast_in_dim3A_1134 = vector.broadcast %broadcast_in_dim3A_1133 : i32 to vector<16xi32>
      %gather3A_1135 = arith.constant 0 : i32
      %gather3A_1136 = arith.constant 0 : i32
      %gather3A_1137 = tpu.memref_slice %arg9[%scan3A_46, %gather3A_1135, %gather3A_1136] : memref<2x128x16xf32, #tpu.memory_space<vmem>> -> memref<1x128x16xf32, #tpu.memory_space<vmem>>
      %gather3A_1138 = tpu.memref_squeeze %gather3A_1137 : memref<1x128x16xf32, #tpu.memory_space<vmem>> -> memref<128x16xf32, #tpu.memory_space<vmem>>
      %gather3A_1139 = tpu.vector_load_idx %gather3A_1138[%add3A_1082, %broadcast_in_dim3A_1134] : memref<128x16xf32, #tpu.memory_space<vmem>>[vector<16xi32>, vector<16xi32>], vector<16xf32>,
      %broadcast_in_dim3A_1140 = arith.constant 6 : i32
      %broadcast_in_dim3A_1141 = vector.broadcast %broadcast_in_dim3A_1140 : i32 to vector<16xi32>
      %gather3A_1142 = arith.constant 0 : i32
      %gather3A_1143 = arith.constant 0 : i32
      %gather3A_1144 = tpu.memref_slice %arg10[%scan3A_47, %gather3A_1142, %gather3A_1143] : memref<2x128x16xf32, #tpu.memory_space<vmem>> -> memref<1x128x16xf32, #tpu.memory_space<vmem>>
      %gather3A_1145 = tpu.memref_squeeze %gather3A_1144 : memref<1x128x16xf32, #tpu.memory_space<vmem>> -> memref<128x16xf32, #tpu.memory_space<vmem>>
      %gather3A_1146 = tpu.vector_load_idx %gather3A_1145[%add3A_1082, %broadcast_in_dim3A_1141] : memref<128x16xf32, #tpu.memory_space<vmem>>[vector<16xi32>, vector<16xi32>], vector<16xf32>,
      %add3A_1147 = arith.addf %gather3A_1139, %gather3A_1146 : vector<16xf32>
      %ge3A_1148 = arith.constant 0.000000e+00 : f32
      %ge3A_1149 = vector.broadcast %ge3A_1148 : f32 to vector<16xf32>
      %ge3A_1150 = arith.cmpf oge, %add3A_1147, %ge3A_1149 : vector<16xf32>
      %mul3A_1151 = arith.constant 2.000000e-01 : f32
      %mul3A_1152 = vector.broadcast %mul3A_1151 : f32 to vector<16xf32>
      %mul3A_1153 = arith.mulf %mul3A_1152, %add3A_1147 : vector<16xf32>
      %select_n3A_1154 = arith.select %ge3A_1150, %add3A_1147, %mul3A_1153 : vector<16xi1>, vector<16xf32>
      %exp3A_1155 = math.exp %select_n3A_1154 : vector<16xf32>
      %broadcast_in_dim3A_1156 = arith.constant 2 : i32
      %broadcast_in_dim3A_1157 = vector.broadcast %broadcast_in_dim3A_1156 : i32 to vector<16xi32>
      tpu.vector_store_idx %arg13[%add3A_1082, %broadcast_in_dim3A_1157], %exp3A_1155 : memref<128x16xf32, #tpu.memory_space<vmem>>[vector<16xi32>, vector<16xi32>], vector<16xf32>,
      %broadcast_in_dim3A_1158 = arith.constant 3 : i32
      %broadcast_in_dim3A_1159 = vector.broadcast %broadcast_in_dim3A_1158 : i32 to vector<16xi32>
      %gather3A_1160 = arith.constant 0 : i32
      %gather3A_1161 = arith.constant 0 : i32
      %gather3A_1162 = tpu.memref_slice %arg9[%scan3A_46, %gather3A_1160, %gather3A_1161] : memref<2x128x16xf32, #tpu.memory_space<vmem>> -> memref<1x128x16xf32, #tpu.memory_space<vmem>>
      %gather3A_1163 = tpu.memref_squeeze %gather3A_1162 : memref<1x128x16xf32, #tpu.memory_space<vmem>> -> memref<128x16xf32, #tpu.memory_space<vmem>>
      %gather3A_1164 = tpu.vector_load_idx %gather3A_1163[%add3A_1082, %broadcast_in_dim3A_1159] : memref<128x16xf32, #tpu.memory_space<vmem>>[vector<16xi32>, vector<16xi32>], vector<16xf32>,
      %broadcast_in_dim3A_1165 = arith.constant 7 : i32
      %broadcast_in_dim3A_1166 = vector.broadcast %broadcast_in_dim3A_1165 : i32 to vector<16xi32>
      %gather3A_1167 = arith.constant 0 : i32
      %gather3A_1168 = arith.constant 0 : i32
      %gather3A_1169 = tpu.memref_slice %arg10[%scan3A_47, %gather3A_1167, %gather3A_1168] : memref<2x128x16xf32, #tpu.memory_space<vmem>> -> memref<1x128x16xf32, #tpu.memory_space<vmem>>
      %gather3A_1170 = tpu.memref_squeeze %gather3A_1169 : memref<1x128x16xf32, #tpu.memory_space<vmem>> -> memref<128x16xf32, #tpu.memory_space<vmem>>
      %gather3A_1171 = tpu.vector_load_idx %gather3A_1170[%add3A_1082, %broadcast_in_dim3A_1166] : memref<128x16xf32, #tpu.memory_space<vmem>>[vector<16xi32>, vector<16xi32>], vector<16xf32>,
      %add3A_1172 = arith.addf %gather3A_1164, %gather3A_1171 : vector<16xf32>
      %ge3A_1173 = arith.constant 0.000000e+00 : f32
      %ge3A_1174 = vector.broadcast %ge3A_1173 : f32 to vector<16xf32>
      %ge3A_1175 = arith.cmpf oge, %add3A_1172, %ge3A_1174 : vector<16xf32>
      %mul3A_1176 = arith.constant 2.000000e-01 : f32
      %mul3A_1177 = vector.broadcast %mul3A_1176 : f32 to vector<16xf32>
      %mul3A_1178 = arith.mulf %mul3A_1177, %add3A_1172 : vector<16xf32>
      %select_n3A_1179 = arith.select %ge3A_1175, %add3A_1172, %mul3A_1178 : vector<16xi1>, vector<16xf32>
      %exp3A_1180 = math.exp %select_n3A_1179 : vector<16xf32>
      %broadcast_in_dim3A_1181 = arith.constant 3 : i32
      %broadcast_in_dim3A_1182 = vector.broadcast %broadcast_in_dim3A_1181 : i32 to vector<16xi32>
      tpu.vector_store_idx %arg13[%add3A_1082, %broadcast_in_dim3A_1182], %exp3A_1180 : memref<128x16xf32, #tpu.memory_space<vmem>>[vector<16xi32>, vector<16xi32>], vector<16xf32>,
      %add3A_1183 = arith.constant 32 : i32
      %add3A_1184 = vector.broadcast %add3A_1183 : i32 to vector<16xi32>
      %add3A_1185 = arith.addi %add3A_1184, %iota3A : vector<16xi32>
      %broadcast_in_dim3A_1186 = arith.constant 0 : i32
      %broadcast_in_dim3A_1187 = vector.broadcast %broadcast_in_dim3A_1186 : i32 to vector<16xi32>
      %gather3A_1188 = arith.constant 0 : i32
      %gather3A_1189 = arith.constant 0 : i32
      %gather3A_1190 = tpu.memref_slice %arg9[%scan3A_46, %gather3A_1188, %gather3A_1189] : memref<2x128x16xf32, #tpu.memory_space<vmem>> -> memref<1x128x16xf32, #tpu.memory_space<vmem>>
      %gather3A_1191 = tpu.memref_squeeze %gather3A_1190 : memref<1x128x16xf32, #tpu.memory_space<vmem>> -> memref<128x16xf32, #tpu.memory_space<vmem>>
      %gather3A_1192 = tpu.vector_load_idx %gather3A_1191[%add3A_1185, %broadcast_in_dim3A_1187] : memref<128x16xf32, #tpu.memory_space<vmem>>[vector<16xi32>, vector<16xi32>], vector<16xf32>,
      %broadcast_in_dim3A_1193 = arith.constant 4 : i32
      %broadcast_in_dim3A_1194 = vector.broadcast %broadcast_in_dim3A_1193 : i32 to vector<16xi32>
      %gather3A_1195 = arith.constant 0 : i32
      %gather3A_1196 = arith.constant 0 : i32
      %gather3A_1197 = tpu.memref_slice %arg10[%scan3A_47, %gather3A_1195, %gather3A_1196] : memref<2x128x16xf32, #tpu.memory_space<vmem>> -> memref<1x128x16xf32, #tpu.memory_space<vmem>>
      %gather3A_1198 = tpu.memref_squeeze %gather3A_1197 : memref<1x128x16xf32, #tpu.memory_space<vmem>> -> memref<128x16xf32, #tpu.memory_space<vmem>>
      %gather3A_1199 = tpu.vector_load_idx %gather3A_1198[%add3A_1185, %broadcast_in_dim3A_1194] : memref<128x16xf32, #tpu.memory_space<vmem>>[vector<16xi32>, vector<16xi32>], vector<16xf32>,
      %add3A_1200 = arith.addf %gather3A_1192, %gather3A_1199 : vector<16xf32>
      %ge3A_1201 = arith.constant 0.000000e+00 : f32
      %ge3A_1202 = vector.broadcast %ge3A_1201 : f32 to vector<16xf32>
      %ge3A_1203 = arith.cmpf oge, %add3A_1200, %ge3A_1202 : vector<16xf32>
      %mul3A_1204 = arith.constant 2.000000e-01 : f32
      %mul3A_1205 = vector.broadcast %mul3A_1204 : f32 to vector<16xf32>
      %mul3A_1206 = arith.mulf %mul3A_1205, %add3A_1200 : vector<16xf32>
      %select_n3A_1207 = arith.select %ge3A_1203, %add3A_1200, %mul3A_1206 : vector<16xi1>, vector<16xf32>
      %exp3A_1208 = math.exp %select_n3A_1207 : vector<16xf32>
      %broadcast_in_dim3A_1209 = arith.constant 0 : i32
      %broadcast_in_dim3A_1210 = vector.broadcast %broadcast_in_dim3A_1209 : i32 to vector<16xi32>
      tpu.vector_store_idx %arg13[%add3A_1185, %broadcast_in_dim3A_1210], %exp3A_1208 : memref<128x16xf32, #tpu.memory_space<vmem>>[vector<16xi32>, vector<16xi32>], vector<16xf32>,
      %broadcast_in_dim3A_1211 = arith.constant 1 : i32
      %broadcast_in_dim3A_1212 = vector.broadcast %broadcast_in_dim3A_1211 : i32 to vector<16xi32>
      %gather3A_1213 = arith.constant 0 : i32
      %gather3A_1214 = arith.constant 0 : i32
      %gather3A_1215 = tpu.memref_slice %arg9[%scan3A_46, %gather3A_1213, %gather3A_1214] : memref<2x128x16xf32, #tpu.memory_space<vmem>> -> memref<1x128x16xf32, #tpu.memory_space<vmem>>
      %gather3A_1216 = tpu.memref_squeeze %gather3A_1215 : memref<1x128x16xf32, #tpu.memory_space<vmem>> -> memref<128x16xf32, #tpu.memory_space<vmem>>
      %gather3A_1217 = tpu.vector_load_idx %gather3A_1216[%add3A_1185, %broadcast_in_dim3A_1212] : memref<128x16xf32, #tpu.memory_space<vmem>>[vector<16xi32>, vector<16xi32>], vector<16xf32>,
      %broadcast_in_dim3A_1218 = arith.constant 5 : i32
      %broadcast_in_dim3A_1219 = vector.broadcast %broadcast_in_dim3A_1218 : i32 to vector<16xi32>
      %gather3A_1220 = arith.constant 0 : i32
      %gather3A_1221 = arith.constant 0 : i32
      %gather3A_1222 = tpu.memref_slice %arg10[%scan3A_47, %gather3A_1220, %gather3A_1221] : memref<2x128x16xf32, #tpu.memory_space<vmem>> -> memref<1x128x16xf32, #tpu.memory_space<vmem>>
      %gather3A_1223 = tpu.memref_squeeze %gather3A_1222 : memref<1x128x16xf32, #tpu.memory_space<vmem>> -> memref<128x16xf32, #tpu.memory_space<vmem>>
      %gather3A_1224 = tpu.vector_load_idx %gather3A_1223[%add3A_1185, %broadcast_in_dim3A_1219] : memref<128x16xf32, #tpu.memory_space<vmem>>[vector<16xi32>, vector<16xi32>], vector<16xf32>,
      %add3A_1225 = arith.addf %gather3A_1217, %gather3A_1224 : vector<16xf32>
      %ge3A_1226 = arith.constant 0.000000e+00 : f32
      %ge3A_1227 = vector.broadcast %ge3A_1226 : f32 to vector<16xf32>
      %ge3A_1228 = arith.cmpf oge, %add3A_1225, %ge3A_1227 : vector<16xf32>
      %mul3A_1229 = arith.constant 2.000000e-01 : f32
      %mul3A_1230 = vector.broadcast %mul3A_1229 : f32 to vector<16xf32>
      %mul3A_1231 = arith.mulf %mul3A_1230, %add3A_1225 : vector<16xf32>
      %select_n3A_1232 = arith.select %ge3A_1228, %add3A_1225, %mul3A_1231 : vector<16xi1>, vector<16xf32>
      %exp3A_1233 = math.exp %select_n3A_1232 : vector<16xf32>
      %broadcast_in_dim3A_1234 = arith.constant 1 : i32
      %broadcast_in_dim3A_1235 = vector.broadcast %broadcast_in_dim3A_1234 : i32 to vector<16xi32>
      tpu.vector_store_idx %arg13[%add3A_1185, %broadcast_in_dim3A_1235], %exp3A_1233 : memref<128x16xf32, #tpu.memory_space<vmem>>[vector<16xi32>, vector<16xi32>], vector<16xf32>,
      %broadcast_in_dim3A_1236 = arith.constant 2 : i32
      %broadcast_in_dim3A_1237 = vector.broadcast %broadcast_in_dim3A_1236 : i32 to vector<16xi32>
      %gather3A_1238 = arith.constant 0 : i32
      %gather3A_1239 = arith.constant 0 : i32
      %gather3A_1240 = tpu.memref_slice %arg9[%scan3A_46, %gather3A_1238, %gather3A_1239] : memref<2x128x16xf32, #tpu.memory_space<vmem>> -> memref<1x128x16xf32, #tpu.memory_space<vmem>>
      %gather3A_1241 = tpu.memref_squeeze %gather3A_1240 : memref<1x128x16xf32, #tpu.memory_space<vmem>> -> memref<128x16xf32, #tpu.memory_space<vmem>>
      %gather3A_1242 = tpu.vector_load_idx %gather3A_1241[%add3A_1185, %broadcast_in_dim3A_1237] : memref<128x16xf32, #tpu.memory_space<vmem>>[vector<16xi32>, vector<16xi32>], vector<16xf32>,
      %broadcast_in_dim3A_1243 = arith.constant 6 : i32
      %broadcast_in_dim3A_1244 = vector.broadcast %broadcast_in_dim3A_1243 : i32 to vector<16xi32>
      %gather3A_1245 = arith.constant 0 : i32
      %gather3A_1246 = arith.constant 0 : i32
      %gather3A_1247 = tpu.memref_slice %arg10[%scan3A_47, %gather3A_1245, %gather3A_1246] : memref<2x128x16xf32, #tpu.memory_space<vmem>> -> memref<1x128x16xf32, #tpu.memory_space<vmem>>
      %gather3A_1248 = tpu.memref_squeeze %gather3A_1247 : memref<1x128x16xf32, #tpu.memory_space<vmem>> -> memref<128x16xf32, #tpu.memory_space<vmem>>
      %gather3A_1249 = tpu.vector_load_idx %gather3A_1248[%add3A_1185, %broadcast_in_dim3A_1244] : memref<128x16xf32, #tpu.memory_space<vmem>>[vector<16xi32>, vector<16xi32>], vector<16xf32>,
      %add3A_1250 = arith.addf %gather3A_1242, %gather3A_1249 : vector<16xf32>
      %ge3A_1251 = arith.constant 0.000000e+00 : f32
      %ge3A_1252 = vector.broadcast %ge3A_1251 : f32 to vector<16xf32>
      %ge3A_1253 = arith.cmpf oge, %add3A_1250, %ge3A_1252 : vector<16xf32>
      %mul3A_1254 = arith.constant 2.000000e-01 : f32
      %mul3A_1255 = vector.broadcast %mul3A_1254 : f32 to vector<16xf32>
      %mul3A_1256 = arith.mulf %mul3A_1255, %add3A_1250 : vector<16xf32>
      %select_n3A_1257 = arith.select %ge3A_1253, %add3A_1250, %mul3A_1256 : vector<16xi1>, vector<16xf32>
      %exp3A_1258 = math.exp %select_n3A_1257 : vector<16xf32>
      %broadcast_in_dim3A_1259 = arith.constant 2 : i32
      %broadcast_in_dim3A_1260 = vector.broadcast %broadcast_in_dim3A_1259 : i32 to vector<16xi32>
      tpu.vector_store_idx %arg13[%add3A_1185, %broadcast_in_dim3A_1260], %exp3A_1258 : memref<128x16xf32, #tpu.memory_space<vmem>>[vector<16xi32>, vector<16xi32>], vector<16xf32>,
      %broadcast_in_dim3A_1261 = arith.constant 3 : i32
      %broadcast_in_dim3A_1262 = vector.broadcast %broadcast_in_dim3A_1261 : i32 to vector<16xi32>
      %gather3A_1263 = arith.constant 0 : i32
      %gather3A_1264 = arith.constant 0 : i32
      %gather3A_1265 = tpu.memref_slice %arg9[%scan3A_46, %gather3A_1263, %gather3A_1264] : memref<2x128x16xf32, #tpu.memory_space<vmem>> -> memref<1x128x16xf32, #tpu.memory_space<vmem>>
      %gather3A_1266 = tpu.memref_squeeze %gather3A_1265 : memref<1x128x16xf32, #tpu.memory_space<vmem>> -> memref<128x16xf32, #tpu.memory_space<vmem>>
      %gather3A_1267 = tpu.vector_load_idx %gather3A_1266[%add3A_1185, %broadcast_in_dim3A_1262] : memref<128x16xf32, #tpu.memory_space<vmem>>[vector<16xi32>, vector<16xi32>], vector<16xf32>,
      %broadcast_in_dim3A_1268 = arith.constant 7 : i32
      %broadcast_in_dim3A_1269 = vector.broadcast %broadcast_in_dim3A_1268 : i32 to vector<16xi32>
      %gather3A_1270 = arith.constant 0 : i32
      %gather3A_1271 = arith.constant 0 : i32
      %gather3A_1272 = tpu.memref_slice %arg10[%scan3A_47, %gather3A_1270, %gather3A_1271] : memref<2x128x16xf32, #tpu.memory_space<vmem>> -> memref<1x128x16xf32, #tpu.memory_space<vmem>>
      %gather3A_1273 = tpu.memref_squeeze %gather3A_1272 : memref<1x128x16xf32, #tpu.memory_space<vmem>> -> memref<128x16xf32, #tpu.memory_space<vmem>>
      %gather3A_1274 = tpu.vector_load_idx %gather3A_1273[%add3A_1185, %broadcast_in_dim3A_1269] : memref<128x16xf32, #tpu.memory_space<vmem>>[vector<16xi32>, vector<16xi32>], vector<16xf32>,
      %add3A_1275 = arith.addf %gather3A_1267, %gather3A_1274 : vector<16xf32>
      %ge3A_1276 = arith.constant 0.000000e+00 : f32
      %ge3A_1277 = vector.broadcast %ge3A_1276 : f32 to vector<16xf32>
      %ge3A_1278 = arith.cmpf oge, %add3A_1275, %ge3A_1277 : vector<16xf32>
      %mul3A_1279 = arith.constant 2.000000e-01 : f32
      %mul3A_1280 = vector.broadcast %mul3A_1279 : f32 to vector<16xf32>
      %mul3A_1281 = arith.mulf %mul3A_1280, %add3A_1275 : vector<16xf32>
      %select_n3A_1282 = arith.select %ge3A_1278, %add3A_1275, %mul3A_1281 : vector<16xi1>, vector<16xf32>
      %exp3A_1283 = math.exp %select_n3A_1282 : vector<16xf32>
      %broadcast_in_dim3A_1284 = arith.constant 3 : i32
      %broadcast_in_dim3A_1285 = vector.broadcast %broadcast_in_dim3A_1284 : i32 to vector<16xi32>
      tpu.vector_store_idx %arg13[%add3A_1185, %broadcast_in_dim3A_1285], %exp3A_1283 : memref<128x16xf32, #tpu.memory_space<vmem>>[vector<16xi32>, vector<16xi32>], vector<16xf32>,
      %add3A_1286 = arith.constant 48 : i32
      %add3A_1287 = vector.broadcast %add3A_1286 : i32 to vector<16xi32>
      %add3A_1288 = arith.addi %add3A_1287, %iota3A : vector<16xi32>
      %broadcast_in_dim3A_1289 = arith.constant 0 : i32
      %broadcast_in_dim3A_1290 = vector.broadcast %broadcast_in_dim3A_1289 : i32 to vector<16xi32>
      %gather3A_1291 = arith.constant 0 : i32
      %gather3A_1292 = arith.constant 0 : i32
      %gather3A_1293 = tpu.memref_slice %arg9[%scan3A_46, %gather3A_1291, %gather3A_1292] : memref<2x128x16xf32, #tpu.memory_space<vmem>> -> memref<1x128x16xf32, #tpu.memory_space<vmem>>
      %gather3A_1294 = tpu.memref_squeeze %gather3A_1293 : memref<1x128x16xf32, #tpu.memory_space<vmem>> -> memref<128x16xf32, #tpu.memory_space<vmem>>
      %gather3A_1295 = tpu.vector_load_idx %gather3A_1294[%add3A_1288, %broadcast_in_dim3A_1290] : memref<128x16xf32, #tpu.memory_space<vmem>>[vector<16xi32>, vector<16xi32>], vector<16xf32>,
      %broadcast_in_dim3A_1296 = arith.constant 4 : i32
      %broadcast_in_dim3A_1297 = vector.broadcast %broadcast_in_dim3A_1296 : i32 to vector<16xi32>
      %gather3A_1298 = arith.constant 0 : i32
      %gather3A_1299 = arith.constant 0 : i32
      %gather3A_1300 = tpu.memref_slice %arg10[%scan3A_47, %gather3A_1298, %gather3A_1299] : memref<2x128x16xf32, #tpu.memory_space<vmem>> -> memref<1x128x16xf32, #tpu.memory_space<vmem>>
      %gather3A_1301 = tpu.memref_squeeze %gather3A_1300 : memref<1x128x16xf32, #tpu.memory_space<vmem>> -> memref<128x16xf32, #tpu.memory_space<vmem>>
      %gather3A_1302 = tpu.vector_load_idx %gather3A_1301[%add3A_1288, %broadcast_in_dim3A_1297] : memref<128x16xf32, #tpu.memory_space<vmem>>[vector<16xi32>, vector<16xi32>], vector<16xf32>,
      %add3A_1303 = arith.addf %gather3A_1295, %gather3A_1302 : vector<16xf32>
      %ge3A_1304 = arith.constant 0.000000e+00 : f32
      %ge3A_1305 = vector.broadcast %ge3A_1304 : f32 to vector<16xf32>
      %ge3A_1306 = arith.cmpf oge, %add3A_1303, %ge3A_1305 : vector<16xf32>
      %mul3A_1307 = arith.constant 2.000000e-01 : f32
      %mul3A_1308 = vector.broadcast %mul3A_1307 : f32 to vector<16xf32>
      %mul3A_1309 = arith.mulf %mul3A_1308, %add3A_1303 : vector<16xf32>
      %select_n3A_1310 = arith.select %ge3A_1306, %add3A_1303, %mul3A_1309 : vector<16xi1>, vector<16xf32>
      %exp3A_1311 = math.exp %select_n3A_1310 : vector<16xf32>
      %broadcast_in_dim3A_1312 = arith.constant 0 : i32
      %broadcast_in_dim3A_1313 = vector.broadcast %broadcast_in_dim3A_1312 : i32 to vector<16xi32>
      tpu.vector_store_idx %arg13[%add3A_1288, %broadcast_in_dim3A_1313], %exp3A_1311 : memref<128x16xf32, #tpu.memory_space<vmem>>[vector<16xi32>, vector<16xi32>], vector<16xf32>,
      %broadcast_in_dim3A_1314 = arith.constant 1 : i32
      %broadcast_in_dim3A_1315 = vector.broadcast %broadcast_in_dim3A_1314 : i32 to vector<16xi32>
      %gather3A_1316 = arith.constant 0 : i32
      %gather3A_1317 = arith.constant 0 : i32
      %gather3A_1318 = tpu.memref_slice %arg9[%scan3A_46, %gather3A_1316, %gather3A_1317] : memref<2x128x16xf32, #tpu.memory_space<vmem>> -> memref<1x128x16xf32, #tpu.memory_space<vmem>>
      %gather3A_1319 = tpu.memref_squeeze %gather3A_1318 : memref<1x128x16xf32, #tpu.memory_space<vmem>> -> memref<128x16xf32, #tpu.memory_space<vmem>>
      %gather3A_1320 = tpu.vector_load_idx %gather3A_1319[%add3A_1288, %broadcast_in_dim3A_1315] : memref<128x16xf32, #tpu.memory_space<vmem>>[vector<16xi32>, vector<16xi32>], vector<16xf32>,
      %broadcast_in_dim3A_1321 = arith.constant 5 : i32
      %broadcast_in_dim3A_1322 = vector.broadcast %broadcast_in_dim3A_1321 : i32 to vector<16xi32>
      %gather3A_1323 = arith.constant 0 : i32
      %gather3A_1324 = arith.constant 0 : i32
      %gather3A_1325 = tpu.memref_slice %arg10[%scan3A_47, %gather3A_1323, %gather3A_1324] : memref<2x128x16xf32, #tpu.memory_space<vmem>> -> memref<1x128x16xf32, #tpu.memory_space<vmem>>
      %gather3A_1326 = tpu.memref_squeeze %gather3A_1325 : memref<1x128x16xf32, #tpu.memory_space<vmem>> -> memref<128x16xf32, #tpu.memory_space<vmem>>
      %gather3A_1327 = tpu.vector_load_idx %gather3A_1326[%add3A_1288, %broadcast_in_dim3A_1322] : memref<128x16xf32, #tpu.memory_space<vmem>>[vector<16xi32>, vector<16xi32>], vector<16xf32>,
      %add3A_1328 = arith.addf %gather3A_1320, %gather3A_1327 : vector<16xf32>
      %ge3A_1329 = arith.constant 0.000000e+00 : f32
      %ge3A_1330 = vector.broadcast %ge3A_1329 : f32 to vector<16xf32>
      %ge3A_1331 = arith.cmpf oge, %add3A_1328, %ge3A_1330 : vector<16xf32>
      %mul3A_1332 = arith.constant 2.000000e-01 : f32
      %mul3A_1333 = vector.broadcast %mul3A_1332 : f32 to vector<16xf32>
      %mul3A_1334 = arith.mulf %mul3A_1333, %add3A_1328 : vector<16xf32>
      %select_n3A_1335 = arith.select %ge3A_1331, %add3A_1328, %mul3A_1334 : vector<16xi1>, vector<16xf32>
      %exp3A_1336 = math.exp %select_n3A_1335 : vector<16xf32>
      %broadcast_in_dim3A_1337 = arith.constant 1 : i32
      %broadcast_in_dim3A_1338 = vector.broadcast %broadcast_in_dim3A_1337 : i32 to vector<16xi32>
      tpu.vector_store_idx %arg13[%add3A_1288, %broadcast_in_dim3A_1338], %exp3A_1336 : memref<128x16xf32, #tpu.memory_space<vmem>>[vector<16xi32>, vector<16xi32>], vector<16xf32>,
      %broadcast_in_dim3A_1339 = arith.constant 2 : i32
      %broadcast_in_dim3A_1340 = vector.broadcast %broadcast_in_dim3A_1339 : i32 to vector<16xi32>
      %gather3A_1341 = arith.constant 0 : i32
      %gather3A_1342 = arith.constant 0 : i32
      %gather3A_1343 = tpu.memref_slice %arg9[%scan3A_46, %gather3A_1341, %gather3A_1342] : memref<2x128x16xf32, #tpu.memory_space<vmem>> -> memref<1x128x16xf32, #tpu.memory_space<vmem>>
      %gather3A_1344 = tpu.memref_squeeze %gather3A_1343 : memref<1x128x16xf32, #tpu.memory_space<vmem>> -> memref<128x16xf32, #tpu.memory_space<vmem>>
      %gather3A_1345 = tpu.vector_load_idx %gather3A_1344[%add3A_1288, %broadcast_in_dim3A_1340] : memref<128x16xf32, #tpu.memory_space<vmem>>[vector<16xi32>, vector<16xi32>], vector<16xf32>,
      %broadcast_in_dim3A_1346 = arith.constant 6 : i32
      %broadcast_in_dim3A_1347 = vector.broadcast %broadcast_in_dim3A_1346 : i32 to vector<16xi32>
      %gather3A_1348 = arith.constant 0 : i32
      %gather3A_1349 = arith.constant 0 : i32
      %gather3A_1350 = tpu.memref_slice %arg10[%scan3A_47, %gather3A_1348, %gather3A_1349] : memref<2x128x16xf32, #tpu.memory_space<vmem>> -> memref<1x128x16xf32, #tpu.memory_space<vmem>>
      %gather3A_1351 = tpu.memref_squeeze %gather3A_1350 : memref<1x128x16xf32, #tpu.memory_space<vmem>> -> memref<128x16xf32, #tpu.memory_space<vmem>>
      %gather3A_1352 = tpu.vector_load_idx %gather3A_1351[%add3A_1288, %broadcast_in_dim3A_1347] : memref<128x16xf32, #tpu.memory_space<vmem>>[vector<16xi32>, vector<16xi32>], vector<16xf32>,
      %add3A_1353 = arith.addf %gather3A_1345, %gather3A_1352 : vector<16xf32>
      %ge3A_1354 = arith.constant 0.000000e+00 : f32
      %ge3A_1355 = vector.broadcast %ge3A_1354 : f32 to vector<16xf32>
      %ge3A_1356 = arith.cmpf oge, %add3A_1353, %ge3A_1355 : vector<16xf32>
      %mul3A_1357 = arith.constant 2.000000e-01 : f32
      %mul3A_1358 = vector.broadcast %mul3A_1357 : f32 to vector<16xf32>
      %mul3A_1359 = arith.mulf %mul3A_1358, %add3A_1353 : vector<16xf32>
      %select_n3A_1360 = arith.select %ge3A_1356, %add3A_1353, %mul3A_1359 : vector<16xi1>, vector<16xf32>
      %exp3A_1361 = math.exp %select_n3A_1360 : vector<16xf32>
      %broadcast_in_dim3A_1362 = arith.constant 2 : i32
      %broadcast_in_dim3A_1363 = vector.broadcast %broadcast_in_dim3A_1362 : i32 to vector<16xi32>
      tpu.vector_store_idx %arg13[%add3A_1288, %broadcast_in_dim3A_1363], %exp3A_1361 : memref<128x16xf32, #tpu.memory_space<vmem>>[vector<16xi32>, vector<16xi32>], vector<16xf32>,
      %broadcast_in_dim3A_1364 = arith.constant 3 : i32
      %broadcast_in_dim3A_1365 = vector.broadcast %broadcast_in_dim3A_1364 : i32 to vector<16xi32>
      %gather3A_1366 = arith.constant 0 : i32
      %gather3A_1367 = arith.constant 0 : i32
      %gather3A_1368 = tpu.memref_slice %arg9[%scan3A_46, %gather3A_1366, %gather3A_1367] : memref<2x128x16xf32, #tpu.memory_space<vmem>> -> memref<1x128x16xf32, #tpu.memory_space<vmem>>
      %gather3A_1369 = tpu.memref_squeeze %gather3A_1368 : memref<1x128x16xf32, #tpu.memory_space<vmem>> -> memref<128x16xf32, #tpu.memory_space<vmem>>
      %gather3A_1370 = tpu.vector_load_idx %gather3A_1369[%add3A_1288, %broadcast_in_dim3A_1365] : memref<128x16xf32, #tpu.memory_space<vmem>>[vector<16xi32>, vector<16xi32>], vector<16xf32>,
      %broadcast_in_dim3A_1371 = arith.constant 7 : i32
      %broadcast_in_dim3A_1372 = vector.broadcast %broadcast_in_dim3A_1371 : i32 to vector<16xi32>
      %gather3A_1373 = arith.constant 0 : i32
      %gather3A_1374 = arith.constant 0 : i32
      %gather3A_1375 = tpu.memref_slice %arg10[%scan3A_47, %gather3A_1373, %gather3A_1374] : memref<2x128x16xf32, #tpu.memory_space<vmem>> -> memref<1x128x16xf32, #tpu.memory_space<vmem>>
      %gather3A_1376 = tpu.memref_squeeze %gather3A_1375 : memref<1x128x16xf32, #tpu.memory_space<vmem>> -> memref<128x16xf32, #tpu.memory_space<vmem>>
      %gather3A_1377 = tpu.vector_load_idx %gather3A_1376[%add3A_1288, %broadcast_in_dim3A_1372] : memref<128x16xf32, #tpu.memory_space<vmem>>[vector<16xi32>, vector<16xi32>], vector<16xf32>,
      %add3A_1378 = arith.addf %gather3A_1370, %gather3A_1377 : vector<16xf32>
      %ge3A_1379 = arith.constant 0.000000e+00 : f32
      %ge3A_1380 = vector.broadcast %ge3A_1379 : f32 to vector<16xf32>
      %ge3A_1381 = arith.cmpf oge, %add3A_1378, %ge3A_1380 : vector<16xf32>
      %mul3A_1382 = arith.constant 2.000000e-01 : f32
      %mul3A_1383 = vector.broadcast %mul3A_1382 : f32 to vector<16xf32>
      %mul3A_1384 = arith.mulf %mul3A_1383, %add3A_1378 : vector<16xf32>
      %select_n3A_1385 = arith.select %ge3A_1381, %add3A_1378, %mul3A_1384 : vector<16xi1>, vector<16xf32>
      %exp3A_1386 = math.exp %select_n3A_1385 : vector<16xf32>
      %broadcast_in_dim3A_1387 = arith.constant 3 : i32
      %broadcast_in_dim3A_1388 = vector.broadcast %broadcast_in_dim3A_1387 : i32 to vector<16xi32>
      tpu.vector_store_idx %arg13[%add3A_1288, %broadcast_in_dim3A_1388], %exp3A_1386 : memref<128x16xf32, #tpu.memory_space<vmem>>[vector<16xi32>, vector<16xi32>], vector<16xf32>,
      %add3A_1389 = arith.constant 64 : i32
      %add3A_1390 = vector.broadcast %add3A_1389 : i32 to vector<16xi32>
      %add3A_1391 = arith.addi %add3A_1390, %iota3A : vector<16xi32>
      %broadcast_in_dim3A_1392 = arith.constant 0 : i32
      %broadcast_in_dim3A_1393 = vector.broadcast %broadcast_in_dim3A_1392 : i32 to vector<16xi32>
      %gather3A_1394 = arith.constant 0 : i32
      %gather3A_1395 = arith.constant 0 : i32
      %gather3A_1396 = tpu.memref_slice %arg9[%scan3A_46, %gather3A_1394, %gather3A_1395] : memref<2x128x16xf32, #tpu.memory_space<vmem>> -> memref<1x128x16xf32, #tpu.memory_space<vmem>>
      %gather3A_1397 = tpu.memref_squeeze %gather3A_1396 : memref<1x128x16xf32, #tpu.memory_space<vmem>> -> memref<128x16xf32, #tpu.memory_space<vmem>>
      %gather3A_1398 = tpu.vector_load_idx %gather3A_1397[%add3A_1391, %broadcast_in_dim3A_1393] : memref<128x16xf32, #tpu.memory_space<vmem>>[vector<16xi32>, vector<16xi32>], vector<16xf32>,
      %broadcast_in_dim3A_1399 = arith.constant 4 : i32
      %broadcast_in_dim3A_1400 = vector.broadcast %broadcast_in_dim3A_1399 : i32 to vector<16xi32>
      %gather3A_1401 = arith.constant 0 : i32
      %gather3A_1402 = arith.constant 0 : i32
      %gather3A_1403 = tpu.memref_slice %arg10[%scan3A_47, %gather3A_1401, %gather3A_1402] : memref<2x128x16xf32, #tpu.memory_space<vmem>> -> memref<1x128x16xf32, #tpu.memory_space<vmem>>
      %gather3A_1404 = tpu.memref_squeeze %gather3A_1403 : memref<1x128x16xf32, #tpu.memory_space<vmem>> -> memref<128x16xf32, #tpu.memory_space<vmem>>
      %gather3A_1405 = tpu.vector_load_idx %gather3A_1404[%add3A_1391, %broadcast_in_dim3A_1400] : memref<128x16xf32, #tpu.memory_space<vmem>>[vector<16xi32>, vector<16xi32>], vector<16xf32>,
      %add3A_1406 = arith.addf %gather3A_1398, %gather3A_1405 : vector<16xf32>
      %ge3A_1407 = arith.constant 0.000000e+00 : f32
      %ge3A_1408 = vector.broadcast %ge3A_1407 : f32 to vector<16xf32>
      %ge3A_1409 = arith.cmpf oge, %add3A_1406, %ge3A_1408 : vector<16xf32>
      %mul3A_1410 = arith.constant 2.000000e-01 : f32
      %mul3A_1411 = vector.broadcast %mul3A_1410 : f32 to vector<16xf32>
      %mul3A_1412 = arith.mulf %mul3A_1411, %add3A_1406 : vector<16xf32>
      %select_n3A_1413 = arith.select %ge3A_1409, %add3A_1406, %mul3A_1412 : vector<16xi1>, vector<16xf32>
      %exp3A_1414 = math.exp %select_n3A_1413 : vector<16xf32>
      %broadcast_in_dim3A_1415 = arith.constant 0 : i32
      %broadcast_in_dim3A_1416 = vector.broadcast %broadcast_in_dim3A_1415 : i32 to vector<16xi32>
      tpu.vector_store_idx %arg13[%add3A_1391, %broadcast_in_dim3A_1416], %exp3A_1414 : memref<128x16xf32, #tpu.memory_space<vmem>>[vector<16xi32>, vector<16xi32>], vector<16xf32>,
      %broadcast_in_dim3A_1417 = arith.constant 1 : i32
      %broadcast_in_dim3A_1418 = vector.broadcast %broadcast_in_dim3A_1417 : i32 to vector<16xi32>
      %gather3A_1419 = arith.constant 0 : i32
      %gather3A_1420 = arith.constant 0 : i32
      %gather3A_1421 = tpu.memref_slice %arg9[%scan3A_46, %gather3A_1419, %gather3A_1420] : memref<2x128x16xf32, #tpu.memory_space<vmem>> -> memref<1x128x16xf32, #tpu.memory_space<vmem>>
      %gather3A_1422 = tpu.memref_squeeze %gather3A_1421 : memref<1x128x16xf32, #tpu.memory_space<vmem>> -> memref<128x16xf32, #tpu.memory_space<vmem>>
      %gather3A_1423 = tpu.vector_load_idx %gather3A_1422[%add3A_1391, %broadcast_in_dim3A_1418] : memref<128x16xf32, #tpu.memory_space<vmem>>[vector<16xi32>, vector<16xi32>], vector<16xf32>,
      %broadcast_in_dim3A_1424 = arith.constant 5 : i32
      %broadcast_in_dim3A_1425 = vector.broadcast %broadcast_in_dim3A_1424 : i32 to vector<16xi32>
      %gather3A_1426 = arith.constant 0 : i32
      %gather3A_1427 = arith.constant 0 : i32
      %gather3A_1428 = tpu.memref_slice %arg10[%scan3A_47, %gather3A_1426, %gather3A_1427] : memref<2x128x16xf32, #tpu.memory_space<vmem>> -> memref<1x128x16xf32, #tpu.memory_space<vmem>>
      %gather3A_1429 = tpu.memref_squeeze %gather3A_1428 : memref<1x128x16xf32, #tpu.memory_space<vmem>> -> memref<128x16xf32, #tpu.memory_space<vmem>>
      %gather3A_1430 = tpu.vector_load_idx %gather3A_1429[%add3A_1391, %broadcast_in_dim3A_1425] : memref<128x16xf32, #tpu.memory_space<vmem>>[vector<16xi32>, vector<16xi32>], vector<16xf32>,
      %add3A_1431 = arith.addf %gather3A_1423, %gather3A_1430 : vector<16xf32>
      %ge3A_1432 = arith.constant 0.000000e+00 : f32
      %ge3A_1433 = vector.broadcast %ge3A_1432 : f32 to vector<16xf32>
      %ge3A_1434 = arith.cmpf oge, %add3A_1431, %ge3A_1433 : vector<16xf32>
      %mul3A_1435 = arith.constant 2.000000e-01 : f32
      %mul3A_1436 = vector.broadcast %mul3A_1435 : f32 to vector<16xf32>
      %mul3A_1437 = arith.mulf %mul3A_1436, %add3A_1431 : vector<16xf32>
      %select_n3A_1438 = arith.select %ge3A_1434, %add3A_1431, %mul3A_1437 : vector<16xi1>, vector<16xf32>
      %exp3A_1439 = math.exp %select_n3A_1438 : vector<16xf32>
      %broadcast_in_dim3A_1440 = arith.constant 1 : i32
      %broadcast_in_dim3A_1441 = vector.broadcast %broadcast_in_dim3A_1440 : i32 to vector<16xi32>
      tpu.vector_store_idx %arg13[%add3A_1391, %broadcast_in_dim3A_1441], %exp3A_1439 : memref<128x16xf32, #tpu.memory_space<vmem>>[vector<16xi32>, vector<16xi32>], vector<16xf32>,
      %broadcast_in_dim3A_1442 = arith.constant 2 : i32
      %broadcast_in_dim3A_1443 = vector.broadcast %broadcast_in_dim3A_1442 : i32 to vector<16xi32>
      %gather3A_1444 = arith.constant 0 : i32
      %gather3A_1445 = arith.constant 0 : i32
      %gather3A_1446 = tpu.memref_slice %arg9[%scan3A_46, %gather3A_1444, %gather3A_1445] : memref<2x128x16xf32, #tpu.memory_space<vmem>> -> memref<1x128x16xf32, #tpu.memory_space<vmem>>
      %gather3A_1447 = tpu.memref_squeeze %gather3A_1446 : memref<1x128x16xf32, #tpu.memory_space<vmem>> -> memref<128x16xf32, #tpu.memory_space<vmem>>
      %gather3A_1448 = tpu.vector_load_idx %gather3A_1447[%add3A_1391, %broadcast_in_dim3A_1443] : memref<128x16xf32, #tpu.memory_space<vmem>>[vector<16xi32>, vector<16xi32>], vector<16xf32>,
      %broadcast_in_dim3A_1449 = arith.constant 6 : i32
      %broadcast_in_dim3A_1450 = vector.broadcast %broadcast_in_dim3A_1449 : i32 to vector<16xi32>
      %gather3A_1451 = arith.constant 0 : i32
      %gather3A_1452 = arith.constant 0 : i32
      %gather3A_1453 = tpu.memref_slice %arg10[%scan3A_47, %gather3A_1451, %gather3A_1452] : memref<2x128x16xf32, #tpu.memory_space<vmem>> -> memref<1x128x16xf32, #tpu.memory_space<vmem>>
      %gather3A_1454 = tpu.memref_squeeze %gather3A_1453 : memref<1x128x16xf32, #tpu.memory_space<vmem>> -> memref<128x16xf32, #tpu.memory_space<vmem>>
      %gather3A_1455 = tpu.vector_load_idx %gather3A_1454[%add3A_1391, %broadcast_in_dim3A_1450] : memref<128x16xf32, #tpu.memory_space<vmem>>[vector<16xi32>, vector<16xi32>], vector<16xf32>,
      %add3A_1456 = arith.addf %gather3A_1448, %gather3A_1455 : vector<16xf32>
      %ge3A_1457 = arith.constant 0.000000e+00 : f32
      %ge3A_1458 = vector.broadcast %ge3A_1457 : f32 to vector<16xf32>
      %ge3A_1459 = arith.cmpf oge, %add3A_1456, %ge3A_1458 : vector<16xf32>
      %mul3A_1460 = arith.constant 2.000000e-01 : f32
      %mul3A_1461 = vector.broadcast %mul3A_1460 : f32 to vector<16xf32>
      %mul3A_1462 = arith.mulf %mul3A_1461, %add3A_1456 : vector<16xf32>
      %select_n3A_1463 = arith.select %ge3A_1459, %add3A_1456, %mul3A_1462 : vector<16xi1>, vector<16xf32>
      %exp3A_1464 = math.exp %select_n3A_1463 : vector<16xf32>
      %broadcast_in_dim3A_1465 = arith.constant 2 : i32
      %broadcast_in_dim3A_1466 = vector.broadcast %broadcast_in_dim3A_1465 : i32 to vector<16xi32>
      tpu.vector_store_idx %arg13[%add3A_1391, %broadcast_in_dim3A_1466], %exp3A_1464 : memref<128x16xf32, #tpu.memory_space<vmem>>[vector<16xi32>, vector<16xi32>], vector<16xf32>,
      %broadcast_in_dim3A_1467 = arith.constant 3 : i32
      %broadcast_in_dim3A_1468 = vector.broadcast %broadcast_in_dim3A_1467 : i32 to vector<16xi32>
      %gather3A_1469 = arith.constant 0 : i32
      %gather3A_1470 = arith.constant 0 : i32
      %gather3A_1471 = tpu.memref_slice %arg9[%scan3A_46, %gather3A_1469, %gather3A_1470] : memref<2x128x16xf32, #tpu.memory_space<vmem>> -> memref<1x128x16xf32, #tpu.memory_space<vmem>>
      %gather3A_1472 = tpu.memref_squeeze %gather3A_1471 : memref<1x128x16xf32, #tpu.memory_space<vmem>> -> memref<128x16xf32, #tpu.memory_space<vmem>>
      %gather3A_1473 = tpu.vector_load_idx %gather3A_1472[%add3A_1391, %broadcast_in_dim3A_1468] : memref<128x16xf32, #tpu.memory_space<vmem>>[vector<16xi32>, vector<16xi32>], vector<16xf32>,
      %broadcast_in_dim3A_1474 = arith.constant 7 : i32
      %broadcast_in_dim3A_1475 = vector.broadcast %broadcast_in_dim3A_1474 : i32 to vector<16xi32>
      %gather3A_1476 = arith.constant 0 : i32
      %gather3A_1477 = arith.constant 0 : i32
      %gather3A_1478 = tpu.memref_slice %arg10[%scan3A_47, %gather3A_1476, %gather3A_1477] : memref<2x128x16xf32, #tpu.memory_space<vmem>> -> memref<1x128x16xf32, #tpu.memory_space<vmem>>
      %gather3A_1479 = tpu.memref_squeeze %gather3A_1478 : memref<1x128x16xf32, #tpu.memory_space<vmem>> -> memref<128x16xf32, #tpu.memory_space<vmem>>
      %gather3A_1480 = tpu.vector_load_idx %gather3A_1479[%add3A_1391, %broadcast_in_dim3A_1475] : memref<128x16xf32, #tpu.memory_space<vmem>>[vector<16xi32>, vector<16xi32>], vector<16xf32>,
      %add3A_1481 = arith.addf %gather3A_1473, %gather3A_1480 : vector<16xf32>
      %ge3A_1482 = arith.constant 0.000000e+00 : f32
      %ge3A_1483 = vector.broadcast %ge3A_1482 : f32 to vector<16xf32>
      %ge3A_1484 = arith.cmpf oge, %add3A_1481, %ge3A_1483 : vector<16xf32>
      %mul3A_1485 = arith.constant 2.000000e-01 : f32
      %mul3A_1486 = vector.broadcast %mul3A_1485 : f32 to vector<16xf32>
      %mul3A_1487 = arith.mulf %mul3A_1486, %add3A_1481 : vector<16xf32>
      %select_n3A_1488 = arith.select %ge3A_1484, %add3A_1481, %mul3A_1487 : vector<16xi1>, vector<16xf32>
      %exp3A_1489 = math.exp %select_n3A_1488 : vector<16xf32>
      %broadcast_in_dim3A_1490 = arith.constant 3 : i32
      %broadcast_in_dim3A_1491 = vector.broadcast %broadcast_in_dim3A_1490 : i32 to vector<16xi32>
      tpu.vector_store_idx %arg13[%add3A_1391, %broadcast_in_dim3A_1491], %exp3A_1489 : memref<128x16xf32, #tpu.memory_space<vmem>>[vector<16xi32>, vector<16xi32>], vector<16xf32>,
      %add3A_1492 = arith.constant 80 : i32
      %add3A_1493 = vector.broadcast %add3A_1492 : i32 to vector<16xi32>
      %add3A_1494 = arith.addi %add3A_1493, %iota3A : vector<16xi32>
      %broadcast_in_dim3A_1495 = arith.constant 0 : i32
      %broadcast_in_dim3A_1496 = vector.broadcast %broadcast_in_dim3A_1495 : i32 to vector<16xi32>
      %gather3A_1497 = arith.constant 0 : i32
      %gather3A_1498 = arith.constant 0 : i32
      %gather3A_1499 = tpu.memref_slice %arg9[%scan3A_46, %gather3A_1497, %gather3A_1498] : memref<2x128x16xf32, #tpu.memory_space<vmem>> -> memref<1x128x16xf32, #tpu.memory_space<vmem>>
      %gather3A_1500 = tpu.memref_squeeze %gather3A_1499 : memref<1x128x16xf32, #tpu.memory_space<vmem>> -> memref<128x16xf32, #tpu.memory_space<vmem>>
      %gather3A_1501 = tpu.vector_load_idx %gather3A_1500[%add3A_1494, %broadcast_in_dim3A_1496] : memref<128x16xf32, #tpu.memory_space<vmem>>[vector<16xi32>, vector<16xi32>], vector<16xf32>,
      %broadcast_in_dim3A_1502 = arith.constant 4 : i32
      %broadcast_in_dim3A_1503 = vector.broadcast %broadcast_in_dim3A_1502 : i32 to vector<16xi32>
      %gather3A_1504 = arith.constant 0 : i32
      %gather3A_1505 = arith.constant 0 : i32
      %gather3A_1506 = tpu.memref_slice %arg10[%scan3A_47, %gather3A_1504, %gather3A_1505] : memref<2x128x16xf32, #tpu.memory_space<vmem>> -> memref<1x128x16xf32, #tpu.memory_space<vmem>>
      %gather3A_1507 = tpu.memref_squeeze %gather3A_1506 : memref<1x128x16xf32, #tpu.memory_space<vmem>> -> memref<128x16xf32, #tpu.memory_space<vmem>>
      %gather3A_1508 = tpu.vector_load_idx %gather3A_1507[%add3A_1494, %broadcast_in_dim3A_1503] : memref<128x16xf32, #tpu.memory_space<vmem>>[vector<16xi32>, vector<16xi32>], vector<16xf32>,
      %add3A_1509 = arith.addf %gather3A_1501, %gather3A_1508 : vector<16xf32>
      %ge3A_1510 = arith.constant 0.000000e+00 : f32
      %ge3A_1511 = vector.broadcast %ge3A_1510 : f32 to vector<16xf32>
      %ge3A_1512 = arith.cmpf oge, %add3A_1509, %ge3A_1511 : vector<16xf32>
      %mul3A_1513 = arith.constant 2.000000e-01 : f32
      %mul3A_1514 = vector.broadcast %mul3A_1513 : f32 to vector<16xf32>
      %mul3A_1515 = arith.mulf %mul3A_1514, %add3A_1509 : vector<16xf32>
      %select_n3A_1516 = arith.select %ge3A_1512, %add3A_1509, %mul3A_1515 : vector<16xi1>, vector<16xf32>
      %exp3A_1517 = math.exp %select_n3A_1516 : vector<16xf32>
      %broadcast_in_dim3A_1518 = arith.constant 0 : i32
      %broadcast_in_dim3A_1519 = vector.broadcast %broadcast_in_dim3A_1518 : i32 to vector<16xi32>
      tpu.vector_store_idx %arg13[%add3A_1494, %broadcast_in_dim3A_1519], %exp3A_1517 : memref<128x16xf32, #tpu.memory_space<vmem>>[vector<16xi32>, vector<16xi32>], vector<16xf32>,
      %broadcast_in_dim3A_1520 = arith.constant 1 : i32
      %broadcast_in_dim3A_1521 = vector.broadcast %broadcast_in_dim3A_1520 : i32 to vector<16xi32>
      %gather3A_1522 = arith.constant 0 : i32
      %gather3A_1523 = arith.constant 0 : i32
      %gather3A_1524 = tpu.memref_slice %arg9[%scan3A_46, %gather3A_1522, %gather3A_1523] : memref<2x128x16xf32, #tpu.memory_space<vmem>> -> memref<1x128x16xf32, #tpu.memory_space<vmem>>
      %gather3A_1525 = tpu.memref_squeeze %gather3A_1524 : memref<1x128x16xf32, #tpu.memory_space<vmem>> -> memref<128x16xf32, #tpu.memory_space<vmem>>
      %gather3A_1526 = tpu.vector_load_idx %gather3A_1525[%add3A_1494, %broadcast_in_dim3A_1521] : memref<128x16xf32, #tpu.memory_space<vmem>>[vector<16xi32>, vector<16xi32>], vector<16xf32>,
      %broadcast_in_dim3A_1527 = arith.constant 5 : i32
      %broadcast_in_dim3A_1528 = vector.broadcast %broadcast_in_dim3A_1527 : i32 to vector<16xi32>
      %gather3A_1529 = arith.constant 0 : i32
      %gather3A_1530 = arith.constant 0 : i32
      %gather3A_1531 = tpu.memref_slice %arg10[%scan3A_47, %gather3A_1529, %gather3A_1530] : memref<2x128x16xf32, #tpu.memory_space<vmem>> -> memref<1x128x16xf32, #tpu.memory_space<vmem>>
      %gather3A_1532 = tpu.memref_squeeze %gather3A_1531 : memref<1x128x16xf32, #tpu.memory_space<vmem>> -> memref<128x16xf32, #tpu.memory_space<vmem>>
      %gather3A_1533 = tpu.vector_load_idx %gather3A_1532[%add3A_1494, %broadcast_in_dim3A_1528] : memref<128x16xf32, #tpu.memory_space<vmem>>[vector<16xi32>, vector<16xi32>], vector<16xf32>,
      %add3A_1534 = arith.addf %gather3A_1526, %gather3A_1533 : vector<16xf32>
      %ge3A_1535 = arith.constant 0.000000e+00 : f32
      %ge3A_1536 = vector.broadcast %ge3A_1535 : f32 to vector<16xf32>
      %ge3A_1537 = arith.cmpf oge, %add3A_1534, %ge3A_1536 : vector<16xf32>
      %mul3A_1538 = arith.constant 2.000000e-01 : f32
      %mul3A_1539 = vector.broadcast %mul3A_1538 : f32 to vector<16xf32>
      %mul3A_1540 = arith.mulf %mul3A_1539, %add3A_1534 : vector<16xf32>
      %select_n3A_1541 = arith.select %ge3A_1537, %add3A_1534, %mul3A_1540 : vector<16xi1>, vector<16xf32>
      %exp3A_1542 = math.exp %select_n3A_1541 : vector<16xf32>
      %broadcast_in_dim3A_1543 = arith.constant 1 : i32
      %broadcast_in_dim3A_1544 = vector.broadcast %broadcast_in_dim3A_1543 : i32 to vector<16xi32>
      tpu.vector_store_idx %arg13[%add3A_1494, %broadcast_in_dim3A_1544], %exp3A_1542 : memref<128x16xf32, #tpu.memory_space<vmem>>[vector<16xi32>, vector<16xi32>], vector<16xf32>,
      %broadcast_in_dim3A_1545 = arith.constant 2 : i32
      %broadcast_in_dim3A_1546 = vector.broadcast %broadcast_in_dim3A_1545 : i32 to vector<16xi32>
      %gather3A_1547 = arith.constant 0 : i32
      %gather3A_1548 = arith.constant 0 : i32
      %gather3A_1549 = tpu.memref_slice %arg9[%scan3A_46, %gather3A_1547, %gather3A_1548] : memref<2x128x16xf32, #tpu.memory_space<vmem>> -> memref<1x128x16xf32, #tpu.memory_space<vmem>>
      %gather3A_1550 = tpu.memref_squeeze %gather3A_1549 : memref<1x128x16xf32, #tpu.memory_space<vmem>> -> memref<128x16xf32, #tpu.memory_space<vmem>>
      %gather3A_1551 = tpu.vector_load_idx %gather3A_1550[%add3A_1494, %broadcast_in_dim3A_1546] : memref<128x16xf32, #tpu.memory_space<vmem>>[vector<16xi32>, vector<16xi32>], vector<16xf32>,
      %broadcast_in_dim3A_1552 = arith.constant 6 : i32
      %broadcast_in_dim3A_1553 = vector.broadcast %broadcast_in_dim3A_1552 : i32 to vector<16xi32>
      %gather3A_1554 = arith.constant 0 : i32
      %gather3A_1555 = arith.constant 0 : i32
      %gather3A_1556 = tpu.memref_slice %arg10[%scan3A_47, %gather3A_1554, %gather3A_1555] : memref<2x128x16xf32, #tpu.memory_space<vmem>> -> memref<1x128x16xf32, #tpu.memory_space<vmem>>
      %gather3A_1557 = tpu.memref_squeeze %gather3A_1556 : memref<1x128x16xf32, #tpu.memory_space<vmem>> -> memref<128x16xf32, #tpu.memory_space<vmem>>
      %gather3A_1558 = tpu.vector_load_idx %gather3A_1557[%add3A_1494, %broadcast_in_dim3A_1553] : memref<128x16xf32, #tpu.memory_space<vmem>>[vector<16xi32>, vector<16xi32>], vector<16xf32>,
      %add3A_1559 = arith.addf %gather3A_1551, %gather3A_1558 : vector<16xf32>
      %ge3A_1560 = arith.constant 0.000000e+00 : f32
      %ge3A_1561 = vector.broadcast %ge3A_1560 : f32 to vector<16xf32>
      %ge3A_1562 = arith.cmpf oge, %add3A_1559, %ge3A_1561 : vector<16xf32>
      %mul3A_1563 = arith.constant 2.000000e-01 : f32
      %mul3A_1564 = vector.broadcast %mul3A_1563 : f32 to vector<16xf32>
      %mul3A_1565 = arith.mulf %mul3A_1564, %add3A_1559 : vector<16xf32>
      %select_n3A_1566 = arith.select %ge3A_1562, %add3A_1559, %mul3A_1565 : vector<16xi1>, vector<16xf32>
      %exp3A_1567 = math.exp %select_n3A_1566 : vector<16xf32>
      %broadcast_in_dim3A_1568 = arith.constant 2 : i32
      %broadcast_in_dim3A_1569 = vector.broadcast %broadcast_in_dim3A_1568 : i32 to vector<16xi32>
      tpu.vector_store_idx %arg13[%add3A_1494, %broadcast_in_dim3A_1569], %exp3A_1567 : memref<128x16xf32, #tpu.memory_space<vmem>>[vector<16xi32>, vector<16xi32>], vector<16xf32>,
      %broadcast_in_dim3A_1570 = arith.constant 3 : i32
      %broadcast_in_dim3A_1571 = vector.broadcast %broadcast_in_dim3A_1570 : i32 to vector<16xi32>
      %gather3A_1572 = arith.constant 0 : i32
      %gather3A_1573 = arith.constant 0 : i32
      %gather3A_1574 = tpu.memref_slice %arg9[%scan3A_46, %gather3A_1572, %gather3A_1573] : memref<2x128x16xf32, #tpu.memory_space<vmem>> -> memref<1x128x16xf32, #tpu.memory_space<vmem>>
      %gather3A_1575 = tpu.memref_squeeze %gather3A_1574 : memref<1x128x16xf32, #tpu.memory_space<vmem>> -> memref<128x16xf32, #tpu.memory_space<vmem>>
      %gather3A_1576 = tpu.vector_load_idx %gather3A_1575[%add3A_1494, %broadcast_in_dim3A_1571] : memref<128x16xf32, #tpu.memory_space<vmem>>[vector<16xi32>, vector<16xi32>], vector<16xf32>,
      %broadcast_in_dim3A_1577 = arith.constant 7 : i32
      %broadcast_in_dim3A_1578 = vector.broadcast %broadcast_in_dim3A_1577 : i32 to vector<16xi32>
      %gather3A_1579 = arith.constant 0 : i32
      %gather3A_1580 = arith.constant 0 : i32
      %gather3A_1581 = tpu.memref_slice %arg10[%scan3A_47, %gather3A_1579, %gather3A_1580] : memref<2x128x16xf32, #tpu.memory_space<vmem>> -> memref<1x128x16xf32, #tpu.memory_space<vmem>>
      %gather3A_1582 = tpu.memref_squeeze %gather3A_1581 : memref<1x128x16xf32, #tpu.memory_space<vmem>> -> memref<128x16xf32, #tpu.memory_space<vmem>>
      %gather3A_1583 = tpu.vector_load_idx %gather3A_1582[%add3A_1494, %broadcast_in_dim3A_1578] : memref<128x16xf32, #tpu.memory_space<vmem>>[vector<16xi32>, vector<16xi32>], vector<16xf32>,
      %add3A_1584 = arith.addf %gather3A_1576, %gather3A_1583 : vector<16xf32>
      %ge3A_1585 = arith.constant 0.000000e+00 : f32
      %ge3A_1586 = vector.broadcast %ge3A_1585 : f32 to vector<16xf32>
      %ge3A_1587 = arith.cmpf oge, %add3A_1584, %ge3A_1586 : vector<16xf32>
      %mul3A_1588 = arith.constant 2.000000e-01 : f32
      %mul3A_1589 = vector.broadcast %mul3A_1588 : f32 to vector<16xf32>
      %mul3A_1590 = arith.mulf %mul3A_1589, %add3A_1584 : vector<16xf32>
      %select_n3A_1591 = arith.select %ge3A_1587, %add3A_1584, %mul3A_1590 : vector<16xi1>, vector<16xf32>
      %exp3A_1592 = math.exp %select_n3A_1591 : vector<16xf32>
      %broadcast_in_dim3A_1593 = arith.constant 3 : i32
      %broadcast_in_dim3A_1594 = vector.broadcast %broadcast_in_dim3A_1593 : i32 to vector<16xi32>
      tpu.vector_store_idx %arg13[%add3A_1494, %broadcast_in_dim3A_1594], %exp3A_1592 : memref<128x16xf32, #tpu.memory_space<vmem>>[vector<16xi32>, vector<16xi32>], vector<16xf32>,
      %add3A_1595 = arith.constant 96 : i32
      %add3A_1596 = vector.broadcast %add3A_1595 : i32 to vector<16xi32>
      %add3A_1597 = arith.addi %add3A_1596, %iota3A : vector<16xi32>
      %broadcast_in_dim3A_1598 = arith.constant 0 : i32
      %broadcast_in_dim3A_1599 = vector.broadcast %broadcast_in_dim3A_1598 : i32 to vector<16xi32>
      %gather3A_1600 = arith.constant 0 : i32
      %gather3A_1601 = arith.constant 0 : i32
      %gather3A_1602 = tpu.memref_slice %arg9[%scan3A_46, %gather3A_1600, %gather3A_1601] : memref<2x128x16xf32, #tpu.memory_space<vmem>> -> memref<1x128x16xf32, #tpu.memory_space<vmem>>
      %gather3A_1603 = tpu.memref_squeeze %gather3A_1602 : memref<1x128x16xf32, #tpu.memory_space<vmem>> -> memref<128x16xf32, #tpu.memory_space<vmem>>
      %gather3A_1604 = tpu.vector_load_idx %gather3A_1603[%add3A_1597, %broadcast_in_dim3A_1599] : memref<128x16xf32, #tpu.memory_space<vmem>>[vector<16xi32>, vector<16xi32>], vector<16xf32>,
      %broadcast_in_dim3A_1605 = arith.constant 4 : i32
      %broadcast_in_dim3A_1606 = vector.broadcast %broadcast_in_dim3A_1605 : i32 to vector<16xi32>
      %gather3A_1607 = arith.constant 0 : i32
      %gather3A_1608 = arith.constant 0 : i32
      %gather3A_1609 = tpu.memref_slice %arg10[%scan3A_47, %gather3A_1607, %gather3A_1608] : memref<2x128x16xf32, #tpu.memory_space<vmem>> -> memref<1x128x16xf32, #tpu.memory_space<vmem>>
      %gather3A_1610 = tpu.memref_squeeze %gather3A_1609 : memref<1x128x16xf32, #tpu.memory_space<vmem>> -> memref<128x16xf32, #tpu.memory_space<vmem>>
      %gather3A_1611 = tpu.vector_load_idx %gather3A_1610[%add3A_1597, %broadcast_in_dim3A_1606] : memref<128x16xf32, #tpu.memory_space<vmem>>[vector<16xi32>, vector<16xi32>], vector<16xf32>,
      %add3A_1612 = arith.addf %gather3A_1604, %gather3A_1611 : vector<16xf32>
      %ge3A_1613 = arith.constant 0.000000e+00 : f32
      %ge3A_1614 = vector.broadcast %ge3A_1613 : f32 to vector<16xf32>
      %ge3A_1615 = arith.cmpf oge, %add3A_1612, %ge3A_1614 : vector<16xf32>
      %mul3A_1616 = arith.constant 2.000000e-01 : f32
      %mul3A_1617 = vector.broadcast %mul3A_1616 : f32 to vector<16xf32>
      %mul3A_1618 = arith.mulf %mul3A_1617, %add3A_1612 : vector<16xf32>
      %select_n3A_1619 = arith.select %ge3A_1615, %add3A_1612, %mul3A_1618 : vector<16xi1>, vector<16xf32>
      %exp3A_1620 = math.exp %select_n3A_1619 : vector<16xf32>
      %broadcast_in_dim3A_1621 = arith.constant 0 : i32
      %broadcast_in_dim3A_1622 = vector.broadcast %broadcast_in_dim3A_1621 : i32 to vector<16xi32>
      tpu.vector_store_idx %arg13[%add3A_1597, %broadcast_in_dim3A_1622], %exp3A_1620 : memref<128x16xf32, #tpu.memory_space<vmem>>[vector<16xi32>, vector<16xi32>], vector<16xf32>,
      %broadcast_in_dim3A_1623 = arith.constant 1 : i32
      %broadcast_in_dim3A_1624 = vector.broadcast %broadcast_in_dim3A_1623 : i32 to vector<16xi32>
      %gather3A_1625 = arith.constant 0 : i32
      %gather3A_1626 = arith.constant 0 : i32
      %gather3A_1627 = tpu.memref_slice %arg9[%scan3A_46, %gather3A_1625, %gather3A_1626] : memref<2x128x16xf32, #tpu.memory_space<vmem>> -> memref<1x128x16xf32, #tpu.memory_space<vmem>>
      %gather3A_1628 = tpu.memref_squeeze %gather3A_1627 : memref<1x128x16xf32, #tpu.memory_space<vmem>> -> memref<128x16xf32, #tpu.memory_space<vmem>>
      %gather3A_1629 = tpu.vector_load_idx %gather3A_1628[%add3A_1597, %broadcast_in_dim3A_1624] : memref<128x16xf32, #tpu.memory_space<vmem>>[vector<16xi32>, vector<16xi32>], vector<16xf32>,
      %broadcast_in_dim3A_1630 = arith.constant 5 : i32
      %broadcast_in_dim3A_1631 = vector.broadcast %broadcast_in_dim3A_1630 : i32 to vector<16xi32>
      %gather3A_1632 = arith.constant 0 : i32
      %gather3A_1633 = arith.constant 0 : i32
      %gather3A_1634 = tpu.memref_slice %arg10[%scan3A_47, %gather3A_1632, %gather3A_1633] : memref<2x128x16xf32, #tpu.memory_space<vmem>> -> memref<1x128x16xf32, #tpu.memory_space<vmem>>
      %gather3A_1635 = tpu.memref_squeeze %gather3A_1634 : memref<1x128x16xf32, #tpu.memory_space<vmem>> -> memref<128x16xf32, #tpu.memory_space<vmem>>
      %gather3A_1636 = tpu.vector_load_idx %gather3A_1635[%add3A_1597, %broadcast_in_dim3A_1631] : memref<128x16xf32, #tpu.memory_space<vmem>>[vector<16xi32>, vector<16xi32>], vector<16xf32>,
      %add3A_1637 = arith.addf %gather3A_1629, %gather3A_1636 : vector<16xf32>
      %ge3A_1638 = arith.constant 0.000000e+00 : f32
      %ge3A_1639 = vector.broadcast %ge3A_1638 : f32 to vector<16xf32>
      %ge3A_1640 = arith.cmpf oge, %add3A_1637, %ge3A_1639 : vector<16xf32>
      %mul3A_1641 = arith.constant 2.000000e-01 : f32
      %mul3A_1642 = vector.broadcast %mul3A_1641 : f32 to vector<16xf32>
      %mul3A_1643 = arith.mulf %mul3A_1642, %add3A_1637 : vector<16xf32>
      %select_n3A_1644 = arith.select %ge3A_1640, %add3A_1637, %mul3A_1643 : vector<16xi1>, vector<16xf32>
      %exp3A_1645 = math.exp %select_n3A_1644 : vector<16xf32>
      %broadcast_in_dim3A_1646 = arith.constant 1 : i32
      %broadcast_in_dim3A_1647 = vector.broadcast %broadcast_in_dim3A_1646 : i32 to vector<16xi32>
      tpu.vector_store_idx %arg13[%add3A_1597, %broadcast_in_dim3A_1647], %exp3A_1645 : memref<128x16xf32, #tpu.memory_space<vmem>>[vector<16xi32>, vector<16xi32>], vector<16xf32>,
      %broadcast_in_dim3A_1648 = arith.constant 2 : i32
      %broadcast_in_dim3A_1649 = vector.broadcast %broadcast_in_dim3A_1648 : i32 to vector<16xi32>
      %gather3A_1650 = arith.constant 0 : i32
      %gather3A_1651 = arith.constant 0 : i32
      %gather3A_1652 = tpu.memref_slice %arg9[%scan3A_46, %gather3A_1650, %gather3A_1651] : memref<2x128x16xf32, #tpu.memory_space<vmem>> -> memref<1x128x16xf32, #tpu.memory_space<vmem>>
      %gather3A_1653 = tpu.memref_squeeze %gather3A_1652 : memref<1x128x16xf32, #tpu.memory_space<vmem>> -> memref<128x16xf32, #tpu.memory_space<vmem>>
      %gather3A_1654 = tpu.vector_load_idx %gather3A_1653[%add3A_1597, %broadcast_in_dim3A_1649] : memref<128x16xf32, #tpu.memory_space<vmem>>[vector<16xi32>, vector<16xi32>], vector<16xf32>,
      %broadcast_in_dim3A_1655 = arith.constant 6 : i32
      %broadcast_in_dim3A_1656 = vector.broadcast %broadcast_in_dim3A_1655 : i32 to vector<16xi32>
      %gather3A_1657 = arith.constant 0 : i32
      %gather3A_1658 = arith.constant 0 : i32
      %gather3A_1659 = tpu.memref_slice %arg10[%scan3A_47, %gather3A_1657, %gather3A_1658] : memref<2x128x16xf32, #tpu.memory_space<vmem>> -> memref<1x128x16xf32, #tpu.memory_space<vmem>>
      %gather3A_1660 = tpu.memref_squeeze %gather3A_1659 : memref<1x128x16xf32, #tpu.memory_space<vmem>> -> memref<128x16xf32, #tpu.memory_space<vmem>>
      %gather3A_1661 = tpu.vector_load_idx %gather3A_1660[%add3A_1597, %broadcast_in_dim3A_1656] : memref<128x16xf32, #tpu.memory_space<vmem>>[vector<16xi32>, vector<16xi32>], vector<16xf32>,
      %add3A_1662 = arith.addf %gather3A_1654, %gather3A_1661 : vector<16xf32>
      %ge3A_1663 = arith.constant 0.000000e+00 : f32
      %ge3A_1664 = vector.broadcast %ge3A_1663 : f32 to vector<16xf32>
      %ge3A_1665 = arith.cmpf oge, %add3A_1662, %ge3A_1664 : vector<16xf32>
      %mul3A_1666 = arith.constant 2.000000e-01 : f32
      %mul3A_1667 = vector.broadcast %mul3A_1666 : f32 to vector<16xf32>
      %mul3A_1668 = arith.mulf %mul3A_1667, %add3A_1662 : vector<16xf32>
      %select_n3A_1669 = arith.select %ge3A_1665, %add3A_1662, %mul3A_1668 : vector<16xi1>, vector<16xf32>
      %exp3A_1670 = math.exp %select_n3A_1669 : vector<16xf32>
      %broadcast_in_dim3A_1671 = arith.constant 2 : i32
      %broadcast_in_dim3A_1672 = vector.broadcast %broadcast_in_dim3A_1671 : i32 to vector<16xi32>
      tpu.vector_store_idx %arg13[%add3A_1597, %broadcast_in_dim3A_1672], %exp3A_1670 : memref<128x16xf32, #tpu.memory_space<vmem>>[vector<16xi32>, vector<16xi32>], vector<16xf32>,
      %broadcast_in_dim3A_1673 = arith.constant 3 : i32
      %broadcast_in_dim3A_1674 = vector.broadcast %broadcast_in_dim3A_1673 : i32 to vector<16xi32>
      %gather3A_1675 = arith.constant 0 : i32
      %gather3A_1676 = arith.constant 0 : i32
      %gather3A_1677 = tpu.memref_slice %arg9[%scan3A_46, %gather3A_1675, %gather3A_1676] : memref<2x128x16xf32, #tpu.memory_space<vmem>> -> memref<1x128x16xf32, #tpu.memory_space<vmem>>
      %gather3A_1678 = tpu.memref_squeeze %gather3A_1677 : memref<1x128x16xf32, #tpu.memory_space<vmem>> -> memref<128x16xf32, #tpu.memory_space<vmem>>
      %gather3A_1679 = tpu.vector_load_idx %gather3A_1678[%add3A_1597, %broadcast_in_dim3A_1674] : memref<128x16xf32, #tpu.memory_space<vmem>>[vector<16xi32>, vector<16xi32>], vector<16xf32>,
      %broadcast_in_dim3A_1680 = arith.constant 7 : i32
      %broadcast_in_dim3A_1681 = vector.broadcast %broadcast_in_dim3A_1680 : i32 to vector<16xi32>
      %gather3A_1682 = arith.constant 0 : i32
      %gather3A_1683 = arith.constant 0 : i32
      %gather3A_1684 = tpu.memref_slice %arg10[%scan3A_47, %gather3A_1682, %gather3A_1683] : memref<2x128x16xf32, #tpu.memory_space<vmem>> -> memref<1x128x16xf32, #tpu.memory_space<vmem>>
      %gather3A_1685 = tpu.memref_squeeze %gather3A_1684 : memref<1x128x16xf32, #tpu.memory_space<vmem>> -> memref<128x16xf32, #tpu.memory_space<vmem>>
      %gather3A_1686 = tpu.vector_load_idx %gather3A_1685[%add3A_1597, %broadcast_in_dim3A_1681] : memref<128x16xf32, #tpu.memory_space<vmem>>[vector<16xi32>, vector<16xi32>], vector<16xf32>,
      %add3A_1687 = arith.addf %gather3A_1679, %gather3A_1686 : vector<16xf32>
      %ge3A_1688 = arith.constant 0.000000e+00 : f32
      %ge3A_1689 = vector.broadcast %ge3A_1688 : f32 to vector<16xf32>
      %ge3A_1690 = arith.cmpf oge, %add3A_1687, %ge3A_1689 : vector<16xf32>
      %mul3A_1691 = arith.constant 2.000000e-01 : f32
      %mul3A_1692 = vector.broadcast %mul3A_1691 : f32 to vector<16xf32>
      %mul3A_1693 = arith.mulf %mul3A_1692, %add3A_1687 : vector<16xf32>
      %select_n3A_1694 = arith.select %ge3A_1690, %add3A_1687, %mul3A_1693 : vector<16xi1>, vector<16xf32>
      %exp3A_1695 = math.exp %select_n3A_1694 : vector<16xf32>
      %broadcast_in_dim3A_1696 = arith.constant 3 : i32
      %broadcast_in_dim3A_1697 = vector.broadcast %broadcast_in_dim3A_1696 : i32 to vector<16xi32>
      tpu.vector_store_idx %arg13[%add3A_1597, %broadcast_in_dim3A_1697], %exp3A_1695 : memref<128x16xf32, #tpu.memory_space<vmem>>[vector<16xi32>, vector<16xi32>], vector<16xf32>,
      %add3A_1698 = arith.constant 112 : i32
      %add3A_1699 = vector.broadcast %add3A_1698 : i32 to vector<16xi32>
      %add3A_1700 = arith.addi %add3A_1699, %iota3A : vector<16xi32>
      %broadcast_in_dim3A_1701 = arith.constant 0 : i32
      %broadcast_in_dim3A_1702 = vector.broadcast %broadcast_in_dim3A_1701 : i32 to vector<16xi32>
      %gather3A_1703 = arith.constant 0 : i32
      %gather3A_1704 = arith.constant 0 : i32
      %gather3A_1705 = tpu.memref_slice %arg9[%scan3A_46, %gather3A_1703, %gather3A_1704] : memref<2x128x16xf32, #tpu.memory_space<vmem>> -> memref<1x128x16xf32, #tpu.memory_space<vmem>>
      %gather3A_1706 = tpu.memref_squeeze %gather3A_1705 : memref<1x128x16xf32, #tpu.memory_space<vmem>> -> memref<128x16xf32, #tpu.memory_space<vmem>>
      %gather3A_1707 = tpu.vector_load_idx %gather3A_1706[%add3A_1700, %broadcast_in_dim3A_1702] : memref<128x16xf32, #tpu.memory_space<vmem>>[vector<16xi32>, vector<16xi32>], vector<16xf32>,
      %broadcast_in_dim3A_1708 = arith.constant 4 : i32
      %broadcast_in_dim3A_1709 = vector.broadcast %broadcast_in_dim3A_1708 : i32 to vector<16xi32>
      %gather3A_1710 = arith.constant 0 : i32
      %gather3A_1711 = arith.constant 0 : i32
      %gather3A_1712 = tpu.memref_slice %arg10[%scan3A_47, %gather3A_1710, %gather3A_1711] : memref<2x128x16xf32, #tpu.memory_space<vmem>> -> memref<1x128x16xf32, #tpu.memory_space<vmem>>
      %gather3A_1713 = tpu.memref_squeeze %gather3A_1712 : memref<1x128x16xf32, #tpu.memory_space<vmem>> -> memref<128x16xf32, #tpu.memory_space<vmem>>
      %gather3A_1714 = tpu.vector_load_idx %gather3A_1713[%add3A_1700, %broadcast_in_dim3A_1709] : memref<128x16xf32, #tpu.memory_space<vmem>>[vector<16xi32>, vector<16xi32>], vector<16xf32>,
      %add3A_1715 = arith.addf %gather3A_1707, %gather3A_1714 : vector<16xf32>
      %ge3A_1716 = arith.constant 0.000000e+00 : f32
      %ge3A_1717 = vector.broadcast %ge3A_1716 : f32 to vector<16xf32>
      %ge3A_1718 = arith.cmpf oge, %add3A_1715, %ge3A_1717 : vector<16xf32>
      %mul3A_1719 = arith.constant 2.000000e-01 : f32
      %mul3A_1720 = vector.broadcast %mul3A_1719 : f32 to vector<16xf32>
      %mul3A_1721 = arith.mulf %mul3A_1720, %add3A_1715 : vector<16xf32>
      %select_n3A_1722 = arith.select %ge3A_1718, %add3A_1715, %mul3A_1721 : vector<16xi1>, vector<16xf32>
      %exp3A_1723 = math.exp %select_n3A_1722 : vector<16xf32>
      %broadcast_in_dim3A_1724 = arith.constant 0 : i32
      %broadcast_in_dim3A_1725 = vector.broadcast %broadcast_in_dim3A_1724 : i32 to vector<16xi32>
      tpu.vector_store_idx %arg13[%add3A_1700, %broadcast_in_dim3A_1725], %exp3A_1723 : memref<128x16xf32, #tpu.memory_space<vmem>>[vector<16xi32>, vector<16xi32>], vector<16xf32>,
      %broadcast_in_dim3A_1726 = arith.constant 1 : i32
      %broadcast_in_dim3A_1727 = vector.broadcast %broadcast_in_dim3A_1726 : i32 to vector<16xi32>
      %gather3A_1728 = arith.constant 0 : i32
      %gather3A_1729 = arith.constant 0 : i32
      %gather3A_1730 = tpu.memref_slice %arg9[%scan3A_46, %gather3A_1728, %gather3A_1729] : memref<2x128x16xf32, #tpu.memory_space<vmem>> -> memref<1x128x16xf32, #tpu.memory_space<vmem>>
      %gather3A_1731 = tpu.memref_squeeze %gather3A_1730 : memref<1x128x16xf32, #tpu.memory_space<vmem>> -> memref<128x16xf32, #tpu.memory_space<vmem>>
      %gather3A_1732 = tpu.vector_load_idx %gather3A_1731[%add3A_1700, %broadcast_in_dim3A_1727] : memref<128x16xf32, #tpu.memory_space<vmem>>[vector<16xi32>, vector<16xi32>], vector<16xf32>,
      %broadcast_in_dim3A_1733 = arith.constant 5 : i32
      %broadcast_in_dim3A_1734 = vector.broadcast %broadcast_in_dim3A_1733 : i32 to vector<16xi32>
      %gather3A_1735 = arith.constant 0 : i32
      %gather3A_1736 = arith.constant 0 : i32
      %gather3A_1737 = tpu.memref_slice %arg10[%scan3A_47, %gather3A_1735, %gather3A_1736] : memref<2x128x16xf32, #tpu.memory_space<vmem>> -> memref<1x128x16xf32, #tpu.memory_space<vmem>>
      %gather3A_1738 = tpu.memref_squeeze %gather3A_1737 : memref<1x128x16xf32, #tpu.memory_space<vmem>> -> memref<128x16xf32, #tpu.memory_space<vmem>>
      %gather3A_1739 = tpu.vector_load_idx %gather3A_1738[%add3A_1700, %broadcast_in_dim3A_1734] : memref<128x16xf32, #tpu.memory_space<vmem>>[vector<16xi32>, vector<16xi32>], vector<16xf32>,
      %add3A_1740 = arith.addf %gather3A_1732, %gather3A_1739 : vector<16xf32>
      %ge3A_1741 = arith.constant 0.000000e+00 : f32
      %ge3A_1742 = vector.broadcast %ge3A_1741 : f32 to vector<16xf32>
      %ge3A_1743 = arith.cmpf oge, %add3A_1740, %ge3A_1742 : vector<16xf32>
      %mul3A_1744 = arith.constant 2.000000e-01 : f32
      %mul3A_1745 = vector.broadcast %mul3A_1744 : f32 to vector<16xf32>
      %mul3A_1746 = arith.mulf %mul3A_1745, %add3A_1740 : vector<16xf32>
      %select_n3A_1747 = arith.select %ge3A_1743, %add3A_1740, %mul3A_1746 : vector<16xi1>, vector<16xf32>
      %exp3A_1748 = math.exp %select_n3A_1747 : vector<16xf32>
      %broadcast_in_dim3A_1749 = arith.constant 1 : i32
      %broadcast_in_dim3A_1750 = vector.broadcast %broadcast_in_dim3A_1749 : i32 to vector<16xi32>
      tpu.vector_store_idx %arg13[%add3A_1700, %broadcast_in_dim3A_1750], %exp3A_1748 : memref<128x16xf32, #tpu.memory_space<vmem>>[vector<16xi32>, vector<16xi32>], vector<16xf32>,
      %broadcast_in_dim3A_1751 = arith.constant 2 : i32
      %broadcast_in_dim3A_1752 = vector.broadcast %broadcast_in_dim3A_1751 : i32 to vector<16xi32>
      %gather3A_1753 = arith.constant 0 : i32
      %gather3A_1754 = arith.constant 0 : i32
      %gather3A_1755 = tpu.memref_slice %arg9[%scan3A_46, %gather3A_1753, %gather3A_1754] : memref<2x128x16xf32, #tpu.memory_space<vmem>> -> memref<1x128x16xf32, #tpu.memory_space<vmem>>
      %gather3A_1756 = tpu.memref_squeeze %gather3A_1755 : memref<1x128x16xf32, #tpu.memory_space<vmem>> -> memref<128x16xf32, #tpu.memory_space<vmem>>
      %gather3A_1757 = tpu.vector_load_idx %gather3A_1756[%add3A_1700, %broadcast_in_dim3A_1752] : memref<128x16xf32, #tpu.memory_space<vmem>>[vector<16xi32>, vector<16xi32>], vector<16xf32>,
      %broadcast_in_dim3A_1758 = arith.constant 6 : i32
      %broadcast_in_dim3A_1759 = vector.broadcast %broadcast_in_dim3A_1758 : i32 to vector<16xi32>
      %gather3A_1760 = arith.constant 0 : i32
      %gather3A_1761 = arith.constant 0 : i32
      %gather3A_1762 = tpu.memref_slice %arg10[%scan3A_47, %gather3A_1760, %gather3A_1761] : memref<2x128x16xf32, #tpu.memory_space<vmem>> -> memref<1x128x16xf32, #tpu.memory_space<vmem>>
      %gather3A_1763 = tpu.memref_squeeze %gather3A_1762 : memref<1x128x16xf32, #tpu.memory_space<vmem>> -> memref<128x16xf32, #tpu.memory_space<vmem>>
      %gather3A_1764 = tpu.vector_load_idx %gather3A_1763[%add3A_1700, %broadcast_in_dim3A_1759] : memref<128x16xf32, #tpu.memory_space<vmem>>[vector<16xi32>, vector<16xi32>], vector<16xf32>,
      %add3A_1765 = arith.addf %gather3A_1757, %gather3A_1764 : vector<16xf32>
      %ge3A_1766 = arith.constant 0.000000e+00 : f32
      %ge3A_1767 = vector.broadcast %ge3A_1766 : f32 to vector<16xf32>
      %ge3A_1768 = arith.cmpf oge, %add3A_1765, %ge3A_1767 : vector<16xf32>
      %mul3A_1769 = arith.constant 2.000000e-01 : f32
      %mul3A_1770 = vector.broadcast %mul3A_1769 : f32 to vector<16xf32>
      %mul3A_1771 = arith.mulf %mul3A_1770, %add3A_1765 : vector<16xf32>
      %select_n3A_1772 = arith.select %ge3A_1768, %add3A_1765, %mul3A_1771 : vector<16xi1>, vector<16xf32>
      %exp3A_1773 = math.exp %select_n3A_1772 : vector<16xf32>
      %broadcast_in_dim3A_1774 = arith.constant 2 : i32
      %broadcast_in_dim3A_1775 = vector.broadcast %broadcast_in_dim3A_1774 : i32 to vector<16xi32>
      tpu.vector_store_idx %arg13[%add3A_1700, %broadcast_in_dim3A_1775], %exp3A_1773 : memref<128x16xf32, #tpu.memory_space<vmem>>[vector<16xi32>, vector<16xi32>], vector<16xf32>,
      %broadcast_in_dim3A_1776 = arith.constant 3 : i32
      %broadcast_in_dim3A_1777 = vector.broadcast %broadcast_in_dim3A_1776 : i32 to vector<16xi32>
      %gather3A_1778 = arith.constant 0 : i32
      %gather3A_1779 = arith.constant 0 : i32
      %gather3A_1780 = tpu.memref_slice %arg9[%scan3A_46, %gather3A_1778, %gather3A_1779] : memref<2x128x16xf32, #tpu.memory_space<vmem>> -> memref<1x128x16xf32, #tpu.memory_space<vmem>>
      %gather3A_1781 = tpu.memref_squeeze %gather3A_1780 : memref<1x128x16xf32, #tpu.memory_space<vmem>> -> memref<128x16xf32, #tpu.memory_space<vmem>>
      %gather3A_1782 = tpu.vector_load_idx %gather3A_1781[%add3A_1700, %broadcast_in_dim3A_1777] : memref<128x16xf32, #tpu.memory_space<vmem>>[vector<16xi32>, vector<16xi32>], vector<16xf32>,
      %broadcast_in_dim3A_1783 = arith.constant 7 : i32
      %broadcast_in_dim3A_1784 = vector.broadcast %broadcast_in_dim3A_1783 : i32 to vector<16xi32>
      %gather3A_1785 = arith.constant 0 : i32
      %gather3A_1786 = arith.constant 0 : i32
      %gather3A_1787 = tpu.memref_slice %arg10[%scan3A_47, %gather3A_1785, %gather3A_1786] : memref<2x128x16xf32, #tpu.memory_space<vmem>> -> memref<1x128x16xf32, #tpu.memory_space<vmem>>
      %gather3A_1788 = tpu.memref_squeeze %gather3A_1787 : memref<1x128x16xf32, #tpu.memory_space<vmem>> -> memref<128x16xf32, #tpu.memory_space<vmem>>
      %gather3A_1789 = tpu.vector_load_idx %gather3A_1788[%add3A_1700, %broadcast_in_dim3A_1784] : memref<128x16xf32, #tpu.memory_space<vmem>>[vector<16xi32>, vector<16xi32>], vector<16xf32>,
      %add3A_1790 = arith.addf %gather3A_1782, %gather3A_1789 : vector<16xf32>
      %ge3A_1791 = arith.constant 0.000000e+00 : f32
      %ge3A_1792 = vector.broadcast %ge3A_1791 : f32 to vector<16xf32>
      %ge3A_1793 = arith.cmpf oge, %add3A_1790, %ge3A_1792 : vector<16xf32>
      %mul3A_1794 = arith.constant 2.000000e-01 : f32
      %mul3A_1795 = vector.broadcast %mul3A_1794 : f32 to vector<16xf32>
      %mul3A_1796 = arith.mulf %mul3A_1795, %add3A_1790 : vector<16xf32>
      %select_n3A_1797 = arith.select %ge3A_1793, %add3A_1790, %mul3A_1796 : vector<16xi1>, vector<16xf32>
      %exp3A_1798 = math.exp %select_n3A_1797 : vector<16xf32>
      %broadcast_in_dim3A_1799 = arith.constant 3 : i32
      %broadcast_in_dim3A_1800 = vector.broadcast %broadcast_in_dim3A_1799 : i32 to vector<16xi32>
      tpu.vector_store_idx %arg13[%add3A_1700, %broadcast_in_dim3A_1800], %exp3A_1798 : memref<128x16xf32, #tpu.memory_space<vmem>>[vector<16xi32>, vector<16xi32>], vector<16xf32>,
      %dma_wait3A_1801 = arith.constant 0 : i32
      %dma_wait3A_1802 = arith.constant 0 : i32
      %dma_wait3A_1803 = tpu.memref_slice %arg8[%scan3A_45, %dma_wait3A_1801, %dma_wait3A_1802] : memref<2x128x80xf32, #tpu.memory_space<vmem>> -> memref<1x128x80xf32, #tpu.memory_space<vmem>>
      %dma_wait3A_1804 = tpu.memref_squeeze %dma_wait3A_1803 : memref<1x128x80xf32, #tpu.memory_space<vmem>> -> memref<128x80xf32, #tpu.memory_space<vmem>>
      %dma_wait3A_1805 = arith.constant 0 : i32
      %dma_wait3A_1806 = tpu.memref_slice %arg11[%scan3A_43, %dma_wait3A_1805] : memref<2x128xi32, #tpu.memory_space<vmem>> -> memref<1x128xi32, #tpu.memory_space<vmem>>
      %dma_wait3A_1807 = tpu.memref_squeeze %dma_wait3A_1806 : memref<1x128xi32, #tpu.memory_space<vmem>> -> memref<128xi32, #tpu.memory_space<vmem>>
      %dma_wait3A_1808 = arith.constant 0 : i32
      %dma_wait3A_1809 = arith.constant 0 : i32
      %dma_wait3A_1810 = tpu.memref_slice %arg2[%dma_wait3A_1808, %dma_wait3A_1809] : memref<10112x80xf32, #tpu.memory_space<hbm>> -> memref<10112x80xf32, #tpu.memory_space<hbm>>
      tpu.wait_indirect_dma semaphore(%arg17 : memref<!tpu.dma_semaphore, #tpu.memory_space<semaphore_mem>>) src(%dma_wait3A_1810 : memref<10112x80xf32, #tpu.memory_space<hbm>>) dst(%dma_wait3A_1804 : memref<128x80xf32, #tpu.memory_space<vmem>>)
      %scan3A_1811 = arith.constant 0 : i32
      %scan3A_1812 = arith.constant 0 : i32
      %scan3A_1813 = arith.constant 128 : i32
      %scan3A_1814 = arith.addi %scan3A_1812, %scan3A_1813 : i32
      %scan3A_1815 = arith.constant 2 : i32
      scf.for %scan3A_1817 = %scan3A_1812 to %scan3A_1814 step %scan3A_1815  : i32 {
        %get3A = arith.index_cast %scan3A_1817 : i32 to index
        %get3A_1818 = arith.constant 0 : index
        %get3A_1819 = tpu.vector_load %arg13[%get3A, %get3A_1818] {strides = array<i32>} : memref<128x16xf32, #tpu.memory_space<vmem>>, vector<16xf32>,
        %swap3A = arith.constant 0 : i32
        %swap3A_1820 = arith.constant 0 : i32
        %swap3A_1821 = tpu.memref_slice %arg8[%scan3A_45, %swap3A, %swap3A_1820] : memref<2x128x80xf32, #tpu.memory_space<vmem>> -> memref<1x128x80xf32, #tpu.memory_space<vmem>>
        %swap3A_1822 = tpu.memref_squeeze %swap3A_1821 : memref<1x128x80xf32, #tpu.memory_space<vmem>> -> memref<128x80xf32, #tpu.memory_space<vmem>>
        %swap3A_1823 = arith.index_cast %scan3A_1817 : i32 to index
        %swap3A_1824 = arith.constant 64 : index
        %swap3A_1825 = tpu.vector_load %swap3A_1822[%swap3A_1823, %swap3A_1824] {strides = array<i32>} : memref<128x80xf32, #tpu.memory_space<vmem>>, vector<16xf32>,
        tpu.vector_store %swap3A_1822[%swap3A_1823, %swap3A_1824], %get3A_1819 {strides = array<i32>} : memref<128x80xf32, #tpu.memory_space<vmem>>, vector<16xf32>,
        %get3A_1826 = arith.constant 0 : i32
        %get3A_1827 = arith.constant 0 : i32
        %get3A_1828 = tpu.memref_slice %arg8[%scan3A_45, %get3A_1826, %get3A_1827] : memref<2x128x80xf32, #tpu.memory_space<vmem>> -> memref<1x128x80xf32, #tpu.memory_space<vmem>>
        %get3A_1829 = tpu.memref_squeeze %get3A_1828 : memref<1x128x80xf32, #tpu.memory_space<vmem>> -> memref<128x80xf32, #tpu.memory_space<vmem>>
        %get3A_1830 = arith.index_cast %scan3A_1817 : i32 to index
        %get3A_1831 = arith.constant 0 : index
        %get3A_1832 = tpu.vector_load %get3A_1829[%get3A_1830, %get3A_1831] {strides = array<i32>} : memref<128x80xf32, #tpu.memory_space<vmem>>, vector<16xf32>,
        %slice3A = vector.extract_strided_slice %get3A_1819 {offsets = [0], sizes = [1], strides = [1]} : vector<16xf32> to vector<1xf32>
        %squeeze3A = vector.extract %slice3A[0] : f32 from vector<1xf32>
        %mul3A_1833 = vector.broadcast %squeeze3A : f32 to vector<16xf32>
        %mul3A_1834 = arith.mulf %get3A_1832, %mul3A_1833 : vector<16xf32>
        %swap3A_1835 = arith.constant 0 : i32
        %swap3A_1836 = arith.constant 0 : i32
        %swap3A_1837 = tpu.memref_slice %arg8[%scan3A_45, %swap3A_1835, %swap3A_1836] : memref<2x128x80xf32, #tpu.memory_space<vmem>> -> memref<1x128x80xf32, #tpu.memory_space<vmem>>
        %swap3A_1838 = tpu.memref_squeeze %swap3A_1837 : memref<1x128x80xf32, #tpu.memory_space<vmem>> -> memref<128x80xf32, #tpu.memory_space<vmem>>
        %swap3A_1839 = arith.index_cast %scan3A_1817 : i32 to index
        %swap3A_1840 = arith.constant 0 : index
        %swap3A_1841 = tpu.vector_load %swap3A_1838[%swap3A_1839, %swap3A_1840] {strides = array<i32>} : memref<128x80xf32, #tpu.memory_space<vmem>>, vector<16xf32>,
        tpu.vector_store %swap3A_1838[%swap3A_1839, %swap3A_1840], %mul3A_1834 {strides = array<i32>} : memref<128x80xf32, #tpu.memory_space<vmem>>, vector<16xf32>,
        %get3A_1842 = arith.constant 0 : i32
        %get3A_1843 = arith.constant 0 : i32
        %get3A_1844 = tpu.memref_slice %arg8[%scan3A_45, %get3A_1842, %get3A_1843] : memref<2x128x80xf32, #tpu.memory_space<vmem>> -> memref<1x128x80xf32, #tpu.memory_space<vmem>>
        %get3A_1845 = tpu.memref_squeeze %get3A_1844 : memref<1x128x80xf32, #tpu.memory_space<vmem>> -> memref<128x80xf32, #tpu.memory_space<vmem>>
        %get3A_1846 = arith.index_cast %scan3A_1817 : i32 to index
        %get3A_1847 = arith.constant 16 : index
        %get3A_1848 = tpu.vector_load %get3A_1845[%get3A_1846, %get3A_1847] {strides = array<i32>} : memref<128x80xf32, #tpu.memory_space<vmem>>, vector<16xf32>,
        %slice3A_1849 = vector.extract_strided_slice %get3A_1819 {offsets = [1], sizes = [1], strides = [1]} : vector<16xf32> to vector<1xf32>
        %squeeze3A_1850 = vector.extract %slice3A_1849[0] : f32 from vector<1xf32>
        %mul3A_1851 = vector.broadcast %squeeze3A_1850 : f32 to vector<16xf32>
        %mul3A_1852 = arith.mulf %get3A_1848, %mul3A_1851 : vector<16xf32>
        %swap3A_1853 = arith.constant 0 : i32
        %swap3A_1854 = arith.constant 0 : i32
        %swap3A_1855 = tpu.memref_slice %arg8[%scan3A_45, %swap3A_1853, %swap3A_1854] : memref<2x128x80xf32, #tpu.memory_space<vmem>> -> memref<1x128x80xf32, #tpu.memory_space<vmem>>
        %swap3A_1856 = tpu.memref_squeeze %swap3A_1855 : memref<1x128x80xf32, #tpu.memory_space<vmem>> -> memref<128x80xf32, #tpu.memory_space<vmem>>
        %swap3A_1857 = arith.index_cast %scan3A_1817 : i32 to index
        %swap3A_1858 = arith.constant 16 : index
        %swap3A_1859 = tpu.vector_load %swap3A_1856[%swap3A_1857, %swap3A_1858] {strides = array<i32>} : memref<128x80xf32, #tpu.memory_space<vmem>>, vector<16xf32>,
        tpu.vector_store %swap3A_1856[%swap3A_1857, %swap3A_1858], %mul3A_1852 {strides = array<i32>} : memref<128x80xf32, #tpu.memory_space<vmem>>, vector<16xf32>,
        %get3A_1860 = arith.constant 0 : i32
        %get3A_1861 = arith.constant 0 : i32
        %get3A_1862 = tpu.memref_slice %arg8[%scan3A_45, %get3A_1860, %get3A_1861] : memref<2x128x80xf32, #tpu.memory_space<vmem>> -> memref<1x128x80xf32, #tpu.memory_space<vmem>>
        %get3A_1863 = tpu.memref_squeeze %get3A_1862 : memref<1x128x80xf32, #tpu.memory_space<vmem>> -> memref<128x80xf32, #tpu.memory_space<vmem>>
        %get3A_1864 = arith.index_cast %scan3A_1817 : i32 to index
        %get3A_1865 = arith.constant 32 : index
        %get3A_1866 = tpu.vector_load %get3A_1863[%get3A_1864, %get3A_1865] {strides = array<i32>} : memref<128x80xf32, #tpu.memory_space<vmem>>, vector<16xf32>,
        %slice3A_1867 = vector.extract_strided_slice %get3A_1819 {offsets = [2], sizes = [1], strides = [1]} : vector<16xf32> to vector<1xf32>
        %squeeze3A_1868 = vector.extract %slice3A_1867[0] : f32 from vector<1xf32>
        %mul3A_1869 = vector.broadcast %squeeze3A_1868 : f32 to vector<16xf32>
        %mul3A_1870 = arith.mulf %get3A_1866, %mul3A_1869 : vector<16xf32>
        %swap3A_1871 = arith.constant 0 : i32
        %swap3A_1872 = arith.constant 0 : i32
        %swap3A_1873 = tpu.memref_slice %arg8[%scan3A_45, %swap3A_1871, %swap3A_1872] : memref<2x128x80xf32, #tpu.memory_space<vmem>> -> memref<1x128x80xf32, #tpu.memory_space<vmem>>
        %swap3A_1874 = tpu.memref_squeeze %swap3A_1873 : memref<1x128x80xf32, #tpu.memory_space<vmem>> -> memref<128x80xf32, #tpu.memory_space<vmem>>
        %swap3A_1875 = arith.index_cast %scan3A_1817 : i32 to index
        %swap3A_1876 = arith.constant 32 : index
        %swap3A_1877 = tpu.vector_load %swap3A_1874[%swap3A_1875, %swap3A_1876] {strides = array<i32>} : memref<128x80xf32, #tpu.memory_space<vmem>>, vector<16xf32>,
        tpu.vector_store %swap3A_1874[%swap3A_1875, %swap3A_1876], %mul3A_1870 {strides = array<i32>} : memref<128x80xf32, #tpu.memory_space<vmem>>, vector<16xf32>,
        %get3A_1878 = arith.constant 0 : i32
        %get3A_1879 = arith.constant 0 : i32
        %get3A_1880 = tpu.memref_slice %arg8[%scan3A_45, %get3A_1878, %get3A_1879] : memref<2x128x80xf32, #tpu.memory_space<vmem>> -> memref<1x128x80xf32, #tpu.memory_space<vmem>>
        %get3A_1881 = tpu.memref_squeeze %get3A_1880 : memref<1x128x80xf32, #tpu.memory_space<vmem>> -> memref<128x80xf32, #tpu.memory_space<vmem>>
        %get3A_1882 = arith.index_cast %scan3A_1817 : i32 to index
        %get3A_1883 = arith.constant 48 : index
        %get3A_1884 = tpu.vector_load %get3A_1881[%get3A_1882, %get3A_1883] {strides = array<i32>} : memref<128x80xf32, #tpu.memory_space<vmem>>, vector<16xf32>,
        %slice3A_1885 = vector.extract_strided_slice %get3A_1819 {offsets = [3], sizes = [1], strides = [1]} : vector<16xf32> to vector<1xf32>
        %squeeze3A_1886 = vector.extract %slice3A_1885[0] : f32 from vector<1xf32>
        %mul3A_1887 = vector.broadcast %squeeze3A_1886 : f32 to vector<16xf32>
        %mul3A_1888 = arith.mulf %get3A_1884, %mul3A_1887 : vector<16xf32>
        %swap3A_1889 = arith.constant 0 : i32
        %swap3A_1890 = arith.constant 0 : i32
        %swap3A_1891 = tpu.memref_slice %arg8[%scan3A_45, %swap3A_1889, %swap3A_1890] : memref<2x128x80xf32, #tpu.memory_space<vmem>> -> memref<1x128x80xf32, #tpu.memory_space<vmem>>
        %swap3A_1892 = tpu.memref_squeeze %swap3A_1891 : memref<1x128x80xf32, #tpu.memory_space<vmem>> -> memref<128x80xf32, #tpu.memory_space<vmem>>
        %swap3A_1893 = arith.index_cast %scan3A_1817 : i32 to index
        %swap3A_1894 = arith.constant 48 : index
        %swap3A_1895 = tpu.vector_load %swap3A_1892[%swap3A_1893, %swap3A_1894] {strides = array<i32>} : memref<128x80xf32, #tpu.memory_space<vmem>>, vector<16xf32>,
        tpu.vector_store %swap3A_1892[%swap3A_1893, %swap3A_1894], %mul3A_1888 {strides = array<i32>} : memref<128x80xf32, #tpu.memory_space<vmem>>, vector<16xf32>,
        %scan3A_1896 = arith.constant 1 : i32
        %scan3A_1897 = arith.addi %scan3A_1817, %scan3A_1896 : i32
        %get3A_1898 = arith.index_cast %scan3A_1897 : i32 to index
        %get3A_1899 = arith.constant 0 : index
        %get3A_1900 = tpu.vector_load %arg13[%get3A_1898, %get3A_1899] {strides = array<i32>} : memref<128x16xf32, #tpu.memory_space<vmem>>, vector<16xf32>,
        %swap3A_1901 = arith.constant 0 : i32
        %swap3A_1902 = arith.constant 0 : i32
        %swap3A_1903 = tpu.memref_slice %arg8[%scan3A_45, %swap3A_1901, %swap3A_1902] : memref<2x128x80xf32, #tpu.memory_space<vmem>> -> memref<1x128x80xf32, #tpu.memory_space<vmem>>
        %swap3A_1904 = tpu.memref_squeeze %swap3A_1903 : memref<1x128x80xf32, #tpu.memory_space<vmem>> -> memref<128x80xf32, #tpu.memory_space<vmem>>
        %swap3A_1905 = arith.index_cast %scan3A_1897 : i32 to index
        %swap3A_1906 = arith.constant 64 : index
        %swap3A_1907 = tpu.vector_load %swap3A_1904[%swap3A_1905, %swap3A_1906] {strides = array<i32>} : memref<128x80xf32, #tpu.memory_space<vmem>>, vector<16xf32>,
        tpu.vector_store %swap3A_1904[%swap3A_1905, %swap3A_1906], %get3A_1900 {strides = array<i32>} : memref<128x80xf32, #tpu.memory_space<vmem>>, vector<16xf32>,
        %get3A_1908 = arith.constant 0 : i32
        %get3A_1909 = arith.constant 0 : i32
        %get3A_1910 = tpu.memref_slice %arg8[%scan3A_45, %get3A_1908, %get3A_1909] : memref<2x128x80xf32, #tpu.memory_space<vmem>> -> memref<1x128x80xf32, #tpu.memory_space<vmem>>
        %get3A_1911 = tpu.memref_squeeze %get3A_1910 : memref<1x128x80xf32, #tpu.memory_space<vmem>> -> memref<128x80xf32, #tpu.memory_space<vmem>>
        %get3A_1912 = arith.index_cast %scan3A_1897 : i32 to index
        %get3A_1913 = arith.constant 0 : index
        %get3A_1914 = tpu.vector_load %get3A_1911[%get3A_1912, %get3A_1913] {strides = array<i32>} : memref<128x80xf32, #tpu.memory_space<vmem>>, vector<16xf32>,
        %slice3A_1915 = vector.extract_strided_slice %get3A_1900 {offsets = [0], sizes = [1], strides = [1]} : vector<16xf32> to vector<1xf32>
        %squeeze3A_1916 = vector.extract %slice3A_1915[0] : f32 from vector<1xf32>
        %mul3A_1917 = vector.broadcast %squeeze3A_1916 : f32 to vector<16xf32>
        %mul3A_1918 = arith.mulf %get3A_1914, %mul3A_1917 : vector<16xf32>
        %swap3A_1919 = arith.constant 0 : i32
        %swap3A_1920 = arith.constant 0 : i32
        %swap3A_1921 = tpu.memref_slice %arg8[%scan3A_45, %swap3A_1919, %swap3A_1920] : memref<2x128x80xf32, #tpu.memory_space<vmem>> -> memref<1x128x80xf32, #tpu.memory_space<vmem>>
        %swap3A_1922 = tpu.memref_squeeze %swap3A_1921 : memref<1x128x80xf32, #tpu.memory_space<vmem>> -> memref<128x80xf32, #tpu.memory_space<vmem>>
        %swap3A_1923 = arith.index_cast %scan3A_1897 : i32 to index
        %swap3A_1924 = arith.constant 0 : index
        %swap3A_1925 = tpu.vector_load %swap3A_1922[%swap3A_1923, %swap3A_1924] {strides = array<i32>} : memref<128x80xf32, #tpu.memory_space<vmem>>, vector<16xf32>,
        tpu.vector_store %swap3A_1922[%swap3A_1923, %swap3A_1924], %mul3A_1918 {strides = array<i32>} : memref<128x80xf32, #tpu.memory_space<vmem>>, vector<16xf32>,
        %get3A_1926 = arith.constant 0 : i32
        %get3A_1927 = arith.constant 0 : i32
        %get3A_1928 = tpu.memref_slice %arg8[%scan3A_45, %get3A_1926, %get3A_1927] : memref<2x128x80xf32, #tpu.memory_space<vmem>> -> memref<1x128x80xf32, #tpu.memory_space<vmem>>
        %get3A_1929 = tpu.memref_squeeze %get3A_1928 : memref<1x128x80xf32, #tpu.memory_space<vmem>> -> memref<128x80xf32, #tpu.memory_space<vmem>>
        %get3A_1930 = arith.index_cast %scan3A_1897 : i32 to index
        %get3A_1931 = arith.constant 16 : index
        %get3A_1932 = tpu.vector_load %get3A_1929[%get3A_1930, %get3A_1931] {strides = array<i32>} : memref<128x80xf32, #tpu.memory_space<vmem>>, vector<16xf32>,
        %slice3A_1933 = vector.extract_strided_slice %get3A_1900 {offsets = [1], sizes = [1], strides = [1]} : vector<16xf32> to vector<1xf32>
        %squeeze3A_1934 = vector.extract %slice3A_1933[0] : f32 from vector<1xf32>
        %mul3A_1935 = vector.broadcast %squeeze3A_1934 : f32 to vector<16xf32>
        %mul3A_1936 = arith.mulf %get3A_1932, %mul3A_1935 : vector<16xf32>
        %swap3A_1937 = arith.constant 0 : i32
        %swap3A_1938 = arith.constant 0 : i32
        %swap3A_1939 = tpu.memref_slice %arg8[%scan3A_45, %swap3A_1937, %swap3A_1938] : memref<2x128x80xf32, #tpu.memory_space<vmem>> -> memref<1x128x80xf32, #tpu.memory_space<vmem>>
        %swap3A_1940 = tpu.memref_squeeze %swap3A_1939 : memref<1x128x80xf32, #tpu.memory_space<vmem>> -> memref<128x80xf32, #tpu.memory_space<vmem>>
        %swap3A_1941 = arith.index_cast %scan3A_1897 : i32 to index
        %swap3A_1942 = arith.constant 16 : index
        %swap3A_1943 = tpu.vector_load %swap3A_1940[%swap3A_1941, %swap3A_1942] {strides = array<i32>} : memref<128x80xf32, #tpu.memory_space<vmem>>, vector<16xf32>,
        tpu.vector_store %swap3A_1940[%swap3A_1941, %swap3A_1942], %mul3A_1936 {strides = array<i32>} : memref<128x80xf32, #tpu.memory_space<vmem>>, vector<16xf32>,
        %get3A_1944 = arith.constant 0 : i32
        %get3A_1945 = arith.constant 0 : i32
        %get3A_1946 = tpu.memref_slice %arg8[%scan3A_45, %get3A_1944, %get3A_1945] : memref<2x128x80xf32, #tpu.memory_space<vmem>> -> memref<1x128x80xf32, #tpu.memory_space<vmem>>
        %get3A_1947 = tpu.memref_squeeze %get3A_1946 : memref<1x128x80xf32, #tpu.memory_space<vmem>> -> memref<128x80xf32, #tpu.memory_space<vmem>>
        %get3A_1948 = arith.index_cast %scan3A_1897 : i32 to index
        %get3A_1949 = arith.constant 32 : index
        %get3A_1950 = tpu.vector_load %get3A_1947[%get3A_1948, %get3A_1949] {strides = array<i32>} : memref<128x80xf32, #tpu.memory_space<vmem>>, vector<16xf32>,
        %slice3A_1951 = vector.extract_strided_slice %get3A_1900 {offsets = [2], sizes = [1], strides = [1]} : vector<16xf32> to vector<1xf32>
        %squeeze3A_1952 = vector.extract %slice3A_1951[0] : f32 from vector<1xf32>
        %mul3A_1953 = vector.broadcast %squeeze3A_1952 : f32 to vector<16xf32>
        %mul3A_1954 = arith.mulf %get3A_1950, %mul3A_1953 : vector<16xf32>
        %swap3A_1955 = arith.constant 0 : i32
        %swap3A_1956 = arith.constant 0 : i32
        %swap3A_1957 = tpu.memref_slice %arg8[%scan3A_45, %swap3A_1955, %swap3A_1956] : memref<2x128x80xf32, #tpu.memory_space<vmem>> -> memref<1x128x80xf32, #tpu.memory_space<vmem>>
        %swap3A_1958 = tpu.memref_squeeze %swap3A_1957 : memref<1x128x80xf32, #tpu.memory_space<vmem>> -> memref<128x80xf32, #tpu.memory_space<vmem>>
        %swap3A_1959 = arith.index_cast %scan3A_1897 : i32 to index
        %swap3A_1960 = arith.constant 32 : index
        %swap3A_1961 = tpu.vector_load %swap3A_1958[%swap3A_1959, %swap3A_1960] {strides = array<i32>} : memref<128x80xf32, #tpu.memory_space<vmem>>, vector<16xf32>,
        tpu.vector_store %swap3A_1958[%swap3A_1959, %swap3A_1960], %mul3A_1954 {strides = array<i32>} : memref<128x80xf32, #tpu.memory_space<vmem>>, vector<16xf32>,
        %get3A_1962 = arith.constant 0 : i32
        %get3A_1963 = arith.constant 0 : i32
        %get3A_1964 = tpu.memref_slice %arg8[%scan3A_45, %get3A_1962, %get3A_1963] : memref<2x128x80xf32, #tpu.memory_space<vmem>> -> memref<1x128x80xf32, #tpu.memory_space<vmem>>
        %get3A_1965 = tpu.memref_squeeze %get3A_1964 : memref<1x128x80xf32, #tpu.memory_space<vmem>> -> memref<128x80xf32, #tpu.memory_space<vmem>>
        %get3A_1966 = arith.index_cast %scan3A_1897 : i32 to index
        %get3A_1967 = arith.constant 48 : index
        %get3A_1968 = tpu.vector_load %get3A_1965[%get3A_1966, %get3A_1967] {strides = array<i32>} : memref<128x80xf32, #tpu.memory_space<vmem>>, vector<16xf32>,
        %slice3A_1969 = vector.extract_strided_slice %get3A_1900 {offsets = [3], sizes = [1], strides = [1]} : vector<16xf32> to vector<1xf32>
        %squeeze3A_1970 = vector.extract %slice3A_1969[0] : f32 from vector<1xf32>
        %mul3A_1971 = vector.broadcast %squeeze3A_1970 : f32 to vector<16xf32>
        %mul3A_1972 = arith.mulf %get3A_1968, %mul3A_1971 : vector<16xf32>
        %swap3A_1973 = arith.constant 0 : i32
        %swap3A_1974 = arith.constant 0 : i32
        %swap3A_1975 = tpu.memref_slice %arg8[%scan3A_45, %swap3A_1973, %swap3A_1974] : memref<2x128x80xf32, #tpu.memory_space<vmem>> -> memref<1x128x80xf32, #tpu.memory_space<vmem>>
        %swap3A_1976 = tpu.memref_squeeze %swap3A_1975 : memref<1x128x80xf32, #tpu.memory_space<vmem>> -> memref<128x80xf32, #tpu.memory_space<vmem>>
        %swap3A_1977 = arith.index_cast %scan3A_1897 : i32 to index
        %swap3A_1978 = arith.constant 48 : index
        %swap3A_1979 = tpu.vector_load %swap3A_1976[%swap3A_1977, %swap3A_1978] {strides = array<i32>} : memref<128x80xf32, #tpu.memory_space<vmem>>, vector<16xf32>,
        tpu.vector_store %swap3A_1976[%swap3A_1977, %swap3A_1978], %mul3A_1972 {strides = array<i32>} : memref<128x80xf32, #tpu.memory_space<vmem>>, vector<16xf32>,
      }
      %scan3A_1816 = arith.constant 128 : i32
      "tpu.region"() ({
        %run_scoped3A_1817 = tpu.sem_alloc : memref<!tpu.dma_semaphore, #tpu.memory_space<semaphore_mem>>
        %dma_start3A_1818 = arith.constant 0 : i32
        %dma_start3A_1819 = arith.constant 0 : i32
        %dma_start3A_1820 = tpu.memref_slice %arg8[%scan3A_45, %dma_start3A_1818, %dma_start3A_1819] : memref<2x128x80xf32, #tpu.memory_space<vmem>> -> memref<1x128x80xf32, #tpu.memory_space<vmem>>
        %dma_start3A_1821 = tpu.memref_squeeze %dma_start3A_1820 : memref<1x128x80xf32, #tpu.memory_space<vmem>> -> memref<128x80xf32, #tpu.memory_space<vmem>>
        %dma_start3A_1822 = arith.constant 0 : i32
        %dma_start3A_1823 = tpu.memref_slice %arg12[%scan3A_44, %dma_start3A_1822] : memref<2x128xi32, #tpu.memory_space<vmem>> -> memref<1x128xi32, #tpu.memory_space<vmem>>
        %dma_start3A_1824 = tpu.memref_squeeze %dma_start3A_1823 : memref<1x128xi32, #tpu.memory_space<vmem>> -> memref<128xi32, #tpu.memory_space<vmem>>
        %dma_start3A_1825 = arith.constant 0 : i32
        %dma_start3A_1826 = arith.constant 0 : i32
        %dma_start3A_1827 = tpu.memref_slice %arg15[%dma_start3A_1825, %dma_start3A_1826] : memref<10112x80xf32, #tpu.memory_space<vmem_shared>> -> memref<10112x80xf32, #tpu.memory_space<vmem_shared>>
        tpu.enqueue_indirect_dma source(%dma_start3A_1821 : memref<128x80xf32, #tpu.memory_space<vmem>>) target(%dma_start3A_1827 : memref<10112x80xf32, #tpu.memory_space<vmem_shared>>) offsets(%dma_start3A_1824 : memref<128xi32, #tpu.memory_space<vmem>>) semaphore(%run_scoped3A_1817 : memref<!tpu.dma_semaphore, #tpu.memory_space<semaphore_mem>>) {add = true}
        %dma_wait3A_1828 = arith.constant 0 : i32
        %dma_wait3A_1829 = arith.constant 0 : i32
        %dma_wait3A_1830 = tpu.memref_slice %arg8[%scan3A_45, %dma_wait3A_1828, %dma_wait3A_1829] : memref<2x128x80xf32, #tpu.memory_space<vmem>> -> memref<1x128x80xf32, #tpu.memory_space<vmem>>
        %dma_wait3A_1831 = tpu.memref_squeeze %dma_wait3A_1830 : memref<1x128x80xf32, #tpu.memory_space<vmem>> -> memref<128x80xf32, #tpu.memory_space<vmem>>
        %dma_wait3A_1832 = arith.constant 0 : i32
        %dma_wait3A_1833 = tpu.memref_slice %arg12[%scan3A_44, %dma_wait3A_1832] : memref<2x128xi32, #tpu.memory_space<vmem>> -> memref<1x128xi32, #tpu.memory_space<vmem>>
        %dma_wait3A_1834 = tpu.memref_squeeze %dma_wait3A_1833 : memref<1x128xi32, #tpu.memory_space<vmem>> -> memref<128xi32, #tpu.memory_space<vmem>>
        %dma_wait3A_1835 = arith.constant 0 : i32
        %dma_wait3A_1836 = arith.constant 0 : i32
        %dma_wait3A_1837 = tpu.memref_slice %arg15[%dma_wait3A_1835, %dma_wait3A_1836] : memref<10112x80xf32, #tpu.memory_space<vmem_shared>> -> memref<10112x80xf32, #tpu.memory_space<vmem_shared>>
        tpu.wait_indirect_dma semaphore(%run_scoped3A_1817 : memref<!tpu.dma_semaphore, #tpu.memory_space<semaphore_mem>>) src(%dma_wait3A_1831 : memref<128x80xf32, #tpu.memory_space<vmem>>) dst(%dma_wait3A_1837 : memref<10112x80xf32, #tpu.memory_space<vmem_shared>>)
        tpu.yield
      }) : () -> ()
    }
    %scan3A_57 = arith.constant 40 : i32
    %barrier3A_58 = arith.constant 0 : index
    tpu.barrier barrier_id(%barrier3A_58)
    "tpu.region"() ({
      %run_scoped3A_59 = tpu.sem_alloc : memref<!tpu.dma_semaphore, #tpu.memory_space<semaphore_mem>>
      %dma_start3A_60 = arith.constant 0 : i32
      %dma_start3A_61 = tpu.memref_slice %arg7[%arg0, %mul3A_2, %dma_start3A_60] : memref<2x10112x80xf32, #tpu.memory_space<hbm>> -> memref<1x632x80xf32, #tpu.memory_space<hbm>>
      %dma_start3A_62 = tpu.memref_squeeze %dma_start3A_61 : memref<1x632x80xf32, #tpu.memory_space<hbm>> -> memref<632x80xf32, #tpu.memory_space<hbm>>
      %dma_start3A_63 = arith.constant 0 : i32
      %dma_start3A_64 = tpu.memref_slice %arg15[%mul3A_2, %dma_start3A_63] : memref<10112x80xf32, #tpu.memory_space<vmem_shared>> -> memref<632x80xf32, #tpu.memory_space<vmem_shared>>
      tpu.enqueue_dma source(%dma_start3A_64 : memref<632x80xf32, #tpu.memory_space<vmem_shared>>) target(%dma_start3A_62 : memref<632x80xf32, #tpu.memory_space<hbm>>) target_semaphore(%run_scoped3A_59 : memref<!tpu.dma_semaphore, #tpu.memory_space<semaphore_mem>>)
      %dma_wait3A = arith.constant 0 : i32
      %dma_wait3A_65 = tpu.memref_slice %arg7[%arg0, %mul3A_2, %dma_wait3A] : memref<2x10112x80xf32, #tpu.memory_space<hbm>> -> memref<1x632x80xf32, #tpu.memory_space<hbm>>
      %dma_wait3A_66 = tpu.memref_squeeze %dma_wait3A_65 : memref<1x632x80xf32, #tpu.memory_space<hbm>> -> memref<632x80xf32, #tpu.memory_space<hbm>>
      %dma_wait3A_67 = arith.constant 0 : i32
      %dma_wait3A_68 = tpu.memref_slice %arg15[%mul3A_2, %dma_wait3A_67] : memref<10112x80xf32, #tpu.memory_space<vmem_shared>> -> memref<632x80xf32, #tpu.memory_space<vmem_shared>>
      tpu.wait_dma2 semaphore(%run_scoped3A_59 : memref<!tpu.dma_semaphore, #tpu.memory_space<semaphore_mem>>) src(%dma_wait3A_68 : memref<632x80xf32, #tpu.memory_space<vmem_shared>>) dst(%dma_wait3A_66 : memref<632x80xf32, #tpu.memory_space<hbm>>)
      tpu.yield
    }) : () -> ()
    return
  }
}

module attributes {stable_mosaic.version = 14 : i64} {
  func.func @_prep_body(%arg0: memref<10112x128xf32, #tpu.memory_space<vmem>>, %arg1: memref<128x64xf32, #tpu.memory_space<vmem>>, %arg2: memref<64x1xf32, #tpu.memory_space<vmem>>, %arg3: memref<64x1xf32, #tpu.memory_space<vmem>>, %arg4: memref<10112x80xf32, #tpu.memory_space<vmem>>, %arg5: memref<10112x16xf32, #tpu.memory_space<vmem>>) attributes {dimension_semantics = [], scalar_prefetch = 0 : i64, scratch_operands = 0 : i64, tpu.core_type = #tpu.core_type<tc>} {
    %get3A = arith.constant 0 : index
    %get3A_0 = arith.constant 0 : index
    %get3A_1 = vector.load %arg0[%get3A, %get3A_0] : memref<10112x128xf32, #tpu.memory_space<vmem>>, vector<10112x128xf32>
    %get3A_2 = arith.constant 0 : index
    %get3A_3 = arith.constant 0 : index
    %get3A_4 = vector.load %arg1[%get3A_2, %get3A_3] : memref<128x64xf32, #tpu.memory_space<vmem>>, vector<128x64xf32>
    %dot_general3A = arith.constant dense<0.000000e+00> : vector<10112x64xf32>
    %dot_general3A_5 = tpu.matmul %get3A_1, %get3A_4, %dot_general3A {dimension_numbers = #tpu.dot_dimension_numbers<[1], [0], [0], [1], [0, 0, 1, 1], [], []>, transpose_lhs_hint = false} : vector<10112x128xf32>, vector<128x64xf32>, vector<10112x64xf32> -> vector<10112x64xf32>
    %iota3A = tpu.iota {dimensions = array<i32: 0>} : vector<64x4xi32>
    %iota3A_6 = tpu.iota {dimensions = array<i32: 1>} : vector<64x4xi32>
    %jit3A = arith.constant 16 : i32
    %div3A = vector.broadcast %jit3A : i32 to vector<64x4xi32>
    %div3A_7 = arith.divsi %iota3A, %div3A : vector<64x4xi32>
    %sign3A = arith.constant 0 : i32
    %sign3A_8 = vector.broadcast %sign3A : i32 to vector<64x4xi32>
    %sign3A_9 = arith.cmpi sgt, %iota3A, %sign3A_8 : vector<64x4xi32>
    %sign3A_10 = arith.extui %sign3A_9 : vector<64x4xi1> to vector<64x4xi32>
    %sign3A_11 = arith.constant 0 : i32
    %sign3A_12 = vector.broadcast %sign3A_11 : i32 to vector<64x4xi32>
    %sign3A_13 = arith.cmpi slt, %iota3A, %sign3A_12 : vector<64x4xi32>
    %sign3A_14 = arith.extui %sign3A_13 : vector<64x4xi1> to vector<64x4xi32>
    %sign3A_15 = arith.subi %sign3A_10, %sign3A_14 : vector<64x4xi32>
    %sign3A_16 = arith.constant 0 : i32
    %sign3A_17 = arith.cmpi sgt, %jit3A, %sign3A_16 : i32
    %sign3A_18 = arith.extui %sign3A_17 : i1 to i32
    %sign3A_19 = arith.constant 0 : i32
    %sign3A_20 = arith.cmpi slt, %jit3A, %sign3A_19 : i32
    %sign3A_21 = arith.extui %sign3A_20 : i1 to i32
    %sign3A_22 = arith.subi %sign3A_18, %sign3A_21 : i32
    %ne3A = vector.broadcast %sign3A_22 : i32 to vector<64x4xi32>
    %ne3A_23 = arith.cmpi ne, %sign3A_15, %ne3A : vector<64x4xi32>
    %rem3A = vector.broadcast %jit3A : i32 to vector<64x4xi32>
    %rem3A_24 = arith.remsi %iota3A, %rem3A : vector<64x4xi32>
    %ne3A_25 = arith.constant 0 : i32
    %ne3A_26 = vector.broadcast %ne3A_25 : i32 to vector<64x4xi32>
    %ne3A_27 = arith.cmpi ne, %rem3A_24, %ne3A_26 : vector<64x4xi32>
    %and3A = arith.andi %ne3A_23, %ne3A_27 : vector<64x4xi1>
    %sub3A = arith.constant 1 : i32
    %sub3A_28 = vector.broadcast %sub3A : i32 to vector<64x4xi32>
    %sub3A_29 = arith.subi %div3A_7, %sub3A_28 : vector<64x4xi32>
    %select_n3A = arith.select %and3A, %sub3A_29, %div3A_7 : vector<64x4xi1>, vector<64x4xi32>
    %eq3A = arith.cmpi eq, %select_n3A, %iota3A_6 : vector<64x4xi32>
    %get3A_30 = arith.constant 0 : index
    %get3A_31 = arith.constant 0 : index
    %get3A_32 = vector.load %arg2[%get3A_30, %get3A_31] : memref<64x1xf32, #tpu.memory_space<vmem>>, vector<64x1xf32>
    %jit3A_33 = arith.constant 0.000000e+00 : f32
    %broadcast_in_dim3A = vector.shape_cast %get3A_32 : vector<64x1xf32> to vector<64x1xf32>
    %broadcast_in_dim3A_34 = vector.broadcast %broadcast_in_dim3A : vector<64x1xf32> to vector<64x4xf32>
    %broadcast_in_dim3A_35 = vector.broadcast %jit3A_33 : f32 to vector<64x4xf32>
    %select_n3A_36 = arith.select %eq3A, %broadcast_in_dim3A_34, %broadcast_in_dim3A_35 : vector<64x4xi1>, vector<64x4xf32>
    %dot_general3A_37 = arith.constant dense<0.000000e+00> : vector<10112x4xf32>
    %dot_general3A_38 = tpu.matmul %dot_general3A_5, %select_n3A_36, %dot_general3A_37 {dimension_numbers = #tpu.dot_dimension_numbers<[1], [0], [0], [1], [0, 0, 1, 1], [], []>, transpose_lhs_hint = false} : vector<10112x64xf32>, vector<64x4xf32>, vector<10112x4xf32> -> vector<10112x4xf32>
    %get3A_39 = arith.constant 0 : index
    %get3A_40 = arith.constant 0 : index
    %get3A_41 = vector.load %arg3[%get3A_39, %get3A_40] : memref<64x1xf32, #tpu.memory_space<vmem>>, vector<64x1xf32>
    %jit3A_42 = arith.constant 0.000000e+00 : f32
    %broadcast_in_dim3A_43 = vector.shape_cast %get3A_41 : vector<64x1xf32> to vector<64x1xf32>
    %broadcast_in_dim3A_44 = vector.broadcast %broadcast_in_dim3A_43 : vector<64x1xf32> to vector<64x4xf32>
    %broadcast_in_dim3A_45 = vector.broadcast %jit3A_42 : f32 to vector<64x4xf32>
    %select_n3A_46 = arith.select %eq3A, %broadcast_in_dim3A_44, %broadcast_in_dim3A_45 : vector<64x4xi1>, vector<64x4xf32>
    %dot_general3A_47 = arith.constant dense<0.000000e+00> : vector<10112x4xf32>
    %dot_general3A_48 = tpu.matmul %dot_general3A_5, %select_n3A_46, %dot_general3A_47 {dimension_numbers = #tpu.dot_dimension_numbers<[1], [0], [0], [1], [0, 0, 1, 1], [], []>, transpose_lhs_hint = false} : vector<10112x64xf32>, vector<64x4xf32>, vector<10112x4xf32> -> vector<10112x4xf32>
    %broadcast_in_dim3A_49 = arith.constant 0.000000e+00 : f32
    %broadcast_in_dim3A_50 = vector.broadcast %broadcast_in_dim3A_49 : f32 to vector<10112x16xf32>
    %concatenate3A = tpu.concatenate %dot_general3A_5, %broadcast_in_dim3A_50 in 1 : vector<10112x64xf32>, vector<10112x16xf32> -> vector<10112x80xf32>
    %swap3A = arith.constant 0 : index
    %swap3A_51 = arith.constant 0 : index
    %swap3A_52 = vector.load %arg4[%swap3A, %swap3A_51] : memref<10112x80xf32, #tpu.memory_space<vmem>>, vector<10112x80xf32>
    tpu.vector_store %arg4[%swap3A, %swap3A_51], %concatenate3A {strides = array<i32>} : memref<10112x80xf32, #tpu.memory_space<vmem>>, vector<10112x80xf32>,
    %broadcast_in_dim3A_53 = arith.constant 0.000000e+00 : f32
    %broadcast_in_dim3A_54 = vector.broadcast %broadcast_in_dim3A_53 : f32 to vector<10112x8xf32>
    %concatenate3A_55 = tpu.concatenate %dot_general3A_38, %dot_general3A_48, %broadcast_in_dim3A_54 in 1 : vector<10112x4xf32>, vector<10112x4xf32>, vector<10112x8xf32> -> vector<10112x16xf32>
    %swap3A_56 = arith.constant 0 : index
    %swap3A_57 = arith.constant 0 : index
    %swap3A_58 = vector.load %arg5[%swap3A_56, %swap3A_57] : memref<10112x16xf32, #tpu.memory_space<vmem>>, vector<10112x16xf32>
    tpu.vector_store %arg5[%swap3A_56, %swap3A_57], %concatenate3A_55 {strides = array<i32>} : memref<10112x16xf32, #tpu.memory_space<vmem>>, vector<10112x16xf32>,
    return
  }
}

module attributes {stable_mosaic.version = 14 : i64} {
  func.func @_fin_body(%arg0: memref<2x10112x80xf32, #tpu.memory_space<vmem>>, %arg1: memref<10112x80xf32, #tpu.memory_space<vmem>>, %arg2: memref<10112x16xf32, #tpu.memory_space<vmem>>, %arg3: memref<10000x1xi32, #tpu.memory_space<vmem>>, %arg4: memref<64xf32, #tpu.memory_space<vmem>>, %arg5: memref<64x10xf32, #tpu.memory_space<vmem>>, %arg6: memref<10xf32, #tpu.memory_space<vmem>>, %arg7: memref<64x10xf32, #tpu.memory_space<vmem>>, %arg8: memref<64x64xf32, #tpu.memory_space<vmem>>) attributes {dimension_semantics = [], scalar_prefetch = 0 : i64, scratch_operands = 1 : i64, tpu.core_type = #tpu.core_type<tc>} {
    %get3A = arith.constant 0 : index
    %get3A_0 = arith.constant 0 : index
    %get3A_1 = vector.load %arg2[%get3A, %get3A_0] : memref<10112x16xf32, #tpu.memory_space<vmem>>, vector<10112x16xf32>
    %slice3A = vector.extract_strided_slice %get3A_1 {offsets = [0, 0], sizes = [10112, 4], strides = [1, 1]} : vector<10112x16xf32> to vector<10112x4xf32>
    %slice3A_2 = vector.extract_strided_slice %get3A_1 {offsets = [0, 4], sizes = [10112, 4], strides = [1, 1]} : vector<10112x16xf32> to vector<10112x4xf32>
    %add3A = arith.addf %slice3A, %slice3A_2 : vector<10112x4xf32>
    %ge3A = arith.constant 0.000000e+00 : f32
    %ge3A_3 = vector.broadcast %ge3A : f32 to vector<10112x4xf32>
    %ge3A_4 = arith.cmpf oge, %add3A, %ge3A_3 : vector<10112x4xf32>
    %mul3A = arith.constant 2.000000e-01 : f32
    %mul3A_5 = vector.broadcast %mul3A : f32 to vector<10112x4xf32>
    %mul3A_6 = arith.mulf %mul3A_5, %add3A : vector<10112x4xf32>
    %select_n3A = arith.select %ge3A_4, %add3A, %mul3A_6 : vector<10112x4xi1>, vector<10112x4xf32>
    %exp3A = math.exp %select_n3A : vector<10112x4xf32>
    %iota3A = tpu.iota {dimensions = array<i32: 0>} : vector<4x64xi32>
    %iota3A_7 = tpu.iota {dimensions = array<i32: 1>} : vector<4x64xi32>
    %jit3A = arith.constant 16 : i32
    %div3A = vector.broadcast %jit3A : i32 to vector<4x64xi32>
    %div3A_8 = arith.divsi %iota3A_7, %div3A : vector<4x64xi32>
    %sign3A = arith.constant 0 : i32
    %sign3A_9 = vector.broadcast %sign3A : i32 to vector<4x64xi32>
    %sign3A_10 = arith.cmpi sgt, %iota3A_7, %sign3A_9 : vector<4x64xi32>
    %sign3A_11 = arith.extui %sign3A_10 : vector<4x64xi1> to vector<4x64xi32>
    %sign3A_12 = arith.constant 0 : i32
    %sign3A_13 = vector.broadcast %sign3A_12 : i32 to vector<4x64xi32>
    %sign3A_14 = arith.cmpi slt, %iota3A_7, %sign3A_13 : vector<4x64xi32>
    %sign3A_15 = arith.extui %sign3A_14 : vector<4x64xi1> to vector<4x64xi32>
    %sign3A_16 = arith.subi %sign3A_11, %sign3A_15 : vector<4x64xi32>
    %sign3A_17 = arith.constant 0 : i32
    %sign3A_18 = arith.cmpi sgt, %jit3A, %sign3A_17 : i32
    %sign3A_19 = arith.extui %sign3A_18 : i1 to i32
    %sign3A_20 = arith.constant 0 : i32
    %sign3A_21 = arith.cmpi slt, %jit3A, %sign3A_20 : i32
    %sign3A_22 = arith.extui %sign3A_21 : i1 to i32
    %sign3A_23 = arith.subi %sign3A_19, %sign3A_22 : i32
    %ne3A = vector.broadcast %sign3A_23 : i32 to vector<4x64xi32>
    %ne3A_24 = arith.cmpi ne, %sign3A_16, %ne3A : vector<4x64xi32>
    %rem3A = vector.broadcast %jit3A : i32 to vector<4x64xi32>
    %rem3A_25 = arith.remsi %iota3A_7, %rem3A : vector<4x64xi32>
    %ne3A_26 = arith.constant 0 : i32
    %ne3A_27 = vector.broadcast %ne3A_26 : i32 to vector<4x64xi32>
    %ne3A_28 = arith.cmpi ne, %rem3A_25, %ne3A_27 : vector<4x64xi32>
    %and3A = arith.andi %ne3A_24, %ne3A_28 : vector<4x64xi1>
    %sub3A = arith.constant 1 : i32
    %sub3A_29 = vector.broadcast %sub3A : i32 to vector<4x64xi32>
    %sub3A_30 = arith.subi %div3A_8, %sub3A_29 : vector<4x64xi32>
    %select_n3A_31 = arith.select %and3A, %sub3A_30, %div3A_8 : vector<4x64xi1>, vector<4x64xi32>
    %eq3A = arith.cmpi eq, %iota3A, %select_n3A_31 : vector<4x64xi32>
    %jit3A_32 = arith.constant 1.000000e+00 : f32
    %jit3A_33 = arith.constant 0.000000e+00 : f32
    %broadcast_in_dim3A = vector.broadcast %jit3A_32 : f32 to vector<4x64xf32>
    %broadcast_in_dim3A_34 = vector.broadcast %jit3A_33 : f32 to vector<4x64xf32>
    %select_n3A_35 = arith.select %eq3A, %broadcast_in_dim3A, %broadcast_in_dim3A_34 : vector<4x64xi1>, vector<4x64xf32>
    %get3A_36 = arith.constant 0 : index
    %get3A_37 = arith.constant 0 : index
    %get3A_38 = arith.constant 0 : index
    %get3A_39 = vector.load %arg0[%get3A_36, %get3A_37, %get3A_38] : memref<2x10112x80xf32, #tpu.memory_space<vmem>>, vector<1x10112x80xf32>
    %get3A_40 = vector.shape_cast %get3A_39 : vector<1x10112x80xf32> to vector<10112x80xf32>
    %get3A_41 = arith.constant 1 : index
    %get3A_42 = arith.constant 0 : index
    %get3A_43 = arith.constant 0 : index
    %get3A_44 = vector.load %arg0[%get3A_41, %get3A_42, %get3A_43] : memref<2x10112x80xf32, #tpu.memory_space<vmem>>, vector<1x10112x80xf32>
    %get3A_45 = vector.shape_cast %get3A_44 : vector<1x10112x80xf32> to vector<10112x80xf32>
    %slice3A_46 = vector.extract_strided_slice %get3A_40 {offsets = [0, 64], sizes = [10112, 4], strides = [1, 1]} : vector<10112x80xf32> to vector<10112x4xf32>
    %slice3A_47 = vector.extract_strided_slice %get3A_45 {offsets = [0, 64], sizes = [10112, 4], strides = [1, 1]} : vector<10112x80xf32> to vector<10112x4xf32>
    %add3A_48 = arith.addf %slice3A_46, %slice3A_47 : vector<10112x4xf32>
    %add3A_49 = arith.addf %add3A_48, %exp3A : vector<10112x4xf32>
    %get3A_50 = arith.constant 0 : index
    %get3A_51 = arith.constant 0 : index
    %get3A_52 = vector.load %arg1[%get3A_50, %get3A_51] : memref<10112x80xf32, #tpu.memory_space<vmem>>, vector<10112x64xf32>
    %slice3A_53 = vector.extract_strided_slice %get3A_40 {offsets = [0, 0], sizes = [10112, 64], strides = [1, 1]} : vector<10112x80xf32> to vector<10112x64xf32>
    %slice3A_54 = vector.extract_strided_slice %get3A_45 {offsets = [0, 0], sizes = [10112, 64], strides = [1, 1]} : vector<10112x80xf32> to vector<10112x64xf32>
    %add3A_55 = arith.addf %slice3A_53, %slice3A_54 : vector<10112x64xf32>
    %dot_general3A = arith.constant dense<0.000000e+00> : vector<10112x64xf32>
    %dot_general3A_56 = tpu.matmul %exp3A, %select_n3A_35, %dot_general3A {dimension_numbers = #tpu.dot_dimension_numbers<[1], [0], [0], [1], [0, 0, 1, 1], [], []>, transpose_lhs_hint = false} : vector<10112x4xf32>, vector<4x64xf32>, vector<10112x64xf32> -> vector<10112x64xf32>
    %mul3A_57 = arith.mulf %dot_general3A_56, %get3A_52 : vector<10112x64xf32>
    %add3A_58 = arith.addf %add3A_55, %mul3A_57 : vector<10112x64xf32>
    %dot_general3A_59 = arith.constant dense<0.000000e+00> : vector<10112x64xf32>
    %dot_general3A_60 = tpu.matmul %add3A_49, %select_n3A_35, %dot_general3A_59 {dimension_numbers = #tpu.dot_dimension_numbers<[1], [0], [0], [1], [0, 0, 1, 1], [], []>, transpose_lhs_hint = false} : vector<10112x4xf32>, vector<4x64xf32>, vector<10112x64xf32> -> vector<10112x64xf32>
    %div3A_61 = arith.divf %add3A_58, %dot_general3A_60 : vector<10112x64xf32>
    %get3A_62 = arith.constant 0 : index
    %get3A_63 = vector.load %arg4[%get3A_62] : memref<64xf32, #tpu.memory_space<vmem>>, vector<64xf32>
    %broadcast_in_dim3A_64 = vector.shape_cast %get3A_63 : vector<64xf32> to vector<1x64xf32>
    %add3A_65 = vector.broadcast %broadcast_in_dim3A_64 : vector<1x64xf32> to vector<10112x64xf32>
    %add3A_66 = arith.addf %div3A_61, %add3A_65 : vector<10112x64xf32>
    %max3A = arith.constant 0.000000e+00 : f32
    %max3A_67 = vector.broadcast %max3A : f32 to vector<10112x64xf32>
    %max3A_68 = arith.maximumf %add3A_66, %max3A_67 : vector<10112x64xf32>
    %slice3A_69 = vector.extract_strided_slice %max3A_68 {offsets = [0, 0], sizes = [10000, 64], strides = [1, 1]} : vector<10112x64xf32> to vector<10000x64xf32>
    %get3A_70 = arith.constant 0 : index
    %get3A_71 = arith.constant 0 : index
    %get3A_72 = vector.load %arg3[%get3A_70, %get3A_71] : memref<10000x1xi32, #tpu.memory_space<vmem>>, vector<10000x1xi32>
    %scan3A = arith.constant 0 : i32
    %scan3A_73 = arith.constant 64 : i32
    %scan3A_74 = arith.addi %scan3A, %scan3A_73 : i32
    %scan3A_75 = arith.constant 1 : i32
    scf.for %scan3A_92 = %scan3A to %scan3A_74 step %scan3A_75  : i32 {
      %eq3A_93 = vector.broadcast %scan3A_92 : i32 to vector<10000x1xi32>
      %eq3A_94 = arith.cmpi eq, %get3A_72, %eq3A_93 : vector<10000x1xi32>
      %jit3A_95 = arith.constant 0xFF800000 : f32
      %broadcast_in_dim3A_96 = vector.shape_cast %eq3A_94 : vector<10000x1xi1> to vector<10000x1xi1>
      %broadcast_in_dim3A_97 = vector.broadcast %broadcast_in_dim3A_96 : vector<10000x1xi1> to vector<10000x64xi1>
      %broadcast_in_dim3A_98 = vector.broadcast %jit3A_95 : f32 to vector<10000x64xf32>
      %select_n3A_99 = arith.select %broadcast_in_dim3A_97, %slice3A_69, %broadcast_in_dim3A_98 : vector<10000x64xi1>, vector<10000x64xf32>
      %reduce_max3A = arith.constant dense<0xFF800000> : vector<64xf32>
      %reduce_max3A_100 = vector.multi_reduction <maximumf>, %select_n3A_99, %reduce_max3A [0] : vector<10000x64xf32> to vector<64xf32>
      %broadcast_in_dim3A_101 = vector.shape_cast %reduce_max3A_100 : vector<64xf32> to vector<1x64xf32>
      %swap3A_102 = arith.index_cast %scan3A_92 : i32 to index
      %swap3A_103 = arith.constant 0 : index
      %swap3A_104 = vector.load %arg8[%swap3A_102, %swap3A_103] : memref<64x64xf32, #tpu.memory_space<vmem>>, vector<1x64xf32>
      tpu.vector_store %arg8[%swap3A_102, %swap3A_103], %broadcast_in_dim3A_101 {strides = array<i32>} : memref<64x64xf32, #tpu.memory_space<vmem>>, vector<1x64xf32>,
    }
    %scan3A_76 = arith.constant 64 : i32
    %get3A_77 = arith.constant 0 : index
    %get3A_78 = arith.constant 0 : index
    %get3A_79 = vector.load %arg8[%get3A_77, %get3A_78] : memref<64x64xf32, #tpu.memory_space<vmem>>, vector<64x64xf32>
    %get3A_80 = arith.constant 0 : index
    %get3A_81 = arith.constant 0 : index
    %get3A_82 = vector.load %arg5[%get3A_80, %get3A_81] : memref<64x10xf32, #tpu.memory_space<vmem>>, vector<64x10xf32>
    %dot_general3A_83 = arith.constant dense<0.000000e+00> : vector<64x10xf32>
    %dot_general3A_84 = tpu.matmul %get3A_79, %get3A_82, %dot_general3A_83 {dimension_numbers = #tpu.dot_dimension_numbers<[1], [0], [0], [1], [0, 0, 1, 1], [], []>, transpose_lhs_hint = false} : vector<64x64xf32>, vector<64x10xf32>, vector<64x10xf32> -> vector<64x10xf32>
    %get3A_85 = arith.constant 0 : index
    %get3A_86 = vector.load %arg6[%get3A_85] : memref<10xf32, #tpu.memory_space<vmem>>, vector<10xf32>
    %broadcast_in_dim3A_87 = vector.shape_cast %get3A_86 : vector<10xf32> to vector<1x10xf32>
    %add3A_88 = vector.broadcast %broadcast_in_dim3A_87 : vector<1x10xf32> to vector<64x10xf32>
    %add3A_89 = arith.addf %dot_general3A_84, %add3A_88 : vector<64x10xf32>
    %swap3A = arith.constant 0 : index
    %swap3A_90 = arith.constant 0 : index
    %swap3A_91 = vector.load %arg7[%swap3A, %swap3A_90] : memref<64x10xf32, #tpu.memory_space<vmem>>, vector<64x10xf32>
    tpu.vector_store %arg7[%swap3A, %swap3A_90], %add3A_89 {strides = array<i32>} : memref<64x10xf32, #tpu.memory_space<vmem>>, vector<64x10xf32>,
    return
  }
}

</mosaic_0001>

<sc_bundles>
// kernel: kernel.5.cloned.1.call-start
scs
__scs_entry_jumppad:
0x0: {  	(pc) =	sbr.rel $0x88, $3  }
0x1: {  	(tag) =	ssettag $0x0;
	lr =	simm.s32 $0x1  }
0x2: {  	[smem:$0x3F98] =	sst lr;
	_ =	strace $0xD0000000  }
0x3: {  	_ = 	snop  }
0x4: {  	_ = 	snop  }
0x5: {  	_ = 	snop  }
0x6: {  	_ = 	snop  }
0x7: {  	_ = 	snop  }
__scs_overlays_trampoline_lowered:
0x8: {  	[smem:$0x3FA7] =	sst s0  }
0x9: {  	[smem:$0x3FA8] =	sst s1  }
0xa: {  	[smem:$0x3FA9] =	sst s2  }
0xb: {  	[smem:$0x3FAA] =	sst s3  }
0xc: {  	[smem:$0x3FAB] =	sst s4  }
0xd: {  	[smem:$0x3FAC] =	sst s5  }
0xe: {  	[smem:$0x3FAD] =	sst s6  }
0xf: {  	[smem:$0x3FAE] =	sst s7  }
0x10: {  	[smem:$0x3FAF] =	sst s8  }
0x11: {  	[smem:$0x3FB0] =	sst s9;
	s0 =	simm.s32 @!p0 $0x0  }
0x12: {  	s1 =	sld [smem:$0x3F96];
	s0 =	simm.s32 @p0 $0x1  }
0x13: {  	[smem:$0x3FB1] =	sst s0;
	s0 =	simm.s32 @!p1 $0x0  }
0x14: {  	s2 =	sld [smem:$0x3F95];
	s0 =	simm.s32 @p1 $0x1  }
0x15: {  	[smem:$0x3FB2] =	sst s0;
	s0 =	simm.s32 @!p2 $0x0  }
0x16: {  	s3 =	sld [smem:$0x3FDB];
	s0 =	simm.s32 @p2 $0x1  }
0x17: {  	s4 =	simm.s32 $0x1BF5;
	[smem:$0x3FB4] =	sst s0  }
0x18: {  	s0 =	sld [smem:$0x3F97];
	_ =	swait.ge [sflag:s4], $0x0  }
0x19: {  	s7 =	sld [smem:$0x3F98]  }
0x1a: {  	s8 =	sadd.s32 $0xFFFFE003, lr  }
0x1b: {  	s9 =	sadd.s32 $0xFFFFFEF7, lr;
	s5 =	simm.s32 $0xFFFFFFFF;
	p2 =	slt.u32 s8, $0xFFFFF086  }
0x1c: {  	p1 =	slt.u32 s9, $0xF7A;
	s5 =	simm.s32 @!p2 $0x0  }
0x1d: {  	s5 =	simm.s32 @p1 $0x1;
	p0 =	seq.s32 s7, s2  }
0x1e: {  	s7 =	smul.u32 @!p0 $0xF7A, s2;
	p2 =	seq.s32 @!p0 s5, $0x0  }
0x1f: {  	s9 =	smul.u32 $0xF7A, s1;
	s8 =	simm.s32 @!p0 $0x1BF5;
	p2 =	por !p2, p0  }
0x20: {  	[sflag:s8] =	ssyncset.s32 @!p0 $0xFFFFF086;
	s6 =	sadd.s32 @!p0 s3, s7;
	s7 =	simm.s32 @!p0 $0x108  }
0x21: {  	s3 =	sadd.s32 s3, s9;
	s6 =	sadd.s32 @!p0 $0x88, s6;
	s7 =	simm.s32 @p2 $0x1082  }
0x22: {  	[simem:s7], [sflag:s8] =	dma.local @!p0 [hbm:s6], $0xF7A  }
0x23: {  	s9 =	sor.u32 $0xD0000000, s2;
	s6 =	simm.s32 $0x108;
	_ =	swait.ge @!p0 [sflag:s8], $0x0  }
0x24: {  	s3 =	sadd.s32 $0x88, s3;
	s6 =	simm.s32 @!p1 $0x1082;
	[sflag:s4] =	ssyncset.s32 $0xFFFFF086  }
0x25: {  	[simem:s6], [sflag:s4] =	dma.local [hbm:s3], $0xF7A  }
0x26: {  	[smem:$0x3F98] =	sst s1;
	(tag) =	ssettag s2;
	_ =	strace s9  }
0x27: {  	s1 =	sld [smem:$0x3FA8]  }
0x28: {  	s2 =	sld [smem:$0x3FA9]  }
0x29: {  	s4 =	sld [smem:$0x3FAB]  }
0x2a: {  	p0 =	seq.s32 s5, $0x0;
	s5 =	sld [smem:$0x3FAC]  }
0x2b: {  	s6 =	sld [smem:$0x3FAD]  }
0x2c: {  	s7 =	sld [smem:$0x3FAE]  }
0x2d: {  	s3 =	simm.s32 $0x108;
	s8 =	sld [smem:$0x3FAF]  }
0x2e: {  	s3 =	simm.s32 @!p0 $0x1082;
	s9 =	sld [smem:$0x3FB0]  }
0x2f: {  	lr =	sadd.s32 s0, s3;
	s0 =	sld [smem:$0x3FA7]  }
0x30: {  	s3 =	sld [smem:$0x3FAA]  }
0x31: {  	[smem:$0x3FB3] =	sst s10  }
0x32: {  	s10 =	sld [smem:$0x3FB1];
	_ =	sdelay $0x3  }
0x33: {  	p0 =	seq.s32 s10, $0x1;
	s10 =	sld [smem:$0x3FB3];
	_ =	sdelay $0x3  }
0x34: {  	[smem:$0x3FB3] =	sst s10  }
0x35: {  	s10 =	sld [smem:$0x3FB2];
	_ =	sdelay $0x3  }
0x36: {  	p1 =	seq.s32 s10, $0x1;
	s10 =	sld [smem:$0x3FB3];
	_ =	sdelay $0x3  }
0x37: {  	[smem:$0x3FB3] =	sst s10  }
0x38: {  	s10 =	sld [smem:$0x3FB4]  }
0x39: {  	_ = 	snop;
	(pc) =	sbr.ind lr, $3  }
0x3a: {  	_ = 	snop  }
0x3b: {  	_ = 	snop  }
0x3c: {  	p2 =	seq.s32 s10, $0x1;
	s10 =	sld [smem:$0x3FB3]  }
0x3d: {  	_ =	shalt  }
0x3e: {  	_ =	shalt  }
0x3f: {  	_ =	shalt  }
0x40: {  	_ =	shalt  }
0x41: {  	_ =	shalt  }
0x42: {  	_ =	shalt  }
0x43: {  	_ =	shalt  }
0x44: {  	_ =	shalt  }
0x45: {  	_ =	shalt  }
0x46: {  	_ =	shalt  }
0x47: {  	_ =	shalt  }
0x48: {  	_ =	shalt  }
0x49: {  	_ =	shalt  }
0x4a: {  	_ =	shalt  }
0x4b: {  	_ =	shalt  }
0x4c: {  	_ =	shalt  }
0x4d: {  	_ =	shalt  }
0x4e: {  	_ =	shalt  }
0x4f: {  	_ =	shalt  }
0x50: {  	_ =	shalt  }
0x51: {  	_ =	shalt  }
0x52: {  	_ =	shalt  }
0x53: {  	_ =	shalt  }
0x54: {  	_ =	shalt  }
0x55: {  	_ =	shalt  }
0x56: {  	_ =	shalt  }
0x57: {  	_ =	shalt  }
0x58: {  	_ =	shalt  }
0x59: {  	_ =	shalt  }
0x5a: {  	_ =	shalt  }
0x5b: {  	_ =	shalt  }
0x5c: {  	_ =	shalt  }
0x5d: {  	_ =	shalt  }
0x5e: {  	_ =	shalt  }
0x5f: {  	_ =	shalt  }
0x60: {  	_ =	shalt  }
0x61: {  	_ =	shalt  }
0x62: {  	_ =	shalt  }
0x63: {  	_ =	shalt  }
0x64: {  	_ =	shalt  }
0x65: {  	_ =	shalt  }
0x66: {  	_ =	shalt  }
0x67: {  	_ =	shalt  }
0x68: {  	_ =	shalt  }
0x69: {  	_ =	shalt  }
0x6a: {  	_ =	shalt  }
0x6b: {  	_ =	shalt  }
0x6c: {  	_ =	shalt  }
0x6d: {  	_ =	shalt  }
0x6e: {  	_ =	shalt  }
0x6f: {  	_ =	shalt  }
0x70: {  	_ =	shalt  }
0x71: {  	_ =	shalt  }
0x72: {  	_ =	shalt  }
0x73: {  	_ =	shalt  }
0x74: {  	_ =	shalt  }
0x75: {  	_ =	shalt  }
0x76: {  	_ =	shalt  }
0x77: {  	_ =	shalt  }
0x78: {  	_ =	shalt  }
0x79: {  	_ =	shalt  }
0x7a: {  	_ =	shalt  }
0x7b: {  	_ =	shalt  }
0x7c: {  	_ =	shalt  }
0x7d: {  	_ =	shalt  }
0x7e: {  	_ =	shalt  }
0x7f: {  	_ =	shalt  }
0x80: {  	_ =	shalt  }
0x81: {  	_ =	shalt  }
0x82: {  	_ =	shalt  }
0x83: {  	_ =	shalt  }
0x84: {  	_ =	shalt  }
0x85: {  	_ =	shalt  }
0x86: {  	_ =	shalt  }
0x87: {  	_ =	shalt  }
.Lfunc_end0:
.L_simem_size_0:
called_computation_lowered:
.L_overlay_start_0:
0x88: {  	s2 =	sld [smem:$0x3FD9]  }
0x89: {  	s3 =	sld [smem:$0x3FFE];
	_ =	sdelay $0x1  }
0x8a: {  	s1 =	srdreg.scid  }
0x8b: {  	s0 =	sand.u32 $0x1, s1  }
0x8c: {  	s16 =	sshll.u32 s0, $0xA;
	s2 =	sadd.s32 s3, s2  }
0x8d: {  	s2 =	sadd.s32 s2, s16  }
0x8e: {  	[smem:$0x3FBF] =	sst s2  }
0x8f: {  	_ = 	snop  }
0x90: {  	(tm) =	ssettm $0x1  }
0x91: {  	s17 =	sld [smem:$0x3FFB];
	_ =	sdelay $0x3  }
0x92: {  	_ =	strace s17  }
0x93: {  	s2 =	sld [smem:$0x3FFC];
	_ =	sdelay $0x3  }
0x94: {  	_ =	strace s2  }
0x95: {  	s2 =	sld [smem:$0x3FFD];
	_ =	sdelay $0x3  }
0x96: {  	_ =	strace s2  }
0x97: {  	_ =	strace $0x8FFFFFFF  }
0x98: {  	s18 =	sld [smem:$0x3FDB];
	_ =	sdelay $0x1  }
0x99: {  	s19 =	simm.s32 $_scs_section_size  }
0x9a: {  	s4 =	simm.s32 $_size__tile_overlayer_lowered;
	s5 =	simm.s32 $_tile_overlayer_lowered  }
0x9b: {  	s22 =	simm.s32 $0x1BFF;
	s21 =	sshll.u32 s5, $0x1;
	s2 =	sadd.s32 s19, s18  }
0x9c: {  	s6 =	simm.s32 $0x0;
	s20 =	sshll.u32 s4, $0x1;
	s4 =	sadd.s32 s21, s2  }
0x9d: {  	[timem:s6], [sflag:s22] =	dma.local [hbm:s4], s20  }
0x9e: {  	_ =	swait.ge [sflag:s22], s20  }
0x9f: {  	s3 =	ssub.s32 $0x0, s20;
	[sflag:s22] =	ssyncset.done $0x0  }
0xa0: {  	[sflag:s22] =	ssyncadd.s32 s3;
	_ =	sdelay $0x1  }
0xa1: {  	s23 =	simm.s32 $0x1B8B  }
0xa2: {  	_ =	swait.ge [sflag:s23], $0x1  }
0xa3: {  	[sflag:s23] =	ssyncset.done $0x0  }
0xa4: {  	s25 =	simm.s32 $0x1B8E;
	s24 =	sld [smem:$0x3FFE];
	[sflag:s23] =	ssyncadd.s32 $0xFFFFFFFF  }
0xa5: {  	s26 =	simm.s32 $execute0_lowered;
	[smem:$0x3FD2] =	sst s25  }
0xa6: {  	s4 =	sshll.u32 s26, $0x1;
	_ =	strace $0x80000046;
	[dreg:$0x1] =	wrdreg $0xFFFFFFFF  }
0xa7: {  	s28 =	simm.s32 $_size_execute0_lowered;
	s2 =	sadd.s32 s2, s4;
	[dreg:$0x0] =	wrdreg $0x0  }
0xa8: {  	s4 =	sshll.u32 s28, $0x1;
	[dreg:$0x2] =	wrdreg s2  }
0xa9: {  	[dreg:$0x3] =	wrdreg s4  }
0xaa: {  	[dreg:$0x4] =	wrdreg $0xC0  }
0xab: {  	_ =	task [dreg:s6], $0x5FFFF  }
0xac: {  	[dreg:$0x1] =	wrdreg $0xFFFFFFFF  }
0xad: {  	[dreg:$0x0] =	wrdreg $0x60  }
0xae: {  	[dreg:$0x2] =	wrdreg s24  }
0xaf: {  	[dreg:$0x3] =	wrdreg $0x7A000  }
0xb0: {  	[dreg:$0x4] =	wrdreg $0xA1800  }
0xb1: {  	[dreg:$0x5] =	wrdreg $0x9  }
0xb2: {  	_ =	task.clear_ibuf [dreg:s6], $0x6FFFF;
	_ =	strace $0x90000046  }
0xb3: {  	s29 =	simm.s32 $0x9;
	_ =	strace $0x80000048  }
0xb4: {  	_ =	swait.ge [sflag:s29], $0x1  }
0xb5: {  	[sflag:s29] =	ssyncadd.s32 $0xFFFFFFFF  }
0xb6: {  	_ =	strace $0x90000048  }
0xb7: {  	_ =	sfence  }
0xb8: {  	s30 =	sld [smem:$0x0];
	_ =	sdelay $0x2  }
0xb9: {  	s31 =	sshll.u32 s1, $0xD;
	s1 =	sshrl.u32 s1, $0x2  }
0xba: {  	s3 =	sand.u32 $0x4000, s31;
	s1 =	sadd.s32 s1, s30  }
0xbb: {  	s0 =	sor.u32 s3, s0;
	s1 =	sshll.u32 s1, $0x11  }
0xbc: {  	s0 =	sor.u32 s1, s0  }
0xbd: {  	s0 =	sadd.s32 $0x8F2B, s0  }
0xbe: {  	[sflag:s0] =	ssyncadd.remote.s32 $0x1  }
0xbf: {  	_ =	sfence.sel $0xFFFF  }
0xc0: {  	[dreg:$0x0] =	wrdreg $0xFFFFFFFF;
	(pc) =	sbr.abs _section_cstart, $3  }
0xc1: {  	[dreg:$0x1] =	wrdreg $0xFFFFFFFF  }
0xc2: {  	_ =	task.clear_ibuf [dreg:s6], $0x2FFFF;
	_ =	strace $0x9FFFFFFF  }
0xc3: {  	(tm) =	ssettm $0x7FFFFFFF  }
tec
execute0_lowered:
.L_overlay_start_1:
0x0: {  	(tag) =	ssettag $0x1  }
0x1: {  	v0 =	vlaneseq.u32;
	s0 =	rddreg [dreg:$0x0]  }
0x2: {  	s1 =	rddreg [dreg:$0x1];
	v0 =	vmul.u32 $0x10, v0  }
0x3: {  	s2 =	rddreg [dreg:$0x2];
	s4 =	simm.s32 $0x0  }
0x4: {  	s15 =	stileid.u32;
	s5 =	srdreg.scid;
	s18 =	simm.s32 $0x5;
	v1 =	vor.u32 $0x4, v0;
	v2 =	vor.u32 $0x1, v0;
	v4 =	vor.u32 $0x2, v0  }
0x5: {  	s28 =	simm.s32 $0x2800;
	s29 =	simm.s32 $0x5800;
	s30 =	simm.s32 $0x6800;
	v6 =	vor.u32 $0x3, v0;
	v8 =	vor.u32 $0x100, v0;
	v10 =	vor.u32 $0x101, v0  }
0x6: {  	s31 =	simm.s32 $0x3;
	[smem:$0x7FF] =	sst s4;
	s3 =	smul.u32 $0x2780, s15;
	v12 =	vor.u32 $0x102, v0;
	v14 =	vor.u32 $0x103, v0;
	v16 =	vor.u32 $0x200, v0  }
0x7: {  	s8 =	smul.u32 $0xC580, s15;
	s9 =	sand.u32 $0x1, s5;
	s5 =	sadd.s32 $0x800, s0;
	v17 =	vor.u32 $0x204, v0;
	v18 =	vor.u32 $0x201, v0;
	v19 =	vor.u32 $0x205, v0  }
0x8: {  	s7 =	sadd.s32 $0x1E400, s0;
	s22 =	sshll.u32 s15, $0x6;
	s11 =	smul.u32 $0xC5800, s9;
	v20 =	vor.u32 $0x202, v0;
	v21 =	vor.u32 $0x206, v0;
	v22 =	vor.u32 $0x203, v0  }
0x9: {  	s13 =	sshll.u32 s9, $0x4;
	s9 =	ssub.s32 $0x2, s9;
	s6 =	sshrl.u32 s3, $0x3;
	v23 =	vor.u32 $0x207, v0;
	v24 =	vor.u32 $0x300, v0;
	v25 =	vor.u32 $0x304, v0  }
0xa: {  	s12 =	sshrl.u32 s8, $0x3;
	s13 =	sor.u32 s15, s13;
	v26 =	vor.u32 $0x301, v0;
	v27 =	vor.u32 $0x305, v0;
	s21 =	sshrl.u32 s9, $0x1;
	v28 =	vor.u32 $0x302, v0  }
0xb: {  	v29 =	vor.u32 $0x306, v0;
	v30 =	vor.u32 $0x303, v0;
	s3 =	sadd.s32 s3, s1;
	v31 =	vor.u32 $0x307, v0;
	s10 =	sadd.s32 s6, s0;
	s6 =	sadd.s32 $0x28400, s0  }
0xc: {  	v32 =	vor.u32 $0x400, v0;
	v33 =	vor.u32 $0x404, v0;
	[tilespmem:$0x1FF80] =	vst v1;
	v1 =	vor.u32 $0x5, v0;
	s12 =	sadd.s32 s12, s0;
	s11 =	sadd.s32 s8, s11;
	s14 =	smul.u32 $0x2800, s13  }
0xd: {  	v34 =	vor.u32 $0x401, v0;
	v35 =	vor.u32 $0x405, v0;
	s8 =	sadd.s32 s8, s2;
	s26 =	sshrl.u32 s3, $0x3;
	s3 =	simm.s32 $0x1;
	[tilespmem:$0x1FF90] =	vst v1;
	v1 =	vor.u32 $0x6, v0  }
0xe: {  	v36 =	vor.u32 $0x402, v0;
	v37 =	vor.u32 $0x406, v0;
	s11 =	sshrl.u32 s11, $0x3;
	s10 =	sadd.s32 $0x19400, s10;
	s12 =	sadd.s32 $0x32400, s12;
	[tilespmem:$0x1FFA0] =	vst v1;
	v1 =	vor.u32 $0x7, v0  }
0xf: {  	v38 =	vor.u32 $0x403, v0;
	v39 =	vor.u32 $0x407, v0;
	s16 =	sshrl.u32 s8, $0x3;
	s8 =	simm.s32 $0x4;
	s0 =	sadd.s32 s11, s0;
	[tilespmem:$0x1FFB0] =	vst v1;
	v1 =	vor.u32 $0x104, v0  }
0x10: {  	v40 =	vor.u32 $0x500, v0;
	v41 =	vor.u32 $0x504, v0;
	v42 =	vor.u32 $0x501, v0;
	s11 =	ssub.s32 s9, s21;
	s9 =	sor.u32 $0x1C05, s22;
	s23 =	sshrl.u32 s14, $0x3;
	[tilespmem:$0x1FFC0] =	vst v1  }
0x11: {  	v43 =	vor.u32 $0x505, v0;
	v44 =	vor.u32 $0x502, v0;
	v45 =	vor.u32 $0x506, v0;
	s13 =	sor.u32 $0x80, s14;
	_ =	strace $0x80000047;
	[dreg:$0x4] =	wrdreg s10  }
0x12: {  	v46 =	vor.u32 $0x503, v0;
	v47 =	vor.u32 $0x507, v0;
	v48 =	vor.u32 $0x600, v0;
	s14 =	sor.u32 $0x100, s14;
	s24 =	sadd.s32 s6, s23;
	[dreg:$0x5] =	wrdreg s12  }
0x13: {  	v49 =	vor.u32 $0x604, v0;
	v50 =	vor.u32 $0x601, v0;
	v51 =	vor.u32 $0x605, v0;
	s21 =	simm.s32 $0x7100;
	s0 =	sadd.s32 $0x4B000, s0;
	[dreg:$0x6] =	wrdreg s24  }
0x14: {  	v52 =	vor.u32 $0x602, v0;
	v53 =	vor.u32 $0x606, v0;
	v54 =	vor.u32 $0x603, v0;
	s22 =	simm.s32 $0x80;
	s25 =	smax.u32 s11, $0x1;
	[dreg:$0x8] =	wrdreg s0  }
0x15: {  	v55 =	vor.u32 $0x607, v0;
	v56 =	vor.u32 $0x700, v0;
	s11 =	simm.s32 $0x0;
	v1 =	vor.u32 $0x105, v0;
	s10 =	sadd.s32 s7, s23;
	[dreg:$0x9] =	wrdreg s25  }
0x16: {  	v57 =	vor.u32 $0x704, v0;
	v58 =	vor.u32 $0x701, v0;
	[tilespmem:$0x1FFD0] =	vst v1;
	v1 =	vor.u32 $0x106, v0;
	[dreg:$0xa] =	wrdreg s26;
	s23 =	simm.s32 $0x5000;
	s24 =	simm.s32 $0x6000  }
0x17: {  	v59 =	vor.u32 $0x705, v0;
	v60 =	vor.u32 $0x702, v0;
	s25 =	simm.s32 $0x7080;
	s26 =	simm.s32 $0x7180;
	[dreg:$0xb] =	wrdreg s16;
	[tilespmem:$0x1FFE0] =	vst v1;
	v1 =	vor.u32 $0x107, v0  }
0x18: {  	v61 =	vor.u32 $0x706, v0;
	v62 =	vor.u32 $0x703, v0;
	v63 =	vor.u32 $0x707, v0;
	s0 =	simm.s32 $0x7200;
	[dreg:$0x7] =	wrdreg s10;
	s10 =	simm.s32 $0x2;
	[tilespmem:$0x1FFF0] =	vst v1  }
.LBB2_1:
0x19: {  	s12 =	rddreg [dreg:$0x4]  }
0x1a: {  	s15 =	rddreg [dreg:$0xa]  }
0x1b: {  	[spmem:s15], [sflag:s9] =	dma.local [hbm:s12], $0x4F0  }
0x1c: {  	_ =	swait.ge [sflag:s18], $0x4F0  }
0x1d: {  	[sflag:s18] =	ssyncset.done $0x0  }
0x1e: {  	s15 =	rddreg [dreg:$0x5];
	[sflag:s18] =	ssyncadd.s32 $0xFFFFFB10  }
0x1f: {  	[spmem:s16], [sflag:s9] =	dma.local [hbm:s15], $0x18B0  }
0x20: {  	_ =	swait.ge [sflag:s18], $0x18B0  }
0x21: {  	[sflag:s18] =	ssyncset.done $0x0  }
0x22: {  	[sflag:s18] =	ssyncadd.s32 $0xFFFFE750  }
0x23: {  	[bflag:$0x0] =	sbarrier.arrive $0xFFFF  }
0x24: {  	s19 =	simm.s32 $0x7000;
	s17 =	rddreg [dreg:$0x6]  }
0x25: {  	[tilespmem:s19], [sflag:$0x5] =	stream.linear.gather [hbm4b:s17+s4], $0x80, $0x38;
	[tilespmem:$0x16700] =	vst v63  }
0x26: {  	_ =	swait.ge [sflag:s18], $0x80  }
0x27: {  	[sflag:s18] =	ssyncset.done $0x0  }
0x28: {  	s20 =	rddreg [dreg:$0x7];
	[sflag:s18] =	ssyncadd.s32 $0xFFFFFF80  }
0x29: {  	[tilespmem:s21], [sflag:$0x5] =	stream.linear.gather [hbm4b:s20+s4], $0x80, $0x38;
	[tilespmem:$0x16700] =	vst v63  }
0x2a: {  	_ =	swait.ge [sflag:s18], $0x80  }
0x2b: {  	[sflag:s18] =	ssyncset.done $0x0  }
0x2c: {  	[sflag:s18] =	ssyncadd.s32 $0xFFFFFF80  }
0x2d: {  	[tilespmem:s4], [sflag:$0x1] =	stream.indirect.gather [hbm4b:s5+s22], $0x50, s19, s22, $0xb8;
	[tilespmem:$0x16700] =	vst v63  }
0x2e: {  	_ = 	snop  }
0x2f: {  	[tilespmem:s23], [sflag:$0x3] =	stream.indirect.gather [spmem:s1], $0x10, s19, s22, $0xb8;
	[tilespmem:$0x16700] =	vst v63  }
0x30: {  	s12 =	simm.s32 $0x0  }
0x31: {  	[tilespmem:s24], [sflag:$0x3] =	stream.indirect.gather [spmem:s1], $0x10, s21, s22, $0xb8;
	[tilespmem:$0x16700] =	vst v63  }
.LBB2_2:
0x32: {  	s15 =	sshll.u32 s12, $0x8  }
0x33: {  	s16 =	sadd.s32 s15, s13  }
0x34: {  	s16 =	sshrl.u32 s16, $0x3  }
0x35: {  	s17 =	sadd.s32 s6, s16  }
0x36: {  	[tilespmem:s25], [sflag:$0x5] =	stream.linear.gather [hbm4b:s17+s4], $0x80, $0x38;
	[tilespmem:$0x16700] =	vst v63  }
0x37: {  	_ =	swait.ge [sflag:s18], $0x80  }
0x38: {  	[sflag:s18] =	ssyncset.done $0x0  }
0x39: {  	s16 =	sadd.s32 s7, s16;
	[sflag:s18] =	ssyncadd.s32 $0xFFFFFF80  }
0x3a: {  	[tilespmem:s26], [sflag:$0x5] =	stream.linear.gather [hbm4b:s16+s4], $0x80, $0x38;
	[tilespmem:$0x16700] =	vst v63  }
0x3b: {  	_ =	swait.ge [sflag:s18], $0x80  }
0x3c: {  	[sflag:s18] =	ssyncset.done $0x0  }
0x3d: {  	[sflag:s18] =	ssyncadd.s32 $0xFFFFFF80  }
0x3e: {  	[tilespmem:s28], [sflag:$0x2] =	stream.indirect.gather [hbm4b:s5+s22], $0x50, s25, s22, $0xb8;
	[tilespmem:$0x16700] =	vst v63  }
0x3f: {  	_ = 	snop  }
0x40: {  	[tilespmem:s29], [sflag:$0x4] =	stream.indirect.gather [spmem:s1], $0x10, s25, s22, $0xb8;
	[tilespmem:$0x16700] =	vst v63  }
0x41: {  	_ = 	snop  }
0x42: {  	[tilespmem:s30], [sflag:$0x4] =	stream.indirect.gather [spmem:s1], $0x10, s26, s22, $0xb8;
	[tilespmem:$0x16700] =	vst v63  }
0x43: {  	_ =	swait.ge [sflag:s31], $0x800  }
0x44: {  	[sflag:s31] =	ssyncset.done $0x0  }
0x45: {  	[sflag:s31] =	ssyncadd.s32 $0xFFFFF800  }
0x46: {  	_ =	swait.ge [sflag:s31], $0x800  }
0x47: {  	v3 =	vld [tilespmem:$0x1FF80];
	_ =	sdelay $0x4  }
0x48: {  	[sflag:s31] =	ssyncset.done $0x0  }
0x49: {  	[sflag:s31] =	ssyncadd.s32 $0xFFFFF800  }
0x4a: {  	v1 =	vld.idx.msk [tilespmem:v0+s23+$0x0], $0xffff  }
0x4b: {  	v3 =	vld.idx.msk [tilespmem:v3+s24+$0x0], $0xffff;
	_ =	sdelay $0x4  }
0x4c: {  	v1 =	vadd.f32 v3, v1;
	_ =	sdelay $0x1  }
0x4d: {  	v3 =	vmul.f32 $2.000000030e-01, v1  }
0x4e: {  	vm0 =	vge.f32 v1, $0.0e+00  }
0x4f: {  	v1 =	vsel vm0, v1, v3  }
0x50: {  	v1 =	vmul.f32 $1.442695020e+00, v1;
	_ =	sdelay $0x1  }
0x51: {  	(erf) = vpow2.f32 v1;
	_ =	sdelay $0x3  }
0x52: {  	v3 =	vld [tilespmem:$0x1FF90];
	_ =	sdelay $0x4  }
0x53: {  	v1 =	vpop (erf)  }
0x54: {  	[tilespmem:v0+s0+$0x0] =	vst.idx.msk $0xffff, v1  }
0x55: {  	v1 =	vld.idx.msk [tilespmem:v2+s23+$0x0], $0xffff  }
0x56: {  	v3 =	vld.idx.msk [tilespmem:v3+s24+$0x0], $0xffff;
	_ =	sdelay $0x4  }
0x57: {  	v1 =	vadd.f32 v3, v1;
	_ =	sdelay $0x1  }
0x58: {  	v3 =	vmul.f32 $2.000000030e-01, v1  }
0x59: {  	vm9 =	vge.f32 v1, $0.0e+00  }
0x5a: {  	v1 =	vsel vm9, v1, v3  }
0x5b: {  	v1 =	vmul.f32 $1.442695020e+00, v1;
	_ =	sdelay $0x1  }
0x5c: {  	(erf) = vpow2.f32 v1;
	_ =	sdelay $0x3  }
0x5d: {  	v3 =	vld [tilespmem:$0x1FFA0];
	_ =	sdelay $0x4  }
0x5e: {  	v1 =	vpop (erf)  }
0x5f: {  	[tilespmem:v2+s0+$0x0] =	vst.idx.msk $0xffff, v1  }
0x60: {  	v1 =	vld.idx.msk [tilespmem:v4+s23+$0x0], $0xffff  }
0x61: {  	v3 =	vld.idx.msk [tilespmem:v3+s24+$0x0], $0xffff;
	_ =	sdelay $0x4  }
0x62: {  	v1 =	vadd.f32 v3, v1;
	_ =	sdelay $0x1  }
0x63: {  	v3 =	vmul.f32 $2.000000030e-01, v1  }
0x64: {  	vm10 =	vge.f32 v1, $0.0e+00  }
0x65: {  	v1 =	vsel vm10, v1, v3  }
0x66: {  	v1 =	vmul.f32 $1.442695020e+00, v1;
	_ =	sdelay $0x1  }
0x67: {  	(erf) = vpow2.f32 v1;
	_ =	sdelay $0x3  }
0x68: {  	v3 =	vld [tilespmem:$0x1FFB0];
	_ =	sdelay $0x4  }
0x69: {  	v1 =	vpop (erf)  }
0x6a: {  	[tilespmem:v4+s0+$0x0] =	vst.idx.msk $0xffff, v1  }
0x6b: {  	v1 =	vld.idx.msk [tilespmem:v6+s23+$0x0], $0xffff  }
0x6c: {  	v3 =	vld.idx.msk [tilespmem:v3+s24+$0x0], $0xffff;
	_ =	sdelay $0x4  }
0x6d: {  	v1 =	vadd.f32 v3, v1;
	_ =	sdelay $0x1  }
0x6e: {  	v3 =	vmul.f32 $2.000000030e-01, v1  }
0x6f: {  	vm11 =	vge.f32 v1, $0.0e+00  }
0x70: {  	v1 =	vsel vm11, v1, v3  }
0x71: {  	v1 =	vmul.f32 $1.442695020e+00, v1;
	_ =	sdelay $0x1  }
0x72: {  	(erf) = vpow2.f32 v1;
	_ =	sdelay $0x3  }
0x73: {  	v3 =	vld [tilespmem:$0x1FFC0];
	_ =	sdelay $0x4  }
0x74: {  	v1 =	vpop (erf)  }
0x75: {  	[tilespmem:v6+s0+$0x0] =	vst.idx.msk $0xffff, v1  }
0x76: {  	v1 =	vld.idx.msk [tilespmem:v8+s23+$0x0], $0xffff  }
0x77: {  	v3 =	vld.idx.msk [tilespmem:v3+s24+$0x0], $0xffff;
	_ =	sdelay $0x4  }
0x78: {  	v1 =	vadd.f32 v3, v1;
	_ =	sdelay $0x1  }
0x79: {  	v3 =	vmul.f32 $2.000000030e-01, v1  }
0x7a: {  	vm12 =	vge.f32 v1, $0.0e+00  }
0x7b: {  	v1 =	vsel vm12, v1, v3  }
0x7c: {  	v1 =	vmul.f32 $1.442695020e+00, v1;
	_ =	sdelay $0x1  }
0x7d: {  	(erf) = vpow2.f32 v1;
	_ =	sdelay $0x3  }
0x7e: {  	v3 =	vld [tilespmem:$0x1FFD0];
	_ =	sdelay $0x4  }
0x7f: {  	v1 =	vpop (erf)  }
0x80: {  	[tilespmem:v8+s0+$0x0] =	vst.idx.msk $0xffff, v1  }
0x81: {  	v1 =	vld.idx.msk [tilespmem:v10+s23+$0x0], $0xffff  }
0x82: {  	v3 =	vld.idx.msk [tilespmem:v3+s24+$0x0], $0xffff;
	_ =	sdelay $0x4  }
0x83: {  	v1 =	vadd.f32 v3, v1;
	_ =	sdelay $0x1  }
0x84: {  	v3 =	vmul.f32 $2.000000030e-01, v1  }
0x85: {  	vm13 =	vge.f32 v1, $0.0e+00  }
0x86: {  	v1 =	vsel vm13, v1, v3  }
0x87: {  	v1 =	vmul.f32 $1.442695020e+00, v1;
	_ =	sdelay $0x1  }
0x88: {  	(erf) = vpow2.f32 v1;
	_ =	sdelay $0x3  }
0x89: {  	v3 =	vld [tilespmem:$0x1FFE0];
	_ =	sdelay $0x4  }
0x8a: {  	v1 =	vpop (erf)  }
0x8b: {  	[tilespmem:v10+s0+$0x0] =	vst.idx.msk $0xffff, v1  }
0x8c: {  	v1 =	vld.idx.msk [tilespmem:v12+s23+$0x0], $0xffff  }
0x8d: {  	v3 =	vld.idx.msk [tilespmem:v3+s24+$0x0], $0xffff;
	_ =	sdelay $0x4  }
0x8e: {  	v1 =	vadd.f32 v3, v1;
	_ =	sdelay $0x1  }
0x8f: {  	v3 =	vmul.f32 $2.000000030e-01, v1  }
0x90: {  	vm14 =	vge.f32 v1, $0.0e+00  }
0x91: {  	v1 =	vsel vm14, v1, v3  }
0x92: {  	v1 =	vmul.f32 $1.442695020e+00, v1;
	_ =	sdelay $0x1  }
0x93: {  	(erf) = vpow2.f32 v1;
	_ =	sdelay $0x3  }
0x94: {  	v3 =	vld [tilespmem:$0x1FFF0];
	_ =	sdelay $0x4  }
0x95: {  	v1 =	vpop (erf)  }
0x96: {  	[tilespmem:v12+s0+$0x0] =	vst.idx.msk $0xffff, v1  }
0x97: {  	v1 =	vld.idx.msk [tilespmem:v14+s23+$0x0], $0xffff  }
0x98: {  	v3 =	vld.idx.msk [tilespmem:v3+s24+$0x0], $0xffff;
	_ =	sdelay $0x4  }
0x99: {  	v1 =	vadd.f32 v3, v1;
	_ =	sdelay $0x1  }
0x9a: {  	v3 =	vmul.f32 $2.000000030e-01, v1  }
0x9b: {  	vm15 =	vge.f32 v1, $0.0e+00  }
0x9c: {  	v1 =	vsel vm15, v1, v3  }
0x9d: {  	v1 =	vmul.f32 $1.442695020e+00, v1;
	_ =	sdelay $0x1  }
0x9e: {  	(erf) = vpow2.f32 v1;
	_ =	sdelay $0x8  }
0x9f: {  	v1 =	vpop (erf)  }
0xa0: {  	[tilespmem:v14+s0+$0x0] =	vst.idx.msk $0xffff, v1  }
0xa1: {  	v1 =	vld.idx.msk [tilespmem:v16+s23+$0x0], $0xffff  }
0xa2: {  	v3 =	vld.idx.msk [tilespmem:v17+s24+$0x0], $0xffff;
	_ =	sdelay $0x4  }
0xa3: {  	v1 =	vadd.f32 v3, v1;
	_ =	sdelay $0x1  }
0xa4: {  	v3 =	vmul.f32 $2.000000030e-01, v1  }
0xa5: {  	vm4 =	vge.f32 v1, $0.0e+00  }
0xa6: {  	v1 =	vsel vm4, v1, v3  }
0xa7: {  	v1 =	vmul.f32 $1.442695020e+00, v1;
	_ =	sdelay $0x1  }
0xa8: {  	(erf) = vpow2.f32 v1;
	_ =	sdelay $0x8  }
0xa9: {  	v1 =	vpop (erf)  }
0xaa: {  	[tilespmem:v16+s0+$0x0] =	vst.idx.msk $0xffff, v1  }
0xab: {  	v1 =	vld.idx.msk [tilespmem:v18+s23+$0x0], $0xffff  }
0xac: {  	v3 =	vld.idx.msk [tilespmem:v19+s24+$0x0], $0xffff;
	_ =	sdelay $0x4  }
0xad: {  	v1 =	vadd.f32 v3, v1;
	_ =	sdelay $0x1  }
0xae: {  	v3 =	vmul.f32 $2.000000030e-01, v1  }
0xaf: {  	vm5 =	vge.f32 v1, $0.0e+00  }
0xb0: {  	v1 =	vsel vm5, v1, v3  }
0xb1: {  	v1 =	vmul.f32 $1.442695020e+00, v1;
	_ =	sdelay $0x1  }
0xb2: {  	(erf) = vpow2.f32 v1;
	_ =	sdelay $0x8  }
0xb3: {  	v1 =	vpop (erf)  }
0xb4: {  	[tilespmem:v18+s0+$0x0] =	vst.idx.msk $0xffff, v1  }
0xb5: {  	v1 =	vld.idx.msk [tilespmem:v20+s23+$0x0], $0xffff  }
0xb6: {  	v3 =	vld.idx.msk [tilespmem:v21+s24+$0x0], $0xffff;
	_ =	sdelay $0x4  }
0xb7: {  	v1 =	vadd.f32 v3, v1;
	_ =	sdelay $0x1  }
0xb8: {  	v3 =	vmul.f32 $2.000000030e-01, v1  }
0xb9: {  	vm6 =	vge.f32 v1, $0.0e+00  }
0xba: {  	v1 =	vsel vm6, v1, v3  }
0xbb: {  	v1 =	vmul.f32 $1.442695020e+00, v1;
	_ =	sdelay $0x1  }
0xbc: {  	(erf) = vpow2.f32 v1;
	_ =	sdelay $0x8  }
0xbd: {  	v1 =	vpop (erf)  }
0xbe: {  	[tilespmem:v20+s0+$0x0] =	vst.idx.msk $0xffff, v1  }
0xbf: {  	v1 =	vld.idx.msk [tilespmem:v22+s23+$0x0], $0xffff  }
0xc0: {  	v3 =	vld.idx.msk [tilespmem:v23+s24+$0x0], $0xffff;
	_ =	sdelay $0x4  }
0xc1: {  	v1 =	vadd.f32 v3, v1;
	_ =	sdelay $0x1  }
0xc2: {  	v3 =	vmul.f32 $2.000000030e-01, v1  }
0xc3: {  	vm7 =	vge.f32 v1, $0.0e+00  }
0xc4: {  	v1 =	vsel vm7, v1, v3  }
0xc5: {  	v1 =	vmul.f32 $1.442695020e+00, v1;
	_ =	sdelay $0x1  }
0xc6: {  	(erf) = vpow2.f32 v1;
	_ =	sdelay $0x8  }
0xc7: {  	v1 =	vpop (erf)  }
0xc8: {  	[tilespmem:v22+s0+$0x0] =	vst.idx.msk $0xffff, v1  }
0xc9: {  	v1 =	vld.idx.msk [tilespmem:v24+s23+$0x0], $0xffff  }
0xca: {  	v3 =	vld.idx.msk [tilespmem:v25+s24+$0x0], $0xffff;
	_ =	sdelay $0x4  }
0xcb: {  	v1 =	vadd.f32 v3, v1;
	_ =	sdelay $0x1  }
0xcc: {  	v3 =	vmul.f32 $2.000000030e-01, v1  }
0xcd: {  	vm8 =	vge.f32 v1, $0.0e+00  }
0xce: {  	v1 =	vsel vm8, v1, v3  }
0xcf: {  	v1 =	vmul.f32 $1.442695020e+00, v1;
	_ =	sdelay $0x1  }
0xd0: {  	(erf) = vpow2.f32 v1;
	_ =	sdelay $0x8  }
0xd1: {  	v1 =	vpop (erf)  }
0xd2: {  	[tilespmem:v24+s0+$0x0] =	vst.idx.msk $0xffff, v1  }
0xd3: {  	v1 =	vld.idx.msk [tilespmem:v26+s23+$0x0], $0xffff  }
0xd4: {  	v3 =	vld.idx.msk [tilespmem:v27+s24+$0x0], $0xffff;
	_ =	sdelay $0x4  }
0xd5: {  	v1 =	vadd.f32 v3, v1;
	_ =	sdelay $0x1  }
0xd6: {  	v3 =	vmul.f32 $2.000000030e-01, v1  }
0xd7: {  	vm9 =	vge.f32 v1, $0.0e+00  }
0xd8: {  	v1 =	vsel vm9, v1, v3  }
0xd9: {  	v1 =	vmul.f32 $1.442695020e+00, v1;
	_ =	sdelay $0x1  }
0xda: {  	(erf) = vpow2.f32 v1;
	_ =	sdelay $0x8  }
0xdb: {  	v1 =	vpop (erf)  }
0xdc: {  	[tilespmem:v26+s0+$0x0] =	vst.idx.msk $0xffff, v1  }
0xdd: {  	v1 =	vld.idx.msk [tilespmem:v28+s23+$0x0], $0xffff  }
0xde: {  	v3 =	vld.idx.msk [tilespmem:v29+s24+$0x0], $0xffff;
	_ =	sdelay $0x4  }
0xdf: {  	v1 =	vadd.f32 v3, v1;
	_ =	sdelay $0x1  }
0xe0: {  	v3 =	vmul.f32 $2.000000030e-01, v1  }
0xe1: {  	vm10 =	vge.f32 v1, $0.0e+00  }
0xe2: {  	v1 =	vsel vm10, v1, v3  }
0xe3: {  	v1 =	vmul.f32 $1.442695020e+00, v1;
	_ =	sdelay $0x1  }
0xe4: {  	(erf) = vpow2.f32 v1;
	_ =	sdelay $0x8  }
0xe5: {  	v1 =	vpop (erf)  }
0xe6: {  	[tilespmem:v28+s0+$0x0] =	vst.idx.msk $0xffff, v1  }
0xe7: {  	v1 =	vld.idx.msk [tilespmem:v30+s23+$0x0], $0xffff  }
0xe8: {  	v3 =	vld.idx.msk [tilespmem:v31+s24+$0x0], $0xffff;
	_ =	sdelay $0x4  }
0xe9: {  	v1 =	vadd.f32 v3, v1;
	_ =	sdelay $0x1  }
0xea: {  	v3 =	vmul.f32 $2.000000030e-01, v1  }
0xeb: {  	vm11 =	vge.f32 v1, $0.0e+00  }
0xec: {  	v1 =	vsel vm11, v1, v3  }
0xed: {  	v1 =	vmul.f32 $1.442695020e+00, v1;
	_ =	sdelay $0x1  }
0xee: {  	(erf) = vpow2.f32 v1;
	_ =	sdelay $0x8  }
0xef: {  	v1 =	vpop (erf)  }
0xf0: {  	[tilespmem:v30+s0+$0x0] =	vst.idx.msk $0xffff, v1  }
0xf1: {  	v1 =	vld.idx.msk [tilespmem:v32+s23+$0x0], $0xffff  }
0xf2: {  	v3 =	vld.idx.msk [tilespmem:v33+s24+$0x0], $0xffff;
	_ =	sdelay $0x4  }
0xf3: {  	v1 =	vadd.f32 v3, v1;
	_ =	sdelay $0x1  }
0xf4: {  	v3 =	vmul.f32 $2.000000030e-01, v1  }
0xf5: {  	vm12 =	vge.f32 v1, $0.0e+00  }
0xf6: {  	v1 =	vsel vm12, v1, v3  }
0xf7: {  	v1 =	vmul.f32 $1.442695020e+00, v1;
	_ =	sdelay $0x1  }
0xf8: {  	(erf) = vpow2.f32 v1;
	_ =	sdelay $0x8  }
0xf9: {  	v1 =	vpop (erf)  }
0xfa: {  	[tilespmem:v32+s0+$0x0] =	vst.idx.msk $0xffff, v1  }
0xfb: {  	v1 =	vld.idx.msk [tilespmem:v34+s23+$0x0], $0xffff  }
0xfc: {  	v3 =	vld.idx.msk [tilespmem:v35+s24+$0x0], $0xffff;
	_ =	sdelay $0x4  }
0xfd: {  	v1 =	vadd.f32 v3, v1;
	_ =	sdelay $0x1  }
0xfe: {  	v3 =	vmul.f32 $2.000000030e-01, v1  }
0xff: {  	vm13 =	vge.f32 v1, $0.0e+00  }
0x100: {  	v1 =	vsel vm13, v1, v3  }
0x101: {  	v1 =	vmul.f32 $1.442695020e+00, v1;
	_ =	sdelay $0x1  }
0x102: {  	(erf) = vpow2.f32 v1;
	_ =	sdelay $0x8  }
0x103: {  	v1 =	vpop (erf)  }
0x104: {  	[tilespmem:v34+s0+$0x0] =	vst.idx.msk $0xffff, v1  }
0x105: {  	v1 =	vld.idx.msk [tilespmem:v36+s23+$0x0], $0xffff  }
0x106: {  	v3 =	vld.idx.msk [tilespmem:v37+s24+$0x0], $0xffff;
	_ =	sdelay $0x4  }
0x107: {  	v1 =	vadd.f32 v3, v1;
	_ =	sdelay $0x1  }
0x108: {  	v3 =	vmul.f32 $2.000000030e-01, v1  }
0x109: {  	vm14 =	vge.f32 v1, $0.0e+00  }
0x10a: {  	v1 =	vsel vm14, v1, v3  }
0x10b: {  	v1 =	vmul.f32 $1.442695020e+00, v1;
	_ =	sdelay $0x1  }
0x10c: {  	(erf) = vpow2.f32 v1;
	_ =	sdelay $0x8  }
0x10d: {  	v1 =	vpop (erf)  }
0x10e: {  	[tilespmem:v36+s0+$0x0] =	vst.idx.msk $0xffff, v1  }
0x10f: {  	v1 =	vld.idx.msk [tilespmem:v38+s23+$0x0], $0xffff  }
0x110: {  	v3 =	vld.idx.msk [tilespmem:v39+s24+$0x0], $0xffff;
	_ =	sdelay $0x4  }
0x111: {  	v1 =	vadd.f32 v3, v1;
	_ =	sdelay $0x1  }
0x112: {  	v3 =	vmul.f32 $2.000000030e-01, v1  }
0x113: {  	vm15 =	vge.f32 v1, $0.0e+00  }
0x114: {  	v1 =	vsel vm15, v1, v3  }
0x115: {  	v1 =	vmul.f32 $1.442695020e+00, v1;
	_ =	sdelay $0x1  }
0x116: {  	(erf) = vpow2.f32 v1;
	_ =	sdelay $0x8  }
0x117: {  	v1 =	vpop (erf)  }
0x118: {  	[tilespmem:v38+s0+$0x0] =	vst.idx.msk $0xffff, v1  }
0x119: {  	v1 =	vld.idx.msk [tilespmem:v40+s23+$0x0], $0xffff  }
0x11a: {  	v3 =	vld.idx.msk [tilespmem:v41+s24+$0x0], $0xffff;
	_ =	sdelay $0x4  }
0x11b: {  	v1 =	vadd.f32 v3, v1;
	_ =	sdelay $0x1  }
0x11c: {  	v3 =	vmul.f32 $2.000000030e-01, v1  }
0x11d: {  	vm4 =	vge.f32 v1, $0.0e+00  }
0x11e: {  	v1 =	vsel vm4, v1, v3  }
0x11f: {  	v1 =	vmul.f32 $1.442695020e+00, v1;
	_ =	sdelay $0x1  }
0x120: {  	(erf) = vpow2.f32 v1;
	_ =	sdelay $0x8  }
0x121: {  	v1 =	vpop (erf)  }
0x122: {  	[tilespmem:v40+s0+$0x0] =	vst.idx.msk $0xffff, v1  }
0x123: {  	v1 =	vld.idx.msk [tilespmem:v42+s23+$0x0], $0xffff  }
0x124: {  	v3 =	vld.idx.msk [tilespmem:v43+s24+$0x0], $0xffff;
	_ =	sdelay $0x4  }
0x125: {  	v1 =	vadd.f32 v3, v1;
	_ =	sdelay $0x1  }
0x126: {  	v3 =	vmul.f32 $2.000000030e-01, v1  }
0x127: {  	vm5 =	vge.f32 v1, $0.0e+00  }
0x128: {  	v1 =	vsel vm5, v1, v3  }
0x129: {  	v1 =	vmul.f32 $1.442695020e+00, v1;
	_ =	sdelay $0x1  }
0x12a: {  	(erf) = vpow2.f32 v1;
	_ =	sdelay $0x8  }
0x12b: {  	v1 =	vpop (erf)  }
0x12c: {  	[tilespmem:v42+s0+$0x0] =	vst.idx.msk $0xffff, v1  }
0x12d: {  	v1 =	vld.idx.msk [tilespmem:v44+s23+$0x0], $0xffff  }
0x12e: {  	v3 =	vld.idx.msk [tilespmem:v45+s24+$0x0], $0xffff;
	_ =	sdelay $0x4  }
0x12f: {  	v1 =	vadd.f32 v3, v1;
	_ =	sdelay $0x1  }
0x130: {  	v3 =	vmul.f32 $2.000000030e-01, v1  }
0x131: {  	vm6 =	vge.f32 v1, $0.0e+00  }
0x132: {  	v1 =	vsel vm6, v1, v3  }
0x133: {  	v1 =	vmul.f32 $1.442695020e+00, v1;
	_ =	sdelay $0x1  }
0x134: {  	(erf) = vpow2.f32 v1;
	_ =	sdelay $0x8  }
0x135: {  	v1 =	vpop (erf)  }
0x136: {  	[tilespmem:v44+s0+$0x0] =	vst.idx.msk $0xffff, v1  }
0x137: {  	v1 =	vld.idx.msk [tilespmem:v46+s23+$0x0], $0xffff  }
0x138: {  	v3 =	vld.idx.msk [tilespmem:v47+s24+$0x0], $0xffff;
	_ =	sdelay $0x4  }
0x139: {  	v1 =	vadd.f32 v3, v1;
	_ =	sdelay $0x1  }
0x13a: {  	v3 =	vmul.f32 $2.000000030e-01, v1  }
0x13b: {  	vm7 =	vge.f32 v1, $0.0e+00  }
0x13c: {  	v1 =	vsel vm7, v1, v3  }
0x13d: {  	v1 =	vmul.f32 $1.442695020e+00, v1;
	_ =	sdelay $0x1  }
0x13e: {  	(erf) = vpow2.f32 v1;
	_ =	sdelay $0x8  }
0x13f: {  	v1 =	vpop (erf)  }
0x140: {  	[tilespmem:v46+s0+$0x0] =	vst.idx.msk $0xffff, v1  }
0x141: {  	v1 =	vld.idx.msk [tilespmem:v48+s23+$0x0], $0xffff  }
0x142: {  	v3 =	vld.idx.msk [tilespmem:v49+s24+$0x0], $0xffff;
	_ =	sdelay $0x4  }
0x143: {  	v1 =	vadd.f32 v3, v1;
	_ =	sdelay $0x1  }
0x144: {  	v3 =	vmul.f32 $2.000000030e-01, v1  }
0x145: {  	vm8 =	vge.f32 v1, $0.0e+00  }
0x146: {  	v1 =	vsel vm8, v1, v3  }
0x147: {  	v1 =	vmul.f32 $1.442695020e+00, v1;
	_ =	sdelay $0x1  }
0x148: {  	(erf) = vpow2.f32 v1;
	_ =	sdelay $0x8  }
0x149: {  	v1 =	vpop (erf)  }
0x14a: {  	[tilespmem:v48+s0+$0x0] =	vst.idx.msk $0xffff, v1  }
0x14b: {  	v1 =	vld.idx.msk [tilespmem:v50+s23+$0x0], $0xffff  }
0x14c: {  	v3 =	vld.idx.msk [tilespmem:v51+s24+$0x0], $0xffff;
	_ =	sdelay $0x4  }
0x14d: {  	v1 =	vadd.f32 v3, v1;
	_ =	sdelay $0x1  }
0x14e: {  	v3 =	vmul.f32 $2.000000030e-01, v1  }
0x14f: {  	vm9 =	vge.f32 v1, $0.0e+00  }
0x150: {  	v1 =	vsel vm9, v1, v3  }
0x151: {  	v1 =	vmul.f32 $1.442695020e+00, v1;
	_ =	sdelay $0x1  }
0x152: {  	(erf) = vpow2.f32 v1;
	_ =	sdelay $0x8  }
0x153: {  	v1 =	vpop (erf)  }
0x154: {  	[tilespmem:v50+s0+$0x0] =	vst.idx.msk $0xffff, v1  }
0x155: {  	v1 =	vld.idx.msk [tilespmem:v52+s23+$0x0], $0xffff  }
0x156: {  	v3 =	vld.idx.msk [tilespmem:v53+s24+$0x0], $0xffff;
	_ =	sdelay $0x4  }
0x157: {  	v1 =	vadd.f32 v3, v1;
	_ =	sdelay $0x1  }
0x158: {  	v3 =	vmul.f32 $2.000000030e-01, v1  }
0x159: {  	vm10 =	vge.f32 v1, $0.0e+00  }
0x15a: {  	v1 =	vsel vm10, v1, v3  }
0x15b: {  	v1 =	vmul.f32 $1.442695020e+00, v1;
	_ =	sdelay $0x1  }
0x15c: {  	(erf) = vpow2.f32 v1;
	_ =	sdelay $0x8  }
0x15d: {  	v1 =	vpop (erf)  }
0x15e: {  	[tilespmem:v52+s0+$0x0] =	vst.idx.msk $0xffff, v1  }
0x15f: {  	v1 =	vld.idx.msk [tilespmem:v54+s23+$0x0], $0xffff  }
0x160: {  	v3 =	vld.idx.msk [tilespmem:v55+s24+$0x0], $0xffff;
	_ =	sdelay $0x4  }
0x161: {  	v1 =	vadd.f32 v3, v1;
	_ =	sdelay $0x1  }
0x162: {  	v3 =	vmul.f32 $2.000000030e-01, v1  }
0x163: {  	vm11 =	vge.f32 v1, $0.0e+00  }
0x164: {  	v1 =	vsel vm11, v1, v3  }
0x165: {  	v1 =	vmul.f32 $1.442695020e+00, v1;
	_ =	sdelay $0x1  }
0x166: {  	(erf) = vpow2.f32 v1;
	_ =	sdelay $0x8  }
0x167: {  	v1 =	vpop (erf)  }
0x168: {  	[tilespmem:v54+s0+$0x0] =	vst.idx.msk $0xffff, v1  }
0x169: {  	v1 =	vld.idx.msk [tilespmem:v56+s23+$0x0], $0xffff  }
0x16a: {  	v3 =	vld.idx.msk [tilespmem:v57+s24+$0x0], $0xffff;
	_ =	sdelay $0x4  }
0x16b: {  	v1 =	vadd.f32 v3, v1;
	_ =	sdelay $0x1  }
0x16c: {  	v3 =	vmul.f32 $2.000000030e-01, v1  }
0x16d: {  	vm12 =	vge.f32 v1, $0.0e+00  }
0x16e: {  	v1 =	vsel vm12, v1, v3  }
0x16f: {  	v1 =	vmul.f32 $1.442695020e+00, v1;
	_ =	sdelay $0x1  }
0x170: {  	(erf) = vpow2.f32 v1;
	_ =	sdelay $0x8  }
0x171: {  	v1 =	vpop (erf)  }
0x172: {  	[tilespmem:v56+s0+$0x0] =	vst.idx.msk $0xffff, v1  }
0x173: {  	v1 =	vld.idx.msk [tilespmem:v58+s23+$0x0], $0xffff  }
0x174: {  	v3 =	vld.idx.msk [tilespmem:v59+s24+$0x0], $0xffff;
	_ =	sdelay $0x4  }
0x175: {  	v1 =	vadd.f32 v3, v1;
	_ =	sdelay $0x1  }
0x176: {  	v3 =	vmul.f32 $2.000000030e-01, v1  }
0x177: {  	vm13 =	vge.f32 v1, $0.0e+00  }
0x178: {  	v1 =	vsel vm13, v1, v3  }
0x179: {  	v1 =	vmul.f32 $1.442695020e+00, v1;
	_ =	sdelay $0x1  }
0x17a: {  	(erf) = vpow2.f32 v1;
	_ =	sdelay $0x8  }
0x17b: {  	v1 =	vpop (erf)  }
0x17c: {  	[tilespmem:v58+s0+$0x0] =	vst.idx.msk $0xffff, v1  }
0x17d: {  	v1 =	vld.idx.msk [tilespmem:v60+s23+$0x0], $0xffff  }
0x17e: {  	v3 =	vld.idx.msk [tilespmem:v61+s24+$0x0], $0xffff;
	_ =	sdelay $0x4  }
0x17f: {  	v1 =	vadd.f32 v3, v1;
	_ =	sdelay $0x1  }
0x180: {  	v3 =	vmul.f32 $2.000000030e-01, v1  }
0x181: {  	vm14 =	vge.f32 v1, $0.0e+00  }
0x182: {  	v1 =	vsel vm14, v1, v3  }
0x183: {  	v1 =	vmul.f32 $1.442695020e+00, v1;
	_ =	sdelay $0x1  }
0x184: {  	(erf) = vpow2.f32 v1;
	_ =	sdelay $0x8  }
0x185: {  	v1 =	vpop (erf)  }
0x186: {  	[tilespmem:v60+s0+$0x0] =	vst.idx.msk $0xffff, v1  }
0x187: {  	v1 =	vld.idx.msk [tilespmem:v62+s23+$0x0], $0xffff  }
0x188: {  	v3 =	vld.idx.msk [tilespmem:v63+s24+$0x0], $0xffff;
	_ =	sdelay $0x4  }
0x189: {  	v1 =	vadd.f32 v3, v1;
	_ =	sdelay $0x1  }
0x18a: {  	v3 =	vmul.f32 $2.000000030e-01, v1  }
0x18b: {  	vm15 =	vge.f32 v1, $0.0e+00  }
0x18c: {  	v1 =	vsel vm15, v1, v3  }
0x18d: {  	v1 =	vmul.f32 $1.442695020e+00, v1;
	_ =	sdelay $0x1  }
0x18e: {  	(erf) = vpow2.f32 v1;
	_ =	sdelay $0x8  }
0x18f: {  	v1 =	vpop (erf)  }
0x190: {  	[tilespmem:v62+s0+$0x0] =	vst.idx.msk $0xffff, v1  }
0x191: {  	_ =	swait.ge [sflag:s3], $0x2800  }
0x192: {  	[sflag:s3] =	ssyncset.done $0x0  }
0x193: {  	s16 =	simm.s32 $0x7210;
	[sflag:s3] =	ssyncadd.s32 $0xFFFFD800  }
0x194: {  	v1 =	vld [tilespmem:s16+$0xFFFFFFF0]  }
0x195: {  	s17 =	simm.s32 $0x50  }
0x196: {  	v3 =	vld [tilespmem:s17+$0xFFFFFFE0]  }
0x197: {  	v5 =	vld [tilespmem:s17+$0xFFFFFFB0]  }
0x198: {  	v7 =	vld [tilespmem:s17+$0xFFFFFFC0]  }
0x199: {  	v9 =	vld [tilespmem:s17+$0xFFFFFFD0];
	v11 =	vbroadcast v1, $0x3  }
0x19a: {  	v13 =	vbroadcast v1, $0x0  }
0x19b: {  	v3 =	vmul.f32 v3, v11;
	v11 =	vbroadcast v1, $0x1  }
0x19c: {  	[tilespmem:s17+$0xFFFFFFF0] =	vst v1;
	v1 =	vbroadcast v1, $0x2;
	v5 =	vmul.f32 v5, v13  }
0x19d: {  	v7 =	vmul.f32 v7, v11;
	[tilespmem:s17+$0xFFFFFFE0] =	vst v3  }
0x19e: {  	v1 =	vmul.f32 v9, v1;
	[tilespmem:s17+$0xFFFFFFB0] =	vst v5  }
0x19f: {  	[tilespmem:s17+$0xFFFFFFC0] =	vst v7  }
0x1a0: {  	v5 =	vld [tilespmem:s17+$0x10];
	[tilespmem:s17+$0xFFFFFFD0] =	vst v1  }
0x1a1: {  	v7 =	vld [tilespmem:s16+$0x0]  }
0x1a2: {  	v3 =	vld [tilespmem:s17+$0x20]  }
0x1a3: {  	v9 =	vld [tilespmem:s17+$0x0]  }
0x1a4: {  	v1 =	vld [tilespmem:s17+$0x30];
	_ =	sdelay $0x1  }
0x1a5: {  	s19 =	simm.s32 $0x0;
	s20 =	simm.s32 $0x50;
	[tilespmem:s17+$0x40] =	vst v7;
	v13 =	vbroadcast v7, $0x0;
	v11 =	vbroadcast v7, $0x1  }
.LBB2_3:
0x1a6: {  	s19 =	sadd.s32 $0x2, s19;
	v15 =	vbroadcast v7, $0x2;
	v7 =	vbroadcast v7, $0x3;
	s16 =	sadd.s32 $0x20, s16;
	s17 =	sadd.s32 $0xA0, s17  }
0x1a7: {  	p0 =	slt.u32 s19, $0x7E;
	v9 =	vmul.f32 v9, v13;
	v5 =	vmul.f32 v5, v11  }
0x1a8: {  	v3 =	vmul.f32 v3, v15;
	v1 =	vmul.f32 v1, v7  }
0x1a9: {  	[tilespmem:s20+$0x0] =	vst v9  }
0x1aa: {  	[tilespmem:s20+$0x10] =	vst v5  }
0x1ab: {  	[tilespmem:s20+$0x30] =	vst v1  }
0x1ac: {  	v1 =	vld [tilespmem:s17+$0xFFFFFFD0];
	[tilespmem:s20+$0x20] =	vst v3;
	s20 =	smov.u32 s17  }
0x1ad: {  	v3 =	vld [tilespmem:s16+$0xFFFFFFF0]  }
0x1ae: {  	v5 =	vld [tilespmem:s17+$0xFFFFFFE0]  }
0x1af: {  	v7 =	vld [tilespmem:s17+$0xFFFFFFB0]  }
0x1b0: {  	v9 =	vld [tilespmem:s17+$0xFFFFFFC0];
	_ =	sdelay $0x1  }
0x1b1: {  	[tilespmem:s17+$0xFFFFFFF0] =	vst v3;
	v11 =	vbroadcast v3, $0x0;
	v13 =	vbroadcast v3, $0x3  }
0x1b2: {  	v15 =	vbroadcast v3, $0x1;
	v3 =	vbroadcast v3, $0x2  }
0x1b3: {  	v7 =	vmul.f32 v7, v11;
	v5 =	vmul.f32 v5, v13  }
0x1b4: {  	v1 =	vmul.f32 v1, v3;
	v9 =	vmul.f32 v9, v15  }
0x1b5: {  	[tilespmem:s17+$0xFFFFFFE0] =	vst v5  }
0x1b6: {  	[tilespmem:s17+$0xFFFFFFB0] =	vst v7  }
0x1b7: {  	[tilespmem:s17+$0xFFFFFFC0] =	vst v9  }
0x1b8: {  	[tilespmem:s17+$0xFFFFFFD0] =	vst v1;
	v9 =	vld [tilespmem:s17+$0x0]  }
0x1b9: {  	v7 =	vld [tilespmem:s16+$0x0]  }
.Ltmp0:
0x1ba: {  	v1 =	vld [tilespmem:s17+$0x30];
	(pc) =	sbr.rel @p0 .LBB2_3-.Ltmp0, $3  }
0x1bb: {  	v5 =	vld [tilespmem:s17+$0x10]  }
0x1bc: {  	v3 =	vld [tilespmem:s17+$0x20];
	_ =	sdelay $0x1  }
0x1bd: {  	[tilespmem:s17+$0x40] =	vst v7;
	v13 =	vbroadcast v7, $0x0;
	v11 =	vbroadcast v7, $0x1  }
0x1be: {  	_ = 	snop  }
0x1bf: {  	v9 =	vmul.f32 v9, v13;
	v13 =	vbroadcast v7, $0x3  }
0x1c0: {  	v7 =	vbroadcast v7, $0x2;
	v5 =	vmul.f32 v5, v11  }
0x1c1: {  	v1 =	vmul.f32 v1, v13;
	[tilespmem:s20+$0x0] =	vst v9  }
0x1c2: {  	v3 =	vmul.f32 v3, v7;
	[tilespmem:s20+$0x10] =	vst v5  }
0x1c3: {  	[tilespmem:s20+$0x30] =	vst v1  }
0x1c4: {  	p0 =	seq.s32 s12, $0x27;
	[tilespmem:s20+$0x20] =	vst v3  }
0x1c5: {  	[spmem:s2] =	stream.indirect.scatter.add.f32 [tilespmem:s4], [sflag:$0x5], $0x50, s21, s22, $0xb8;
	[tilespmem:$0x16700] =	vst v63  }
0x1c6: {  	s15 =	sadd.s32 @!p0 s15, s14;
	_ =	swait.ge [sflag:s18], $0x2800  }
0x1c7: {  	s17 =	simm.s32 @!p0 $0x0;
	s15 =	sshrl.u32 @!p0 s15, $0x3;
	[sflag:s18] =	ssyncset.done $0x0  }
0x1c8: {  	s19 =	simm.s32 @!p0 $0x7000;
	s16 =	sadd.s32 @!p0 s6, s15;
	[sflag:s18] =	ssyncadd.s32 $0xFFFFD800  }
0x1c9: {  	[tilespmem:s19], [sflag:$0x5] =	stream.linear.gather @!p0 [hbm4b:s16+s17], $0x80, $0x38;
	[tilespmem:$0x16700] =	vst v63  }
0x1ca: {  	s16 =	simm.s32 @!p0 $0x5  }
0x1cb: {  	_ =	swait.ge @!p0 [sflag:s16], $0x80  }
0x1cc: {  	[sflag:s16] =	ssyncset.done @!p0 $0x0  }
0x1cd: {  	s15 =	sadd.s32 @!p0 s7, s15;
	s20 =	simm.s32 @!p0 $0x7100;
	[sflag:s16] =	ssyncadd.s32 @!p0 $0xFFFFFF80  }
0x1ce: {  	[tilespmem:s20], [sflag:$0x5] =	stream.linear.gather @!p0 [hbm4b:s15+s17], $0x80, $0x38;
	[tilespmem:$0x16700] =	vst v63  }
0x1cf: {  	_ =	swait.ge @!p0 [sflag:s16], $0x80  }
0x1d0: {  	[sflag:s16] =	ssyncset.done @!p0 $0x0  }
0x1d1: {  	s15 =	simm.s32 @!p0 $0x80;
	[sflag:s16] =	ssyncadd.s32 @!p0 $0xFFFFFF80  }
0x1d2: {  	[tilespmem:s17], [sflag:$0x1] =	stream.indirect.gather @!p0 [hbm4b:s5+s15], $0x50, s19, s15, $0xb8;
	[tilespmem:$0x16700] =	vst v63  }
0x1d3: {  	s16 =	simm.s32 @!p0 $0x5000  }
0x1d4: {  	[tilespmem:s16], [sflag:$0x3] =	stream.indirect.gather @!p0 [spmem:s1], $0x10, s19, s15, $0xb8;
	[tilespmem:$0x16700] =	vst v63  }
0x1d5: {  	s16 =	simm.s32 @!p0 $0x6000  }
0x1d6: {  	[tilespmem:s16], [sflag:$0x3] =	stream.indirect.gather @!p0 [spmem:s1], $0x10, s20, s15, $0xb8;
	[tilespmem:$0x16700] =	vst v63  }
0x1d7: {  	_ =	swait.ge [sflag:s8], $0x800  }
0x1d8: {  	[sflag:s8] =	ssyncset.done $0x0  }
0x1d9: {  	[sflag:s8] =	ssyncadd.s32 $0xFFFFF800  }
0x1da: {  	_ =	swait.ge [sflag:s8], $0x800  }
0x1db: {  	v3 =	vld [tilespmem:$0x1FF80];
	_ =	sdelay $0x4  }
0x1dc: {  	[sflag:s8] =	ssyncset.done $0x0  }
0x1dd: {  	[sflag:s8] =	ssyncadd.s32 $0xFFFFF800  }
0x1de: {  	v1 =	vld.idx.msk [tilespmem:v0+s29+$0x0], $0xffff  }
0x1df: {  	v3 =	vld.idx.msk [tilespmem:v3+s30+$0x0], $0xffff;
	_ =	sdelay $0x4  }
0x1e0: {  	v1 =	vadd.f32 v3, v1;
	_ =	sdelay $0x1  }
0x1e1: {  	v3 =	vmul.f32 $2.000000030e-01, v1  }
0x1e2: {  	vm0 =	vge.f32 v1, $0.0e+00  }
0x1e3: {  	v1 =	vsel vm0, v1, v3  }
0x1e4: {  	v1 =	vmul.f32 $1.442695020e+00, v1;
	_ =	sdelay $0x1  }
0x1e5: {  	(erf) = vpow2.f32 v1;
	_ =	sdelay $0x3  }
0x1e6: {  	v3 =	vld [tilespmem:$0x1FF90];
	_ =	sdelay $0x4  }
0x1e7: {  	v1 =	vpop (erf)  }
0x1e8: {  	[tilespmem:v0+s0+$0x0] =	vst.idx.msk $0xffff, v1  }
0x1e9: {  	v1 =	vld.idx.msk [tilespmem:v2+s29+$0x0], $0xffff  }
0x1ea: {  	v3 =	vld.idx.msk [tilespmem:v3+s30+$0x0], $0xffff;
	_ =	sdelay $0x4  }
0x1eb: {  	v1 =	vadd.f32 v3, v1;
	_ =	sdelay $0x1  }
0x1ec: {  	v3 =	vmul.f32 $2.000000030e-01, v1  }
0x1ed: {  	vm9 =	vge.f32 v1, $0.0e+00  }
0x1ee: {  	v1 =	vsel vm9, v1, v3  }
0x1ef: {  	v1 =	vmul.f32 $1.442695020e+00, v1;
	_ =	sdelay $0x1  }
0x1f0: {  	(erf) = vpow2.f32 v1;
	_ =	sdelay $0x3  }
0x1f1: {  	v3 =	vld [tilespmem:$0x1FFA0];
	_ =	sdelay $0x4  }
0x1f2: {  	v1 =	vpop (erf)  }
0x1f3: {  	[tilespmem:v2+s0+$0x0] =	vst.idx.msk $0xffff, v1  }
0x1f4: {  	v1 =	vld.idx.msk [tilespmem:v4+s29+$0x0], $0xffff  }
0x1f5: {  	v3 =	vld.idx.msk [tilespmem:v3+s30+$0x0], $0xffff;
	_ =	sdelay $0x4  }
0x1f6: {  	v1 =	vadd.f32 v3, v1;
	_ =	sdelay $0x1  }
0x1f7: {  	v3 =	vmul.f32 $2.000000030e-01, v1  }
0x1f8: {  	vm10 =	vge.f32 v1, $0.0e+00  }
0x1f9: {  	v1 =	vsel vm10, v1, v3  }
0x1fa: {  	v1 =	vmul.f32 $1.442695020e+00, v1;
	_ =	sdelay $0x1  }
0x1fb: {  	(erf) = vpow2.f32 v1;
	_ =	sdelay $0x3  }
0x1fc: {  	v3 =	vld [tilespmem:$0x1FFB0];
	_ =	sdelay $0x4  }
0x1fd: {  	v1 =	vpop (erf)  }
0x1fe: {  	[tilespmem:v4+s0+$0x0] =	vst.idx.msk $0xffff, v1  }
0x1ff: {  	v1 =	vld.idx.msk [tilespmem:v6+s29+$0x0], $0xffff  }
0x200: {  	v3 =	vld.idx.msk [tilespmem:v3+s30+$0x0], $0xffff;
	_ =	sdelay $0x4  }
0x201: {  	v1 =	vadd.f32 v3, v1;
	_ =	sdelay $0x1  }
0x202: {  	v3 =	vmul.f32 $2.000000030e-01, v1  }
0x203: {  	vm11 =	vge.f32 v1, $0.0e+00  }
0x204: {  	v1 =	vsel vm11, v1, v3  }
0x205: {  	v1 =	vmul.f32 $1.442695020e+00, v1;
	_ =	sdelay $0x1  }
0x206: {  	(erf) = vpow2.f32 v1;
	_ =	sdelay $0x3  }
0x207: {  	v3 =	vld [tilespmem:$0x1FFC0];
	_ =	sdelay $0x4  }
0x208: {  	v1 =	vpop (erf)  }
0x209: {  	[tilespmem:v6+s0+$0x0] =	vst.idx.msk $0xffff, v1  }
0x20a: {  	v1 =	vld.idx.msk [tilespmem:v8+s29+$0x0], $0xffff  }
0x20b: {  	v3 =	vld.idx.msk [tilespmem:v3+s30+$0x0], $0xffff;
	_ =	sdelay $0x4  }
0x20c: {  	v1 =	vadd.f32 v3, v1;
	_ =	sdelay $0x1  }
0x20d: {  	v3 =	vmul.f32 $2.000000030e-01, v1  }
0x20e: {  	vm12 =	vge.f32 v1, $0.0e+00  }
0x20f: {  	v1 =	vsel vm12, v1, v3  }
0x210: {  	v1 =	vmul.f32 $1.442695020e+00, v1;
	_ =	sdelay $0x1  }
0x211: {  	(erf) = vpow2.f32 v1;
	_ =	sdelay $0x3  }
0x212: {  	v3 =	vld [tilespmem:$0x1FFD0];
	_ =	sdelay $0x4  }
0x213: {  	v1 =	vpop (erf)  }
0x214: {  	[tilespmem:v8+s0+$0x0] =	vst.idx.msk $0xffff, v1  }
0x215: {  	v1 =	vld.idx.msk [tilespmem:v10+s29+$0x0], $0xffff  }
0x216: {  	v3 =	vld.idx.msk [tilespmem:v3+s30+$0x0], $0xffff;
	_ =	sdelay $0x4  }
0x217: {  	v1 =	vadd.f32 v3, v1;
	_ =	sdelay $0x1  }
0x218: {  	v3 =	vmul.f32 $2.000000030e-01, v1  }
0x219: {  	vm13 =	vge.f32 v1, $0.0e+00  }
0x21a: {  	v1 =	vsel vm13, v1, v3  }
0x21b: {  	v1 =	vmul.f32 $1.442695020e+00, v1;
	_ =	sdelay $0x1  }
0x21c: {  	(erf) = vpow2.f32 v1;
	_ =	sdelay $0x3  }
0x21d: {  	v3 =	vld [tilespmem:$0x1FFE0];
	_ =	sdelay $0x4  }
0x21e: {  	v1 =	vpop (erf)  }
0x21f: {  	[tilespmem:v10+s0+$0x0] =	vst.idx.msk $0xffff, v1  }
0x220: {  	v1 =	vld.idx.msk [tilespmem:v12+s29+$0x0], $0xffff  }
0x221: {  	v3 =	vld.idx.msk [tilespmem:v3+s30+$0x0], $0xffff;
	_ =	sdelay $0x4  }
0x222: {  	v1 =	vadd.f32 v3, v1;
	_ =	sdelay $0x1  }
0x223: {  	v3 =	vmul.f32 $2.000000030e-01, v1  }
0x224: {  	vm14 =	vge.f32 v1, $0.0e+00  }
0x225: {  	v1 =	vsel vm14, v1, v3  }
0x226: {  	v1 =	vmul.f32 $1.442695020e+00, v1;
	_ =	sdelay $0x1  }
0x227: {  	(erf) = vpow2.f32 v1;
	_ =	sdelay $0x3  }
0x228: {  	v3 =	vld [tilespmem:$0x1FFF0];
	_ =	sdelay $0x4  }
0x229: {  	v1 =	vpop (erf)  }
0x22a: {  	[tilespmem:v12+s0+$0x0] =	vst.idx.msk $0xffff, v1  }
0x22b: {  	v1 =	vld.idx.msk [tilespmem:v14+s29+$0x0], $0xffff  }
0x22c: {  	v3 =	vld.idx.msk [tilespmem:v3+s30+$0x0], $0xffff;
	_ =	sdelay $0x4  }
0x22d: {  	v1 =	vadd.f32 v3, v1;
	_ =	sdelay $0x1  }
0x22e: {  	v3 =	vmul.f32 $2.000000030e-01, v1  }
0x22f: {  	vm15 =	vge.f32 v1, $0.0e+00  }
0x230: {  	v1 =	vsel vm15, v1, v3  }
0x231: {  	v1 =	vmul.f32 $1.442695020e+00, v1;
	_ =	sdelay $0x1  }
0x232: {  	(erf) = vpow2.f32 v1;
	_ =	sdelay $0x8  }
0x233: {  	v1 =	vpop (erf)  }
0x234: {  	[tilespmem:v14+s0+$0x0] =	vst.idx.msk $0xffff, v1  }
0x235: {  	v1 =	vld.idx.msk [tilespmem:v16+s29+$0x0], $0xffff  }
0x236: {  	v3 =	vld.idx.msk [tilespmem:v17+s30+$0x0], $0xffff;
	_ =	sdelay $0x4  }
0x237: {  	v1 =	vadd.f32 v3, v1;
	_ =	sdelay $0x1  }
0x238: {  	v3 =	vmul.f32 $2.000000030e-01, v1  }
0x239: {  	vm4 =	vge.f32 v1, $0.0e+00  }
0x23a: {  	v1 =	vsel vm4, v1, v3  }
0x23b: {  	v1 =	vmul.f32 $1.442695020e+00, v1;
	_ =	sdelay $0x1  }
0x23c: {  	(erf) = vpow2.f32 v1;
	_ =	sdelay $0x8  }
0x23d: {  	v1 =	vpop (erf)  }
0x23e: {  	[tilespmem:v16+s0+$0x0] =	vst.idx.msk $0xffff, v1  }
0x23f: {  	v1 =	vld.idx.msk [tilespmem:v18+s29+$0x0], $0xffff  }
0x240: {  	v3 =	vld.idx.msk [tilespmem:v19+s30+$0x0], $0xffff;
	_ =	sdelay $0x4  }
0x241: {  	v1 =	vadd.f32 v3, v1;
	_ =	sdelay $0x1  }
0x242: {  	v3 =	vmul.f32 $2.000000030e-01, v1  }
0x243: {  	vm5 =	vge.f32 v1, $0.0e+00  }
0x244: {  	v1 =	vsel vm5, v1, v3  }
0x245: {  	v1 =	vmul.f32 $1.442695020e+00, v1;
	_ =	sdelay $0x1  }
0x246: {  	(erf) = vpow2.f32 v1;
	_ =	sdelay $0x8  }
0x247: {  	v1 =	vpop (erf)  }
0x248: {  	[tilespmem:v18+s0+$0x0] =	vst.idx.msk $0xffff, v1  }
0x249: {  	v1 =	vld.idx.msk [tilespmem:v20+s29+$0x0], $0xffff  }
0x24a: {  	v3 =	vld.idx.msk [tilespmem:v21+s30+$0x0], $0xffff;
	_ =	sdelay $0x4  }
0x24b: {  	v1 =	vadd.f32 v3, v1;
	_ =	sdelay $0x1  }
0x24c: {  	v3 =	vmul.f32 $2.000000030e-01, v1  }
0x24d: {  	vm6 =	vge.f32 v1, $0.0e+00  }
0x24e: {  	v1 =	vsel vm6, v1, v3  }
0x24f: {  	v1 =	vmul.f32 $1.442695020e+00, v1;
	_ =	sdelay $0x1  }
0x250: {  	(erf) = vpow2.f32 v1;
	_ =	sdelay $0x8  }
0x251: {  	v1 =	vpop (erf)  }
0x252: {  	[tilespmem:v20+s0+$0x0] =	vst.idx.msk $0xffff, v1  }
0x253: {  	v1 =	vld.idx.msk [tilespmem:v22+s29+$0x0], $0xffff  }
0x254: {  	v3 =	vld.idx.msk [tilespmem:v23+s30+$0x0], $0xffff;
	_ =	sdelay $0x4  }
0x255: {  	v1 =	vadd.f32 v3, v1;
	_ =	sdelay $0x1  }
0x256: {  	v3 =	vmul.f32 $2.000000030e-01, v1  }
0x257: {  	vm7 =	vge.f32 v1, $0.0e+00  }
0x258: {  	v1 =	vsel vm7, v1, v3  }
0x259: {  	v1 =	vmul.f32 $1.442695020e+00, v1;
	_ =	sdelay $0x1  }
0x25a: {  	(erf) = vpow2.f32 v1;
	_ =	sdelay $0x8  }
0x25b: {  	v1 =	vpop (erf)  }
0x25c: {  	[tilespmem:v22+s0+$0x0] =	vst.idx.msk $0xffff, v1  }
0x25d: {  	v1 =	vld.idx.msk [tilespmem:v24+s29+$0x0], $0xffff  }
0x25e: {  	v3 =	vld.idx.msk [tilespmem:v25+s30+$0x0], $0xffff;
	_ =	sdelay $0x4  }
0x25f: {  	v1 =	vadd.f32 v3, v1;
	_ =	sdelay $0x1  }
0x260: {  	v3 =	vmul.f32 $2.000000030e-01, v1  }
0x261: {  	vm8 =	vge.f32 v1, $0.0e+00  }
0x262: {  	v1 =	vsel vm8, v1, v3  }
0x263: {  	v1 =	vmul.f32 $1.442695020e+00, v1;
	_ =	sdelay $0x1  }
0x264: {  	(erf) = vpow2.f32 v1;
	_ =	sdelay $0x8  }
0x265: {  	v1 =	vpop (erf)  }
0x266: {  	[tilespmem:v24+s0+$0x0] =	vst.idx.msk $0xffff, v1  }
0x267: {  	v1 =	vld.idx.msk [tilespmem:v26+s29+$0x0], $0xffff  }
0x268: {  	v3 =	vld.idx.msk [tilespmem:v27+s30+$0x0], $0xffff;
	_ =	sdelay $0x4  }
0x269: {  	v1 =	vadd.f32 v3, v1;
	_ =	sdelay $0x1  }
0x26a: {  	v3 =	vmul.f32 $2.000000030e-01, v1  }
0x26b: {  	vm9 =	vge.f32 v1, $0.0e+00  }
0x26c: {  	v1 =	vsel vm9, v1, v3  }
0x26d: {  	v1 =	vmul.f32 $1.442695020e+00, v1;
	_ =	sdelay $0x1  }
0x26e: {  	(erf) = vpow2.f32 v1;
	_ =	sdelay $0x8  }
0x26f: {  	v1 =	vpop (erf)  }
0x270: {  	[tilespmem:v26+s0+$0x0] =	vst.idx.msk $0xffff, v1  }
0x271: {  	v1 =	vld.idx.msk [tilespmem:v28+s29+$0x0], $0xffff  }
0x272: {  	v3 =	vld.idx.msk [tilespmem:v29+s30+$0x0], $0xffff;
	_ =	sdelay $0x4  }
0x273: {  	v1 =	vadd.f32 v3, v1;
	_ =	sdelay $0x1  }
0x274: {  	v3 =	vmul.f32 $2.000000030e-01, v1  }
0x275: {  	vm10 =	vge.f32 v1, $0.0e+00  }
0x276: {  	v1 =	vsel vm10, v1, v3  }
0x277: {  	v1 =	vmul.f32 $1.442695020e+00, v1;
	_ =	sdelay $0x1  }
0x278: {  	(erf) = vpow2.f32 v1;
	_ =	sdelay $0x8  }
0x279: {  	v1 =	vpop (erf)  }
0x27a: {  	[tilespmem:v28+s0+$0x0] =	vst.idx.msk $0xffff, v1  }
0x27b: {  	v1 =	vld.idx.msk [tilespmem:v30+s29+$0x0], $0xffff  }
0x27c: {  	v3 =	vld.idx.msk [tilespmem:v31+s30+$0x0], $0xffff;
	_ =	sdelay $0x4  }
0x27d: {  	v1 =	vadd.f32 v3, v1;
	_ =	sdelay $0x1  }
0x27e: {  	v3 =	vmul.f32 $2.000000030e-01, v1  }
0x27f: {  	vm11 =	vge.f32 v1, $0.0e+00  }
0x280: {  	v1 =	vsel vm11, v1, v3  }
0x281: {  	v1 =	vmul.f32 $1.442695020e+00, v1;
	_ =	sdelay $0x1  }
0x282: {  	(erf) = vpow2.f32 v1;
	_ =	sdelay $0x8  }
0x283: {  	v1 =	vpop (erf)  }
0x284: {  	[tilespmem:v30+s0+$0x0] =	vst.idx.msk $0xffff, v1  }
0x285: {  	v1 =	vld.idx.msk [tilespmem:v32+s29+$0x0], $0xffff  }
0x286: {  	v3 =	vld.idx.msk [tilespmem:v33+s30+$0x0], $0xffff;
	_ =	sdelay $0x4  }
0x287: {  	v1 =	vadd.f32 v3, v1;
	_ =	sdelay $0x1  }
0x288: {  	v3 =	vmul.f32 $2.000000030e-01, v1  }
0x289: {  	vm12 =	vge.f32 v1, $0.0e+00  }
0x28a: {  	v1 =	vsel vm12, v1, v3  }
0x28b: {  	v1 =	vmul.f32 $1.442695020e+00, v1;
	_ =	sdelay $0x1  }
0x28c: {  	(erf) = vpow2.f32 v1;
	_ =	sdelay $0x8  }
0x28d: {  	v1 =	vpop (erf)  }
0x28e: {  	[tilespmem:v32+s0+$0x0] =	vst.idx.msk $0xffff, v1  }
0x28f: {  	v1 =	vld.idx.msk [tilespmem:v34+s29+$0x0], $0xffff  }
0x290: {  	v3 =	vld.idx.msk [tilespmem:v35+s30+$0x0], $0xffff;
	_ =	sdelay $0x4  }
0x291: {  	v1 =	vadd.f32 v3, v1;
	_ =	sdelay $0x1  }
0x292: {  	v3 =	vmul.f32 $2.000000030e-01, v1  }
0x293: {  	vm13 =	vge.f32 v1, $0.0e+00  }
0x294: {  	v1 =	vsel vm13, v1, v3  }
0x295: {  	v1 =	vmul.f32 $1.442695020e+00, v1;
	_ =	sdelay $0x1  }
0x296: {  	(erf) = vpow2.f32 v1;
	_ =	sdelay $0x8  }
0x297: {  	v1 =	vpop (erf)  }
0x298: {  	[tilespmem:v34+s0+$0x0] =	vst.idx.msk $0xffff, v1  }
0x299: {  	v1 =	vld.idx.msk [tilespmem:v36+s29+$0x0], $0xffff  }
0x29a: {  	v3 =	vld.idx.msk [tilespmem:v37+s30+$0x0], $0xffff;
	_ =	sdelay $0x4  }
0x29b: {  	v1 =	vadd.f32 v3, v1;
	_ =	sdelay $0x1  }
0x29c: {  	v3 =	vmul.f32 $2.000000030e-01, v1  }
0x29d: {  	vm14 =	vge.f32 v1, $0.0e+00  }
0x29e: {  	v1 =	vsel vm14, v1, v3  }
0x29f: {  	v1 =	vmul.f32 $1.442695020e+00, v1;
	_ =	sdelay $0x1  }
0x2a0: {  	(erf) = vpow2.f32 v1;
	_ =	sdelay $0x8  }
0x2a1: {  	v1 =	vpop (erf)  }
0x2a2: {  	[tilespmem:v36+s0+$0x0] =	vst.idx.msk $0xffff, v1  }
0x2a3: {  	v1 =	vld.idx.msk [tilespmem:v38+s29+$0x0], $0xffff  }
0x2a4: {  	v3 =	vld.idx.msk [tilespmem:v39+s30+$0x0], $0xffff;
	_ =	sdelay $0x4  }
0x2a5: {  	v1 =	vadd.f32 v3, v1;
	_ =	sdelay $0x1  }
0x2a6: {  	v3 =	vmul.f32 $2.000000030e-01, v1  }
0x2a7: {  	vm15 =	vge.f32 v1, $0.0e+00  }
0x2a8: {  	v1 =	vsel vm15, v1, v3  }
0x2a9: {  	v1 =	vmul.f32 $1.442695020e+00, v1;
	_ =	sdelay $0x1  }
0x2aa: {  	(erf) = vpow2.f32 v1;
	_ =	sdelay $0x8  }
0x2ab: {  	v1 =	vpop (erf)  }
0x2ac: {  	[tilespmem:v38+s0+$0x0] =	vst.idx.msk $0xffff, v1  }
0x2ad: {  	v1 =	vld.idx.msk [tilespmem:v40+s29+$0x0], $0xffff  }
0x2ae: {  	v3 =	vld.idx.msk [tilespmem:v41+s30+$0x0], $0xffff;
	_ =	sdelay $0x4  }
0x2af: {  	v1 =	vadd.f32 v3, v1;
	_ =	sdelay $0x1  }
0x2b0: {  	v3 =	vmul.f32 $2.000000030e-01, v1  }
0x2b1: {  	vm4 =	vge.f32 v1, $0.0e+00  }
0x2b2: {  	v1 =	vsel vm4, v1, v3  }
0x2b3: {  	v1 =	vmul.f32 $1.442695020e+00, v1;
	_ =	sdelay $0x1  }
0x2b4: {  	(erf) = vpow2.f32 v1;
	_ =	sdelay $0x8  }
0x2b5: {  	v1 =	vpop (erf)  }
0x2b6: {  	[tilespmem:v40+s0+$0x0] =	vst.idx.msk $0xffff, v1  }
0x2b7: {  	v1 =	vld.idx.msk [tilespmem:v42+s29+$0x0], $0xffff  }
0x2b8: {  	v3 =	vld.idx.msk [tilespmem:v43+s30+$0x0], $0xffff;
	_ =	sdelay $0x4  }
0x2b9: {  	v1 =	vadd.f32 v3, v1;
	_ =	sdelay $0x1  }
0x2ba: {  	v3 =	vmul.f32 $2.000000030e-01, v1  }
0x2bb: {  	vm5 =	vge.f32 v1, $0.0e+00  }
0x2bc: {  	v1 =	vsel vm5, v1, v3  }
0x2bd: {  	v1 =	vmul.f32 $1.442695020e+00, v1;
	_ =	sdelay $0x1  }
0x2be: {  	(erf) = vpow2.f32 v1;
	_ =	sdelay $0x8  }
0x2bf: {  	v1 =	vpop (erf)  }
0x2c0: {  	[tilespmem:v42+s0+$0x0] =	vst.idx.msk $0xffff, v1  }
0x2c1: {  	v1 =	vld.idx.msk [tilespmem:v44+s29+$0x0], $0xffff  }
0x2c2: {  	v3 =	vld.idx.msk [tilespmem:v45+s30+$0x0], $0xffff;
	_ =	sdelay $0x4  }
0x2c3: {  	v1 =	vadd.f32 v3, v1;
	_ =	sdelay $0x1  }
0x2c4: {  	v3 =	vmul.f32 $2.000000030e-01, v1  }
0x2c5: {  	vm6 =	vge.f32 v1, $0.0e+00  }
0x2c6: {  	v1 =	vsel vm6, v1, v3  }
0x2c7: {  	v1 =	vmul.f32 $1.442695020e+00, v1;
	_ =	sdelay $0x1  }
0x2c8: {  	(erf) = vpow2.f32 v1;
	_ =	sdelay $0x8  }
0x2c9: {  	v1 =	vpop (erf)  }
0x2ca: {  	[tilespmem:v44+s0+$0x0] =	vst.idx.msk $0xffff, v1  }
0x2cb: {  	v1 =	vld.idx.msk [tilespmem:v46+s29+$0x0], $0xffff  }
0x2cc: {  	v3 =	vld.idx.msk [tilespmem:v47+s30+$0x0], $0xffff;
	_ =	sdelay $0x4  }
0x2cd: {  	v1 =	vadd.f32 v3, v1;
	_ =	sdelay $0x1  }
0x2ce: {  	v3 =	vmul.f32 $2.000000030e-01, v1  }
0x2cf: {  	vm7 =	vge.f32 v1, $0.0e+00  }
0x2d0: {  	v1 =	vsel vm7, v1, v3  }
0x2d1: {  	v1 =	vmul.f32 $1.442695020e+00, v1;
	_ =	sdelay $0x1  }
0x2d2: {  	(erf) = vpow2.f32 v1;
	_ =	sdelay $0x8  }
0x2d3: {  	v1 =	vpop (erf)  }
0x2d4: {  	[tilespmem:v46+s0+$0x0] =	vst.idx.msk $0xffff, v1  }
0x2d5: {  	v1 =	vld.idx.msk [tilespmem:v48+s29+$0x0], $0xffff  }
0x2d6: {  	v3 =	vld.idx.msk [tilespmem:v49+s30+$0x0], $0xffff;
	_ =	sdelay $0x4  }
0x2d7: {  	v1 =	vadd.f32 v3, v1;
	_ =	sdelay $0x1  }
0x2d8: {  	v3 =	vmul.f32 $2.000000030e-01, v1  }
0x2d9: {  	vm8 =	vge.f32 v1, $0.0e+00  }
0x2da: {  	v1 =	vsel vm8, v1, v3  }
0x2db: {  	v1 =	vmul.f32 $1.442695020e+00, v1;
	_ =	sdelay $0x1  }
0x2dc: {  	(erf) = vpow2.f32 v1;
	_ =	sdelay $0x8  }
0x2dd: {  	v1 =	vpop (erf)  }
0x2de: {  	[tilespmem:v48+s0+$0x0] =	vst.idx.msk $0xffff, v1  }
0x2df: {  	v1 =	vld.idx.msk [tilespmem:v50+s29+$0x0], $0xffff  }
0x2e0: {  	v3 =	vld.idx.msk [tilespmem:v51+s30+$0x0], $0xffff;
	_ =	sdelay $0x4  }
0x2e1: {  	v1 =	vadd.f32 v3, v1;
	_ =	sdelay $0x1  }
0x2e2: {  	v3 =	vmul.f32 $2.000000030e-01, v1  }
0x2e3: {  	vm9 =	vge.f32 v1, $0.0e+00  }
0x2e4: {  	v1 =	vsel vm9, v1, v3  }
0x2e5: {  	v1 =	vmul.f32 $1.442695020e+00, v1;
	_ =	sdelay $0x1  }
0x2e6: {  	(erf) = vpow2.f32 v1;
	_ =	sdelay $0x8  }
0x2e7: {  	v1 =	vpop (erf)  }
0x2e8: {  	[tilespmem:v50+s0+$0x0] =	vst.idx.msk $0xffff, v1  }
0x2e9: {  	v1 =	vld.idx.msk [tilespmem:v52+s29+$0x0], $0xffff  }
0x2ea: {  	v3 =	vld.idx.msk [tilespmem:v53+s30+$0x0], $0xffff;
	_ =	sdelay $0x4  }
0x2eb: {  	v1 =	vadd.f32 v3, v1;
	_ =	sdelay $0x1  }
0x2ec: {  	v3 =	vmul.f32 $2.000000030e-01, v1  }
0x2ed: {  	vm10 =	vge.f32 v1, $0.0e+00  }
0x2ee: {  	v1 =	vsel vm10, v1, v3  }
0x2ef: {  	v1 =	vmul.f32 $1.442695020e+00, v1;
	_ =	sdelay $0x1  }
0x2f0: {  	(erf) = vpow2.f32 v1;
	_ =	sdelay $0x8  }
0x2f1: {  	v1 =	vpop (erf)  }
0x2f2: {  	[tilespmem:v52+s0+$0x0] =	vst.idx.msk $0xffff, v1  }
0x2f3: {  	v1 =	vld.idx.msk [tilespmem:v54+s29+$0x0], $0xffff  }
0x2f4: {  	v3 =	vld.idx.msk [tilespmem:v55+s30+$0x0], $0xffff;
	_ =	sdelay $0x4  }
0x2f5: {  	v1 =	vadd.f32 v3, v1;
	_ =	sdelay $0x1  }
0x2f6: {  	v3 =	vmul.f32 $2.000000030e-01, v1  }
0x2f7: {  	vm11 =	vge.f32 v1, $0.0e+00  }
0x2f8: {  	v1 =	vsel vm11, v1, v3  }
0x2f9: {  	v1 =	vmul.f32 $1.442695020e+00, v1;
	_ =	sdelay $0x1  }
0x2fa: {  	(erf) = vpow2.f32 v1;
	_ =	sdelay $0x8  }
0x2fb: {  	v1 =	vpop (erf)  }
0x2fc: {  	[tilespmem:v54+s0+$0x0] =	vst.idx.msk $0xffff, v1  }
0x2fd: {  	v1 =	vld.idx.msk [tilespmem:v56+s29+$0x0], $0xffff  }
0x2fe: {  	v3 =	vld.idx.msk [tilespmem:v57+s30+$0x0], $0xffff;
	_ =	sdelay $0x4  }
0x2ff: {  	v1 =	vadd.f32 v3, v1;
	_ =	sdelay $0x1  }
0x300: {  	v3 =	vmul.f32 $2.000000030e-01, v1  }
0x301: {  	vm12 =	vge.f32 v1, $0.0e+00  }
0x302: {  	v1 =	vsel vm12, v1, v3  }
0x303: {  	v1 =	vmul.f32 $1.442695020e+00, v1;
	_ =	sdelay $0x1  }
0x304: {  	(erf) = vpow2.f32 v1;
	_ =	sdelay $0x8  }
0x305: {  	v1 =	vpop (erf)  }
0x306: {  	[tilespmem:v56+s0+$0x0] =	vst.idx.msk $0xffff, v1  }
0x307: {  	v1 =	vld.idx.msk [tilespmem:v58+s29+$0x0], $0xffff  }
0x308: {  	v3 =	vld.idx.msk [tilespmem:v59+s30+$0x0], $0xffff;
	_ =	sdelay $0x4  }
0x309: {  	v1 =	vadd.f32 v3, v1;
	_ =	sdelay $0x1  }
0x30a: {  	v3 =	vmul.f32 $2.000000030e-01, v1  }
0x30b: {  	vm13 =	vge.f32 v1, $0.0e+00  }
0x30c: {  	v1 =	vsel vm13, v1, v3  }
0x30d: {  	v1 =	vmul.f32 $1.442695020e+00, v1;
	_ =	sdelay $0x1  }
0x30e: {  	(erf) = vpow2.f32 v1;
	_ =	sdelay $0x8  }
0x30f: {  	v1 =	vpop (erf)  }
0x310: {  	[tilespmem:v58+s0+$0x0] =	vst.idx.msk $0xffff, v1  }
0x311: {  	v1 =	vld.idx.msk [tilespmem:v60+s29+$0x0], $0xffff  }
0x312: {  	v3 =	vld.idx.msk [tilespmem:v61+s30+$0x0], $0xffff;
	_ =	sdelay $0x4  }
0x313: {  	v1 =	vadd.f32 v3, v1;
	_ =	sdelay $0x1  }
0x314: {  	v3 =	vmul.f32 $2.000000030e-01, v1  }
0x315: {  	vm14 =	vge.f32 v1, $0.0e+00  }
0x316: {  	v1 =	vsel vm14, v1, v3  }
0x317: {  	v1 =	vmul.f32 $1.442695020e+00, v1;
	_ =	sdelay $0x1  }
0x318: {  	(erf) = vpow2.f32 v1;
	_ =	sdelay $0x8  }
0x319: {  	v1 =	vpop (erf)  }
0x31a: {  	[tilespmem:v60+s0+$0x0] =	vst.idx.msk $0xffff, v1  }
0x31b: {  	v1 =	vld.idx.msk [tilespmem:v62+s29+$0x0], $0xffff  }
0x31c: {  	v3 =	vld.idx.msk [tilespmem:v63+s30+$0x0], $0xffff;
	_ =	sdelay $0x4  }
0x31d: {  	v1 =	vadd.f32 v3, v1;
	_ =	sdelay $0x1  }
0x31e: {  	v3 =	vmul.f32 $2.000000030e-01, v1  }
0x31f: {  	vm15 =	vge.f32 v1, $0.0e+00  }
0x320: {  	v1 =	vsel vm15, v1, v3  }
0x321: {  	v1 =	vmul.f32 $1.442695020e+00, v1;
	_ =	sdelay $0x1  }
0x322: {  	(erf) = vpow2.f32 v1;
	_ =	sdelay $0x8  }
0x323: {  	v1 =	vpop (erf)  }
0x324: {  	[tilespmem:v62+s0+$0x0] =	vst.idx.msk $0xffff, v1  }
0x325: {  	_ =	swait.ge [sflag:s10], $0x2800  }
0x326: {  	[sflag:s10] =	ssyncset.done $0x0  }
0x327: {  	s15 =	simm.s32 $0x7210;
	[sflag:s10] =	ssyncadd.s32 $0xFFFFD800  }
0x328: {  	v1 =	vld [tilespmem:s15+$0xFFFFFFF0]  }
0x329: {  	s16 =	simm.s32 $0x2800  }
0x32a: {  	v3 =	vld [tilespmem:s16+$0x30]  }
0x32b: {  	v5 =	vld [tilespmem:s16+$0x0]  }
0x32c: {  	v7 =	vld [tilespmem:s16+$0x10]  }
0x32d: {  	v9 =	vld [tilespmem:s16+$0x20];
	v11 =	vbroadcast v1, $0x3  }
0x32e: {  	v13 =	vbroadcast v1, $0x0  }
0x32f: {  	v3 =	vmul.f32 v3, v11;
	v11 =	vbroadcast v1, $0x1  }
0x330: {  	[tilespmem:s16+$0x40] =	vst v1;
	v1 =	vbroadcast v1, $0x2;
	v5 =	vmul.f32 v5, v13  }
0x331: {  	v7 =	vmul.f32 v7, v11;
	[tilespmem:s16+$0x30] =	vst v3  }
0x332: {  	v1 =	vmul.f32 v9, v1;
	[tilespmem:s16+$0x0] =	vst v5  }
0x333: {  	[tilespmem:s16+$0x10] =	vst v7  }
0x334: {  	v3 =	vld [tilespmem:s16+$0x70];
	[tilespmem:s16+$0x20] =	vst v1  }
0x335: {  	v9 =	vld [tilespmem:s15+$0x0]  }
0x336: {  	v5 =	vld [tilespmem:s16+$0x50]  }
0x337: {  	v7 =	vld [tilespmem:s16+$0x60]  }
0x338: {  	v1 =	vld [tilespmem:s16+$0x80];
	_ =	sdelay $0x1  }
0x339: {  	s17 =	simm.s32 $0x2800;
	s19 =	simm.s32 $0x0;
	[tilespmem:s16+$0x90] =	vst v9;
	v13 =	vbroadcast v9, $0x0;
	v11 =	vbroadcast v9, $0x1  }
.LBB2_5:
0x33a: {  	s19 =	sadd.s32 $0x2, s19;
	v15 =	vbroadcast v9, $0x2;
	v9 =	vbroadcast v9, $0x3;
	s16 =	sadd.s32 $0xA0, s16;
	s15 =	sadd.s32 $0x20, s15  }
0x33b: {  	p0 =	slt.u32 s19, $0x7E;
	v5 =	vmul.f32 v5, v13;
	v7 =	vmul.f32 v7, v11  }
0x33c: {  	v3 =	vmul.f32 v3, v15;
	v1 =	vmul.f32 v1, v9  }
0x33d: {  	[tilespmem:s17+$0x50] =	vst v5  }
0x33e: {  	[tilespmem:s17+$0x60] =	vst v7  }
0x33f: {  	[tilespmem:s17+$0x80] =	vst v1  }
0x340: {  	v1 =	vld [tilespmem:s16+$0x20];
	[tilespmem:s17+$0x70] =	vst v3;
	s17 =	smov.u32 s16  }
0x341: {  	v3 =	vld [tilespmem:s15+$0xFFFFFFF0]  }
0x342: {  	v5 =	vld [tilespmem:s16+$0x30]  }
0x343: {  	v7 =	vld [tilespmem:s16+$0x0]  }
0x344: {  	v9 =	vld [tilespmem:s16+$0x10];
	_ =	sdelay $0x1  }
0x345: {  	[tilespmem:s16+$0x40] =	vst v3;
	v11 =	vbroadcast v3, $0x0;
	v13 =	vbroadcast v3, $0x3  }
0x346: {  	v15 =	vbroadcast v3, $0x1;
	v3 =	vbroadcast v3, $0x2  }
0x347: {  	v7 =	vmul.f32 v7, v11;
	v5 =	vmul.f32 v5, v13  }
0x348: {  	v1 =	vmul.f32 v1, v3;
	v9 =	vmul.f32 v9, v15  }
0x349: {  	[tilespmem:s16+$0x30] =	vst v5  }
0x34a: {  	[tilespmem:s16+$0x0] =	vst v7  }
0x34b: {  	[tilespmem:s16+$0x10] =	vst v9  }
0x34c: {  	[tilespmem:s16+$0x20] =	vst v1;
	v5 =	vld [tilespmem:s16+$0x50]  }
0x34d: {  	v9 =	vld [tilespmem:s15+$0x0]  }
.Ltmp1:
0x34e: {  	v1 =	vld [tilespmem:s16+$0x80];
	(pc) =	sbr.rel @p0 .LBB2_5-.Ltmp1, $3  }
0x34f: {  	v7 =	vld [tilespmem:s16+$0x60]  }
0x350: {  	v3 =	vld [tilespmem:s16+$0x70];
	_ =	sdelay $0x1  }
0x351: {  	[tilespmem:s16+$0x90] =	vst v9;
	v13 =	vbroadcast v9, $0x0;
	v11 =	vbroadcast v9, $0x1  }
0x352: {  	_ = 	snop  }
0x353: {  	v15 =	vbroadcast v9, $0x3;
	v5 =	vmul.f32 v5, v13  }
0x354: {  	v9 =	vbroadcast v9, $0x2;
	v7 =	vmul.f32 v7, v11  }
0x355: {  	v1 =	vmul.f32 v1, v15;
	[tilespmem:s17+$0x50] =	vst v5  }
0x356: {  	s12 =	sadd.s32 $0x1, s12;
	v3 =	vmul.f32 v3, v9;
	[tilespmem:s17+$0x60] =	vst v7  }
0x357: {  	p0 =	sne.s32 s12, $0x28;
	[tilespmem:s17+$0x80] =	vst v1  }
.Ltmp2:
0x358: {  	[tilespmem:s17+$0x70] =	vst v3;
	(pc) =	sbr.rel @p0 .LBB2_2-.Ltmp2, $4  }
0x359: {  	[spmem:s2] =	stream.indirect.scatter.add.f32 [tilespmem:s28], [sflag:$0x5], $0x50, s26, s22, $0xb8;
	[tilespmem:$0x16700] =	vst v63  }
0x35a: {  	_ =	swait.ge [sflag:s18], $0x2800  }
0x35b: {  	[sflag:s18] =	ssyncset.done $0x0  }
0x35c: {  	[sflag:s18] =	ssyncadd.s32 $0xFFFFD800  }
0x35d: {  	[bflag:$0x0] =	sbarrier.arrive $0xFFFF  }
0x35e: {  	s12 =	rddreg [dreg:$0x8]  }
0x35f: {  	s16 =	rddreg [dreg:$0xb]  }
0x360: {  	[hbm:s12], [sflag:s9] =	dma.local [spmem:s16], $0x18B0  }
0x361: {  	_ =	swait.ge [sflag:s18], $0x18B0  }
0x362: {  	s11 =	sadd.s32 $0x1, s11;
	s20 =	rddreg [dreg:$0x9]  }
0x363: {  	p0 =	sne.s32 s11, s20  }
.Ltmp3:
0x364: {  	_ = 	snop;
	(pc) =	sbr.rel @p0 .LBB2_1-.Ltmp3, $3  }
0x365: {  	_ =	sdelay $0x1  }
0x366: {  	[sflag:s18] =	ssyncset.done $0x0  }
0x367: {  	[sflag:s18] =	ssyncadd.s32 $0xFFFFE750  }
0x368: {  	_ =	sfence.sel $0x180000  }
0x369: {  	[bflag:$0x0] =	sbarrier.arrive $0xFFFF  }
0x36a: {  	_ =	strace $0x90000047  }
0x36b: {  	s0 =	stileid.u32;
	[bflag:$0x2] =	sbarrier.arrive $0xFFFF  }
0x36c: {  	p0 =	sne.s32 s0, $0x0;
	s0 =	rddreg [dreg:$0x3]  }
0x36d: {  	s0 =	sadd.s32 @!p0 $0x100000, s0  }
0x36e: {  	[sflag:s0] =	ssyncadd.tile.s32 @!p0 $0x1;
	_ =	shalt  }
.Lfunc_end2:
_tile_overlayer_lowered:
.L_overlay_start_2:
0x36f: {  	(tag) =	ssettag $0x2  }
0x370: {  	s0 =	rddreg [dreg:$0x0];
	s2 =	stileid.u32  }
0x371: {  	s1 =	rddreg [dreg:$0x1];
	p0 =	sne.s32 s2, $0x0  }
0x372: {  	s3 =	rddreg [dreg:$0x2];
	[bflag:$0x3] =	sbarrier.arrive $0xFFFF;
	s2 =	simm.s32 @!p0 $0x1C05  }
0x373: {  	[timem:s3], [sflag:s2] =	dma.local @!p0 [hbm:s0], s1  }
0x374: {  	s0 =	simm.s32 @!p0 $0x5  }
0x375: {  	_ =	swait.ge @!p0 [sflag:s0], s1  }
0x376: {  	s1 =	ssub.s32 @!p0 $0x0, s1;
	[sflag:s0] =	ssyncset.done @!p0 $0x0  }
0x377: {  	[sflag:s0] =	ssyncadd.s32 @!p0 s1  }
0x378: {  	[bflag:$0x3] =	sbarrier.arrive $0xFFFF  }
0x379: {  	_ =	shalt  }

</sc_bundles>
